<compile_context>
chip_gen: v7x
topology: tpu7x:2x2x1
jax: 0.10.2.dev20260603
libtpu: 0.0.44.dev20260713+nightly
codegen_flags: <defaults>
</compile_context>

<pallas_src>
import functools
import math

import jax
import jax.numpy as jnp
from jax import lax
from jax.experimental import pallas as pl
from jax.experimental.pallas import tpu as pltpu
from jax.experimental.pallas import tpu_sc as plsc

D_MODEL = 64
SCALE = math.sqrt(D_MODEL)
BLK = 128


@functools.lru_cache(maxsize=None)
def _make_pairing(V: int):
    info = plsc.get_sparse_core_info()
    NC, NS, L = info.num_cores, info.num_subcores, info.num_lanes
    NW = NC * NS
    n_full = V // BLK
    tail = V - n_full * BLK
    assert tail % 2 == 0

    mesh = plsc.VectorSubcoreMesh(core_axis_name="c", subcore_axis_name="s")

    @functools.partial(
        pl.kernel,
        mesh=mesh,
        out_type=jax.ShapeDtypeStruct((V, 2 * D_MODEL), jnp.float32),
        compiler_params=pltpu.CompilerParams(
            use_tc_tiling_on_sc=True, needs_layout_passes=False),
        scratch_types=[
            pltpu.VMEM((D_MODEL, BLK), jnp.float32),
            pltpu.VMEM((D_MODEL, BLK), jnp.float32),
            pltpu.VMEM((BLK, 2 * D_MODEL), jnp.float32),
            pltpu.VMEM((BLK, 2 * D_MODEL), jnp.float32),
            pltpu.VMEM((D_MODEL, tail if tail else L), jnp.float32),
            pltpu.SemaphoreType.DMA,
            pltpu.SemaphoreType.DMA,
            pltpu.SemaphoreType.DMA,
            pltpu.SemaphoreType.DMA,
        ],
    )
    def pairing(tab_hbm, out_hbm, srcA, srcB, dstA, dstB, srcT,
                gsA, gsB, wsA, wsB):
        wid = lax.axis_index("s") * NC + lax.axis_index("c")
        c_iota = lax.iota(jnp.int32, L)

        def read_desc(blk, src, gsem):
            return pltpu.make_async_copy(
                tab_hbm.at[:, pl.ds(blk * BLK, BLK)], src, gsem)

        def write_desc(blk, dst, wsem):
            return pltpu.make_async_copy(
                dst, out_hbm.at[pl.ds(blk * BLK, BLK), :], wsem)

        rots = [lax.bitwise_and(c_iota + d, L - 1) for d in range(L)]

        def transpose(src, dst):
            def rt_body(rt, carry):
                r_vec = rt * L + c_iota
                for ct in range(D_MODEL // L):
                    for d in range(L):
                        c_vec = rots[d] + ct * L
                        v = plsc.load_gather(src, [c_vec, r_vec])
                        plsc.store_scatter(dst, [r_vec, c_vec], v * SCALE)
                return carry

            lax.fori_loop(0, BLK // L, rt_body, 0)

        n_mine = (n_full - wid + NW - 1) // NW

        def my_blk(t):
            return t * NW + wid

        read_desc(my_blk(0), srcA, gsA).start()

        def step(t, carry):
            b0 = my_blk(2 * t)

            @pl.when(2 * t + 1 < n_mine)
            def _():
                read_desc(my_blk(2 * t + 1), srcB, gsB).start()

            read_desc(b0, srcA, gsA).wait()

            @pl.when(t > 0)
            def _():
                write_desc(my_blk(2 * t - 2), dstA, wsA).wait()

            transpose(srcA, dstA)
            write_desc(b0, dstA, wsA).start()

            @pl.when(2 * t + 2 < n_mine)
            def _():
                read_desc(my_blk(2 * t + 2), srcA, gsA).start()

            @pl.when(2 * t + 1 < n_mine)
            def _():
                b1 = my_blk(2 * t + 1)
                read_desc(b1, srcB, gsB).wait()

                @pl.when(t > 0)
                def _():
                    write_desc(my_blk(2 * t - 1), dstB, wsB).wait()

                transpose(srcB, dstB)
                write_desc(b1, dstB, wsB).start()

            return carry

        n_steps = (n_mine + 1) // 2
        lax.fori_loop(0, n_steps, step, 0)

        @pl.when(n_mine > 0)
        def _():
            last_even = 2 * ((n_mine - 1) // 2)
            write_desc(my_blk(last_even), dstA, wsA).wait()

        @pl.when(n_mine > 1)
        def _():
            last_odd = 2 * (n_mine // 2) - 1
            write_desc(my_blk(last_odd), dstB, wsB).wait()

        if tail:
            @pl.when(wid == 0)
            def _():
                pltpu.sync_copy(tab_hbm.at[:, pl.ds(n_full * BLK, tail)], srcT)

                def r_body(r, carry):
                    for kk in range(D_MODEL // L):
                        rows = c_iota + L * kk
                        col = jnp.broadcast_to(r, (L,)).astype(jnp.int32)
                        dstA[r, pl.ds(L * kk, L)] = plsc.load_gather(
                            srcT, [rows, col]) * SCALE
                    return carry

                lax.fori_loop(0, tail, r_body, 0)
                pltpu.sync_copy(
                    dstA.at[pl.ds(0, tail), :],
                    out_hbm.at[pl.ds(n_full * BLK, tail), :])

    return pairing


@functools.lru_cache(maxsize=None)
def _make_lookup(V: int, B: int):
    info = plsc.get_sparse_core_info()
    NC, NS, L = info.num_cores, info.num_subcores, info.num_lanes
    NW = NC * NS
    assert B % (NW * BLK) == 0
    b_per_w = B // NW
    n_chunks = b_per_w // BLK
    n_steps = n_chunks // 2
    assert n_chunks == 2 * n_steps

    mesh = plsc.VectorSubcoreMesh(core_axis_name="c", subcore_axis_name="s")

    @functools.partial(
        pl.kernel,
        mesh=mesh,
        out_type=jax.ShapeDtypeStruct((B, D_MODEL), jnp.float32),
        compiler_params=pltpu.CompilerParams(
            use_tc_tiling_on_sc=True, needs_layout_passes=False),
        scratch_types=[
            pltpu.VMEM((BLK,), jnp.int32),
            pltpu.VMEM((BLK,), jnp.int32),
            pltpu.VMEM((BLK, 2 * D_MODEL), jnp.float32),
            pltpu.VMEM((BLK, 2 * D_MODEL), jnp.float32),
            pltpu.VMEM((BLK, D_MODEL), jnp.float32),
            pltpu.VMEM((BLK, D_MODEL), jnp.float32),
            pltpu.SemaphoreType.DMA,
            pltpu.SemaphoreType.DMA,
            pltpu.SemaphoreType.DMA,
            pltpu.SemaphoreType.DMA,
        ],
    )
    def lookup(idx_hbm, dup_hbm, out_hbm,
               idxA, idxB, bufA, bufB, outA, outB, gsA, gsB, wsA, wsB):
        wid = lax.axis_index("s") * NC + lax.axis_index("c")
        base = wid * b_per_w

        def load_and_fire(g, idx_v, buf, gsem):
            pltpu.sync_copy(idx_hbm.at[pl.ds(base + g * BLK, BLK)], idx_v)
            pltpu.make_async_copy(dup_hbm.at[idx_v], buf, gsem).start()

        def gather_wait(idx_v, buf, gsem):
            pltpu.make_async_copy(dup_hbm.at[idx_v], buf, gsem).wait()

        def write_desc(g, obuf, wsem):
            return pltpu.make_async_copy(
                obuf, out_hbm.at[pl.ds(base + g * BLK, BLK)], wsem)

        def compact(buf, obuf):
            def t_body(t, carry):
                for k in range(D_MODEL // L):
                    sl = pl.ds(L * k, L)
                    obuf[t, sl] = buf[t, sl]
                return carry

            lax.fori_loop(0, BLK, t_body, 0, unroll=4)

        load_and_fire(0, idxA, bufA, gsA)

        def step(t, carry):
            g0 = 2 * t
            g1 = g0 + 1
            load_and_fire(g1, idxB, bufB, gsB)
            gather_wait(idxA, bufA, gsA)

            @pl.when(t > 0)
            def _():
                write_desc(g0 - 2, outA, wsA).wait()

            compact(bufA, outA)
            write_desc(g0, outA, wsA).start()

            @pl.when(t < n_steps - 1)
            def _():
                load_and_fire(g0 + 2, idxA, bufA, gsA)

            gather_wait(idxB, bufB, gsB)

            @pl.when(t > 0)
            def _():
                write_desc(g1 - 2, outB, wsB).wait()

            compact(bufB, outB)
            write_desc(g1, outB, wsB).start()
            return carry

        lax.fori_loop(0, n_steps, step, 0)
        write_desc(n_chunks - 2, outA, wsA).wait()
        write_desc(n_chunks - 1, outB, wsB).wait()

    return lookup


def kernel(x, table):
    A, NB = x.shape
    B = A * NB
    V = table.shape[0]
    idx = x.reshape(B).astype(jnp.int32)
    dup = _make_pairing(V)(jnp.transpose(table))
    out2 = _make_lookup(V, B)(idx, dup)
    return out2.reshape(A, NB, D_MODEL)

# --- scband reference (transcript-rebuilt; emitter-appended) ---
"""Pipeline reference for scband-token-embedding-31808527794350 (READ-ONLY COPY).

The authoritative reference and input builder live on the scoring server;
editing this copy changes nothing except your own understanding.
"""

import jax, jax.numpy as jnp
import numpy as np
import math

VOCAB = 1000000
D_MODEL = 64

def setup_inputs(seed: int = 0) -> dict:
    key = jax.random.key(seed)
    k1, k2 = jax.random.split(key)
    x = jax.random.randint(k1, (4096, 200), 0, VOCAB, dtype=jnp.int64 if jax.config.jax_enable_x64 else jnp.int32)
    table = jax.random.normal(k2, (VOCAB, D_MODEL), dtype=jnp.float32)
    return {"x": x, "table": table}

def reference(x, table):
    # TokenEmbedding.forward: embedding lookup scaled by sqrt(d_model)
    emb = jnp.take(table, x, axis=0)
    return emb * math.sqrt(D_MODEL)

if __name__ == "__main__":
    import jax
    _d = setup_inputs()
    print(jax.jit(kernel)(*tuple(_d.values())))

</pallas_src>

<mosaic_0001>
#map = affine_map<(d0, d1) -> (0, 0)>
module attributes {stable_mosaic.version = 14 : i64} {
  func.func @pairing(%arg0: i32, %arg1: i32, %arg2: memref<64x1000000xf32, #tpu.memory_space<hbm>>, %arg3: memref<1000000x128xf32, #tpu.memory_space<hbm>>, %arg4: memref<64x128xf32, #tpu.memory_space<vmem>>, %arg5: memref<64x128xf32, #tpu.memory_space<vmem>>, %arg6: memref<128x128xf32, #tpu.memory_space<vmem>>, %arg7: memref<128x128xf32, #tpu.memory_space<vmem>>, %arg8: memref<64x64xf32, #tpu.memory_space<vmem>>, %arg9: memref<!tpu.dma_semaphore, #tpu.memory_space<semaphore_mem>>, %arg10: memref<!tpu.dma_semaphore, #tpu.memory_space<semaphore_mem>>, %arg11: memref<!tpu.dma_semaphore, #tpu.memory_space<semaphore_mem>>, %arg12: memref<!tpu.dma_semaphore, #tpu.memory_space<semaphore_mem>>) attributes {dimension_semantics = [#tpu.dimension_semantics<core_parallel>, #tpu.dimension_semantics<subcore_parallel>], iteration_bounds = array<i64: 2, 16>, scalar_prefetch = 0 : i64, scratch_operands = 9 : i64, tpu.core_type = #tpu.core_type<sc_vector_subcore>, window_params = [{transform_indices = #map}, {transform_indices = #map}]} {
    %mul3A = arith.constant 2 : i32
    %mul3A_0 = arith.muli %arg1, %mul3A : i32
    %add3A = arith.addi %mul3A_0, %arg0 : i32
    %iota3A = tpu.iota {dimensions = array<i32: 0>} : vector<16xi32>
    %add3A_1 = arith.constant 0 : i32
    %add3A_2 = vector.broadcast %add3A_1 : i32 to vector<16xi32>
    %add3A_3 = arith.addi %iota3A, %add3A_2 : vector<16xi32>
    %and3A = arith.constant 15 : i32
    %and3A_4 = vector.broadcast %and3A : i32 to vector<16xi32>
    %and3A_5 = arith.andi %add3A_3, %and3A_4 : vector<16xi32>
    %add3A_6 = arith.constant 1 : i32
    %add3A_7 = vector.broadcast %add3A_6 : i32 to vector<16xi32>
    %add3A_8 = arith.addi %iota3A, %add3A_7 : vector<16xi32>
    %and3A_9 = arith.constant 15 : i32
    %and3A_10 = vector.broadcast %and3A_9 : i32 to vector<16xi32>
    %and3A_11 = arith.andi %add3A_8, %and3A_10 : vector<16xi32>
    %add3A_12 = arith.constant 2 : i32
    %add3A_13 = vector.broadcast %add3A_12 : i32 to vector<16xi32>
    %add3A_14 = arith.addi %iota3A, %add3A_13 : vector<16xi32>
    %and3A_15 = arith.constant 15 : i32
    %and3A_16 = vector.broadcast %and3A_15 : i32 to vector<16xi32>
    %and3A_17 = arith.andi %add3A_14, %and3A_16 : vector<16xi32>
    %add3A_18 = arith.constant 3 : i32
    %add3A_19 = vector.broadcast %add3A_18 : i32 to vector<16xi32>
    %add3A_20 = arith.addi %iota3A, %add3A_19 : vector<16xi32>
    %and3A_21 = arith.constant 15 : i32
    %and3A_22 = vector.broadcast %and3A_21 : i32 to vector<16xi32>
    %and3A_23 = arith.andi %add3A_20, %and3A_22 : vector<16xi32>
    %add3A_24 = arith.constant 4 : i32
    %add3A_25 = vector.broadcast %add3A_24 : i32 to vector<16xi32>
    %add3A_26 = arith.addi %iota3A, %add3A_25 : vector<16xi32>
    %and3A_27 = arith.constant 15 : i32
    %and3A_28 = vector.broadcast %and3A_27 : i32 to vector<16xi32>
    %and3A_29 = arith.andi %add3A_26, %and3A_28 : vector<16xi32>
    %add3A_30 = arith.constant 5 : i32
    %add3A_31 = vector.broadcast %add3A_30 : i32 to vector<16xi32>
    %add3A_32 = arith.addi %iota3A, %add3A_31 : vector<16xi32>
    %and3A_33 = arith.constant 15 : i32
    %and3A_34 = vector.broadcast %and3A_33 : i32 to vector<16xi32>
    %and3A_35 = arith.andi %add3A_32, %and3A_34 : vector<16xi32>
    %add3A_36 = arith.constant 6 : i32
    %add3A_37 = vector.broadcast %add3A_36 : i32 to vector<16xi32>
    %add3A_38 = arith.addi %iota3A, %add3A_37 : vector<16xi32>
    %and3A_39 = arith.constant 15 : i32
    %and3A_40 = vector.broadcast %and3A_39 : i32 to vector<16xi32>
    %and3A_41 = arith.andi %add3A_38, %and3A_40 : vector<16xi32>
    %add3A_42 = arith.constant 7 : i32
    %add3A_43 = vector.broadcast %add3A_42 : i32 to vector<16xi32>
    %add3A_44 = arith.addi %iota3A, %add3A_43 : vector<16xi32>
    %and3A_45 = arith.constant 15 : i32
    %and3A_46 = vector.broadcast %and3A_45 : i32 to vector<16xi32>
    %and3A_47 = arith.andi %add3A_44, %and3A_46 : vector<16xi32>
    %add3A_48 = arith.constant 8 : i32
    %add3A_49 = vector.broadcast %add3A_48 : i32 to vector<16xi32>
    %add3A_50 = arith.addi %iota3A, %add3A_49 : vector<16xi32>
    %and3A_51 = arith.constant 15 : i32
    %and3A_52 = vector.broadcast %and3A_51 : i32 to vector<16xi32>
    %and3A_53 = arith.andi %add3A_50, %and3A_52 : vector<16xi32>
    %add3A_54 = arith.constant 9 : i32
    %add3A_55 = vector.broadcast %add3A_54 : i32 to vector<16xi32>
    %add3A_56 = arith.addi %iota3A, %add3A_55 : vector<16xi32>
    %and3A_57 = arith.constant 15 : i32
    %and3A_58 = vector.broadcast %and3A_57 : i32 to vector<16xi32>
    %and3A_59 = arith.andi %add3A_56, %and3A_58 : vector<16xi32>
    %add3A_60 = arith.constant 10 : i32
    %add3A_61 = vector.broadcast %add3A_60 : i32 to vector<16xi32>
    %add3A_62 = arith.addi %iota3A, %add3A_61 : vector<16xi32>
    %and3A_63 = arith.constant 15 : i32
    %and3A_64 = vector.broadcast %and3A_63 : i32 to vector<16xi32>
    %and3A_65 = arith.andi %add3A_62, %and3A_64 : vector<16xi32>
    %add3A_66 = arith.constant 11 : i32
    %add3A_67 = vector.broadcast %add3A_66 : i32 to vector<16xi32>
    %add3A_68 = arith.addi %iota3A, %add3A_67 : vector<16xi32>
    %and3A_69 = arith.constant 15 : i32
    %and3A_70 = vector.broadcast %and3A_69 : i32 to vector<16xi32>
    %and3A_71 = arith.andi %add3A_68, %and3A_70 : vector<16xi32>
    %add3A_72 = arith.constant 12 : i32
    %add3A_73 = vector.broadcast %add3A_72 : i32 to vector<16xi32>
    %add3A_74 = arith.addi %iota3A, %add3A_73 : vector<16xi32>
    %and3A_75 = arith.constant 15 : i32
    %and3A_76 = vector.broadcast %and3A_75 : i32 to vector<16xi32>
    %and3A_77 = arith.andi %add3A_74, %and3A_76 : vector<16xi32>
    %add3A_78 = arith.constant 13 : i32
    %add3A_79 = vector.broadcast %add3A_78 : i32 to vector<16xi32>
    %add3A_80 = arith.addi %iota3A, %add3A_79 : vector<16xi32>
    %and3A_81 = arith.constant 15 : i32
    %and3A_82 = vector.broadcast %and3A_81 : i32 to vector<16xi32>
    %and3A_83 = arith.andi %add3A_80, %and3A_82 : vector<16xi32>
    %add3A_84 = arith.constant 14 : i32
    %add3A_85 = vector.broadcast %add3A_84 : i32 to vector<16xi32>
    %add3A_86 = arith.addi %iota3A, %add3A_85 : vector<16xi32>
    %and3A_87 = arith.constant 15 : i32
    %and3A_88 = vector.broadcast %and3A_87 : i32 to vector<16xi32>
    %and3A_89 = arith.andi %add3A_86, %and3A_88 : vector<16xi32>
    %add3A_90 = arith.constant 15 : i32
    %add3A_91 = vector.broadcast %add3A_90 : i32 to vector<16xi32>
    %add3A_92 = arith.addi %iota3A, %add3A_91 : vector<16xi32>
    %and3A_93 = arith.constant 15 : i32
    %and3A_94 = vector.broadcast %and3A_93 : i32 to vector<16xi32>
    %and3A_95 = arith.andi %add3A_92, %and3A_94 : vector<16xi32>
    %sub3A = arith.constant 7812 : i32
    %sub3A_96 = arith.subi %sub3A, %add3A : i32
    %add3A_97 = arith.constant 32 : i32
    %add3A_98 = arith.addi %sub3A_96, %add3A_97 : i32
    %sub3A_99 = arith.constant 1 : i32
    %sub3A_100 = arith.subi %add3A_98, %sub3A_99 : i32
    %jit3A = arith.constant 32 : i32
    %div3A = arith.divsi %sub3A_100, %jit3A : i32
    %sign3A = arith.constant 0 : i32
    %sign3A_101 = arith.cmpi sgt, %sub3A_100, %sign3A : i32
    %sign3A_102 = arith.extui %sign3A_101 : i1 to i32
    %sign3A_103 = arith.constant 0 : i32
    %sign3A_104 = arith.cmpi slt, %sub3A_100, %sign3A_103 : i32
    %sign3A_105 = arith.extui %sign3A_104 : i1 to i32
    %sign3A_106 = arith.subi %sign3A_102, %sign3A_105 : i32
    %sign3A_107 = arith.constant 0 : i32
    %sign3A_108 = arith.cmpi sgt, %jit3A, %sign3A_107 : i32
    %sign3A_109 = arith.extui %sign3A_108 : i1 to i32
    %sign3A_110 = arith.constant 0 : i32
    %sign3A_111 = arith.cmpi slt, %jit3A, %sign3A_110 : i32
    %sign3A_112 = arith.extui %sign3A_111 : i1 to i32
    %sign3A_113 = arith.subi %sign3A_109, %sign3A_112 : i32
    %ne3A = arith.cmpi ne, %sign3A_106, %sign3A_113 : i32
    %rem3A = arith.remsi %sub3A_100, %jit3A : i32
    %ne3A_114 = arith.constant 0 : i32
    %ne3A_115 = arith.cmpi ne, %rem3A, %ne3A_114 : i32
    %and3A_116 = arith.andi %ne3A, %ne3A_115 : i1
    %sub3A_117 = arith.constant 1 : i32
    %sub3A_118 = arith.subi %div3A, %sub3A_117 : i32
    %select_n3A = arith.select %and3A_116, %sub3A_118, %div3A : i32
    %add3A_119 = arith.constant 0 : i32
    %add3A_120 = arith.addi %add3A_119, %add3A : i32
    %mul3A_121 = arith.constant 128 : i32
    %mul3A_122 = arith.muli %add3A_120, %mul3A_121 : i32
    %dma_start3A = arith.constant 0 : i32
    %dma_start3A_123 = tpu.memref_slice %arg2[%dma_start3A, %mul3A_122] : memref<64x1000000xf32, #tpu.memory_space<hbm>> -> memref<64x128xf32, #tpu.memory_space<hbm>>
    %dma_start3A_124 = arith.constant 0 : i32
    %dma_start3A_125 = tpu.memref_slice %arg2[%dma_start3A_124, %mul3A_122] : memref<64x1000000xf32, #tpu.memory_space<hbm>> -> memref<64x128xf32, #tpu.memory_space<hbm>>
    tpu.enqueue_dma source(%dma_start3A_125 : memref<64x128xf32, #tpu.memory_space<hbm>>) target(%arg4 : memref<64x128xf32, #tpu.memory_space<vmem>>) target_semaphore(%arg9 : memref<!tpu.dma_semaphore, #tpu.memory_space<semaphore_mem>>)
    %add3A_126 = arith.constant 1 : i32
    %add3A_127 = arith.addi %select_n3A, %add3A_126 : i32
    %jit3A_128 = arith.constant 2 : i32
    %div3A_129 = arith.divsi %add3A_127, %jit3A_128 : i32
    %sign3A_130 = arith.constant 0 : i32
    %sign3A_131 = arith.cmpi sgt, %add3A_127, %sign3A_130 : i32
    %sign3A_132 = arith.extui %sign3A_131 : i1 to i32
    %sign3A_133 = arith.constant 0 : i32
    %sign3A_134 = arith.cmpi slt, %add3A_127, %sign3A_133 : i32
    %sign3A_135 = arith.extui %sign3A_134 : i1 to i32
    %sign3A_136 = arith.subi %sign3A_132, %sign3A_135 : i32
    %sign3A_137 = arith.constant 0 : i32
    %sign3A_138 = arith.cmpi sgt, %jit3A_128, %sign3A_137 : i32
    %sign3A_139 = arith.extui %sign3A_138 : i1 to i32
    %sign3A_140 = arith.constant 0 : i32
    %sign3A_141 = arith.cmpi slt, %jit3A_128, %sign3A_140 : i32
    %sign3A_142 = arith.extui %sign3A_141 : i1 to i32
    %sign3A_143 = arith.subi %sign3A_139, %sign3A_142 : i32
    %ne3A_144 = arith.cmpi ne, %sign3A_136, %sign3A_143 : i32
    %rem3A_145 = arith.remsi %add3A_127, %jit3A_128 : i32
    %ne3A_146 = arith.constant 0 : i32
    %ne3A_147 = arith.cmpi ne, %rem3A_145, %ne3A_146 : i32
    %and3A_148 = arith.andi %ne3A_144, %ne3A_147 : i1
    %sub3A_149 = arith.constant 1 : i32
    %sub3A_150 = arith.subi %div3A_129, %sub3A_149 : i32
    %select_n3A_151 = arith.select %and3A_148, %sub3A_150, %div3A_129 : i32
    %while3A = arith.constant 0 : i32
    %while3A_152 = arith.constant 0 : i32
    %while3A_153 = arith.subi %select_n3A_151, %while3A_152 : i32
    %while3A_154 = arith.addi %while3A_152, %while3A_153 : i32
    %while3A_155 = arith.constant 1 : i32
    %while3A_156 = arith.divsi %while3A_153, %while3A_155 : i32
    %while3A_157 = arith.muli %while3A_156, %while3A_155 : i32
    %while3A_158 = arith.addi %while3A_152, %while3A_157 : i32
    %while3A_159 = arith.constant 1 : i32
    scf.for %while3A_172 = %while3A_152 to %while3A_158 step %while3A_159  : i32 {
      %mul3A_173 = arith.constant 2 : i32
      %mul3A_174 = arith.muli %mul3A_173, %while3A_172 : i32
      %mul3A_175 = arith.constant 32 : i32
      %mul3A_176 = arith.muli %mul3A_174, %mul3A_175 : i32
      %add3A_177 = arith.addi %mul3A_176, %add3A : i32
      %mul3A_178 = arith.constant 2 : i32
      %mul3A_179 = arith.muli %mul3A_178, %while3A_172 : i32
      %add3A_180 = arith.constant 1 : i32
      %add3A_181 = arith.addi %mul3A_179, %add3A_180 : i32
      %lt3A = arith.cmpi slt, %add3A_181, %select_n3A : i32
      %convert_element_type3A_182 = arith.extui %lt3A : i1 to i32
      %cond3A_183 = arith.constant 0 : i32
      %cond3A_184 = arith.cmpi ne, %convert_element_type3A_182, %cond3A_183 : i32
      scf.if %cond3A_184 {
        %mul3A_222 = arith.constant 2 : i32
        %mul3A_223 = arith.muli %mul3A_222, %while3A_172 : i32
        %add3A_224 = arith.constant 1 : i32
        %add3A_225 = arith.addi %mul3A_223, %add3A_224 : i32
        %mul3A_226 = arith.constant 32 : i32
        %mul3A_227 = arith.muli %add3A_225, %mul3A_226 : i32
        %add3A_228 = arith.addi %mul3A_227, %add3A : i32
        %mul3A_229 = arith.constant 128 : i32
        %mul3A_230 = arith.muli %add3A_228, %mul3A_229 : i32
        %dma_start3A_231 = arith.constant 0 : i32
        %dma_start3A_232 = tpu.memref_slice %arg2[%dma_start3A_231, %mul3A_230] : memref<64x1000000xf32, #tpu.memory_space<hbm>> -> memref<64x128xf32, #tpu.memory_space<hbm>>
        %dma_start3A_233 = arith.constant 0 : i32
        %dma_start3A_234 = tpu.memref_slice %arg2[%dma_start3A_233, %mul3A_230] : memref<64x1000000xf32, #tpu.memory_space<hbm>> -> memref<64x128xf32, #tpu.memory_space<hbm>>
        tpu.enqueue_dma source(%dma_start3A_234 : memref<64x128xf32, #tpu.memory_space<hbm>>) target(%arg5 : memref<64x128xf32, #tpu.memory_space<vmem>>) target_semaphore(%arg10 : memref<!tpu.dma_semaphore, #tpu.memory_space<semaphore_mem>>)
      } else {
      }
      %mul3A_185 = arith.constant 128 : i32
      %mul3A_186 = arith.muli %add3A_177, %mul3A_185 : i32
      %dma_wait3A = arith.constant 0 : i32
      %dma_wait3A_187 = tpu.memref_slice %arg2[%dma_wait3A, %mul3A_186] : memref<64x1000000xf32, #tpu.memory_space<hbm>> -> memref<64x128xf32, #tpu.memory_space<hbm>>
      %dma_wait3A_188 = arith.constant 0 : i32
      %dma_wait3A_189 = tpu.memref_slice %arg2[%dma_wait3A_188, %mul3A_186] : memref<64x1000000xf32, #tpu.memory_space<hbm>> -> memref<64x128xf32, #tpu.memory_space<hbm>>
      tpu.wait_dma2 semaphore(%arg9 : memref<!tpu.dma_semaphore, #tpu.memory_space<semaphore_mem>>) src(%dma_wait3A_189 : memref<64x128xf32, #tpu.memory_space<hbm>>) dst(%arg4 : memref<64x128xf32, #tpu.memory_space<vmem>>)
      %gt3A_190 = arith.constant 0 : i32
      %gt3A_191 = arith.cmpi sgt, %while3A_172, %gt3A_190 : i32
      %convert_element_type3A_192 = arith.extui %gt3A_191 : i1 to i32
      %cond3A_193 = arith.constant 0 : i32
      %cond3A_194 = arith.cmpi ne, %convert_element_type3A_192, %cond3A_193 : i32
      scf.if %cond3A_194 {
        %mul3A_222 = arith.constant 2 : i32
        %mul3A_223 = arith.muli %mul3A_222, %while3A_172 : i32
        %sub3A_224 = arith.constant 2 : i32
        %sub3A_225 = arith.subi %mul3A_223, %sub3A_224 : i32
        %mul3A_226 = arith.constant 32 : i32
        %mul3A_227 = arith.muli %sub3A_225, %mul3A_226 : i32
        %add3A_228 = arith.addi %mul3A_227, %add3A : i32
        %mul3A_229 = arith.constant 128 : i32
        %mul3A_230 = arith.muli %add3A_228, %mul3A_229 : i32
        %dma_wait3A_231 = arith.constant 0 : i32
        %dma_wait3A_232 = tpu.memref_slice %arg3[%mul3A_230, %dma_wait3A_231] : memref<1000000x128xf32, #tpu.memory_space<hbm>> -> memref<128x128xf32, #tpu.memory_space<hbm>>
        %dma_wait3A_233 = arith.constant 0 : i32
        %dma_wait3A_234 = tpu.memref_slice %arg3[%mul3A_230, %dma_wait3A_233] : memref<1000000x128xf32, #tpu.memory_space<hbm>> -> memref<128x128xf32, #tpu.memory_space<hbm>>
        tpu.wait_dma2 semaphore(%arg11 : memref<!tpu.dma_semaphore, #tpu.memory_space<semaphore_mem>>) src(%arg6 : memref<128x128xf32, #tpu.memory_space<vmem>>) dst(%dma_wait3A_234 : memref<128x128xf32, #tpu.memory_space<hbm>>)
      } else {
      }
      %scan3A = arith.constant 0 : i32
      %scan3A_195 = arith.constant 0 : i32
      %scan3A_196 = arith.constant 8 : i32
      %scan3A_197 = arith.addi %scan3A_195, %scan3A_196 : i32
      %scan3A_198 = arith.constant 1 : i32
      scf.for %scan3A_222 = %scan3A_195 to %scan3A_197 step %scan3A_198  : i32 {
        %mul3A_223 = arith.constant 16 : i32
        %mul3A_224 = arith.muli %scan3A_222, %mul3A_223 : i32
        %add3A_225 = vector.broadcast %mul3A_224 : i32 to vector<16xi32>
        %add3A_226 = arith.addi %add3A_225, %iota3A : vector<16xi32>
        %add3A_227 = arith.constant 0 : i32
        %add3A_228 = vector.broadcast %add3A_227 : i32 to vector<16xi32>
        %add3A_229 = arith.addi %and3A_5, %add3A_228 : vector<16xi32>
        %gather3A = tpu.vector_load_idx %arg4[%add3A_229, %add3A_226] : memref<64x128xf32, #tpu.memory_space<vmem>>[vector<16xi32>, vector<16xi32>], vector<16xf32>,
        %mul3A_230 = arith.constant 8.000000e+00 : f32
        %mul3A_231 = vector.broadcast %mul3A_230 : f32 to vector<16xf32>
        %mul3A_232 = arith.mulf %gather3A, %mul3A_231 : vector<16xf32>
        tpu.vector_store_idx %arg6[%add3A_226, %add3A_229], %mul3A_232 : memref<128x128xf32, #tpu.memory_space<vmem>>[vector<16xi32>, vector<16xi32>], vector<16xf32>,
        %add3A_233 = arith.constant 0 : i32
        %add3A_234 = vector.broadcast %add3A_233 : i32 to vector<16xi32>
        %add3A_235 = arith.addi %and3A_11, %add3A_234 : vector<16xi32>
        %gather3A_236 = tpu.vector_load_idx %arg4[%add3A_235, %add3A_226] : memref<64x128xf32, #tpu.memory_space<vmem>>[vector<16xi32>, vector<16xi32>], vector<16xf32>,
        %mul3A_237 = arith.constant 8.000000e+00 : f32
        %mul3A_238 = vector.broadcast %mul3A_237 : f32 to vector<16xf32>
        %mul3A_239 = arith.mulf %gather3A_236, %mul3A_238 : vector<16xf32>
        tpu.vector_store_idx %arg6[%add3A_226, %add3A_235], %mul3A_239 : memref<128x128xf32, #tpu.memory_space<vmem>>[vector<16xi32>, vector<16xi32>], vector<16xf32>,
        %add3A_240 = arith.constant 0 : i32
        %add3A_241 = vector.broadcast %add3A_240 : i32 to vector<16xi32>
        %add3A_242 = arith.addi %and3A_17, %add3A_241 : vector<16xi32>
        %gather3A_243 = tpu.vector_load_idx %arg4[%add3A_242, %add3A_226] : memref<64x128xf32, #tpu.memory_space<vmem>>[vector<16xi32>, vector<16xi32>], vector<16xf32>,
        %mul3A_244 = arith.constant 8.000000e+00 : f32
        %mul3A_245 = vector.broadcast %mul3A_244 : f32 to vector<16xf32>
        %mul3A_246 = arith.mulf %gather3A_243, %mul3A_245 : vector<16xf32>
        tpu.vector_store_idx %arg6[%add3A_226, %add3A_242], %mul3A_246 : memref<128x128xf32, #tpu.memory_space<vmem>>[vector<16xi32>, vector<16xi32>], vector<16xf32>,
        %add3A_247 = arith.constant 0 : i32
        %add3A_248 = vector.broadcast %add3A_247 : i32 to vector<16xi32>
        %add3A_249 = arith.addi %and3A_23, %add3A_248 : vector<16xi32>
        %gather3A_250 = tpu.vector_load_idx %arg4[%add3A_249, %add3A_226] : memref<64x128xf32, #tpu.memory_space<vmem>>[vector<16xi32>, vector<16xi32>], vector<16xf32>,
        %mul3A_251 = arith.constant 8.000000e+00 : f32
        %mul3A_252 = vector.broadcast %mul3A_251 : f32 to vector<16xf32>
        %mul3A_253 = arith.mulf %gather3A_250, %mul3A_252 : vector<16xf32>
        tpu.vector_store_idx %arg6[%add3A_226, %add3A_249], %mul3A_253 : memref<128x128xf32, #tpu.memory_space<vmem>>[vector<16xi32>, vector<16xi32>], vector<16xf32>,
        %add3A_254 = arith.constant 0 : i32
        %add3A_255 = vector.broadcast %add3A_254 : i32 to vector<16xi32>
        %add3A_256 = arith.addi %and3A_29, %add3A_255 : vector<16xi32>
        %gather3A_257 = tpu.vector_load_idx %arg4[%add3A_256, %add3A_226] : memref<64x128xf32, #tpu.memory_space<vmem>>[vector<16xi32>, vector<16xi32>], vector<16xf32>,
        %mul3A_258 = arith.constant 8.000000e+00 : f32
        %mul3A_259 = vector.broadcast %mul3A_258 : f32 to vector<16xf32>
        %mul3A_260 = arith.mulf %gather3A_257, %mul3A_259 : vector<16xf32>
        tpu.vector_store_idx %arg6[%add3A_226, %add3A_256], %mul3A_260 : memref<128x128xf32, #tpu.memory_space<vmem>>[vector<16xi32>, vector<16xi32>], vector<16xf32>,
        %add3A_261 = arith.constant 0 : i32
        %add3A_262 = vector.broadcast %add3A_261 : i32 to vector<16xi32>
        %add3A_263 = arith.addi %and3A_35, %add3A_262 : vector<16xi32>
        %gather3A_264 = tpu.vector_load_idx %arg4[%add3A_263, %add3A_226] : memref<64x128xf32, #tpu.memory_space<vmem>>[vector<16xi32>, vector<16xi32>], vector<16xf32>,
        %mul3A_265 = arith.constant 8.000000e+00 : f32
        %mul3A_266 = vector.broadcast %mul3A_265 : f32 to vector<16xf32>
        %mul3A_267 = arith.mulf %gather3A_264, %mul3A_266 : vector<16xf32>
        tpu.vector_store_idx %arg6[%add3A_226, %add3A_263], %mul3A_267 : memref<128x128xf32, #tpu.memory_space<vmem>>[vector<16xi32>, vector<16xi32>], vector<16xf32>,
        %add3A_268 = arith.constant 0 : i32
        %add3A_269 = vector.broadcast %add3A_268 : i32 to vector<16xi32>
        %add3A_270 = arith.addi %and3A_41, %add3A_269 : vector<16xi32>
        %gather3A_271 = tpu.vector_load_idx %arg4[%add3A_270, %add3A_226] : memref<64x128xf32, #tpu.memory_space<vmem>>[vector<16xi32>, vector<16xi32>], vector<16xf32>,
        %mul3A_272 = arith.constant 8.000000e+00 : f32
        %mul3A_273 = vector.broadcast %mul3A_272 : f32 to vector<16xf32>
        %mul3A_274 = arith.mulf %gather3A_271, %mul3A_273 : vector<16xf32>
        tpu.vector_store_idx %arg6[%add3A_226, %add3A_270], %mul3A_274 : memref<128x128xf32, #tpu.memory_space<vmem>>[vector<16xi32>, vector<16xi32>], vector<16xf32>,
        %add3A_275 = arith.constant 0 : i32
        %add3A_276 = vector.broadcast %add3A_275 : i32 to vector<16xi32>
        %add3A_277 = arith.addi %and3A_47, %add3A_276 : vector<16xi32>
        %gather3A_278 = tpu.vector_load_idx %arg4[%add3A_277, %add3A_226] : memref<64x128xf32, #tpu.memory_space<vmem>>[vector<16xi32>, vector<16xi32>], vector<16xf32>,
        %mul3A_279 = arith.constant 8.000000e+00 : f32
        %mul3A_280 = vector.broadcast %mul3A_279 : f32 to vector<16xf32>
        %mul3A_281 = arith.mulf %gather3A_278, %mul3A_280 : vector<16xf32>
        tpu.vector_store_idx %arg6[%add3A_226, %add3A_277], %mul3A_281 : memref<128x128xf32, #tpu.memory_space<vmem>>[vector<16xi32>, vector<16xi32>], vector<16xf32>,
        %add3A_282 = arith.constant 0 : i32
        %add3A_283 = vector.broadcast %add3A_282 : i32 to vector<16xi32>
        %add3A_284 = arith.addi %and3A_53, %add3A_283 : vector<16xi32>
        %gather3A_285 = tpu.vector_load_idx %arg4[%add3A_284, %add3A_226] : memref<64x128xf32, #tpu.memory_space<vmem>>[vector<16xi32>, vector<16xi32>], vector<16xf32>,
        %mul3A_286 = arith.constant 8.000000e+00 : f32
        %mul3A_287 = vector.broadcast %mul3A_286 : f32 to vector<16xf32>
        %mul3A_288 = arith.mulf %gather3A_285, %mul3A_287 : vector<16xf32>
        tpu.vector_store_idx %arg6[%add3A_226, %add3A_284], %mul3A_288 : memref<128x128xf32, #tpu.memory_space<vmem>>[vector<16xi32>, vector<16xi32>], vector<16xf32>,
        %add3A_289 = arith.constant 0 : i32
        %add3A_290 = vector.broadcast %add3A_289 : i32 to vector<16xi32>
        %add3A_291 = arith.addi %and3A_59, %add3A_290 : vector<16xi32>
        %gather3A_292 = tpu.vector_load_idx %arg4[%add3A_291, %add3A_226] : memref<64x128xf32, #tpu.memory_space<vmem>>[vector<16xi32>, vector<16xi32>], vector<16xf32>,
        %mul3A_293 = arith.constant 8.000000e+00 : f32
        %mul3A_294 = vector.broadcast %mul3A_293 : f32 to vector<16xf32>
        %mul3A_295 = arith.mulf %gather3A_292, %mul3A_294 : vector<16xf32>
        tpu.vector_store_idx %arg6[%add3A_226, %add3A_291], %mul3A_295 : memref<128x128xf32, #tpu.memory_space<vmem>>[vector<16xi32>, vector<16xi32>], vector<16xf32>,
        %add3A_296 = arith.constant 0 : i32
        %add3A_297 = vector.broadcast %add3A_296 : i32 to vector<16xi32>
        %add3A_298 = arith.addi %and3A_65, %add3A_297 : vector<16xi32>
        %gather3A_299 = tpu.vector_load_idx %arg4[%add3A_298, %add3A_226] : memref<64x128xf32, #tpu.memory_space<vmem>>[vector<16xi32>, vector<16xi32>], vector<16xf32>,
        %mul3A_300 = arith.constant 8.000000e+00 : f32
        %mul3A_301 = vector.broadcast %mul3A_300 : f32 to vector<16xf32>
        %mul3A_302 = arith.mulf %gather3A_299, %mul3A_301 : vector<16xf32>
        tpu.vector_store_idx %arg6[%add3A_226, %add3A_298], %mul3A_302 : memref<128x128xf32, #tpu.memory_space<vmem>>[vector<16xi32>, vector<16xi32>], vector<16xf32>,
        %add3A_303 = arith.constant 0 : i32
        %add3A_304 = vector.broadcast %add3A_303 : i32 to vector<16xi32>
        %add3A_305 = arith.addi %and3A_71, %add3A_304 : vector<16xi32>
        %gather3A_306 = tpu.vector_load_idx %arg4[%add3A_305, %add3A_226] : memref<64x128xf32, #tpu.memory_space<vmem>>[vector<16xi32>, vector<16xi32>], vector<16xf32>,
        %mul3A_307 = arith.constant 8.000000e+00 : f32
        %mul3A_308 = vector.broadcast %mul3A_307 : f32 to vector<16xf32>
        %mul3A_309 = arith.mulf %gather3A_306, %mul3A_308 : vector<16xf32>
        tpu.vector_store_idx %arg6[%add3A_226, %add3A_305], %mul3A_309 : memref<128x128xf32, #tpu.memory_space<vmem>>[vector<16xi32>, vector<16xi32>], vector<16xf32>,
        %add3A_310 = arith.constant 0 : i32
        %add3A_311 = vector.broadcast %add3A_310 : i32 to vector<16xi32>
        %add3A_312 = arith.addi %and3A_77, %add3A_311 : vector<16xi32>
        %gather3A_313 = tpu.vector_load_idx %arg4[%add3A_312, %add3A_226] : memref<64x128xf32, #tpu.memory_space<vmem>>[vector<16xi32>, vector<16xi32>], vector<16xf32>,
        %mul3A_314 = arith.constant 8.000000e+00 : f32
        %mul3A_315 = vector.broadcast %mul3A_314 : f32 to vector<16xf32>
        %mul3A_316 = arith.mulf %gather3A_313, %mul3A_315 : vector<16xf32>
        tpu.vector_store_idx %arg6[%add3A_226, %add3A_312], %mul3A_316 : memref<128x128xf32, #tpu.memory_space<vmem>>[vector<16xi32>, vector<16xi32>], vector<16xf32>,
        %add3A_317 = arith.constant 0 : i32
        %add3A_318 = vector.broadcast %add3A_317 : i32 to vector<16xi32>
        %add3A_319 = arith.addi %and3A_83, %add3A_318 : vector<16xi32>
        %gather3A_320 = tpu.vector_load_idx %arg4[%add3A_319, %add3A_226] : memref<64x128xf32, #tpu.memory_space<vmem>>[vector<16xi32>, vector<16xi32>], vector<16xf32>,
        %mul3A_321 = arith.constant 8.000000e+00 : f32
        %mul3A_322 = vector.broadcast %mul3A_321 : f32 to vector<16xf32>
        %mul3A_323 = arith.mulf %gather3A_320, %mul3A_322 : vector<16xf32>
        tpu.vector_store_idx %arg6[%add3A_226, %add3A_319], %mul3A_323 : memref<128x128xf32, #tpu.memory_space<vmem>>[vector<16xi32>, vector<16xi32>], vector<16xf32>,
        %add3A_324 = arith.constant 0 : i32
        %add3A_325 = vector.broadcast %add3A_324 : i32 to vector<16xi32>
        %add3A_326 = arith.addi %and3A_89, %add3A_325 : vector<16xi32>
        %gather3A_327 = tpu.vector_load_idx %arg4[%add3A_326, %add3A_226] : memref<64x128xf32, #tpu.memory_space<vmem>>[vector<16xi32>, vector<16xi32>], vector<16xf32>,
        %mul3A_328 = arith.constant 8.000000e+00 : f32
        %mul3A_329 = vector.broadcast %mul3A_328 : f32 to vector<16xf32>
        %mul3A_330 = arith.mulf %gather3A_327, %mul3A_329 : vector<16xf32>
        tpu.vector_store_idx %arg6[%add3A_226, %add3A_326], %mul3A_330 : memref<128x128xf32, #tpu.memory_space<vmem>>[vector<16xi32>, vector<16xi32>], vector<16xf32>,
        %add3A_331 = arith.constant 0 : i32
        %add3A_332 = vector.broadcast %add3A_331 : i32 to vector<16xi32>
        %add3A_333 = arith.addi %and3A_95, %add3A_332 : vector<16xi32>
        %gather3A_334 = tpu.vector_load_idx %arg4[%add3A_333, %add3A_226] : memref<64x128xf32, #tpu.memory_space<vmem>>[vector<16xi32>, vector<16xi32>], vector<16xf32>,
        %mul3A_335 = arith.constant 8.000000e+00 : f32
        %mul3A_336 = vector.broadcast %mul3A_335 : f32 to vector<16xf32>
        %mul3A_337 = arith.mulf %gather3A_334, %mul3A_336 : vector<16xf32>
        tpu.vector_store_idx %arg6[%add3A_226, %add3A_333], %mul3A_337 : memref<128x128xf32, #tpu.memory_space<vmem>>[vector<16xi32>, vector<16xi32>], vector<16xf32>,
        %add3A_338 = arith.constant 16 : i32
        %add3A_339 = vector.broadcast %add3A_338 : i32 to vector<16xi32>
        %add3A_340 = arith.addi %and3A_5, %add3A_339 : vector<16xi32>
        %gather3A_341 = tpu.vector_load_idx %arg4[%add3A_340, %add3A_226] : memref<64x128xf32, #tpu.memory_space<vmem>>[vector<16xi32>, vector<16xi32>], vector<16xf32>,
        %mul3A_342 = arith.constant 8.000000e+00 : f32
        %mul3A_343 = vector.broadcast %mul3A_342 : f32 to vector<16xf32>
        %mul3A_344 = arith.mulf %gather3A_341, %mul3A_343 : vector<16xf32>
        tpu.vector_store_idx %arg6[%add3A_226, %add3A_340], %mul3A_344 : memref<128x128xf32, #tpu.memory_space<vmem>>[vector<16xi32>, vector<16xi32>], vector<16xf32>,
        %add3A_345 = arith.constant 16 : i32
        %add3A_346 = vector.broadcast %add3A_345 : i32 to vector<16xi32>
        %add3A_347 = arith.addi %and3A_11, %add3A_346 : vector<16xi32>
        %gather3A_348 = tpu.vector_load_idx %arg4[%add3A_347, %add3A_226] : memref<64x128xf32, #tpu.memory_space<vmem>>[vector<16xi32>, vector<16xi32>], vector<16xf32>,
        %mul3A_349 = arith.constant 8.000000e+00 : f32
        %mul3A_350 = vector.broadcast %mul3A_349 : f32 to vector<16xf32>
        %mul3A_351 = arith.mulf %gather3A_348, %mul3A_350 : vector<16xf32>
        tpu.vector_store_idx %arg6[%add3A_226, %add3A_347], %mul3A_351 : memref<128x128xf32, #tpu.memory_space<vmem>>[vector<16xi32>, vector<16xi32>], vector<16xf32>,
        %add3A_352 = arith.constant 16 : i32
        %add3A_353 = vector.broadcast %add3A_352 : i32 to vector<16xi32>
        %add3A_354 = arith.addi %and3A_17, %add3A_353 : vector<16xi32>
        %gather3A_355 = tpu.vector_load_idx %arg4[%add3A_354, %add3A_226] : memref<64x128xf32, #tpu.memory_space<vmem>>[vector<16xi32>, vector<16xi32>], vector<16xf32>,
        %mul3A_356 = arith.constant 8.000000e+00 : f32
        %mul3A_357 = vector.broadcast %mul3A_356 : f32 to vector<16xf32>
        %mul3A_358 = arith.mulf %gather3A_355, %mul3A_357 : vector<16xf32>
        tpu.vector_store_idx %arg6[%add3A_226, %add3A_354], %mul3A_358 : memref<128x128xf32, #tpu.memory_space<vmem>>[vector<16xi32>, vector<16xi32>], vector<16xf32>,
        %add3A_359 = arith.constant 16 : i32
        %add3A_360 = vector.broadcast %add3A_359 : i32 to vector<16xi32>
        %add3A_361 = arith.addi %and3A_23, %add3A_360 : vector<16xi32>
        %gather3A_362 = tpu.vector_load_idx %arg4[%add3A_361, %add3A_226] : memref<64x128xf32, #tpu.memory_space<vmem>>[vector<16xi32>, vector<16xi32>], vector<16xf32>,
        %mul3A_363 = arith.constant 8.000000e+00 : f32
        %mul3A_364 = vector.broadcast %mul3A_363 : f32 to vector<16xf32>
        %mul3A_365 = arith.mulf %gather3A_362, %mul3A_364 : vector<16xf32>
        tpu.vector_store_idx %arg6[%add3A_226, %add3A_361], %mul3A_365 : memref<128x128xf32, #tpu.memory_space<vmem>>[vector<16xi32>, vector<16xi32>], vector<16xf32>,
        %add3A_366 = arith.constant 16 : i32
        %add3A_367 = vector.broadcast %add3A_366 : i32 to vector<16xi32>
        %add3A_368 = arith.addi %and3A_29, %add3A_367 : vector<16xi32>
        %gather3A_369 = tpu.vector_load_idx %arg4[%add3A_368, %add3A_226] : memref<64x128xf32, #tpu.memory_space<vmem>>[vector<16xi32>, vector<16xi32>], vector<16xf32>,
        %mul3A_370 = arith.constant 8.000000e+00 : f32
        %mul3A_371 = vector.broadcast %mul3A_370 : f32 to vector<16xf32>
        %mul3A_372 = arith.mulf %gather3A_369, %mul3A_371 : vector<16xf32>
        tpu.vector_store_idx %arg6[%add3A_226, %add3A_368], %mul3A_372 : memref<128x128xf32, #tpu.memory_space<vmem>>[vector<16xi32>, vector<16xi32>], vector<16xf32>,
        %add3A_373 = arith.constant 16 : i32
        %add3A_374 = vector.broadcast %add3A_373 : i32 to vector<16xi32>
        %add3A_375 = arith.addi %and3A_35, %add3A_374 : vector<16xi32>
        %gather3A_376 = tpu.vector_load_idx %arg4[%add3A_375, %add3A_226] : memref<64x128xf32, #tpu.memory_space<vmem>>[vector<16xi32>, vector<16xi32>], vector<16xf32>,
        %mul3A_377 = arith.constant 8.000000e+00 : f32
        %mul3A_378 = vector.broadcast %mul3A_377 : f32 to vector<16xf32>
        %mul3A_379 = arith.mulf %gather3A_376, %mul3A_378 : vector<16xf32>
        tpu.vector_store_idx %arg6[%add3A_226, %add3A_375], %mul3A_379 : memref<128x128xf32, #tpu.memory_space<vmem>>[vector<16xi32>, vector<16xi32>], vector<16xf32>,
        %add3A_380 = arith.constant 16 : i32
        %add3A_381 = vector.broadcast %add3A_380 : i32 to vector<16xi32>
        %add3A_382 = arith.addi %and3A_41, %add3A_381 : vector<16xi32>
        %gather3A_383 = tpu.vector_load_idx %arg4[%add3A_382, %add3A_226] : memref<64x128xf32, #tpu.memory_space<vmem>>[vector<16xi32>, vector<16xi32>], vector<16xf32>,
        %mul3A_384 = arith.constant 8.000000e+00 : f32
        %mul3A_385 = vector.broadcast %mul3A_384 : f32 to vector<16xf32>
        %mul3A_386 = arith.mulf %gather3A_383, %mul3A_385 : vector<16xf32>
        tpu.vector_store_idx %arg6[%add3A_226, %add3A_382], %mul3A_386 : memref<128x128xf32, #tpu.memory_space<vmem>>[vector<16xi32>, vector<16xi32>], vector<16xf32>,
        %add3A_387 = arith.constant 16 : i32
        %add3A_388 = vector.broadcast %add3A_387 : i32 to vector<16xi32>
        %add3A_389 = arith.addi %and3A_47, %add3A_388 : vector<16xi32>
        %gather3A_390 = tpu.vector_load_idx %arg4[%add3A_389, %add3A_226] : memref<64x128xf32, #tpu.memory_space<vmem>>[vector<16xi32>, vector<16xi32>], vector<16xf32>,
        %mul3A_391 = arith.constant 8.000000e+00 : f32
        %mul3A_392 = vector.broadcast %mul3A_391 : f32 to vector<16xf32>
        %mul3A_393 = arith.mulf %gather3A_390, %mul3A_392 : vector<16xf32>
        tpu.vector_store_idx %arg6[%add3A_226, %add3A_389], %mul3A_393 : memref<128x128xf32, #tpu.memory_space<vmem>>[vector<16xi32>, vector<16xi32>], vector<16xf32>,
        %add3A_394 = arith.constant 16 : i32
        %add3A_395 = vector.broadcast %add3A_394 : i32 to vector<16xi32>
        %add3A_396 = arith.addi %and3A_53, %add3A_395 : vector<16xi32>
        %gather3A_397 = tpu.vector_load_idx %arg4[%add3A_396, %add3A_226] : memref<64x128xf32, #tpu.memory_space<vmem>>[vector<16xi32>, vector<16xi32>], vector<16xf32>,
        %mul3A_398 = arith.constant 8.000000e+00 : f32
        %mul3A_399 = vector.broadcast %mul3A_398 : f32 to vector<16xf32>
        %mul3A_400 = arith.mulf %gather3A_397, %mul3A_399 : vector<16xf32>
        tpu.vector_store_idx %arg6[%add3A_226, %add3A_396], %mul3A_400 : memref<128x128xf32, #tpu.memory_space<vmem>>[vector<16xi32>, vector<16xi32>], vector<16xf32>,
        %add3A_401 = arith.constant 16 : i32
        %add3A_402 = vector.broadcast %add3A_401 : i32 to vector<16xi32>
        %add3A_403 = arith.addi %and3A_59, %add3A_402 : vector<16xi32>
        %gather3A_404 = tpu.vector_load_idx %arg4[%add3A_403, %add3A_226] : memref<64x128xf32, #tpu.memory_space<vmem>>[vector<16xi32>, vector<16xi32>], vector<16xf32>,
        %mul3A_405 = arith.constant 8.000000e+00 : f32
        %mul3A_406 = vector.broadcast %mul3A_405 : f32 to vector<16xf32>
        %mul3A_407 = arith.mulf %gather3A_404, %mul3A_406 : vector<16xf32>
        tpu.vector_store_idx %arg6[%add3A_226, %add3A_403], %mul3A_407 : memref<128x128xf32, #tpu.memory_space<vmem>>[vector<16xi32>, vector<16xi32>], vector<16xf32>,
        %add3A_408 = arith.constant 16 : i32
        %add3A_409 = vector.broadcast %add3A_408 : i32 to vector<16xi32>
        %add3A_410 = arith.addi %and3A_65, %add3A_409 : vector<16xi32>
        %gather3A_411 = tpu.vector_load_idx %arg4[%add3A_410, %add3A_226] : memref<64x128xf32, #tpu.memory_space<vmem>>[vector<16xi32>, vector<16xi32>], vector<16xf32>,
        %mul3A_412 = arith.constant 8.000000e+00 : f32
        %mul3A_413 = vector.broadcast %mul3A_412 : f32 to vector<16xf32>
        %mul3A_414 = arith.mulf %gather3A_411, %mul3A_413 : vector<16xf32>
        tpu.vector_store_idx %arg6[%add3A_226, %add3A_410], %mul3A_414 : memref<128x128xf32, #tpu.memory_space<vmem>>[vector<16xi32>, vector<16xi32>], vector<16xf32>,
        %add3A_415 = arith.constant 16 : i32
        %add3A_416 = vector.broadcast %add3A_415 : i32 to vector<16xi32>
        %add3A_417 = arith.addi %and3A_71, %add3A_416 : vector<16xi32>
        %gather3A_418 = tpu.vector_load_idx %arg4[%add3A_417, %add3A_226] : memref<64x128xf32, #tpu.memory_space<vmem>>[vector<16xi32>, vector<16xi32>], vector<16xf32>,
        %mul3A_419 = arith.constant 8.000000e+00 : f32
        %mul3A_420 = vector.broadcast %mul3A_419 : f32 to vector<16xf32>
        %mul3A_421 = arith.mulf %gather3A_418, %mul3A_420 : vector<16xf32>
        tpu.vector_store_idx %arg6[%add3A_226, %add3A_417], %mul3A_421 : memref<128x128xf32, #tpu.memory_space<vmem>>[vector<16xi32>, vector<16xi32>], vector<16xf32>,
        %add3A_422 = arith.constant 16 : i32
        %add3A_423 = vector.broadcast %add3A_422 : i32 to vector<16xi32>
        %add3A_424 = arith.addi %and3A_77, %add3A_423 : vector<16xi32>
        %gather3A_425 = tpu.vector_load_idx %arg4[%add3A_424, %add3A_226] : memref<64x128xf32, #tpu.memory_space<vmem>>[vector<16xi32>, vector<16xi32>], vector<16xf32>,
        %mul3A_426 = arith.constant 8.000000e+00 : f32
        %mul3A_427 = vector.broadcast %mul3A_426 : f32 to vector<16xf32>
        %mul3A_428 = arith.mulf %gather3A_425, %mul3A_427 : vector<16xf32>
        tpu.vector_store_idx %arg6[%add3A_226, %add3A_424], %mul3A_428 : memref<128x128xf32, #tpu.memory_space<vmem>>[vector<16xi32>, vector<16xi32>], vector<16xf32>,
        %add3A_429 = arith.constant 16 : i32
        %add3A_430 = vector.broadcast %add3A_429 : i32 to vector<16xi32>
        %add3A_431 = arith.addi %and3A_83, %add3A_430 : vector<16xi32>
        %gather3A_432 = tpu.vector_load_idx %arg4[%add3A_431, %add3A_226] : memref<64x128xf32, #tpu.memory_space<vmem>>[vector<16xi32>, vector<16xi32>], vector<16xf32>,
        %mul3A_433 = arith.constant 8.000000e+00 : f32
        %mul3A_434 = vector.broadcast %mul3A_433 : f32 to vector<16xf32>
        %mul3A_435 = arith.mulf %gather3A_432, %mul3A_434 : vector<16xf32>
        tpu.vector_store_idx %arg6[%add3A_226, %add3A_431], %mul3A_435 : memref<128x128xf32, #tpu.memory_space<vmem>>[vector<16xi32>, vector<16xi32>], vector<16xf32>,
        %add3A_436 = arith.constant 16 : i32
        %add3A_437 = vector.broadcast %add3A_436 : i32 to vector<16xi32>
        %add3A_438 = arith.addi %and3A_89, %add3A_437 : vector<16xi32>
        %gather3A_439 = tpu.vector_load_idx %arg4[%add3A_438, %add3A_226] : memref<64x128xf32, #tpu.memory_space<vmem>>[vector<16xi32>, vector<16xi32>], vector<16xf32>,
        %mul3A_440 = arith.constant 8.000000e+00 : f32
        %mul3A_441 = vector.broadcast %mul3A_440 : f32 to vector<16xf32>
        %mul3A_442 = arith.mulf %gather3A_439, %mul3A_441 : vector<16xf32>
        tpu.vector_store_idx %arg6[%add3A_226, %add3A_438], %mul3A_442 : memref<128x128xf32, #tpu.memory_space<vmem>>[vector<16xi32>, vector<16xi32>], vector<16xf32>,
        %add3A_443 = arith.constant 16 : i32
        %add3A_444 = vector.broadcast %add3A_443 : i32 to vector<16xi32>
        %add3A_445 = arith.addi %and3A_95, %add3A_444 : vector<16xi32>
        %gather3A_446 = tpu.vector_load_idx %arg4[%add3A_445, %add3A_226] : memref<64x128xf32, #tpu.memory_space<vmem>>[vector<16xi32>, vector<16xi32>], vector<16xf32>,
        %mul3A_447 = arith.constant 8.000000e+00 : f32
        %mul3A_448 = vector.broadcast %mul3A_447 : f32 to vector<16xf32>
        %mul3A_449 = arith.mulf %gather3A_446, %mul3A_448 : vector<16xf32>
        tpu.vector_store_idx %arg6[%add3A_226, %add3A_445], %mul3A_449 : memref<128x128xf32, #tpu.memory_space<vmem>>[vector<16xi32>, vector<16xi32>], vector<16xf32>,
        %add3A_450 = arith.constant 32 : i32
        %add3A_451 = vector.broadcast %add3A_450 : i32 to vector<16xi32>
        %add3A_452 = arith.addi %and3A_5, %add3A_451 : vector<16xi32>
        %gather3A_453 = tpu.vector_load_idx %arg4[%add3A_452, %add3A_226] : memref<64x128xf32, #tpu.memory_space<vmem>>[vector<16xi32>, vector<16xi32>], vector<16xf32>,
        %mul3A_454 = arith.constant 8.000000e+00 : f32
        %mul3A_455 = vector.broadcast %mul3A_454 : f32 to vector<16xf32>
        %mul3A_456 = arith.mulf %gather3A_453, %mul3A_455 : vector<16xf32>
        tpu.vector_store_idx %arg6[%add3A_226, %add3A_452], %mul3A_456 : memref<128x128xf32, #tpu.memory_space<vmem>>[vector<16xi32>, vector<16xi32>], vector<16xf32>,
        %add3A_457 = arith.constant 32 : i32
        %add3A_458 = vector.broadcast %add3A_457 : i32 to vector<16xi32>
        %add3A_459 = arith.addi %and3A_11, %add3A_458 : vector<16xi32>
        %gather3A_460 = tpu.vector_load_idx %arg4[%add3A_459, %add3A_226] : memref<64x128xf32, #tpu.memory_space<vmem>>[vector<16xi32>, vector<16xi32>], vector<16xf32>,
        %mul3A_461 = arith.constant 8.000000e+00 : f32
        %mul3A_462 = vector.broadcast %mul3A_461 : f32 to vector<16xf32>
        %mul3A_463 = arith.mulf %gather3A_460, %mul3A_462 : vector<16xf32>
        tpu.vector_store_idx %arg6[%add3A_226, %add3A_459], %mul3A_463 : memref<128x128xf32, #tpu.memory_space<vmem>>[vector<16xi32>, vector<16xi32>], vector<16xf32>,
        %add3A_464 = arith.constant 32 : i32
        %add3A_465 = vector.broadcast %add3A_464 : i32 to vector<16xi32>
        %add3A_466 = arith.addi %and3A_17, %add3A_465 : vector<16xi32>
        %gather3A_467 = tpu.vector_load_idx %arg4[%add3A_466, %add3A_226] : memref<64x128xf32, #tpu.memory_space<vmem>>[vector<16xi32>, vector<16xi32>], vector<16xf32>,
        %mul3A_468 = arith.constant 8.000000e+00 : f32
        %mul3A_469 = vector.broadcast %mul3A_468 : f32 to vector<16xf32>
        %mul3A_470 = arith.mulf %gather3A_467, %mul3A_469 : vector<16xf32>
        tpu.vector_store_idx %arg6[%add3A_226, %add3A_466], %mul3A_470 : memref<128x128xf32, #tpu.memory_space<vmem>>[vector<16xi32>, vector<16xi32>], vector<16xf32>,
        %add3A_471 = arith.constant 32 : i32
        %add3A_472 = vector.broadcast %add3A_471 : i32 to vector<16xi32>
        %add3A_473 = arith.addi %and3A_23, %add3A_472 : vector<16xi32>
        %gather3A_474 = tpu.vector_load_idx %arg4[%add3A_473, %add3A_226] : memref<64x128xf32, #tpu.memory_space<vmem>>[vector<16xi32>, vector<16xi32>], vector<16xf32>,
        %mul3A_475 = arith.constant 8.000000e+00 : f32
        %mul3A_476 = vector.broadcast %mul3A_475 : f32 to vector<16xf32>
        %mul3A_477 = arith.mulf %gather3A_474, %mul3A_476 : vector<16xf32>
        tpu.vector_store_idx %arg6[%add3A_226, %add3A_473], %mul3A_477 : memref<128x128xf32, #tpu.memory_space<vmem>>[vector<16xi32>, vector<16xi32>], vector<16xf32>,
        %add3A_478 = arith.constant 32 : i32
        %add3A_479 = vector.broadcast %add3A_478 : i32 to vector<16xi32>
        %add3A_480 = arith.addi %and3A_29, %add3A_479 : vector<16xi32>
        %gather3A_481 = tpu.vector_load_idx %arg4[%add3A_480, %add3A_226] : memref<64x128xf32, #tpu.memory_space<vmem>>[vector<16xi32>, vector<16xi32>], vector<16xf32>,
        %mul3A_482 = arith.constant 8.000000e+00 : f32
        %mul3A_483 = vector.broadcast %mul3A_482 : f32 to vector<16xf32>
        %mul3A_484 = arith.mulf %gather3A_481, %mul3A_483 : vector<16xf32>
        tpu.vector_store_idx %arg6[%add3A_226, %add3A_480], %mul3A_484 : memref<128x128xf32, #tpu.memory_space<vmem>>[vector<16xi32>, vector<16xi32>], vector<16xf32>,
        %add3A_485 = arith.constant 32 : i32
        %add3A_486 = vector.broadcast %add3A_485 : i32 to vector<16xi32>
        %add3A_487 = arith.addi %and3A_35, %add3A_486 : vector<16xi32>
        %gather3A_488 = tpu.vector_load_idx %arg4[%add3A_487, %add3A_226] : memref<64x128xf32, #tpu.memory_space<vmem>>[vector<16xi32>, vector<16xi32>], vector<16xf32>,
        %mul3A_489 = arith.constant 8.000000e+00 : f32
        %mul3A_490 = vector.broadcast %mul3A_489 : f32 to vector<16xf32>
        %mul3A_491 = arith.mulf %gather3A_488, %mul3A_490 : vector<16xf32>
        tpu.vector_store_idx %arg6[%add3A_226, %add3A_487], %mul3A_491 : memref<128x128xf32, #tpu.memory_space<vmem>>[vector<16xi32>, vector<16xi32>], vector<16xf32>,
        %add3A_492 = arith.constant 32 : i32
        %add3A_493 = vector.broadcast %add3A_492 : i32 to vector<16xi32>
        %add3A_494 = arith.addi %and3A_41, %add3A_493 : vector<16xi32>
        %gather3A_495 = tpu.vector_load_idx %arg4[%add3A_494, %add3A_226] : memref<64x128xf32, #tpu.memory_space<vmem>>[vector<16xi32>, vector<16xi32>], vector<16xf32>,
        %mul3A_496 = arith.constant 8.000000e+00 : f32
        %mul3A_497 = vector.broadcast %mul3A_496 : f32 to vector<16xf32>
        %mul3A_498 = arith.mulf %gather3A_495, %mul3A_497 : vector<16xf32>
        tpu.vector_store_idx %arg6[%add3A_226, %add3A_494], %mul3A_498 : memref<128x128xf32, #tpu.memory_space<vmem>>[vector<16xi32>, vector<16xi32>], vector<16xf32>,
        %add3A_499 = arith.constant 32 : i32
        %add3A_500 = vector.broadcast %add3A_499 : i32 to vector<16xi32>
        %add3A_501 = arith.addi %and3A_47, %add3A_500 : vector<16xi32>
        %gather3A_502 = tpu.vector_load_idx %arg4[%add3A_501, %add3A_226] : memref<64x128xf32, #tpu.memory_space<vmem>>[vector<16xi32>, vector<16xi32>], vector<16xf32>,
        %mul3A_503 = arith.constant 8.000000e+00 : f32
        %mul3A_504 = vector.broadcast %mul3A_503 : f32 to vector<16xf32>
        %mul3A_505 = arith.mulf %gather3A_502, %mul3A_504 : vector<16xf32>
        tpu.vector_store_idx %arg6[%add3A_226, %add3A_501], %mul3A_505 : memref<128x128xf32, #tpu.memory_space<vmem>>[vector<16xi32>, vector<16xi32>], vector<16xf32>,
        %add3A_506 = arith.constant 32 : i32
        %add3A_507 = vector.broadcast %add3A_506 : i32 to vector<16xi32>
        %add3A_508 = arith.addi %and3A_53, %add3A_507 : vector<16xi32>
        %gather3A_509 = tpu.vector_load_idx %arg4[%add3A_508, %add3A_226] : memref<64x128xf32, #tpu.memory_space<vmem>>[vector<16xi32>, vector<16xi32>], vector<16xf32>,
        %mul3A_510 = arith.constant 8.000000e+00 : f32
        %mul3A_511 = vector.broadcast %mul3A_510 : f32 to vector<16xf32>
        %mul3A_512 = arith.mulf %gather3A_509, %mul3A_511 : vector<16xf32>
        tpu.vector_store_idx %arg6[%add3A_226, %add3A_508], %mul3A_512 : memref<128x128xf32, #tpu.memory_space<vmem>>[vector<16xi32>, vector<16xi32>], vector<16xf32>,
        %add3A_513 = arith.constant 32 : i32
        %add3A_514 = vector.broadcast %add3A_513 : i32 to vector<16xi32>
        %add3A_515 = arith.addi %and3A_59, %add3A_514 : vector<16xi32>
        %gather3A_516 = tpu.vector_load_idx %arg4[%add3A_515, %add3A_226] : memref<64x128xf32, #tpu.memory_space<vmem>>[vector<16xi32>, vector<16xi32>], vector<16xf32>,
        %mul3A_517 = arith.constant 8.000000e+00 : f32
        %mul3A_518 = vector.broadcast %mul3A_517 : f32 to vector<16xf32>
        %mul3A_519 = arith.mulf %gather3A_516, %mul3A_518 : vector<16xf32>
        tpu.vector_store_idx %arg6[%add3A_226, %add3A_515], %mul3A_519 : memref<128x128xf32, #tpu.memory_space<vmem>>[vector<16xi32>, vector<16xi32>], vector<16xf32>,
        %add3A_520 = arith.constant 32 : i32
        %add3A_521 = vector.broadcast %add3A_520 : i32 to vector<16xi32>
        %add3A_522 = arith.addi %and3A_65, %add3A_521 : vector<16xi32>
        %gather3A_523 = tpu.vector_load_idx %arg4[%add3A_522, %add3A_226] : memref<64x128xf32, #tpu.memory_space<vmem>>[vector<16xi32>, vector<16xi32>], vector<16xf32>,
        %mul3A_524 = arith.constant 8.000000e+00 : f32
        %mul3A_525 = vector.broadcast %mul3A_524 : f32 to vector<16xf32>
        %mul3A_526 = arith.mulf %gather3A_523, %mul3A_525 : vector<16xf32>
        tpu.vector_store_idx %arg6[%add3A_226, %add3A_522], %mul3A_526 : memref<128x128xf32, #tpu.memory_space<vmem>>[vector<16xi32>, vector<16xi32>], vector<16xf32>,
        %add3A_527 = arith.constant 32 : i32
        %add3A_528 = vector.broadcast %add3A_527 : i32 to vector<16xi32>
        %add3A_529 = arith.addi %and3A_71, %add3A_528 : vector<16xi32>
        %gather3A_530 = tpu.vector_load_idx %arg4[%add3A_529, %add3A_226] : memref<64x128xf32, #tpu.memory_space<vmem>>[vector<16xi32>, vector<16xi32>], vector<16xf32>,
        %mul3A_531 = arith.constant 8.000000e+00 : f32
        %mul3A_532 = vector.broadcast %mul3A_531 : f32 to vector<16xf32>
        %mul3A_533 = arith.mulf %gather3A_530, %mul3A_532 : vector<16xf32>
        tpu.vector_store_idx %arg6[%add3A_226, %add3A_529], %mul3A_533 : memref<128x128xf32, #tpu.memory_space<vmem>>[vector<16xi32>, vector<16xi32>], vector<16xf32>,
        %add3A_534 = arith.constant 32 : i32
        %add3A_535 = vector.broadcast %add3A_534 : i32 to vector<16xi32>
        %add3A_536 = arith.addi %and3A_77, %add3A_535 : vector<16xi32>
        %gather3A_537 = tpu.vector_load_idx %arg4[%add3A_536, %add3A_226] : memref<64x128xf32, #tpu.memory_space<vmem>>[vector<16xi32>, vector<16xi32>], vector<16xf32>,
        %mul3A_538 = arith.constant 8.000000e+00 : f32
        %mul3A_539 = vector.broadcast %mul3A_538 : f32 to vector<16xf32>
        %mul3A_540 = arith.mulf %gather3A_537, %mul3A_539 : vector<16xf32>
        tpu.vector_store_idx %arg6[%add3A_226, %add3A_536], %mul3A_540 : memref<128x128xf32, #tpu.memory_space<vmem>>[vector<16xi32>, vector<16xi32>], vector<16xf32>,
        %add3A_541 = arith.constant 32 : i32
        %add3A_542 = vector.broadcast %add3A_541 : i32 to vector<16xi32>
        %add3A_543 = arith.addi %and3A_83, %add3A_542 : vector<16xi32>
        %gather3A_544 = tpu.vector_load_idx %arg4[%add3A_543, %add3A_226] : memref<64x128xf32, #tpu.memory_space<vmem>>[vector<16xi32>, vector<16xi32>], vector<16xf32>,
        %mul3A_545 = arith.constant 8.000000e+00 : f32
        %mul3A_546 = vector.broadcast %mul3A_545 : f32 to vector<16xf32>
        %mul3A_547 = arith.mulf %gather3A_544, %mul3A_546 : vector<16xf32>
        tpu.vector_store_idx %arg6[%add3A_226, %add3A_543], %mul3A_547 : memref<128x128xf32, #tpu.memory_space<vmem>>[vector<16xi32>, vector<16xi32>], vector<16xf32>,
        %add3A_548 = arith.constant 32 : i32
        %add3A_549 = vector.broadcast %add3A_548 : i32 to vector<16xi32>
        %add3A_550 = arith.addi %and3A_89, %add3A_549 : vector<16xi32>
        %gather3A_551 = tpu.vector_load_idx %arg4[%add3A_550, %add3A_226] : memref<64x128xf32, #tpu.memory_space<vmem>>[vector<16xi32>, vector<16xi32>], vector<16xf32>,
        %mul3A_552 = arith.constant 8.000000e+00 : f32
        %mul3A_553 = vector.broadcast %mul3A_552 : f32 to vector<16xf32>
        %mul3A_554 = arith.mulf %gather3A_551, %mul3A_553 : vector<16xf32>
        tpu.vector_store_idx %arg6[%add3A_226, %add3A_550], %mul3A_554 : memref<128x128xf32, #tpu.memory_space<vmem>>[vector<16xi32>, vector<16xi32>], vector<16xf32>,
        %add3A_555 = arith.constant 32 : i32
        %add3A_556 = vector.broadcast %add3A_555 : i32 to vector<16xi32>
        %add3A_557 = arith.addi %and3A_95, %add3A_556 : vector<16xi32>
        %gather3A_558 = tpu.vector_load_idx %arg4[%add3A_557, %add3A_226] : memref<64x128xf32, #tpu.memory_space<vmem>>[vector<16xi32>, vector<16xi32>], vector<16xf32>,
        %mul3A_559 = arith.constant 8.000000e+00 : f32
        %mul3A_560 = vector.broadcast %mul3A_559 : f32 to vector<16xf32>
        %mul3A_561 = arith.mulf %gather3A_558, %mul3A_560 : vector<16xf32>
        tpu.vector_store_idx %arg6[%add3A_226, %add3A_557], %mul3A_561 : memref<128x128xf32, #tpu.memory_space<vmem>>[vector<16xi32>, vector<16xi32>], vector<16xf32>,
        %add3A_562 = arith.constant 48 : i32
        %add3A_563 = vector.broadcast %add3A_562 : i32 to vector<16xi32>
        %add3A_564 = arith.addi %and3A_5, %add3A_563 : vector<16xi32>
        %gather3A_565 = tpu.vector_load_idx %arg4[%add3A_564, %add3A_226] : memref<64x128xf32, #tpu.memory_space<vmem>>[vector<16xi32>, vector<16xi32>], vector<16xf32>,
        %mul3A_566 = arith.constant 8.000000e+00 : f32
        %mul3A_567 = vector.broadcast %mul3A_566 : f32 to vector<16xf32>
        %mul3A_568 = arith.mulf %gather3A_565, %mul3A_567 : vector<16xf32>
        tpu.vector_store_idx %arg6[%add3A_226, %add3A_564], %mul3A_568 : memref<128x128xf32, #tpu.memory_space<vmem>>[vector<16xi32>, vector<16xi32>], vector<16xf32>,
        %add3A_569 = arith.constant 48 : i32
        %add3A_570 = vector.broadcast %add3A_569 : i32 to vector<16xi32>
        %add3A_571 = arith.addi %and3A_11, %add3A_570 : vector<16xi32>
        %gather3A_572 = tpu.vector_load_idx %arg4[%add3A_571, %add3A_226] : memref<64x128xf32, #tpu.memory_space<vmem>>[vector<16xi32>, vector<16xi32>], vector<16xf32>,
        %mul3A_573 = arith.constant 8.000000e+00 : f32
        %mul3A_574 = vector.broadcast %mul3A_573 : f32 to vector<16xf32>
        %mul3A_575 = arith.mulf %gather3A_572, %mul3A_574 : vector<16xf32>
        tpu.vector_store_idx %arg6[%add3A_226, %add3A_571], %mul3A_575 : memref<128x128xf32, #tpu.memory_space<vmem>>[vector<16xi32>, vector<16xi32>], vector<16xf32>,
        %add3A_576 = arith.constant 48 : i32
        %add3A_577 = vector.broadcast %add3A_576 : i32 to vector<16xi32>
        %add3A_578 = arith.addi %and3A_17, %add3A_577 : vector<16xi32>
        %gather3A_579 = tpu.vector_load_idx %arg4[%add3A_578, %add3A_226] : memref<64x128xf32, #tpu.memory_space<vmem>>[vector<16xi32>, vector<16xi32>], vector<16xf32>,
        %mul3A_580 = arith.constant 8.000000e+00 : f32
        %mul3A_581 = vector.broadcast %mul3A_580 : f32 to vector<16xf32>
        %mul3A_582 = arith.mulf %gather3A_579, %mul3A_581 : vector<16xf32>
        tpu.vector_store_idx %arg6[%add3A_226, %add3A_578], %mul3A_582 : memref<128x128xf32, #tpu.memory_space<vmem>>[vector<16xi32>, vector<16xi32>], vector<16xf32>,
        %add3A_583 = arith.constant 48 : i32
        %add3A_584 = vector.broadcast %add3A_583 : i32 to vector<16xi32>
        %add3A_585 = arith.addi %and3A_23, %add3A_584 : vector<16xi32>
        %gather3A_586 = tpu.vector_load_idx %arg4[%add3A_585, %add3A_226] : memref<64x128xf32, #tpu.memory_space<vmem>>[vector<16xi32>, vector<16xi32>], vector<16xf32>,
        %mul3A_587 = arith.constant 8.000000e+00 : f32
        %mul3A_588 = vector.broadcast %mul3A_587 : f32 to vector<16xf32>
        %mul3A_589 = arith.mulf %gather3A_586, %mul3A_588 : vector<16xf32>
        tpu.vector_store_idx %arg6[%add3A_226, %add3A_585], %mul3A_589 : memref<128x128xf32, #tpu.memory_space<vmem>>[vector<16xi32>, vector<16xi32>], vector<16xf32>,
        %add3A_590 = arith.constant 48 : i32
        %add3A_591 = vector.broadcast %add3A_590 : i32 to vector<16xi32>
        %add3A_592 = arith.addi %and3A_29, %add3A_591 : vector<16xi32>
        %gather3A_593 = tpu.vector_load_idx %arg4[%add3A_592, %add3A_226] : memref<64x128xf32, #tpu.memory_space<vmem>>[vector<16xi32>, vector<16xi32>], vector<16xf32>,
        %mul3A_594 = arith.constant 8.000000e+00 : f32
        %mul3A_595 = vector.broadcast %mul3A_594 : f32 to vector<16xf32>
        %mul3A_596 = arith.mulf %gather3A_593, %mul3A_595 : vector<16xf32>
        tpu.vector_store_idx %arg6[%add3A_226, %add3A_592], %mul3A_596 : memref<128x128xf32, #tpu.memory_space<vmem>>[vector<16xi32>, vector<16xi32>], vector<16xf32>,
        %add3A_597 = arith.constant 48 : i32
        %add3A_598 = vector.broadcast %add3A_597 : i32 to vector<16xi32>
        %add3A_599 = arith.addi %and3A_35, %add3A_598 : vector<16xi32>
        %gather3A_600 = tpu.vector_load_idx %arg4[%add3A_599, %add3A_226] : memref<64x128xf32, #tpu.memory_space<vmem>>[vector<16xi32>, vector<16xi32>], vector<16xf32>,
        %mul3A_601 = arith.constant 8.000000e+00 : f32
        %mul3A_602 = vector.broadcast %mul3A_601 : f32 to vector<16xf32>
        %mul3A_603 = arith.mulf %gather3A_600, %mul3A_602 : vector<16xf32>
        tpu.vector_store_idx %arg6[%add3A_226, %add3A_599], %mul3A_603 : memref<128x128xf32, #tpu.memory_space<vmem>>[vector<16xi32>, vector<16xi32>], vector<16xf32>,
        %add3A_604 = arith.constant 48 : i32
        %add3A_605 = vector.broadcast %add3A_604 : i32 to vector<16xi32>
        %add3A_606 = arith.addi %and3A_41, %add3A_605 : vector<16xi32>
        %gather3A_607 = tpu.vector_load_idx %arg4[%add3A_606, %add3A_226] : memref<64x128xf32, #tpu.memory_space<vmem>>[vector<16xi32>, vector<16xi32>], vector<16xf32>,
        %mul3A_608 = arith.constant 8.000000e+00 : f32
        %mul3A_609 = vector.broadcast %mul3A_608 : f32 to vector<16xf32>
        %mul3A_610 = arith.mulf %gather3A_607, %mul3A_609 : vector<16xf32>
        tpu.vector_store_idx %arg6[%add3A_226, %add3A_606], %mul3A_610 : memref<128x128xf32, #tpu.memory_space<vmem>>[vector<16xi32>, vector<16xi32>], vector<16xf32>,
        %add3A_611 = arith.constant 48 : i32
        %add3A_612 = vector.broadcast %add3A_611 : i32 to vector<16xi32>
        %add3A_613 = arith.addi %and3A_47, %add3A_612 : vector<16xi32>
        %gather3A_614 = tpu.vector_load_idx %arg4[%add3A_613, %add3A_226] : memref<64x128xf32, #tpu.memory_space<vmem>>[vector<16xi32>, vector<16xi32>], vector<16xf32>,
        %mul3A_615 = arith.constant 8.000000e+00 : f32
        %mul3A_616 = vector.broadcast %mul3A_615 : f32 to vector<16xf32>
        %mul3A_617 = arith.mulf %gather3A_614, %mul3A_616 : vector<16xf32>
        tpu.vector_store_idx %arg6[%add3A_226, %add3A_613], %mul3A_617 : memref<128x128xf32, #tpu.memory_space<vmem>>[vector<16xi32>, vector<16xi32>], vector<16xf32>,
        %add3A_618 = arith.constant 48 : i32
        %add3A_619 = vector.broadcast %add3A_618 : i32 to vector<16xi32>
        %add3A_620 = arith.addi %and3A_53, %add3A_619 : vector<16xi32>
        %gather3A_621 = tpu.vector_load_idx %arg4[%add3A_620, %add3A_226] : memref<64x128xf32, #tpu.memory_space<vmem>>[vector<16xi32>, vector<16xi32>], vector<16xf32>,
        %mul3A_622 = arith.constant 8.000000e+00 : f32
        %mul3A_623 = vector.broadcast %mul3A_622 : f32 to vector<16xf32>
        %mul3A_624 = arith.mulf %gather3A_621, %mul3A_623 : vector<16xf32>
        tpu.vector_store_idx %arg6[%add3A_226, %add3A_620], %mul3A_624 : memref<128x128xf32, #tpu.memory_space<vmem>>[vector<16xi32>, vector<16xi32>], vector<16xf32>,
        %add3A_625 = arith.constant 48 : i32
        %add3A_626 = vector.broadcast %add3A_625 : i32 to vector<16xi32>
        %add3A_627 = arith.addi %and3A_59, %add3A_626 : vector<16xi32>
        %gather3A_628 = tpu.vector_load_idx %arg4[%add3A_627, %add3A_226] : memref<64x128xf32, #tpu.memory_space<vmem>>[vector<16xi32>, vector<16xi32>], vector<16xf32>,
        %mul3A_629 = arith.constant 8.000000e+00 : f32
        %mul3A_630 = vector.broadcast %mul3A_629 : f32 to vector<16xf32>
        %mul3A_631 = arith.mulf %gather3A_628, %mul3A_630 : vector<16xf32>
        tpu.vector_store_idx %arg6[%add3A_226, %add3A_627], %mul3A_631 : memref<128x128xf32, #tpu.memory_space<vmem>>[vector<16xi32>, vector<16xi32>], vector<16xf32>,
        %add3A_632 = arith.constant 48 : i32
        %add3A_633 = vector.broadcast %add3A_632 : i32 to vector<16xi32>
        %add3A_634 = arith.addi %and3A_65, %add3A_633 : vector<16xi32>
        %gather3A_635 = tpu.vector_load_idx %arg4[%add3A_634, %add3A_226] : memref<64x128xf32, #tpu.memory_space<vmem>>[vector<16xi32>, vector<16xi32>], vector<16xf32>,
        %mul3A_636 = arith.constant 8.000000e+00 : f32
        %mul3A_637 = vector.broadcast %mul3A_636 : f32 to vector<16xf32>
        %mul3A_638 = arith.mulf %gather3A_635, %mul3A_637 : vector<16xf32>
        tpu.vector_store_idx %arg6[%add3A_226, %add3A_634], %mul3A_638 : memref<128x128xf32, #tpu.memory_space<vmem>>[vector<16xi32>, vector<16xi32>], vector<16xf32>,
        %add3A_639 = arith.constant 48 : i32
        %add3A_640 = vector.broadcast %add3A_639 : i32 to vector<16xi32>
        %add3A_641 = arith.addi %and3A_71, %add3A_640 : vector<16xi32>
        %gather3A_642 = tpu.vector_load_idx %arg4[%add3A_641, %add3A_226] : memref<64x128xf32, #tpu.memory_space<vmem>>[vector<16xi32>, vector<16xi32>], vector<16xf32>,
        %mul3A_643 = arith.constant 8.000000e+00 : f32
        %mul3A_644 = vector.broadcast %mul3A_643 : f32 to vector<16xf32>
        %mul3A_645 = arith.mulf %gather3A_642, %mul3A_644 : vector<16xf32>
        tpu.vector_store_idx %arg6[%add3A_226, %add3A_641], %mul3A_645 : memref<128x128xf32, #tpu.memory_space<vmem>>[vector<16xi32>, vector<16xi32>], vector<16xf32>,
        %add3A_646 = arith.constant 48 : i32
        %add3A_647 = vector.broadcast %add3A_646 : i32 to vector<16xi32>
        %add3A_648 = arith.addi %and3A_77, %add3A_647 : vector<16xi32>
        %gather3A_649 = tpu.vector_load_idx %arg4[%add3A_648, %add3A_226] : memref<64x128xf32, #tpu.memory_space<vmem>>[vector<16xi32>, vector<16xi32>], vector<16xf32>,
        %mul3A_650 = arith.constant 8.000000e+00 : f32
        %mul3A_651 = vector.broadcast %mul3A_650 : f32 to vector<16xf32>
        %mul3A_652 = arith.mulf %gather3A_649, %mul3A_651 : vector<16xf32>
        tpu.vector_store_idx %arg6[%add3A_226, %add3A_648], %mul3A_652 : memref<128x128xf32, #tpu.memory_space<vmem>>[vector<16xi32>, vector<16xi32>], vector<16xf32>,
        %add3A_653 = arith.constant 48 : i32
        %add3A_654 = vector.broadcast %add3A_653 : i32 to vector<16xi32>
        %add3A_655 = arith.addi %and3A_83, %add3A_654 : vector<16xi32>
        %gather3A_656 = tpu.vector_load_idx %arg4[%add3A_655, %add3A_226] : memref<64x128xf32, #tpu.memory_space<vmem>>[vector<16xi32>, vector<16xi32>], vector<16xf32>,
        %mul3A_657 = arith.constant 8.000000e+00 : f32
        %mul3A_658 = vector.broadcast %mul3A_657 : f32 to vector<16xf32>
        %mul3A_659 = arith.mulf %gather3A_656, %mul3A_658 : vector<16xf32>
        tpu.vector_store_idx %arg6[%add3A_226, %add3A_655], %mul3A_659 : memref<128x128xf32, #tpu.memory_space<vmem>>[vector<16xi32>, vector<16xi32>], vector<16xf32>,
        %add3A_660 = arith.constant 48 : i32
        %add3A_661 = vector.broadcast %add3A_660 : i32 to vector<16xi32>
        %add3A_662 = arith.addi %and3A_89, %add3A_661 : vector<16xi32>
        %gather3A_663 = tpu.vector_load_idx %arg4[%add3A_662, %add3A_226] : memref<64x128xf32, #tpu.memory_space<vmem>>[vector<16xi32>, vector<16xi32>], vector<16xf32>,
        %mul3A_664 = arith.constant 8.000000e+00 : f32
        %mul3A_665 = vector.broadcast %mul3A_664 : f32 to vector<16xf32>
        %mul3A_666 = arith.mulf %gather3A_663, %mul3A_665 : vector<16xf32>
        tpu.vector_store_idx %arg6[%add3A_226, %add3A_662], %mul3A_666 : memref<128x128xf32, #tpu.memory_space<vmem>>[vector<16xi32>, vector<16xi32>], vector<16xf32>,
        %add3A_667 = arith.constant 48 : i32
        %add3A_668 = vector.broadcast %add3A_667 : i32 to vector<16xi32>
        %add3A_669 = arith.addi %and3A_95, %add3A_668 : vector<16xi32>
        %gather3A_670 = tpu.vector_load_idx %arg4[%add3A_669, %add3A_226] : memref<64x128xf32, #tpu.memory_space<vmem>>[vector<16xi32>, vector<16xi32>], vector<16xf32>,
        %mul3A_671 = arith.constant 8.000000e+00 : f32
        %mul3A_672 = vector.broadcast %mul3A_671 : f32 to vector<16xf32>
        %mul3A_673 = arith.mulf %gather3A_670, %mul3A_672 : vector<16xf32>
        tpu.vector_store_idx %arg6[%add3A_226, %add3A_669], %mul3A_673 : memref<128x128xf32, #tpu.memory_space<vmem>>[vector<16xi32>, vector<16xi32>], vector<16xf32>,
      }
      %scan3A_199 = arith.constant 8 : i32
      %mul3A_200 = arith.constant 128 : i32
      %mul3A_201 = arith.muli %add3A_177, %mul3A_200 : i32
      %dma_start3A_202 = arith.constant 0 : i32
      %dma_start3A_203 = tpu.memref_slice %arg3[%mul3A_201, %dma_start3A_202] : memref<1000000x128xf32, #tpu.memory_space<hbm>> -> memref<128x128xf32, #tpu.memory_space<hbm>>
      %dma_start3A_204 = arith.constant 0 : i32
      %dma_start3A_205 = tpu.memref_slice %arg3[%mul3A_201, %dma_start3A_204] : memref<1000000x128xf32, #tpu.memory_space<hbm>> -> memref<128x128xf32, #tpu.memory_space<hbm>>
      tpu.enqueue_dma source(%arg6 : memref<128x128xf32, #tpu.memory_space<vmem>>) target(%dma_start3A_205 : memref<128x128xf32, #tpu.memory_space<hbm>>) target_semaphore(%arg11 : memref<!tpu.dma_semaphore, #tpu.memory_space<semaphore_mem>>)
      %mul3A_206 = arith.constant 2 : i32
      %mul3A_207 = arith.muli %mul3A_206, %while3A_172 : i32
      %add3A_208 = arith.constant 2 : i32
      %add3A_209 = arith.addi %mul3A_207, %add3A_208 : i32
      %lt3A_210 = arith.cmpi slt, %add3A_209, %select_n3A : i32
      %convert_element_type3A_211 = arith.extui %lt3A_210 : i1 to i32
      %cond3A_212 = arith.constant 0 : i32
      %cond3A_213 = arith.cmpi ne, %convert_element_type3A_211, %cond3A_212 : i32
      scf.if %cond3A_213 {
        %mul3A_222 = arith.constant 2 : i32
        %mul3A_223 = arith.muli %mul3A_222, %while3A_172 : i32
        %add3A_224 = arith.constant 2 : i32
        %add3A_225 = arith.addi %mul3A_223, %add3A_224 : i32
        %mul3A_226 = arith.constant 32 : i32
        %mul3A_227 = arith.muli %add3A_225, %mul3A_226 : i32
        %add3A_228 = arith.addi %mul3A_227, %add3A : i32
        %mul3A_229 = arith.constant 128 : i32
        %mul3A_230 = arith.muli %add3A_228, %mul3A_229 : i32
        %dma_start3A_231 = arith.constant 0 : i32
        %dma_start3A_232 = tpu.memref_slice %arg2[%dma_start3A_231, %mul3A_230] : memref<64x1000000xf32, #tpu.memory_space<hbm>> -> memref<64x128xf32, #tpu.memory_space<hbm>>
        %dma_start3A_233 = arith.constant 0 : i32
        %dma_start3A_234 = tpu.memref_slice %arg2[%dma_start3A_233, %mul3A_230] : memref<64x1000000xf32, #tpu.memory_space<hbm>> -> memref<64x128xf32, #tpu.memory_space<hbm>>
        tpu.enqueue_dma source(%dma_start3A_234 : memref<64x128xf32, #tpu.memory_space<hbm>>) target(%arg4 : memref<64x128xf32, #tpu.memory_space<vmem>>) target_semaphore(%arg9 : memref<!tpu.dma_semaphore, #tpu.memory_space<semaphore_mem>>)
      } else {
      }
      %mul3A_214 = arith.constant 2 : i32
      %mul3A_215 = arith.muli %mul3A_214, %while3A_172 : i32
      %add3A_216 = arith.constant 1 : i32
      %add3A_217 = arith.addi %mul3A_215, %add3A_216 : i32
      %lt3A_218 = arith.cmpi slt, %add3A_217, %select_n3A : i32
      %convert_element_type3A_219 = arith.extui %lt3A_218 : i1 to i32
      %cond3A_220 = arith.constant 0 : i32
      %cond3A_221 = arith.cmpi ne, %convert_element_type3A_219, %cond3A_220 : i32
      scf.if %cond3A_221 {
        %mul3A_222 = arith.constant 2 : i32
        %mul3A_223 = arith.muli %mul3A_222, %while3A_172 : i32
        %add3A_224 = arith.constant 1 : i32
        %add3A_225 = arith.addi %mul3A_223, %add3A_224 : i32
        %mul3A_226 = arith.constant 32 : i32
        %mul3A_227 = arith.muli %add3A_225, %mul3A_226 : i32
        %add3A_228 = arith.addi %mul3A_227, %add3A : i32
        %mul3A_229 = arith.constant 128 : i32
        %mul3A_230 = arith.muli %add3A_228, %mul3A_229 : i32
        %dma_wait3A_231 = arith.constant 0 : i32
        %dma_wait3A_232 = tpu.memref_slice %arg2[%dma_wait3A_231, %mul3A_230] : memref<64x1000000xf32, #tpu.memory_space<hbm>> -> memref<64x128xf32, #tpu.memory_space<hbm>>
        %dma_wait3A_233 = arith.constant 0 : i32
        %dma_wait3A_234 = tpu.memref_slice %arg2[%dma_wait3A_233, %mul3A_230] : memref<64x1000000xf32, #tpu.memory_space<hbm>> -> memref<64x128xf32, #tpu.memory_space<hbm>>
        tpu.wait_dma2 semaphore(%arg10 : memref<!tpu.dma_semaphore, #tpu.memory_space<semaphore_mem>>) src(%dma_wait3A_234 : memref<64x128xf32, #tpu.memory_space<hbm>>) dst(%arg5 : memref<64x128xf32, #tpu.memory_space<vmem>>)
        %gt3A_235 = arith.constant 0 : i32
        %gt3A_236 = arith.cmpi sgt, %while3A_172, %gt3A_235 : i32
        %convert_element_type3A_237 = arith.extui %gt3A_236 : i1 to i32
        %cond3A_238 = arith.constant 0 : i32
        %cond3A_239 = arith.cmpi ne, %convert_element_type3A_237, %cond3A_238 : i32
        scf.if %cond3A_239 {
          %mul3A_252 = arith.constant 2 : i32
          %mul3A_253 = arith.muli %mul3A_252, %while3A_172 : i32
          %sub3A_254 = arith.constant 1 : i32
          %sub3A_255 = arith.subi %mul3A_253, %sub3A_254 : i32
          %mul3A_256 = arith.constant 32 : i32
          %mul3A_257 = arith.muli %sub3A_255, %mul3A_256 : i32
          %add3A_258 = arith.addi %mul3A_257, %add3A : i32
          %mul3A_259 = arith.constant 128 : i32
          %mul3A_260 = arith.muli %add3A_258, %mul3A_259 : i32
          %dma_wait3A_261 = arith.constant 0 : i32
          %dma_wait3A_262 = tpu.memref_slice %arg3[%mul3A_260, %dma_wait3A_261] : memref<1000000x128xf32, #tpu.memory_space<hbm>> -> memref<128x128xf32, #tpu.memory_space<hbm>>
          %dma_wait3A_263 = arith.constant 0 : i32
          %dma_wait3A_264 = tpu.memref_slice %arg3[%mul3A_260, %dma_wait3A_263] : memref<1000000x128xf32, #tpu.memory_space<hbm>> -> memref<128x128xf32, #tpu.memory_space<hbm>>
          tpu.wait_dma2 semaphore(%arg12 : memref<!tpu.dma_semaphore, #tpu.memory_space<semaphore_mem>>) src(%arg7 : memref<128x128xf32, #tpu.memory_space<vmem>>) dst(%dma_wait3A_264 : memref<128x128xf32, #tpu.memory_space<hbm>>)
        } else {
        }
        %scan3A_240 = arith.constant 0 : i32
        %scan3A_241 = arith.constant 0 : i32
        %scan3A_242 = arith.constant 8 : i32
        %scan3A_243 = arith.addi %scan3A_241, %scan3A_242 : i32
        %scan3A_244 = arith.constant 1 : i32
        scf.for %scan3A_252 = %scan3A_241 to %scan3A_243 step %scan3A_244  : i32 {
          %mul3A_253 = arith.constant 16 : i32
          %mul3A_254 = arith.muli %scan3A_252, %mul3A_253 : i32
          %add3A_255 = vector.broadcast %mul3A_254 : i32 to vector<16xi32>
          %add3A_256 = arith.addi %add3A_255, %iota3A : vector<16xi32>
          %add3A_257 = arith.constant 0 : i32
          %add3A_258 = vector.broadcast %add3A_257 : i32 to vector<16xi32>
          %add3A_259 = arith.addi %and3A_5, %add3A_258 : vector<16xi32>
          %gather3A = tpu.vector_load_idx %arg5[%add3A_259, %add3A_256] : memref<64x128xf32, #tpu.memory_space<vmem>>[vector<16xi32>, vector<16xi32>], vector<16xf32>,
          %mul3A_260 = arith.constant 8.000000e+00 : f32
          %mul3A_261 = vector.broadcast %mul3A_260 : f32 to vector<16xf32>
          %mul3A_262 = arith.mulf %gather3A, %mul3A_261 : vector<16xf32>
          tpu.vector_store_idx %arg7[%add3A_256, %add3A_259], %mul3A_262 : memref<128x128xf32, #tpu.memory_space<vmem>>[vector<16xi32>, vector<16xi32>], vector<16xf32>,
          %add3A_263 = arith.constant 0 : i32
          %add3A_264 = vector.broadcast %add3A_263 : i32 to vector<16xi32>
          %add3A_265 = arith.addi %and3A_11, %add3A_264 : vector<16xi32>
          %gather3A_266 = tpu.vector_load_idx %arg5[%add3A_265, %add3A_256] : memref<64x128xf32, #tpu.memory_space<vmem>>[vector<16xi32>, vector<16xi32>], vector<16xf32>,
          %mul3A_267 = arith.constant 8.000000e+00 : f32
          %mul3A_268 = vector.broadcast %mul3A_267 : f32 to vector<16xf32>
          %mul3A_269 = arith.mulf %gather3A_266, %mul3A_268 : vector<16xf32>
          tpu.vector_store_idx %arg7[%add3A_256, %add3A_265], %mul3A_269 : memref<128x128xf32, #tpu.memory_space<vmem>>[vector<16xi32>, vector<16xi32>], vector<16xf32>,
          %add3A_270 = arith.constant 0 : i32
          %add3A_271 = vector.broadcast %add3A_270 : i32 to vector<16xi32>
          %add3A_272 = arith.addi %and3A_17, %add3A_271 : vector<16xi32>
          %gather3A_273 = tpu.vector_load_idx %arg5[%add3A_272, %add3A_256] : memref<64x128xf32, #tpu.memory_space<vmem>>[vector<16xi32>, vector<16xi32>], vector<16xf32>,
          %mul3A_274 = arith.constant 8.000000e+00 : f32
          %mul3A_275 = vector.broadcast %mul3A_274 : f32 to vector<16xf32>
          %mul3A_276 = arith.mulf %gather3A_273, %mul3A_275 : vector<16xf32>
          tpu.vector_store_idx %arg7[%add3A_256, %add3A_272], %mul3A_276 : memref<128x128xf32, #tpu.memory_space<vmem>>[vector<16xi32>, vector<16xi32>], vector<16xf32>,
          %add3A_277 = arith.constant 0 : i32
          %add3A_278 = vector.broadcast %add3A_277 : i32 to vector<16xi32>
          %add3A_279 = arith.addi %and3A_23, %add3A_278 : vector<16xi32>
          %gather3A_280 = tpu.vector_load_idx %arg5[%add3A_279, %add3A_256] : memref<64x128xf32, #tpu.memory_space<vmem>>[vector<16xi32>, vector<16xi32>], vector<16xf32>,
          %mul3A_281 = arith.constant 8.000000e+00 : f32
          %mul3A_282 = vector.broadcast %mul3A_281 : f32 to vector<16xf32>
          %mul3A_283 = arith.mulf %gather3A_280, %mul3A_282 : vector<16xf32>
          tpu.vector_store_idx %arg7[%add3A_256, %add3A_279], %mul3A_283 : memref<128x128xf32, #tpu.memory_space<vmem>>[vector<16xi32>, vector<16xi32>], vector<16xf32>,
          %add3A_284 = arith.constant 0 : i32
          %add3A_285 = vector.broadcast %add3A_284 : i32 to vector<16xi32>
          %add3A_286 = arith.addi %and3A_29, %add3A_285 : vector<16xi32>
          %gather3A_287 = tpu.vector_load_idx %arg5[%add3A_286, %add3A_256] : memref<64x128xf32, #tpu.memory_space<vmem>>[vector<16xi32>, vector<16xi32>], vector<16xf32>,
          %mul3A_288 = arith.constant 8.000000e+00 : f32
          %mul3A_289 = vector.broadcast %mul3A_288 : f32 to vector<16xf32>
          %mul3A_290 = arith.mulf %gather3A_287, %mul3A_289 : vector<16xf32>
          tpu.vector_store_idx %arg7[%add3A_256, %add3A_286], %mul3A_290 : memref<128x128xf32, #tpu.memory_space<vmem>>[vector<16xi32>, vector<16xi32>], vector<16xf32>,
          %add3A_291 = arith.constant 0 : i32
          %add3A_292 = vector.broadcast %add3A_291 : i32 to vector<16xi32>
          %add3A_293 = arith.addi %and3A_35, %add3A_292 : vector<16xi32>
          %gather3A_294 = tpu.vector_load_idx %arg5[%add3A_293, %add3A_256] : memref<64x128xf32, #tpu.memory_space<vmem>>[vector<16xi32>, vector<16xi32>], vector<16xf32>,
          %mul3A_295 = arith.constant 8.000000e+00 : f32
          %mul3A_296 = vector.broadcast %mul3A_295 : f32 to vector<16xf32>
          %mul3A_297 = arith.mulf %gather3A_294, %mul3A_296 : vector<16xf32>
          tpu.vector_store_idx %arg7[%add3A_256, %add3A_293], %mul3A_297 : memref<128x128xf32, #tpu.memory_space<vmem>>[vector<16xi32>, vector<16xi32>], vector<16xf32>,
          %add3A_298 = arith.constant 0 : i32
          %add3A_299 = vector.broadcast %add3A_298 : i32 to vector<16xi32>
          %add3A_300 = arith.addi %and3A_41, %add3A_299 : vector<16xi32>
          %gather3A_301 = tpu.vector_load_idx %arg5[%add3A_300, %add3A_256] : memref<64x128xf32, #tpu.memory_space<vmem>>[vector<16xi32>, vector<16xi32>], vector<16xf32>,
          %mul3A_302 = arith.constant 8.000000e+00 : f32
          %mul3A_303 = vector.broadcast %mul3A_302 : f32 to vector<16xf32>
          %mul3A_304 = arith.mulf %gather3A_301, %mul3A_303 : vector<16xf32>
          tpu.vector_store_idx %arg7[%add3A_256, %add3A_300], %mul3A_304 : memref<128x128xf32, #tpu.memory_space<vmem>>[vector<16xi32>, vector<16xi32>], vector<16xf32>,
          %add3A_305 = arith.constant 0 : i32
          %add3A_306 = vector.broadcast %add3A_305 : i32 to vector<16xi32>
          %add3A_307 = arith.addi %and3A_47, %add3A_306 : vector<16xi32>
          %gather3A_308 = tpu.vector_load_idx %arg5[%add3A_307, %add3A_256] : memref<64x128xf32, #tpu.memory_space<vmem>>[vector<16xi32>, vector<16xi32>], vector<16xf32>,
          %mul3A_309 = arith.constant 8.000000e+00 : f32
          %mul3A_310 = vector.broadcast %mul3A_309 : f32 to vector<16xf32>
          %mul3A_311 = arith.mulf %gather3A_308, %mul3A_310 : vector<16xf32>
          tpu.vector_store_idx %arg7[%add3A_256, %add3A_307], %mul3A_311 : memref<128x128xf32, #tpu.memory_space<vmem>>[vector<16xi32>, vector<16xi32>], vector<16xf32>,
          %add3A_312 = arith.constant 0 : i32
          %add3A_313 = vector.broadcast %add3A_312 : i32 to vector<16xi32>
          %add3A_314 = arith.addi %and3A_53, %add3A_313 : vector<16xi32>
          %gather3A_315 = tpu.vector_load_idx %arg5[%add3A_314, %add3A_256] : memref<64x128xf32, #tpu.memory_space<vmem>>[vector<16xi32>, vector<16xi32>], vector<16xf32>,
          %mul3A_316 = arith.constant 8.000000e+00 : f32
          %mul3A_317 = vector.broadcast %mul3A_316 : f32 to vector<16xf32>
          %mul3A_318 = arith.mulf %gather3A_315, %mul3A_317 : vector<16xf32>
          tpu.vector_store_idx %arg7[%add3A_256, %add3A_314], %mul3A_318 : memref<128x128xf32, #tpu.memory_space<vmem>>[vector<16xi32>, vector<16xi32>], vector<16xf32>,
          %add3A_319 = arith.constant 0 : i32
          %add3A_320 = vector.broadcast %add3A_319 : i32 to vector<16xi32>
          %add3A_321 = arith.addi %and3A_59, %add3A_320 : vector<16xi32>
          %gather3A_322 = tpu.vector_load_idx %arg5[%add3A_321, %add3A_256] : memref<64x128xf32, #tpu.memory_space<vmem>>[vector<16xi32>, vector<16xi32>], vector<16xf32>,
          %mul3A_323 = arith.constant 8.000000e+00 : f32
          %mul3A_324 = vector.broadcast %mul3A_323 : f32 to vector<16xf32>
          %mul3A_325 = arith.mulf %gather3A_322, %mul3A_324 : vector<16xf32>
          tpu.vector_store_idx %arg7[%add3A_256, %add3A_321], %mul3A_325 : memref<128x128xf32, #tpu.memory_space<vmem>>[vector<16xi32>, vector<16xi32>], vector<16xf32>,
          %add3A_326 = arith.constant 0 : i32
          %add3A_327 = vector.broadcast %add3A_326 : i32 to vector<16xi32>
          %add3A_328 = arith.addi %and3A_65, %add3A_327 : vector<16xi32>
          %gather3A_329 = tpu.vector_load_idx %arg5[%add3A_328, %add3A_256] : memref<64x128xf32, #tpu.memory_space<vmem>>[vector<16xi32>, vector<16xi32>], vector<16xf32>,
          %mul3A_330 = arith.constant 8.000000e+00 : f32
          %mul3A_331 = vector.broadcast %mul3A_330 : f32 to vector<16xf32>
          %mul3A_332 = arith.mulf %gather3A_329, %mul3A_331 : vector<16xf32>
          tpu.vector_store_idx %arg7[%add3A_256, %add3A_328], %mul3A_332 : memref<128x128xf32, #tpu.memory_space<vmem>>[vector<16xi32>, vector<16xi32>], vector<16xf32>,
          %add3A_333 = arith.constant 0 : i32
          %add3A_334 = vector.broadcast %add3A_333 : i32 to vector<16xi32>
          %add3A_335 = arith.addi %and3A_71, %add3A_334 : vector<16xi32>
          %gather3A_336 = tpu.vector_load_idx %arg5[%add3A_335, %add3A_256] : memref<64x128xf32, #tpu.memory_space<vmem>>[vector<16xi32>, vector<16xi32>], vector<16xf32>,
          %mul3A_337 = arith.constant 8.000000e+00 : f32
          %mul3A_338 = vector.broadcast %mul3A_337 : f32 to vector<16xf32>
          %mul3A_339 = arith.mulf %gather3A_336, %mul3A_338 : vector<16xf32>
          tpu.vector_store_idx %arg7[%add3A_256, %add3A_335], %mul3A_339 : memref<128x128xf32, #tpu.memory_space<vmem>>[vector<16xi32>, vector<16xi32>], vector<16xf32>,
          %add3A_340 = arith.constant 0 : i32
          %add3A_341 = vector.broadcast %add3A_340 : i32 to vector<16xi32>
          %add3A_342 = arith.addi %and3A_77, %add3A_341 : vector<16xi32>
          %gather3A_343 = tpu.vector_load_idx %arg5[%add3A_342, %add3A_256] : memref<64x128xf32, #tpu.memory_space<vmem>>[vector<16xi32>, vector<16xi32>], vector<16xf32>,
          %mul3A_344 = arith.constant 8.000000e+00 : f32
          %mul3A_345 = vector.broadcast %mul3A_344 : f32 to vector<16xf32>
          %mul3A_346 = arith.mulf %gather3A_343, %mul3A_345 : vector<16xf32>
          tpu.vector_store_idx %arg7[%add3A_256, %add3A_342], %mul3A_346 : memref<128x128xf32, #tpu.memory_space<vmem>>[vector<16xi32>, vector<16xi32>], vector<16xf32>,
          %add3A_347 = arith.constant 0 : i32
          %add3A_348 = vector.broadcast %add3A_347 : i32 to vector<16xi32>
          %add3A_349 = arith.addi %and3A_83, %add3A_348 : vector<16xi32>
          %gather3A_350 = tpu.vector_load_idx %arg5[%add3A_349, %add3A_256] : memref<64x128xf32, #tpu.memory_space<vmem>>[vector<16xi32>, vector<16xi32>], vector<16xf32>,
          %mul3A_351 = arith.constant 8.000000e+00 : f32
          %mul3A_352 = vector.broadcast %mul3A_351 : f32 to vector<16xf32>
          %mul3A_353 = arith.mulf %gather3A_350, %mul3A_352 : vector<16xf32>
          tpu.vector_store_idx %arg7[%add3A_256, %add3A_349], %mul3A_353 : memref<128x128xf32, #tpu.memory_space<vmem>>[vector<16xi32>, vector<16xi32>], vector<16xf32>,
          %add3A_354 = arith.constant 0 : i32
          %add3A_355 = vector.broadcast %add3A_354 : i32 to vector<16xi32>
          %add3A_356 = arith.addi %and3A_89, %add3A_355 : vector<16xi32>
          %gather3A_357 = tpu.vector_load_idx %arg5[%add3A_356, %add3A_256] : memref<64x128xf32, #tpu.memory_space<vmem>>[vector<16xi32>, vector<16xi32>], vector<16xf32>,
          %mul3A_358 = arith.constant 8.000000e+00 : f32
          %mul3A_359 = vector.broadcast %mul3A_358 : f32 to vector<16xf32>
          %mul3A_360 = arith.mulf %gather3A_357, %mul3A_359 : vector<16xf32>
          tpu.vector_store_idx %arg7[%add3A_256, %add3A_356], %mul3A_360 : memref<128x128xf32, #tpu.memory_space<vmem>>[vector<16xi32>, vector<16xi32>], vector<16xf32>,
          %add3A_361 = arith.constant 0 : i32
          %add3A_362 = vector.broadcast %add3A_361 : i32 to vector<16xi32>
          %add3A_363 = arith.addi %and3A_95, %add3A_362 : vector<16xi32>
          %gather3A_364 = tpu.vector_load_idx %arg5[%add3A_363, %add3A_256] : memref<64x128xf32, #tpu.memory_space<vmem>>[vector<16xi32>, vector<16xi32>], vector<16xf32>,
          %mul3A_365 = arith.constant 8.000000e+00 : f32
          %mul3A_366 = vector.broadcast %mul3A_365 : f32 to vector<16xf32>
          %mul3A_367 = arith.mulf %gather3A_364, %mul3A_366 : vector<16xf32>
          tpu.vector_store_idx %arg7[%add3A_256, %add3A_363], %mul3A_367 : memref<128x128xf32, #tpu.memory_space<vmem>>[vector<16xi32>, vector<16xi32>], vector<16xf32>,
          %add3A_368 = arith.constant 16 : i32
          %add3A_369 = vector.broadcast %add3A_368 : i32 to vector<16xi32>
          %add3A_370 = arith.addi %and3A_5, %add3A_369 : vector<16xi32>
          %gather3A_371 = tpu.vector_load_idx %arg5[%add3A_370, %add3A_256] : memref<64x128xf32, #tpu.memory_space<vmem>>[vector<16xi32>, vector<16xi32>], vector<16xf32>,
          %mul3A_372 = arith.constant 8.000000e+00 : f32
          %mul3A_373 = vector.broadcast %mul3A_372 : f32 to vector<16xf32>
          %mul3A_374 = arith.mulf %gather3A_371, %mul3A_373 : vector<16xf32>
          tpu.vector_store_idx %arg7[%add3A_256, %add3A_370], %mul3A_374 : memref<128x128xf32, #tpu.memory_space<vmem>>[vector<16xi32>, vector<16xi32>], vector<16xf32>,
          %add3A_375 = arith.constant 16 : i32
          %add3A_376 = vector.broadcast %add3A_375 : i32 to vector<16xi32>
          %add3A_377 = arith.addi %and3A_11, %add3A_376 : vector<16xi32>
          %gather3A_378 = tpu.vector_load_idx %arg5[%add3A_377, %add3A_256] : memref<64x128xf32, #tpu.memory_space<vmem>>[vector<16xi32>, vector<16xi32>], vector<16xf32>,
          %mul3A_379 = arith.constant 8.000000e+00 : f32
          %mul3A_380 = vector.broadcast %mul3A_379 : f32 to vector<16xf32>
          %mul3A_381 = arith.mulf %gather3A_378, %mul3A_380 : vector<16xf32>
          tpu.vector_store_idx %arg7[%add3A_256, %add3A_377], %mul3A_381 : memref<128x128xf32, #tpu.memory_space<vmem>>[vector<16xi32>, vector<16xi32>], vector<16xf32>,
          %add3A_382 = arith.constant 16 : i32
          %add3A_383 = vector.broadcast %add3A_382 : i32 to vector<16xi32>
          %add3A_384 = arith.addi %and3A_17, %add3A_383 : vector<16xi32>
          %gather3A_385 = tpu.vector_load_idx %arg5[%add3A_384, %add3A_256] : memref<64x128xf32, #tpu.memory_space<vmem>>[vector<16xi32>, vector<16xi32>], vector<16xf32>,
          %mul3A_386 = arith.constant 8.000000e+00 : f32
          %mul3A_387 = vector.broadcast %mul3A_386 : f32 to vector<16xf32>
          %mul3A_388 = arith.mulf %gather3A_385, %mul3A_387 : vector<16xf32>
          tpu.vector_store_idx %arg7[%add3A_256, %add3A_384], %mul3A_388 : memref<128x128xf32, #tpu.memory_space<vmem>>[vector<16xi32>, vector<16xi32>], vector<16xf32>,
          %add3A_389 = arith.constant 16 : i32
          %add3A_390 = vector.broadcast %add3A_389 : i32 to vector<16xi32>
          %add3A_391 = arith.addi %and3A_23, %add3A_390 : vector<16xi32>
          %gather3A_392 = tpu.vector_load_idx %arg5[%add3A_391, %add3A_256] : memref<64x128xf32, #tpu.memory_space<vmem>>[vector<16xi32>, vector<16xi32>], vector<16xf32>,
          %mul3A_393 = arith.constant 8.000000e+00 : f32
          %mul3A_394 = vector.broadcast %mul3A_393 : f32 to vector<16xf32>
          %mul3A_395 = arith.mulf %gather3A_392, %mul3A_394 : vector<16xf32>
          tpu.vector_store_idx %arg7[%add3A_256, %add3A_391], %mul3A_395 : memref<128x128xf32, #tpu.memory_space<vmem>>[vector<16xi32>, vector<16xi32>], vector<16xf32>,
          %add3A_396 = arith.constant 16 : i32
          %add3A_397 = vector.broadcast %add3A_396 : i32 to vector<16xi32>
          %add3A_398 = arith.addi %and3A_29, %add3A_397 : vector<16xi32>
          %gather3A_399 = tpu.vector_load_idx %arg5[%add3A_398, %add3A_256] : memref<64x128xf32, #tpu.memory_space<vmem>>[vector<16xi32>, vector<16xi32>], vector<16xf32>,
          %mul3A_400 = arith.constant 8.000000e+00 : f32
          %mul3A_401 = vector.broadcast %mul3A_400 : f32 to vector<16xf32>
          %mul3A_402 = arith.mulf %gather3A_399, %mul3A_401 : vector<16xf32>
          tpu.vector_store_idx %arg7[%add3A_256, %add3A_398], %mul3A_402 : memref<128x128xf32, #tpu.memory_space<vmem>>[vector<16xi32>, vector<16xi32>], vector<16xf32>,
          %add3A_403 = arith.constant 16 : i32
          %add3A_404 = vector.broadcast %add3A_403 : i32 to vector<16xi32>
          %add3A_405 = arith.addi %and3A_35, %add3A_404 : vector<16xi32>
          %gather3A_406 = tpu.vector_load_idx %arg5[%add3A_405, %add3A_256] : memref<64x128xf32, #tpu.memory_space<vmem>>[vector<16xi32>, vector<16xi32>], vector<16xf32>,
          %mul3A_407 = arith.constant 8.000000e+00 : f32
          %mul3A_408 = vector.broadcast %mul3A_407 : f32 to vector<16xf32>
          %mul3A_409 = arith.mulf %gather3A_406, %mul3A_408 : vector<16xf32>
          tpu.vector_store_idx %arg7[%add3A_256, %add3A_405], %mul3A_409 : memref<128x128xf32, #tpu.memory_space<vmem>>[vector<16xi32>, vector<16xi32>], vector<16xf32>,
          %add3A_410 = arith.constant 16 : i32
          %add3A_411 = vector.broadcast %add3A_410 : i32 to vector<16xi32>
          %add3A_412 = arith.addi %and3A_41, %add3A_411 : vector<16xi32>
          %gather3A_413 = tpu.vector_load_idx %arg5[%add3A_412, %add3A_256] : memref<64x128xf32, #tpu.memory_space<vmem>>[vector<16xi32>, vector<16xi32>], vector<16xf32>,
          %mul3A_414 = arith.constant 8.000000e+00 : f32
          %mul3A_415 = vector.broadcast %mul3A_414 : f32 to vector<16xf32>
          %mul3A_416 = arith.mulf %gather3A_413, %mul3A_415 : vector<16xf32>
          tpu.vector_store_idx %arg7[%add3A_256, %add3A_412], %mul3A_416 : memref<128x128xf32, #tpu.memory_space<vmem>>[vector<16xi32>, vector<16xi32>], vector<16xf32>,
          %add3A_417 = arith.constant 16 : i32
          %add3A_418 = vector.broadcast %add3A_417 : i32 to vector<16xi32>
          %add3A_419 = arith.addi %and3A_47, %add3A_418 : vector<16xi32>
          %gather3A_420 = tpu.vector_load_idx %arg5[%add3A_419, %add3A_256] : memref<64x128xf32, #tpu.memory_space<vmem>>[vector<16xi32>, vector<16xi32>], vector<16xf32>,
          %mul3A_421 = arith.constant 8.000000e+00 : f32
          %mul3A_422 = vector.broadcast %mul3A_421 : f32 to vector<16xf32>
          %mul3A_423 = arith.mulf %gather3A_420, %mul3A_422 : vector<16xf32>
          tpu.vector_store_idx %arg7[%add3A_256, %add3A_419], %mul3A_423 : memref<128x128xf32, #tpu.memory_space<vmem>>[vector<16xi32>, vector<16xi32>], vector<16xf32>,
          %add3A_424 = arith.constant 16 : i32
          %add3A_425 = vector.broadcast %add3A_424 : i32 to vector<16xi32>
          %add3A_426 = arith.addi %and3A_53, %add3A_425 : vector<16xi32>
          %gather3A_427 = tpu.vector_load_idx %arg5[%add3A_426, %add3A_256] : memref<64x128xf32, #tpu.memory_space<vmem>>[vector<16xi32>, vector<16xi32>], vector<16xf32>,
          %mul3A_428 = arith.constant 8.000000e+00 : f32
          %mul3A_429 = vector.broadcast %mul3A_428 : f32 to vector<16xf32>
          %mul3A_430 = arith.mulf %gather3A_427, %mul3A_429 : vector<16xf32>
          tpu.vector_store_idx %arg7[%add3A_256, %add3A_426], %mul3A_430 : memref<128x128xf32, #tpu.memory_space<vmem>>[vector<16xi32>, vector<16xi32>], vector<16xf32>,
          %add3A_431 = arith.constant 16 : i32
          %add3A_432 = vector.broadcast %add3A_431 : i32 to vector<16xi32>
          %add3A_433 = arith.addi %and3A_59, %add3A_432 : vector<16xi32>
          %gather3A_434 = tpu.vector_load_idx %arg5[%add3A_433, %add3A_256] : memref<64x128xf32, #tpu.memory_space<vmem>>[vector<16xi32>, vector<16xi32>], vector<16xf32>,
          %mul3A_435 = arith.constant 8.000000e+00 : f32
          %mul3A_436 = vector.broadcast %mul3A_435 : f32 to vector<16xf32>
          %mul3A_437 = arith.mulf %gather3A_434, %mul3A_436 : vector<16xf32>
          tpu.vector_store_idx %arg7[%add3A_256, %add3A_433], %mul3A_437 : memref<128x128xf32, #tpu.memory_space<vmem>>[vector<16xi32>, vector<16xi32>], vector<16xf32>,
          %add3A_438 = arith.constant 16 : i32
          %add3A_439 = vector.broadcast %add3A_438 : i32 to vector<16xi32>
          %add3A_440 = arith.addi %and3A_65, %add3A_439 : vector<16xi32>
          %gather3A_441 = tpu.vector_load_idx %arg5[%add3A_440, %add3A_256] : memref<64x128xf32, #tpu.memory_space<vmem>>[vector<16xi32>, vector<16xi32>], vector<16xf32>,
          %mul3A_442 = arith.constant 8.000000e+00 : f32
          %mul3A_443 = vector.broadcast %mul3A_442 : f32 to vector<16xf32>
          %mul3A_444 = arith.mulf %gather3A_441, %mul3A_443 : vector<16xf32>
          tpu.vector_store_idx %arg7[%add3A_256, %add3A_440], %mul3A_444 : memref<128x128xf32, #tpu.memory_space<vmem>>[vector<16xi32>, vector<16xi32>], vector<16xf32>,
          %add3A_445 = arith.constant 16 : i32
          %add3A_446 = vector.broadcast %add3A_445 : i32 to vector<16xi32>
          %add3A_447 = arith.addi %and3A_71, %add3A_446 : vector<16xi32>
          %gather3A_448 = tpu.vector_load_idx %arg5[%add3A_447, %add3A_256] : memref<64x128xf32, #tpu.memory_space<vmem>>[vector<16xi32>, vector<16xi32>], vector<16xf32>,
          %mul3A_449 = arith.constant 8.000000e+00 : f32
          %mul3A_450 = vector.broadcast %mul3A_449 : f32 to vector<16xf32>
          %mul3A_451 = arith.mulf %gather3A_448, %mul3A_450 : vector<16xf32>
          tpu.vector_store_idx %arg7[%add3A_256, %add3A_447], %mul3A_451 : memref<128x128xf32, #tpu.memory_space<vmem>>[vector<16xi32>, vector<16xi32>], vector<16xf32>,
          %add3A_452 = arith.constant 16 : i32
          %add3A_453 = vector.broadcast %add3A_452 : i32 to vector<16xi32>
          %add3A_454 = arith.addi %and3A_77, %add3A_453 : vector<16xi32>
          %gather3A_455 = tpu.vector_load_idx %arg5[%add3A_454, %add3A_256] : memref<64x128xf32, #tpu.memory_space<vmem>>[vector<16xi32>, vector<16xi32>], vector<16xf32>,
          %mul3A_456 = arith.constant 8.000000e+00 : f32
          %mul3A_457 = vector.broadcast %mul3A_456 : f32 to vector<16xf32>
          %mul3A_458 = arith.mulf %gather3A_455, %mul3A_457 : vector<16xf32>
          tpu.vector_store_idx %arg7[%add3A_256, %add3A_454], %mul3A_458 : memref<128x128xf32, #tpu.memory_space<vmem>>[vector<16xi32>, vector<16xi32>], vector<16xf32>,
          %add3A_459 = arith.constant 16 : i32
          %add3A_460 = vector.broadcast %add3A_459 : i32 to vector<16xi32>
          %add3A_461 = arith.addi %and3A_83, %add3A_460 : vector<16xi32>
          %gather3A_462 = tpu.vector_load_idx %arg5[%add3A_461, %add3A_256] : memref<64x128xf32, #tpu.memory_space<vmem>>[vector<16xi32>, vector<16xi32>], vector<16xf32>,
          %mul3A_463 = arith.constant 8.000000e+00 : f32
          %mul3A_464 = vector.broadcast %mul3A_463 : f32 to vector<16xf32>
          %mul3A_465 = arith.mulf %gather3A_462, %mul3A_464 : vector<16xf32>
          tpu.vector_store_idx %arg7[%add3A_256, %add3A_461], %mul3A_465 : memref<128x128xf32, #tpu.memory_space<vmem>>[vector<16xi32>, vector<16xi32>], vector<16xf32>,
          %add3A_466 = arith.constant 16 : i32
          %add3A_467 = vector.broadcast %add3A_466 : i32 to vector<16xi32>
          %add3A_468 = arith.addi %and3A_89, %add3A_467 : vector<16xi32>
          %gather3A_469 = tpu.vector_load_idx %arg5[%add3A_468, %add3A_256] : memref<64x128xf32, #tpu.memory_space<vmem>>[vector<16xi32>, vector<16xi32>], vector<16xf32>,
          %mul3A_470 = arith.constant 8.000000e+00 : f32
          %mul3A_471 = vector.broadcast %mul3A_470 : f32 to vector<16xf32>
          %mul3A_472 = arith.mulf %gather3A_469, %mul3A_471 : vector<16xf32>
          tpu.vector_store_idx %arg7[%add3A_256, %add3A_468], %mul3A_472 : memref<128x128xf32, #tpu.memory_space<vmem>>[vector<16xi32>, vector<16xi32>], vector<16xf32>,
          %add3A_473 = arith.constant 16 : i32
          %add3A_474 = vector.broadcast %add3A_473 : i32 to vector<16xi32>
          %add3A_475 = arith.addi %and3A_95, %add3A_474 : vector<16xi32>
          %gather3A_476 = tpu.vector_load_idx %arg5[%add3A_475, %add3A_256] : memref<64x128xf32, #tpu.memory_space<vmem>>[vector<16xi32>, vector<16xi32>], vector<16xf32>,
          %mul3A_477 = arith.constant 8.000000e+00 : f32
          %mul3A_478 = vector.broadcast %mul3A_477 : f32 to vector<16xf32>
          %mul3A_479 = arith.mulf %gather3A_476, %mul3A_478 : vector<16xf32>
          tpu.vector_store_idx %arg7[%add3A_256, %add3A_475], %mul3A_479 : memref<128x128xf32, #tpu.memory_space<vmem>>[vector<16xi32>, vector<16xi32>], vector<16xf32>,
          %add3A_480 = arith.constant 32 : i32
          %add3A_481 = vector.broadcast %add3A_480 : i32 to vector<16xi32>
          %add3A_482 = arith.addi %and3A_5, %add3A_481 : vector<16xi32>
          %gather3A_483 = tpu.vector_load_idx %arg5[%add3A_482, %add3A_256] : memref<64x128xf32, #tpu.memory_space<vmem>>[vector<16xi32>, vector<16xi32>], vector<16xf32>,
          %mul3A_484 = arith.constant 8.000000e+00 : f32
          %mul3A_485 = vector.broadcast %mul3A_484 : f32 to vector<16xf32>
          %mul3A_486 = arith.mulf %gather3A_483, %mul3A_485 : vector<16xf32>
          tpu.vector_store_idx %arg7[%add3A_256, %add3A_482], %mul3A_486 : memref<128x128xf32, #tpu.memory_space<vmem>>[vector<16xi32>, vector<16xi32>], vector<16xf32>,
          %add3A_487 = arith.constant 32 : i32
          %add3A_488 = vector.broadcast %add3A_487 : i32 to vector<16xi32>
          %add3A_489 = arith.addi %and3A_11, %add3A_488 : vector<16xi32>
          %gather3A_490 = tpu.vector_load_idx %arg5[%add3A_489, %add3A_256] : memref<64x128xf32, #tpu.memory_space<vmem>>[vector<16xi32>, vector<16xi32>], vector<16xf32>,
          %mul3A_491 = arith.constant 8.000000e+00 : f32
          %mul3A_492 = vector.broadcast %mul3A_491 : f32 to vector<16xf32>
          %mul3A_493 = arith.mulf %gather3A_490, %mul3A_492 : vector<16xf32>
          tpu.vector_store_idx %arg7[%add3A_256, %add3A_489], %mul3A_493 : memref<128x128xf32, #tpu.memory_space<vmem>>[vector<16xi32>, vector<16xi32>], vector<16xf32>,
          %add3A_494 = arith.constant 32 : i32
          %add3A_495 = vector.broadcast %add3A_494 : i32 to vector<16xi32>
          %add3A_496 = arith.addi %and3A_17, %add3A_495 : vector<16xi32>
          %gather3A_497 = tpu.vector_load_idx %arg5[%add3A_496, %add3A_256] : memref<64x128xf32, #tpu.memory_space<vmem>>[vector<16xi32>, vector<16xi32>], vector<16xf32>,
          %mul3A_498 = arith.constant 8.000000e+00 : f32
          %mul3A_499 = vector.broadcast %mul3A_498 : f32 to vector<16xf32>
          %mul3A_500 = arith.mulf %gather3A_497, %mul3A_499 : vector<16xf32>
          tpu.vector_store_idx %arg7[%add3A_256, %add3A_496], %mul3A_500 : memref<128x128xf32, #tpu.memory_space<vmem>>[vector<16xi32>, vector<16xi32>], vector<16xf32>,
          %add3A_501 = arith.constant 32 : i32
          %add3A_502 = vector.broadcast %add3A_501 : i32 to vector<16xi32>
          %add3A_503 = arith.addi %and3A_23, %add3A_502 : vector<16xi32>
          %gather3A_504 = tpu.vector_load_idx %arg5[%add3A_503, %add3A_256] : memref<64x128xf32, #tpu.memory_space<vmem>>[vector<16xi32>, vector<16xi32>], vector<16xf32>,
          %mul3A_505 = arith.constant 8.000000e+00 : f32
          %mul3A_506 = vector.broadcast %mul3A_505 : f32 to vector<16xf32>
          %mul3A_507 = arith.mulf %gather3A_504, %mul3A_506 : vector<16xf32>
          tpu.vector_store_idx %arg7[%add3A_256, %add3A_503], %mul3A_507 : memref<128x128xf32, #tpu.memory_space<vmem>>[vector<16xi32>, vector<16xi32>], vector<16xf32>,
          %add3A_508 = arith.constant 32 : i32
          %add3A_509 = vector.broadcast %add3A_508 : i32 to vector<16xi32>
          %add3A_510 = arith.addi %and3A_29, %add3A_509 : vector<16xi32>
          %gather3A_511 = tpu.vector_load_idx %arg5[%add3A_510, %add3A_256] : memref<64x128xf32, #tpu.memory_space<vmem>>[vector<16xi32>, vector<16xi32>], vector<16xf32>,
          %mul3A_512 = arith.constant 8.000000e+00 : f32
          %mul3A_513 = vector.broadcast %mul3A_512 : f32 to vector<16xf32>
          %mul3A_514 = arith.mulf %gather3A_511, %mul3A_513 : vector<16xf32>
          tpu.vector_store_idx %arg7[%add3A_256, %add3A_510], %mul3A_514 : memref<128x128xf32, #tpu.memory_space<vmem>>[vector<16xi32>, vector<16xi32>], vector<16xf32>,
          %add3A_515 = arith.constant 32 : i32
          %add3A_516 = vector.broadcast %add3A_515 : i32 to vector<16xi32>
          %add3A_517 = arith.addi %and3A_35, %add3A_516 : vector<16xi32>
          %gather3A_518 = tpu.vector_load_idx %arg5[%add3A_517, %add3A_256] : memref<64x128xf32, #tpu.memory_space<vmem>>[vector<16xi32>, vector<16xi32>], vector<16xf32>,
          %mul3A_519 = arith.constant 8.000000e+00 : f32
          %mul3A_520 = vector.broadcast %mul3A_519 : f32 to vector<16xf32>
          %mul3A_521 = arith.mulf %gather3A_518, %mul3A_520 : vector<16xf32>
          tpu.vector_store_idx %arg7[%add3A_256, %add3A_517], %mul3A_521 : memref<128x128xf32, #tpu.memory_space<vmem>>[vector<16xi32>, vector<16xi32>], vector<16xf32>,
          %add3A_522 = arith.constant 32 : i32
          %add3A_523 = vector.broadcast %add3A_522 : i32 to vector<16xi32>
          %add3A_524 = arith.addi %and3A_41, %add3A_523 : vector<16xi32>
          %gather3A_525 = tpu.vector_load_idx %arg5[%add3A_524, %add3A_256] : memref<64x128xf32, #tpu.memory_space<vmem>>[vector<16xi32>, vector<16xi32>], vector<16xf32>,
          %mul3A_526 = arith.constant 8.000000e+00 : f32
          %mul3A_527 = vector.broadcast %mul3A_526 : f32 to vector<16xf32>
          %mul3A_528 = arith.mulf %gather3A_525, %mul3A_527 : vector<16xf32>
          tpu.vector_store_idx %arg7[%add3A_256, %add3A_524], %mul3A_528 : memref<128x128xf32, #tpu.memory_space<vmem>>[vector<16xi32>, vector<16xi32>], vector<16xf32>,
          %add3A_529 = arith.constant 32 : i32
          %add3A_530 = vector.broadcast %add3A_529 : i32 to vector<16xi32>
          %add3A_531 = arith.addi %and3A_47, %add3A_530 : vector<16xi32>
          %gather3A_532 = tpu.vector_load_idx %arg5[%add3A_531, %add3A_256] : memref<64x128xf32, #tpu.memory_space<vmem>>[vector<16xi32>, vector<16xi32>], vector<16xf32>,
          %mul3A_533 = arith.constant 8.000000e+00 : f32
          %mul3A_534 = vector.broadcast %mul3A_533 : f32 to vector<16xf32>
          %mul3A_535 = arith.mulf %gather3A_532, %mul3A_534 : vector<16xf32>
          tpu.vector_store_idx %arg7[%add3A_256, %add3A_531], %mul3A_535 : memref<128x128xf32, #tpu.memory_space<vmem>>[vector<16xi32>, vector<16xi32>], vector<16xf32>,
          %add3A_536 = arith.constant 32 : i32
          %add3A_537 = vector.broadcast %add3A_536 : i32 to vector<16xi32>
          %add3A_538 = arith.addi %and3A_53, %add3A_537 : vector<16xi32>
          %gather3A_539 = tpu.vector_load_idx %arg5[%add3A_538, %add3A_256] : memref<64x128xf32, #tpu.memory_space<vmem>>[vector<16xi32>, vector<16xi32>], vector<16xf32>,
          %mul3A_540 = arith.constant 8.000000e+00 : f32
          %mul3A_541 = vector.broadcast %mul3A_540 : f32 to vector<16xf32>
          %mul3A_542 = arith.mulf %gather3A_539, %mul3A_541 : vector<16xf32>
          tpu.vector_store_idx %arg7[%add3A_256, %add3A_538], %mul3A_542 : memref<128x128xf32, #tpu.memory_space<vmem>>[vector<16xi32>, vector<16xi32>], vector<16xf32>,
          %add3A_543 = arith.constant 32 : i32
          %add3A_544 = vector.broadcast %add3A_543 : i32 to vector<16xi32>
          %add3A_545 = arith.addi %and3A_59, %add3A_544 : vector<16xi32>
          %gather3A_546 = tpu.vector_load_idx %arg5[%add3A_545, %add3A_256] : memref<64x128xf32, #tpu.memory_space<vmem>>[vector<16xi32>, vector<16xi32>], vector<16xf32>,
          %mul3A_547 = arith.constant 8.000000e+00 : f32
          %mul3A_548 = vector.broadcast %mul3A_547 : f32 to vector<16xf32>
          %mul3A_549 = arith.mulf %gather3A_546, %mul3A_548 : vector<16xf32>
          tpu.vector_store_idx %arg7[%add3A_256, %add3A_545], %mul3A_549 : memref<128x128xf32, #tpu.memory_space<vmem>>[vector<16xi32>, vector<16xi32>], vector<16xf32>,
          %add3A_550 = arith.constant 32 : i32
          %add3A_551 = vector.broadcast %add3A_550 : i32 to vector<16xi32>
          %add3A_552 = arith.addi %and3A_65, %add3A_551 : vector<16xi32>
          %gather3A_553 = tpu.vector_load_idx %arg5[%add3A_552, %add3A_256] : memref<64x128xf32, #tpu.memory_space<vmem>>[vector<16xi32>, vector<16xi32>], vector<16xf32>,
          %mul3A_554 = arith.constant 8.000000e+00 : f32
          %mul3A_555 = vector.broadcast %mul3A_554 : f32 to vector<16xf32>
          %mul3A_556 = arith.mulf %gather3A_553, %mul3A_555 : vector<16xf32>
          tpu.vector_store_idx %arg7[%add3A_256, %add3A_552], %mul3A_556 : memref<128x128xf32, #tpu.memory_space<vmem>>[vector<16xi32>, vector<16xi32>], vector<16xf32>,
          %add3A_557 = arith.constant 32 : i32
          %add3A_558 = vector.broadcast %add3A_557 : i32 to vector<16xi32>
          %add3A_559 = arith.addi %and3A_71, %add3A_558 : vector<16xi32>
          %gather3A_560 = tpu.vector_load_idx %arg5[%add3A_559, %add3A_256] : memref<64x128xf32, #tpu.memory_space<vmem>>[vector<16xi32>, vector<16xi32>], vector<16xf32>,
          %mul3A_561 = arith.constant 8.000000e+00 : f32
          %mul3A_562 = vector.broadcast %mul3A_561 : f32 to vector<16xf32>
          %mul3A_563 = arith.mulf %gather3A_560, %mul3A_562 : vector<16xf32>
          tpu.vector_store_idx %arg7[%add3A_256, %add3A_559], %mul3A_563 : memref<128x128xf32, #tpu.memory_space<vmem>>[vector<16xi32>, vector<16xi32>], vector<16xf32>,
          %add3A_564 = arith.constant 32 : i32
          %add3A_565 = vector.broadcast %add3A_564 : i32 to vector<16xi32>
          %add3A_566 = arith.addi %and3A_77, %add3A_565 : vector<16xi32>
          %gather3A_567 = tpu.vector_load_idx %arg5[%add3A_566, %add3A_256] : memref<64x128xf32, #tpu.memory_space<vmem>>[vector<16xi32>, vector<16xi32>], vector<16xf32>,
          %mul3A_568 = arith.constant 8.000000e+00 : f32
          %mul3A_569 = vector.broadcast %mul3A_568 : f32 to vector<16xf32>
          %mul3A_570 = arith.mulf %gather3A_567, %mul3A_569 : vector<16xf32>
          tpu.vector_store_idx %arg7[%add3A_256, %add3A_566], %mul3A_570 : memref<128x128xf32, #tpu.memory_space<vmem>>[vector<16xi32>, vector<16xi32>], vector<16xf32>,
          %add3A_571 = arith.constant 32 : i32
          %add3A_572 = vector.broadcast %add3A_571 : i32 to vector<16xi32>
          %add3A_573 = arith.addi %and3A_83, %add3A_572 : vector<16xi32>
          %gather3A_574 = tpu.vector_load_idx %arg5[%add3A_573, %add3A_256] : memref<64x128xf32, #tpu.memory_space<vmem>>[vector<16xi32>, vector<16xi32>], vector<16xf32>,
          %mul3A_575 = arith.constant 8.000000e+00 : f32
          %mul3A_576 = vector.broadcast %mul3A_575 : f32 to vector<16xf32>
          %mul3A_577 = arith.mulf %gather3A_574, %mul3A_576 : vector<16xf32>
          tpu.vector_store_idx %arg7[%add3A_256, %add3A_573], %mul3A_577 : memref<128x128xf32, #tpu.memory_space<vmem>>[vector<16xi32>, vector<16xi32>], vector<16xf32>,
          %add3A_578 = arith.constant 32 : i32
          %add3A_579 = vector.broadcast %add3A_578 : i32 to vector<16xi32>
          %add3A_580 = arith.addi %and3A_89, %add3A_579 : vector<16xi32>
          %gather3A_581 = tpu.vector_load_idx %arg5[%add3A_580, %add3A_256] : memref<64x128xf32, #tpu.memory_space<vmem>>[vector<16xi32>, vector<16xi32>], vector<16xf32>,
          %mul3A_582 = arith.constant 8.000000e+00 : f32
          %mul3A_583 = vector.broadcast %mul3A_582 : f32 to vector<16xf32>
          %mul3A_584 = arith.mulf %gather3A_581, %mul3A_583 : vector<16xf32>
          tpu.vector_store_idx %arg7[%add3A_256, %add3A_580], %mul3A_584 : memref<128x128xf32, #tpu.memory_space<vmem>>[vector<16xi32>, vector<16xi32>], vector<16xf32>,
          %add3A_585 = arith.constant 32 : i32
          %add3A_586 = vector.broadcast %add3A_585 : i32 to vector<16xi32>
          %add3A_587 = arith.addi %and3A_95, %add3A_586 : vector<16xi32>
          %gather3A_588 = tpu.vector_load_idx %arg5[%add3A_587, %add3A_256] : memref<64x128xf32, #tpu.memory_space<vmem>>[vector<16xi32>, vector<16xi32>], vector<16xf32>,
          %mul3A_589 = arith.constant 8.000000e+00 : f32
          %mul3A_590 = vector.broadcast %mul3A_589 : f32 to vector<16xf32>
          %mul3A_591 = arith.mulf %gather3A_588, %mul3A_590 : vector<16xf32>
          tpu.vector_store_idx %arg7[%add3A_256, %add3A_587], %mul3A_591 : memref<128x128xf32, #tpu.memory_space<vmem>>[vector<16xi32>, vector<16xi32>], vector<16xf32>,
          %add3A_592 = arith.constant 48 : i32
          %add3A_593 = vector.broadcast %add3A_592 : i32 to vector<16xi32>
          %add3A_594 = arith.addi %and3A_5, %add3A_593 : vector<16xi32>
          %gather3A_595 = tpu.vector_load_idx %arg5[%add3A_594, %add3A_256] : memref<64x128xf32, #tpu.memory_space<vmem>>[vector<16xi32>, vector<16xi32>], vector<16xf32>,
          %mul3A_596 = arith.constant 8.000000e+00 : f32
          %mul3A_597 = vector.broadcast %mul3A_596 : f32 to vector<16xf32>
          %mul3A_598 = arith.mulf %gather3A_595, %mul3A_597 : vector<16xf32>
          tpu.vector_store_idx %arg7[%add3A_256, %add3A_594], %mul3A_598 : memref<128x128xf32, #tpu.memory_space<vmem>>[vector<16xi32>, vector<16xi32>], vector<16xf32>,
          %add3A_599 = arith.constant 48 : i32
          %add3A_600 = vector.broadcast %add3A_599 : i32 to vector<16xi32>
          %add3A_601 = arith.addi %and3A_11, %add3A_600 : vector<16xi32>
          %gather3A_602 = tpu.vector_load_idx %arg5[%add3A_601, %add3A_256] : memref<64x128xf32, #tpu.memory_space<vmem>>[vector<16xi32>, vector<16xi32>], vector<16xf32>,
          %mul3A_603 = arith.constant 8.000000e+00 : f32
          %mul3A_604 = vector.broadcast %mul3A_603 : f32 to vector<16xf32>
          %mul3A_605 = arith.mulf %gather3A_602, %mul3A_604 : vector<16xf32>
          tpu.vector_store_idx %arg7[%add3A_256, %add3A_601], %mul3A_605 : memref<128x128xf32, #tpu.memory_space<vmem>>[vector<16xi32>, vector<16xi32>], vector<16xf32>,
          %add3A_606 = arith.constant 48 : i32
          %add3A_607 = vector.broadcast %add3A_606 : i32 to vector<16xi32>
          %add3A_608 = arith.addi %and3A_17, %add3A_607 : vector<16xi32>
          %gather3A_609 = tpu.vector_load_idx %arg5[%add3A_608, %add3A_256] : memref<64x128xf32, #tpu.memory_space<vmem>>[vector<16xi32>, vector<16xi32>], vector<16xf32>,
          %mul3A_610 = arith.constant 8.000000e+00 : f32
          %mul3A_611 = vector.broadcast %mul3A_610 : f32 to vector<16xf32>
          %mul3A_612 = arith.mulf %gather3A_609, %mul3A_611 : vector<16xf32>
          tpu.vector_store_idx %arg7[%add3A_256, %add3A_608], %mul3A_612 : memref<128x128xf32, #tpu.memory_space<vmem>>[vector<16xi32>, vector<16xi32>], vector<16xf32>,
          %add3A_613 = arith.constant 48 : i32
          %add3A_614 = vector.broadcast %add3A_613 : i32 to vector<16xi32>
          %add3A_615 = arith.addi %and3A_23, %add3A_614 : vector<16xi32>
          %gather3A_616 = tpu.vector_load_idx %arg5[%add3A_615, %add3A_256] : memref<64x128xf32, #tpu.memory_space<vmem>>[vector<16xi32>, vector<16xi32>], vector<16xf32>,
          %mul3A_617 = arith.constant 8.000000e+00 : f32
          %mul3A_618 = vector.broadcast %mul3A_617 : f32 to vector<16xf32>
          %mul3A_619 = arith.mulf %gather3A_616, %mul3A_618 : vector<16xf32>
          tpu.vector_store_idx %arg7[%add3A_256, %add3A_615], %mul3A_619 : memref<128x128xf32, #tpu.memory_space<vmem>>[vector<16xi32>, vector<16xi32>], vector<16xf32>,
          %add3A_620 = arith.constant 48 : i32
          %add3A_621 = vector.broadcast %add3A_620 : i32 to vector<16xi32>
          %add3A_622 = arith.addi %and3A_29, %add3A_621 : vector<16xi32>
          %gather3A_623 = tpu.vector_load_idx %arg5[%add3A_622, %add3A_256] : memref<64x128xf32, #tpu.memory_space<vmem>>[vector<16xi32>, vector<16xi32>], vector<16xf32>,
          %mul3A_624 = arith.constant 8.000000e+00 : f32
          %mul3A_625 = vector.broadcast %mul3A_624 : f32 to vector<16xf32>
          %mul3A_626 = arith.mulf %gather3A_623, %mul3A_625 : vector<16xf32>
          tpu.vector_store_idx %arg7[%add3A_256, %add3A_622], %mul3A_626 : memref<128x128xf32, #tpu.memory_space<vmem>>[vector<16xi32>, vector<16xi32>], vector<16xf32>,
          %add3A_627 = arith.constant 48 : i32
          %add3A_628 = vector.broadcast %add3A_627 : i32 to vector<16xi32>
          %add3A_629 = arith.addi %and3A_35, %add3A_628 : vector<16xi32>
          %gather3A_630 = tpu.vector_load_idx %arg5[%add3A_629, %add3A_256] : memref<64x128xf32, #tpu.memory_space<vmem>>[vector<16xi32>, vector<16xi32>], vector<16xf32>,
          %mul3A_631 = arith.constant 8.000000e+00 : f32
          %mul3A_632 = vector.broadcast %mul3A_631 : f32 to vector<16xf32>
          %mul3A_633 = arith.mulf %gather3A_630, %mul3A_632 : vector<16xf32>
          tpu.vector_store_idx %arg7[%add3A_256, %add3A_629], %mul3A_633 : memref<128x128xf32, #tpu.memory_space<vmem>>[vector<16xi32>, vector<16xi32>], vector<16xf32>,
          %add3A_634 = arith.constant 48 : i32
          %add3A_635 = vector.broadcast %add3A_634 : i32 to vector<16xi32>
          %add3A_636 = arith.addi %and3A_41, %add3A_635 : vector<16xi32>
          %gather3A_637 = tpu.vector_load_idx %arg5[%add3A_636, %add3A_256] : memref<64x128xf32, #tpu.memory_space<vmem>>[vector<16xi32>, vector<16xi32>], vector<16xf32>,
          %mul3A_638 = arith.constant 8.000000e+00 : f32
          %mul3A_639 = vector.broadcast %mul3A_638 : f32 to vector<16xf32>
          %mul3A_640 = arith.mulf %gather3A_637, %mul3A_639 : vector<16xf32>
          tpu.vector_store_idx %arg7[%add3A_256, %add3A_636], %mul3A_640 : memref<128x128xf32, #tpu.memory_space<vmem>>[vector<16xi32>, vector<16xi32>], vector<16xf32>,
          %add3A_641 = arith.constant 48 : i32
          %add3A_642 = vector.broadcast %add3A_641 : i32 to vector<16xi32>
          %add3A_643 = arith.addi %and3A_47, %add3A_642 : vector<16xi32>
          %gather3A_644 = tpu.vector_load_idx %arg5[%add3A_643, %add3A_256] : memref<64x128xf32, #tpu.memory_space<vmem>>[vector<16xi32>, vector<16xi32>], vector<16xf32>,
          %mul3A_645 = arith.constant 8.000000e+00 : f32
          %mul3A_646 = vector.broadcast %mul3A_645 : f32 to vector<16xf32>
          %mul3A_647 = arith.mulf %gather3A_644, %mul3A_646 : vector<16xf32>
          tpu.vector_store_idx %arg7[%add3A_256, %add3A_643], %mul3A_647 : memref<128x128xf32, #tpu.memory_space<vmem>>[vector<16xi32>, vector<16xi32>], vector<16xf32>,
          %add3A_648 = arith.constant 48 : i32
          %add3A_649 = vector.broadcast %add3A_648 : i32 to vector<16xi32>
          %add3A_650 = arith.addi %and3A_53, %add3A_649 : vector<16xi32>
          %gather3A_651 = tpu.vector_load_idx %arg5[%add3A_650, %add3A_256] : memref<64x128xf32, #tpu.memory_space<vmem>>[vector<16xi32>, vector<16xi32>], vector<16xf32>,
          %mul3A_652 = arith.constant 8.000000e+00 : f32
          %mul3A_653 = vector.broadcast %mul3A_652 : f32 to vector<16xf32>
          %mul3A_654 = arith.mulf %gather3A_651, %mul3A_653 : vector<16xf32>
          tpu.vector_store_idx %arg7[%add3A_256, %add3A_650], %mul3A_654 : memref<128x128xf32, #tpu.memory_space<vmem>>[vector<16xi32>, vector<16xi32>], vector<16xf32>,
          %add3A_655 = arith.constant 48 : i32
          %add3A_656 = vector.broadcast %add3A_655 : i32 to vector<16xi32>
          %add3A_657 = arith.addi %and3A_59, %add3A_656 : vector<16xi32>
          %gather3A_658 = tpu.vector_load_idx %arg5[%add3A_657, %add3A_256] : memref<64x128xf32, #tpu.memory_space<vmem>>[vector<16xi32>, vector<16xi32>], vector<16xf32>,
          %mul3A_659 = arith.constant 8.000000e+00 : f32
          %mul3A_660 = vector.broadcast %mul3A_659 : f32 to vector<16xf32>
          %mul3A_661 = arith.mulf %gather3A_658, %mul3A_660 : vector<16xf32>
          tpu.vector_store_idx %arg7[%add3A_256, %add3A_657], %mul3A_661 : memref<128x128xf32, #tpu.memory_space<vmem>>[vector<16xi32>, vector<16xi32>], vector<16xf32>,
          %add3A_662 = arith.constant 48 : i32
          %add3A_663 = vector.broadcast %add3A_662 : i32 to vector<16xi32>
          %add3A_664 = arith.addi %and3A_65, %add3A_663 : vector<16xi32>
          %gather3A_665 = tpu.vector_load_idx %arg5[%add3A_664, %add3A_256] : memref<64x128xf32, #tpu.memory_space<vmem>>[vector<16xi32>, vector<16xi32>], vector<16xf32>,
          %mul3A_666 = arith.constant 8.000000e+00 : f32
          %mul3A_667 = vector.broadcast %mul3A_666 : f32 to vector<16xf32>
          %mul3A_668 = arith.mulf %gather3A_665, %mul3A_667 : vector<16xf32>
          tpu.vector_store_idx %arg7[%add3A_256, %add3A_664], %mul3A_668 : memref<128x128xf32, #tpu.memory_space<vmem>>[vector<16xi32>, vector<16xi32>], vector<16xf32>,
          %add3A_669 = arith.constant 48 : i32
          %add3A_670 = vector.broadcast %add3A_669 : i32 to vector<16xi32>
          %add3A_671 = arith.addi %and3A_71, %add3A_670 : vector<16xi32>
          %gather3A_672 = tpu.vector_load_idx %arg5[%add3A_671, %add3A_256] : memref<64x128xf32, #tpu.memory_space<vmem>>[vector<16xi32>, vector<16xi32>], vector<16xf32>,
          %mul3A_673 = arith.constant 8.000000e+00 : f32
          %mul3A_674 = vector.broadcast %mul3A_673 : f32 to vector<16xf32>
          %mul3A_675 = arith.mulf %gather3A_672, %mul3A_674 : vector<16xf32>
          tpu.vector_store_idx %arg7[%add3A_256, %add3A_671], %mul3A_675 : memref<128x128xf32, #tpu.memory_space<vmem>>[vector<16xi32>, vector<16xi32>], vector<16xf32>,
          %add3A_676 = arith.constant 48 : i32
          %add3A_677 = vector.broadcast %add3A_676 : i32 to vector<16xi32>
          %add3A_678 = arith.addi %and3A_77, %add3A_677 : vector<16xi32>
          %gather3A_679 = tpu.vector_load_idx %arg5[%add3A_678, %add3A_256] : memref<64x128xf32, #tpu.memory_space<vmem>>[vector<16xi32>, vector<16xi32>], vector<16xf32>,
          %mul3A_680 = arith.constant 8.000000e+00 : f32
          %mul3A_681 = vector.broadcast %mul3A_680 : f32 to vector<16xf32>
          %mul3A_682 = arith.mulf %gather3A_679, %mul3A_681 : vector<16xf32>
          tpu.vector_store_idx %arg7[%add3A_256, %add3A_678], %mul3A_682 : memref<128x128xf32, #tpu.memory_space<vmem>>[vector<16xi32>, vector<16xi32>], vector<16xf32>,
          %add3A_683 = arith.constant 48 : i32
          %add3A_684 = vector.broadcast %add3A_683 : i32 to vector<16xi32>
          %add3A_685 = arith.addi %and3A_83, %add3A_684 : vector<16xi32>
          %gather3A_686 = tpu.vector_load_idx %arg5[%add3A_685, %add3A_256] : memref<64x128xf32, #tpu.memory_space<vmem>>[vector<16xi32>, vector<16xi32>], vector<16xf32>,
          %mul3A_687 = arith.constant 8.000000e+00 : f32
          %mul3A_688 = vector.broadcast %mul3A_687 : f32 to vector<16xf32>
          %mul3A_689 = arith.mulf %gather3A_686, %mul3A_688 : vector<16xf32>
          tpu.vector_store_idx %arg7[%add3A_256, %add3A_685], %mul3A_689 : memref<128x128xf32, #tpu.memory_space<vmem>>[vector<16xi32>, vector<16xi32>], vector<16xf32>,
          %add3A_690 = arith.constant 48 : i32
          %add3A_691 = vector.broadcast %add3A_690 : i32 to vector<16xi32>
          %add3A_692 = arith.addi %and3A_89, %add3A_691 : vector<16xi32>
          %gather3A_693 = tpu.vector_load_idx %arg5[%add3A_692, %add3A_256] : memref<64x128xf32, #tpu.memory_space<vmem>>[vector<16xi32>, vector<16xi32>], vector<16xf32>,
          %mul3A_694 = arith.constant 8.000000e+00 : f32
          %mul3A_695 = vector.broadcast %mul3A_694 : f32 to vector<16xf32>
          %mul3A_696 = arith.mulf %gather3A_693, %mul3A_695 : vector<16xf32>
          tpu.vector_store_idx %arg7[%add3A_256, %add3A_692], %mul3A_696 : memref<128x128xf32, #tpu.memory_space<vmem>>[vector<16xi32>, vector<16xi32>], vector<16xf32>,
          %add3A_697 = arith.constant 48 : i32
          %add3A_698 = vector.broadcast %add3A_697 : i32 to vector<16xi32>
          %add3A_699 = arith.addi %and3A_95, %add3A_698 : vector<16xi32>
          %gather3A_700 = tpu.vector_load_idx %arg5[%add3A_699, %add3A_256] : memref<64x128xf32, #tpu.memory_space<vmem>>[vector<16xi32>, vector<16xi32>], vector<16xf32>,
          %mul3A_701 = arith.constant 8.000000e+00 : f32
          %mul3A_702 = vector.broadcast %mul3A_701 : f32 to vector<16xf32>
          %mul3A_703 = arith.mulf %gather3A_700, %mul3A_702 : vector<16xf32>
          tpu.vector_store_idx %arg7[%add3A_256, %add3A_699], %mul3A_703 : memref<128x128xf32, #tpu.memory_space<vmem>>[vector<16xi32>, vector<16xi32>], vector<16xf32>,
        }
        %scan3A_245 = arith.constant 8 : i32
        %mul3A_246 = arith.constant 128 : i32
        %mul3A_247 = arith.muli %add3A_228, %mul3A_246 : i32
        %dma_start3A_248 = arith.constant 0 : i32
        %dma_start3A_249 = tpu.memref_slice %arg3[%mul3A_247, %dma_start3A_248] : memref<1000000x128xf32, #tpu.memory_space<hbm>> -> memref<128x128xf32, #tpu.memory_space<hbm>>
        %dma_start3A_250 = arith.constant 0 : i32
        %dma_start3A_251 = tpu.memref_slice %arg3[%mul3A_247, %dma_start3A_250] : memref<1000000x128xf32, #tpu.memory_space<hbm>> -> memref<128x128xf32, #tpu.memory_space<hbm>>
        tpu.enqueue_dma source(%arg7 : memref<128x128xf32, #tpu.memory_space<vmem>>) target(%dma_start3A_251 : memref<128x128xf32, #tpu.memory_space<hbm>>) target_semaphore(%arg12 : memref<!tpu.dma_semaphore, #tpu.memory_space<semaphore_mem>>)
      } else {
      }
    }
    %while3A_160 = arith.constant 1 : i32
    scf.for %while3A_172 = %while3A_158 to %while3A_154 step %while3A_160  : i32 {
      %mul3A_173 = arith.constant 2 : i32
      %mul3A_174 = arith.muli %mul3A_173, %while3A_172 : i32
      %mul3A_175 = arith.constant 32 : i32
      %mul3A_176 = arith.muli %mul3A_174, %mul3A_175 : i32
      %add3A_177 = arith.addi %mul3A_176, %add3A : i32
      %mul3A_178 = arith.constant 2 : i32
      %mul3A_179 = arith.muli %mul3A_178, %while3A_172 : i32
      %add3A_180 = arith.constant 1 : i32
      %add3A_181 = arith.addi %mul3A_179, %add3A_180 : i32
      %lt3A = arith.cmpi slt, %add3A_181, %select_n3A : i32
      %convert_element_type3A_182 = arith.extui %lt3A : i1 to i32
      %cond3A_183 = arith.constant 0 : i32
      %cond3A_184 = arith.cmpi ne, %convert_element_type3A_182, %cond3A_183 : i32
      scf.if %cond3A_184 {
        %mul3A_222 = arith.constant 2 : i32
        %mul3A_223 = arith.muli %mul3A_222, %while3A_172 : i32
        %add3A_224 = arith.constant 1 : i32
        %add3A_225 = arith.addi %mul3A_223, %add3A_224 : i32
        %mul3A_226 = arith.constant 32 : i32
        %mul3A_227 = arith.muli %add3A_225, %mul3A_226 : i32
        %add3A_228 = arith.addi %mul3A_227, %add3A : i32
        %mul3A_229 = arith.constant 128 : i32
        %mul3A_230 = arith.muli %add3A_228, %mul3A_229 : i32
        %dma_start3A_231 = arith.constant 0 : i32
        %dma_start3A_232 = tpu.memref_slice %arg2[%dma_start3A_231, %mul3A_230] : memref<64x1000000xf32, #tpu.memory_space<hbm>> -> memref<64x128xf32, #tpu.memory_space<hbm>>
        %dma_start3A_233 = arith.constant 0 : i32
        %dma_start3A_234 = tpu.memref_slice %arg2[%dma_start3A_233, %mul3A_230] : memref<64x1000000xf32, #tpu.memory_space<hbm>> -> memref<64x128xf32, #tpu.memory_space<hbm>>
        tpu.enqueue_dma source(%dma_start3A_234 : memref<64x128xf32, #tpu.memory_space<hbm>>) target(%arg5 : memref<64x128xf32, #tpu.memory_space<vmem>>) target_semaphore(%arg10 : memref<!tpu.dma_semaphore, #tpu.memory_space<semaphore_mem>>)
      } else {
      }
      %mul3A_185 = arith.constant 128 : i32
      %mul3A_186 = arith.muli %add3A_177, %mul3A_185 : i32
      %dma_wait3A = arith.constant 0 : i32
      %dma_wait3A_187 = tpu.memref_slice %arg2[%dma_wait3A, %mul3A_186] : memref<64x1000000xf32, #tpu.memory_space<hbm>> -> memref<64x128xf32, #tpu.memory_space<hbm>>
      %dma_wait3A_188 = arith.constant 0 : i32
      %dma_wait3A_189 = tpu.memref_slice %arg2[%dma_wait3A_188, %mul3A_186] : memref<64x1000000xf32, #tpu.memory_space<hbm>> -> memref<64x128xf32, #tpu.memory_space<hbm>>
      tpu.wait_dma2 semaphore(%arg9 : memref<!tpu.dma_semaphore, #tpu.memory_space<semaphore_mem>>) src(%dma_wait3A_189 : memref<64x128xf32, #tpu.memory_space<hbm>>) dst(%arg4 : memref<64x128xf32, #tpu.memory_space<vmem>>)
      %gt3A_190 = arith.constant 0 : i32
      %gt3A_191 = arith.cmpi sgt, %while3A_172, %gt3A_190 : i32
      %convert_element_type3A_192 = arith.extui %gt3A_191 : i1 to i32
      %cond3A_193 = arith.constant 0 : i32
      %cond3A_194 = arith.cmpi ne, %convert_element_type3A_192, %cond3A_193 : i32
      scf.if %cond3A_194 {
        %mul3A_222 = arith.constant 2 : i32
        %mul3A_223 = arith.muli %mul3A_222, %while3A_172 : i32
        %sub3A_224 = arith.constant 2 : i32
        %sub3A_225 = arith.subi %mul3A_223, %sub3A_224 : i32
        %mul3A_226 = arith.constant 32 : i32
        %mul3A_227 = arith.muli %sub3A_225, %mul3A_226 : i32
        %add3A_228 = arith.addi %mul3A_227, %add3A : i32
        %mul3A_229 = arith.constant 128 : i32
        %mul3A_230 = arith.muli %add3A_228, %mul3A_229 : i32
        %dma_wait3A_231 = arith.constant 0 : i32
        %dma_wait3A_232 = tpu.memref_slice %arg3[%mul3A_230, %dma_wait3A_231] : memref<1000000x128xf32, #tpu.memory_space<hbm>> -> memref<128x128xf32, #tpu.memory_space<hbm>>
        %dma_wait3A_233 = arith.constant 0 : i32
        %dma_wait3A_234 = tpu.memref_slice %arg3[%mul3A_230, %dma_wait3A_233] : memref<1000000x128xf32, #tpu.memory_space<hbm>> -> memref<128x128xf32, #tpu.memory_space<hbm>>
        tpu.wait_dma2 semaphore(%arg11 : memref<!tpu.dma_semaphore, #tpu.memory_space<semaphore_mem>>) src(%arg6 : memref<128x128xf32, #tpu.memory_space<vmem>>) dst(%dma_wait3A_234 : memref<128x128xf32, #tpu.memory_space<hbm>>)
      } else {
      }
      %scan3A = arith.constant 0 : i32
      %scan3A_195 = arith.constant 0 : i32
      %scan3A_196 = arith.constant 8 : i32
      %scan3A_197 = arith.addi %scan3A_195, %scan3A_196 : i32
      %scan3A_198 = arith.constant 1 : i32
      scf.for %scan3A_222 = %scan3A_195 to %scan3A_197 step %scan3A_198  : i32 {
        %mul3A_223 = arith.constant 16 : i32
        %mul3A_224 = arith.muli %scan3A_222, %mul3A_223 : i32
        %add3A_225 = vector.broadcast %mul3A_224 : i32 to vector<16xi32>
        %add3A_226 = arith.addi %add3A_225, %iota3A : vector<16xi32>
        %add3A_227 = arith.constant 0 : i32
        %add3A_228 = vector.broadcast %add3A_227 : i32 to vector<16xi32>
        %add3A_229 = arith.addi %and3A_5, %add3A_228 : vector<16xi32>
        %gather3A = tpu.vector_load_idx %arg4[%add3A_229, %add3A_226] : memref<64x128xf32, #tpu.memory_space<vmem>>[vector<16xi32>, vector<16xi32>], vector<16xf32>,
        %mul3A_230 = arith.constant 8.000000e+00 : f32
        %mul3A_231 = vector.broadcast %mul3A_230 : f32 to vector<16xf32>
        %mul3A_232 = arith.mulf %gather3A, %mul3A_231 : vector<16xf32>
        tpu.vector_store_idx %arg6[%add3A_226, %add3A_229], %mul3A_232 : memref<128x128xf32, #tpu.memory_space<vmem>>[vector<16xi32>, vector<16xi32>], vector<16xf32>,
        %add3A_233 = arith.constant 0 : i32
        %add3A_234 = vector.broadcast %add3A_233 : i32 to vector<16xi32>
        %add3A_235 = arith.addi %and3A_11, %add3A_234 : vector<16xi32>
        %gather3A_236 = tpu.vector_load_idx %arg4[%add3A_235, %add3A_226] : memref<64x128xf32, #tpu.memory_space<vmem>>[vector<16xi32>, vector<16xi32>], vector<16xf32>,
        %mul3A_237 = arith.constant 8.000000e+00 : f32
        %mul3A_238 = vector.broadcast %mul3A_237 : f32 to vector<16xf32>
        %mul3A_239 = arith.mulf %gather3A_236, %mul3A_238 : vector<16xf32>
        tpu.vector_store_idx %arg6[%add3A_226, %add3A_235], %mul3A_239 : memref<128x128xf32, #tpu.memory_space<vmem>>[vector<16xi32>, vector<16xi32>], vector<16xf32>,
        %add3A_240 = arith.constant 0 : i32
        %add3A_241 = vector.broadcast %add3A_240 : i32 to vector<16xi32>
        %add3A_242 = arith.addi %and3A_17, %add3A_241 : vector<16xi32>
        %gather3A_243 = tpu.vector_load_idx %arg4[%add3A_242, %add3A_226] : memref<64x128xf32, #tpu.memory_space<vmem>>[vector<16xi32>, vector<16xi32>], vector<16xf32>,
        %mul3A_244 = arith.constant 8.000000e+00 : f32
        %mul3A_245 = vector.broadcast %mul3A_244 : f32 to vector<16xf32>
        %mul3A_246 = arith.mulf %gather3A_243, %mul3A_245 : vector<16xf32>
        tpu.vector_store_idx %arg6[%add3A_226, %add3A_242], %mul3A_246 : memref<128x128xf32, #tpu.memory_space<vmem>>[vector<16xi32>, vector<16xi32>], vector<16xf32>,
        %add3A_247 = arith.constant 0 : i32
        %add3A_248 = vector.broadcast %add3A_247 : i32 to vector<16xi32>
        %add3A_249 = arith.addi %and3A_23, %add3A_248 : vector<16xi32>
        %gather3A_250 = tpu.vector_load_idx %arg4[%add3A_249, %add3A_226] : memref<64x128xf32, #tpu.memory_space<vmem>>[vector<16xi32>, vector<16xi32>], vector<16xf32>,
        %mul3A_251 = arith.constant 8.000000e+00 : f32
        %mul3A_252 = vector.broadcast %mul3A_251 : f32 to vector<16xf32>
        %mul3A_253 = arith.mulf %gather3A_250, %mul3A_252 : vector<16xf32>
        tpu.vector_store_idx %arg6[%add3A_226, %add3A_249], %mul3A_253 : memref<128x128xf32, #tpu.memory_space<vmem>>[vector<16xi32>, vector<16xi32>], vector<16xf32>,
        %add3A_254 = arith.constant 0 : i32
        %add3A_255 = vector.broadcast %add3A_254 : i32 to vector<16xi32>
        %add3A_256 = arith.addi %and3A_29, %add3A_255 : vector<16xi32>
        %gather3A_257 = tpu.vector_load_idx %arg4[%add3A_256, %add3A_226] : memref<64x128xf32, #tpu.memory_space<vmem>>[vector<16xi32>, vector<16xi32>], vector<16xf32>,
        %mul3A_258 = arith.constant 8.000000e+00 : f32
        %mul3A_259 = vector.broadcast %mul3A_258 : f32 to vector<16xf32>
        %mul3A_260 = arith.mulf %gather3A_257, %mul3A_259 : vector<16xf32>
        tpu.vector_store_idx %arg6[%add3A_226, %add3A_256], %mul3A_260 : memref<128x128xf32, #tpu.memory_space<vmem>>[vector<16xi32>, vector<16xi32>], vector<16xf32>,
        %add3A_261 = arith.constant 0 : i32
        %add3A_262 = vector.broadcast %add3A_261 : i32 to vector<16xi32>
        %add3A_263 = arith.addi %and3A_35, %add3A_262 : vector<16xi32>
        %gather3A_264 = tpu.vector_load_idx %arg4[%add3A_263, %add3A_226] : memref<64x128xf32, #tpu.memory_space<vmem>>[vector<16xi32>, vector<16xi32>], vector<16xf32>,
        %mul3A_265 = arith.constant 8.000000e+00 : f32
        %mul3A_266 = vector.broadcast %mul3A_265 : f32 to vector<16xf32>
        %mul3A_267 = arith.mulf %gather3A_264, %mul3A_266 : vector<16xf32>
        tpu.vector_store_idx %arg6[%add3A_226, %add3A_263], %mul3A_267 : memref<128x128xf32, #tpu.memory_space<vmem>>[vector<16xi32>, vector<16xi32>], vector<16xf32>,
        %add3A_268 = arith.constant 0 : i32
        %add3A_269 = vector.broadcast %add3A_268 : i32 to vector<16xi32>
        %add3A_270 = arith.addi %and3A_41, %add3A_269 : vector<16xi32>
        %gather3A_271 = tpu.vector_load_idx %arg4[%add3A_270, %add3A_226] : memref<64x128xf32, #tpu.memory_space<vmem>>[vector<16xi32>, vector<16xi32>], vector<16xf32>,
        %mul3A_272 = arith.constant 8.000000e+00 : f32
        %mul3A_273 = vector.broadcast %mul3A_272 : f32 to vector<16xf32>
        %mul3A_274 = arith.mulf %gather3A_271, %mul3A_273 : vector<16xf32>
        tpu.vector_store_idx %arg6[%add3A_226, %add3A_270], %mul3A_274 : memref<128x128xf32, #tpu.memory_space<vmem>>[vector<16xi32>, vector<16xi32>], vector<16xf32>,
        %add3A_275 = arith.constant 0 : i32
        %add3A_276 = vector.broadcast %add3A_275 : i32 to vector<16xi32>
        %add3A_277 = arith.addi %and3A_47, %add3A_276 : vector<16xi32>
        %gather3A_278 = tpu.vector_load_idx %arg4[%add3A_277, %add3A_226] : memref<64x128xf32, #tpu.memory_space<vmem>>[vector<16xi32>, vector<16xi32>], vector<16xf32>,
        %mul3A_279 = arith.constant 8.000000e+00 : f32
        %mul3A_280 = vector.broadcast %mul3A_279 : f32 to vector<16xf32>
        %mul3A_281 = arith.mulf %gather3A_278, %mul3A_280 : vector<16xf32>
        tpu.vector_store_idx %arg6[%add3A_226, %add3A_277], %mul3A_281 : memref<128x128xf32, #tpu.memory_space<vmem>>[vector<16xi32>, vector<16xi32>], vector<16xf32>,
        %add3A_282 = arith.constant 0 : i32
        %add3A_283 = vector.broadcast %add3A_282 : i32 to vector<16xi32>
        %add3A_284 = arith.addi %and3A_53, %add3A_283 : vector<16xi32>
        %gather3A_285 = tpu.vector_load_idx %arg4[%add3A_284, %add3A_226] : memref<64x128xf32, #tpu.memory_space<vmem>>[vector<16xi32>, vector<16xi32>], vector<16xf32>,
        %mul3A_286 = arith.constant 8.000000e+00 : f32
        %mul3A_287 = vector.broadcast %mul3A_286 : f32 to vector<16xf32>
        %mul3A_288 = arith.mulf %gather3A_285, %mul3A_287 : vector<16xf32>
        tpu.vector_store_idx %arg6[%add3A_226, %add3A_284], %mul3A_288 : memref<128x128xf32, #tpu.memory_space<vmem>>[vector<16xi32>, vector<16xi32>], vector<16xf32>,
        %add3A_289 = arith.constant 0 : i32
        %add3A_290 = vector.broadcast %add3A_289 : i32 to vector<16xi32>
        %add3A_291 = arith.addi %and3A_59, %add3A_290 : vector<16xi32>
        %gather3A_292 = tpu.vector_load_idx %arg4[%add3A_291, %add3A_226] : memref<64x128xf32, #tpu.memory_space<vmem>>[vector<16xi32>, vector<16xi32>], vector<16xf32>,
        %mul3A_293 = arith.constant 8.000000e+00 : f32
        %mul3A_294 = vector.broadcast %mul3A_293 : f32 to vector<16xf32>
        %mul3A_295 = arith.mulf %gather3A_292, %mul3A_294 : vector<16xf32>
        tpu.vector_store_idx %arg6[%add3A_226, %add3A_291], %mul3A_295 : memref<128x128xf32, #tpu.memory_space<vmem>>[vector<16xi32>, vector<16xi32>], vector<16xf32>,
        %add3A_296 = arith.constant 0 : i32
        %add3A_297 = vector.broadcast %add3A_296 : i32 to vector<16xi32>
        %add3A_298 = arith.addi %and3A_65, %add3A_297 : vector<16xi32>
        %gather3A_299 = tpu.vector_load_idx %arg4[%add3A_298, %add3A_226] : memref<64x128xf32, #tpu.memory_space<vmem>>[vector<16xi32>, vector<16xi32>], vector<16xf32>,
        %mul3A_300 = arith.constant 8.000000e+00 : f32
        %mul3A_301 = vector.broadcast %mul3A_300 : f32 to vector<16xf32>
        %mul3A_302 = arith.mulf %gather3A_299, %mul3A_301 : vector<16xf32>
        tpu.vector_store_idx %arg6[%add3A_226, %add3A_298], %mul3A_302 : memref<128x128xf32, #tpu.memory_space<vmem>>[vector<16xi32>, vector<16xi32>], vector<16xf32>,
        %add3A_303 = arith.constant 0 : i32
        %add3A_304 = vector.broadcast %add3A_303 : i32 to vector<16xi32>
        %add3A_305 = arith.addi %and3A_71, %add3A_304 : vector<16xi32>
        %gather3A_306 = tpu.vector_load_idx %arg4[%add3A_305, %add3A_226] : memref<64x128xf32, #tpu.memory_space<vmem>>[vector<16xi32>, vector<16xi32>], vector<16xf32>,
        %mul3A_307 = arith.constant 8.000000e+00 : f32
        %mul3A_308 = vector.broadcast %mul3A_307 : f32 to vector<16xf32>
        %mul3A_309 = arith.mulf %gather3A_306, %mul3A_308 : vector<16xf32>
        tpu.vector_store_idx %arg6[%add3A_226, %add3A_305], %mul3A_309 : memref<128x128xf32, #tpu.memory_space<vmem>>[vector<16xi32>, vector<16xi32>], vector<16xf32>,
        %add3A_310 = arith.constant 0 : i32
        %add3A_311 = vector.broadcast %add3A_310 : i32 to vector<16xi32>
        %add3A_312 = arith.addi %and3A_77, %add3A_311 : vector<16xi32>
        %gather3A_313 = tpu.vector_load_idx %arg4[%add3A_312, %add3A_226] : memref<64x128xf32, #tpu.memory_space<vmem>>[vector<16xi32>, vector<16xi32>], vector<16xf32>,
        %mul3A_314 = arith.constant 8.000000e+00 : f32
        %mul3A_315 = vector.broadcast %mul3A_314 : f32 to vector<16xf32>
        %mul3A_316 = arith.mulf %gather3A_313, %mul3A_315 : vector<16xf32>
        tpu.vector_store_idx %arg6[%add3A_226, %add3A_312], %mul3A_316 : memref<128x128xf32, #tpu.memory_space<vmem>>[vector<16xi32>, vector<16xi32>], vector<16xf32>,
        %add3A_317 = arith.constant 0 : i32
        %add3A_318 = vector.broadcast %add3A_317 : i32 to vector<16xi32>
        %add3A_319 = arith.addi %and3A_83, %add3A_318 : vector<16xi32>
        %gather3A_320 = tpu.vector_load_idx %arg4[%add3A_319, %add3A_226] : memref<64x128xf32, #tpu.memory_space<vmem>>[vector<16xi32>, vector<16xi32>], vector<16xf32>,
        %mul3A_321 = arith.constant 8.000000e+00 : f32
        %mul3A_322 = vector.broadcast %mul3A_321 : f32 to vector<16xf32>
        %mul3A_323 = arith.mulf %gather3A_320, %mul3A_322 : vector<16xf32>
        tpu.vector_store_idx %arg6[%add3A_226, %add3A_319], %mul3A_323 : memref<128x128xf32, #tpu.memory_space<vmem>>[vector<16xi32>, vector<16xi32>], vector<16xf32>,
        %add3A_324 = arith.constant 0 : i32
        %add3A_325 = vector.broadcast %add3A_324 : i32 to vector<16xi32>
        %add3A_326 = arith.addi %and3A_89, %add3A_325 : vector<16xi32>
        %gather3A_327 = tpu.vector_load_idx %arg4[%add3A_326, %add3A_226] : memref<64x128xf32, #tpu.memory_space<vmem>>[vector<16xi32>, vector<16xi32>], vector<16xf32>,
        %mul3A_328 = arith.constant 8.000000e+00 : f32
        %mul3A_329 = vector.broadcast %mul3A_328 : f32 to vector<16xf32>
        %mul3A_330 = arith.mulf %gather3A_327, %mul3A_329 : vector<16xf32>
        tpu.vector_store_idx %arg6[%add3A_226, %add3A_326], %mul3A_330 : memref<128x128xf32, #tpu.memory_space<vmem>>[vector<16xi32>, vector<16xi32>], vector<16xf32>,
        %add3A_331 = arith.constant 0 : i32
        %add3A_332 = vector.broadcast %add3A_331 : i32 to vector<16xi32>
        %add3A_333 = arith.addi %and3A_95, %add3A_332 : vector<16xi32>
        %gather3A_334 = tpu.vector_load_idx %arg4[%add3A_333, %add3A_226] : memref<64x128xf32, #tpu.memory_space<vmem>>[vector<16xi32>, vector<16xi32>], vector<16xf32>,
        %mul3A_335 = arith.constant 8.000000e+00 : f32
        %mul3A_336 = vector.broadcast %mul3A_335 : f32 to vector<16xf32>
        %mul3A_337 = arith.mulf %gather3A_334, %mul3A_336 : vector<16xf32>
        tpu.vector_store_idx %arg6[%add3A_226, %add3A_333], %mul3A_337 : memref<128x128xf32, #tpu.memory_space<vmem>>[vector<16xi32>, vector<16xi32>], vector<16xf32>,
        %add3A_338 = arith.constant 16 : i32
        %add3A_339 = vector.broadcast %add3A_338 : i32 to vector<16xi32>
        %add3A_340 = arith.addi %and3A_5, %add3A_339 : vector<16xi32>
        %gather3A_341 = tpu.vector_load_idx %arg4[%add3A_340, %add3A_226] : memref<64x128xf32, #tpu.memory_space<vmem>>[vector<16xi32>, vector<16xi32>], vector<16xf32>,
        %mul3A_342 = arith.constant 8.000000e+00 : f32
        %mul3A_343 = vector.broadcast %mul3A_342 : f32 to vector<16xf32>
        %mul3A_344 = arith.mulf %gather3A_341, %mul3A_343 : vector<16xf32>
        tpu.vector_store_idx %arg6[%add3A_226, %add3A_340], %mul3A_344 : memref<128x128xf32, #tpu.memory_space<vmem>>[vector<16xi32>, vector<16xi32>], vector<16xf32>,
        %add3A_345 = arith.constant 16 : i32
        %add3A_346 = vector.broadcast %add3A_345 : i32 to vector<16xi32>
        %add3A_347 = arith.addi %and3A_11, %add3A_346 : vector<16xi32>
        %gather3A_348 = tpu.vector_load_idx %arg4[%add3A_347, %add3A_226] : memref<64x128xf32, #tpu.memory_space<vmem>>[vector<16xi32>, vector<16xi32>], vector<16xf32>,
        %mul3A_349 = arith.constant 8.000000e+00 : f32
        %mul3A_350 = vector.broadcast %mul3A_349 : f32 to vector<16xf32>
        %mul3A_351 = arith.mulf %gather3A_348, %mul3A_350 : vector<16xf32>
        tpu.vector_store_idx %arg6[%add3A_226, %add3A_347], %mul3A_351 : memref<128x128xf32, #tpu.memory_space<vmem>>[vector<16xi32>, vector<16xi32>], vector<16xf32>,
        %add3A_352 = arith.constant 16 : i32
        %add3A_353 = vector.broadcast %add3A_352 : i32 to vector<16xi32>
        %add3A_354 = arith.addi %and3A_17, %add3A_353 : vector<16xi32>
        %gather3A_355 = tpu.vector_load_idx %arg4[%add3A_354, %add3A_226] : memref<64x128xf32, #tpu.memory_space<vmem>>[vector<16xi32>, vector<16xi32>], vector<16xf32>,
        %mul3A_356 = arith.constant 8.000000e+00 : f32
        %mul3A_357 = vector.broadcast %mul3A_356 : f32 to vector<16xf32>
        %mul3A_358 = arith.mulf %gather3A_355, %mul3A_357 : vector<16xf32>
        tpu.vector_store_idx %arg6[%add3A_226, %add3A_354], %mul3A_358 : memref<128x128xf32, #tpu.memory_space<vmem>>[vector<16xi32>, vector<16xi32>], vector<16xf32>,
        %add3A_359 = arith.constant 16 : i32
        %add3A_360 = vector.broadcast %add3A_359 : i32 to vector<16xi32>
        %add3A_361 = arith.addi %and3A_23, %add3A_360 : vector<16xi32>
        %gather3A_362 = tpu.vector_load_idx %arg4[%add3A_361, %add3A_226] : memref<64x128xf32, #tpu.memory_space<vmem>>[vector<16xi32>, vector<16xi32>], vector<16xf32>,
        %mul3A_363 = arith.constant 8.000000e+00 : f32
        %mul3A_364 = vector.broadcast %mul3A_363 : f32 to vector<16xf32>
        %mul3A_365 = arith.mulf %gather3A_362, %mul3A_364 : vector<16xf32>
        tpu.vector_store_idx %arg6[%add3A_226, %add3A_361], %mul3A_365 : memref<128x128xf32, #tpu.memory_space<vmem>>[vector<16xi32>, vector<16xi32>], vector<16xf32>,
        %add3A_366 = arith.constant 16 : i32
        %add3A_367 = vector.broadcast %add3A_366 : i32 to vector<16xi32>
        %add3A_368 = arith.addi %and3A_29, %add3A_367 : vector<16xi32>
        %gather3A_369 = tpu.vector_load_idx %arg4[%add3A_368, %add3A_226] : memref<64x128xf32, #tpu.memory_space<vmem>>[vector<16xi32>, vector<16xi32>], vector<16xf32>,
        %mul3A_370 = arith.constant 8.000000e+00 : f32
        %mul3A_371 = vector.broadcast %mul3A_370 : f32 to vector<16xf32>
        %mul3A_372 = arith.mulf %gather3A_369, %mul3A_371 : vector<16xf32>
        tpu.vector_store_idx %arg6[%add3A_226, %add3A_368], %mul3A_372 : memref<128x128xf32, #tpu.memory_space<vmem>>[vector<16xi32>, vector<16xi32>], vector<16xf32>,
        %add3A_373 = arith.constant 16 : i32
        %add3A_374 = vector.broadcast %add3A_373 : i32 to vector<16xi32>
        %add3A_375 = arith.addi %and3A_35, %add3A_374 : vector<16xi32>
        %gather3A_376 = tpu.vector_load_idx %arg4[%add3A_375, %add3A_226] : memref<64x128xf32, #tpu.memory_space<vmem>>[vector<16xi32>, vector<16xi32>], vector<16xf32>,
        %mul3A_377 = arith.constant 8.000000e+00 : f32
        %mul3A_378 = vector.broadcast %mul3A_377 : f32 to vector<16xf32>
        %mul3A_379 = arith.mulf %gather3A_376, %mul3A_378 : vector<16xf32>
        tpu.vector_store_idx %arg6[%add3A_226, %add3A_375], %mul3A_379 : memref<128x128xf32, #tpu.memory_space<vmem>>[vector<16xi32>, vector<16xi32>], vector<16xf32>,
        %add3A_380 = arith.constant 16 : i32
        %add3A_381 = vector.broadcast %add3A_380 : i32 to vector<16xi32>
        %add3A_382 = arith.addi %and3A_41, %add3A_381 : vector<16xi32>
        %gather3A_383 = tpu.vector_load_idx %arg4[%add3A_382, %add3A_226] : memref<64x128xf32, #tpu.memory_space<vmem>>[vector<16xi32>, vector<16xi32>], vector<16xf32>,
        %mul3A_384 = arith.constant 8.000000e+00 : f32
        %mul3A_385 = vector.broadcast %mul3A_384 : f32 to vector<16xf32>
        %mul3A_386 = arith.mulf %gather3A_383, %mul3A_385 : vector<16xf32>
        tpu.vector_store_idx %arg6[%add3A_226, %add3A_382], %mul3A_386 : memref<128x128xf32, #tpu.memory_space<vmem>>[vector<16xi32>, vector<16xi32>], vector<16xf32>,
        %add3A_387 = arith.constant 16 : i32
        %add3A_388 = vector.broadcast %add3A_387 : i32 to vector<16xi32>
        %add3A_389 = arith.addi %and3A_47, %add3A_388 : vector<16xi32>
        %gather3A_390 = tpu.vector_load_idx %arg4[%add3A_389, %add3A_226] : memref<64x128xf32, #tpu.memory_space<vmem>>[vector<16xi32>, vector<16xi32>], vector<16xf32>,
        %mul3A_391 = arith.constant 8.000000e+00 : f32
        %mul3A_392 = vector.broadcast %mul3A_391 : f32 to vector<16xf32>
        %mul3A_393 = arith.mulf %gather3A_390, %mul3A_392 : vector<16xf32>
        tpu.vector_store_idx %arg6[%add3A_226, %add3A_389], %mul3A_393 : memref<128x128xf32, #tpu.memory_space<vmem>>[vector<16xi32>, vector<16xi32>], vector<16xf32>,
        %add3A_394 = arith.constant 16 : i32
        %add3A_395 = vector.broadcast %add3A_394 : i32 to vector<16xi32>
        %add3A_396 = arith.addi %and3A_53, %add3A_395 : vector<16xi32>
        %gather3A_397 = tpu.vector_load_idx %arg4[%add3A_396, %add3A_226] : memref<64x128xf32, #tpu.memory_space<vmem>>[vector<16xi32>, vector<16xi32>], vector<16xf32>,
        %mul3A_398 = arith.constant 8.000000e+00 : f32
        %mul3A_399 = vector.broadcast %mul3A_398 : f32 to vector<16xf32>
        %mul3A_400 = arith.mulf %gather3A_397, %mul3A_399 : vector<16xf32>
        tpu.vector_store_idx %arg6[%add3A_226, %add3A_396], %mul3A_400 : memref<128x128xf32, #tpu.memory_space<vmem>>[vector<16xi32>, vector<16xi32>], vector<16xf32>,
        %add3A_401 = arith.constant 16 : i32
        %add3A_402 = vector.broadcast %add3A_401 : i32 to vector<16xi32>
        %add3A_403 = arith.addi %and3A_59, %add3A_402 : vector<16xi32>
        %gather3A_404 = tpu.vector_load_idx %arg4[%add3A_403, %add3A_226] : memref<64x128xf32, #tpu.memory_space<vmem>>[vector<16xi32>, vector<16xi32>], vector<16xf32>,
        %mul3A_405 = arith.constant 8.000000e+00 : f32
        %mul3A_406 = vector.broadcast %mul3A_405 : f32 to vector<16xf32>
        %mul3A_407 = arith.mulf %gather3A_404, %mul3A_406 : vector<16xf32>
        tpu.vector_store_idx %arg6[%add3A_226, %add3A_403], %mul3A_407 : memref<128x128xf32, #tpu.memory_space<vmem>>[vector<16xi32>, vector<16xi32>], vector<16xf32>,
        %add3A_408 = arith.constant 16 : i32
        %add3A_409 = vector.broadcast %add3A_408 : i32 to vector<16xi32>
        %add3A_410 = arith.addi %and3A_65, %add3A_409 : vector<16xi32>
        %gather3A_411 = tpu.vector_load_idx %arg4[%add3A_410, %add3A_226] : memref<64x128xf32, #tpu.memory_space<vmem>>[vector<16xi32>, vector<16xi32>], vector<16xf32>,
        %mul3A_412 = arith.constant 8.000000e+00 : f32
        %mul3A_413 = vector.broadcast %mul3A_412 : f32 to vector<16xf32>
        %mul3A_414 = arith.mulf %gather3A_411, %mul3A_413 : vector<16xf32>
        tpu.vector_store_idx %arg6[%add3A_226, %add3A_410], %mul3A_414 : memref<128x128xf32, #tpu.memory_space<vmem>>[vector<16xi32>, vector<16xi32>], vector<16xf32>,
        %add3A_415 = arith.constant 16 : i32
        %add3A_416 = vector.broadcast %add3A_415 : i32 to vector<16xi32>
        %add3A_417 = arith.addi %and3A_71, %add3A_416 : vector<16xi32>
        %gather3A_418 = tpu.vector_load_idx %arg4[%add3A_417, %add3A_226] : memref<64x128xf32, #tpu.memory_space<vmem>>[vector<16xi32>, vector<16xi32>], vector<16xf32>,
        %mul3A_419 = arith.constant 8.000000e+00 : f32
        %mul3A_420 = vector.broadcast %mul3A_419 : f32 to vector<16xf32>
        %mul3A_421 = arith.mulf %gather3A_418, %mul3A_420 : vector<16xf32>
        tpu.vector_store_idx %arg6[%add3A_226, %add3A_417], %mul3A_421 : memref<128x128xf32, #tpu.memory_space<vmem>>[vector<16xi32>, vector<16xi32>], vector<16xf32>,
        %add3A_422 = arith.constant 16 : i32
        %add3A_423 = vector.broadcast %add3A_422 : i32 to vector<16xi32>
        %add3A_424 = arith.addi %and3A_77, %add3A_423 : vector<16xi32>
        %gather3A_425 = tpu.vector_load_idx %arg4[%add3A_424, %add3A_226] : memref<64x128xf32, #tpu.memory_space<vmem>>[vector<16xi32>, vector<16xi32>], vector<16xf32>,
        %mul3A_426 = arith.constant 8.000000e+00 : f32
        %mul3A_427 = vector.broadcast %mul3A_426 : f32 to vector<16xf32>
        %mul3A_428 = arith.mulf %gather3A_425, %mul3A_427 : vector<16xf32>
        tpu.vector_store_idx %arg6[%add3A_226, %add3A_424], %mul3A_428 : memref<128x128xf32, #tpu.memory_space<vmem>>[vector<16xi32>, vector<16xi32>], vector<16xf32>,
        %add3A_429 = arith.constant 16 : i32
        %add3A_430 = vector.broadcast %add3A_429 : i32 to vector<16xi32>
        %add3A_431 = arith.addi %and3A_83, %add3A_430 : vector<16xi32>
        %gather3A_432 = tpu.vector_load_idx %arg4[%add3A_431, %add3A_226] : memref<64x128xf32, #tpu.memory_space<vmem>>[vector<16xi32>, vector<16xi32>], vector<16xf32>,
        %mul3A_433 = arith.constant 8.000000e+00 : f32
        %mul3A_434 = vector.broadcast %mul3A_433 : f32 to vector<16xf32>
        %mul3A_435 = arith.mulf %gather3A_432, %mul3A_434 : vector<16xf32>
        tpu.vector_store_idx %arg6[%add3A_226, %add3A_431], %mul3A_435 : memref<128x128xf32, #tpu.memory_space<vmem>>[vector<16xi32>, vector<16xi32>], vector<16xf32>,
        %add3A_436 = arith.constant 16 : i32
        %add3A_437 = vector.broadcast %add3A_436 : i32 to vector<16xi32>
        %add3A_438 = arith.addi %and3A_89, %add3A_437 : vector<16xi32>
        %gather3A_439 = tpu.vector_load_idx %arg4[%add3A_438, %add3A_226] : memref<64x128xf32, #tpu.memory_space<vmem>>[vector<16xi32>, vector<16xi32>], vector<16xf32>,
        %mul3A_440 = arith.constant 8.000000e+00 : f32
        %mul3A_441 = vector.broadcast %mul3A_440 : f32 to vector<16xf32>
        %mul3A_442 = arith.mulf %gather3A_439, %mul3A_441 : vector<16xf32>
        tpu.vector_store_idx %arg6[%add3A_226, %add3A_438], %mul3A_442 : memref<128x128xf32, #tpu.memory_space<vmem>>[vector<16xi32>, vector<16xi32>], vector<16xf32>,
        %add3A_443 = arith.constant 16 : i32
        %add3A_444 = vector.broadcast %add3A_443 : i32 to vector<16xi32>
        %add3A_445 = arith.addi %and3A_95, %add3A_444 : vector<16xi32>
        %gather3A_446 = tpu.vector_load_idx %arg4[%add3A_445, %add3A_226] : memref<64x128xf32, #tpu.memory_space<vmem>>[vector<16xi32>, vector<16xi32>], vector<16xf32>,
        %mul3A_447 = arith.constant 8.000000e+00 : f32
        %mul3A_448 = vector.broadcast %mul3A_447 : f32 to vector<16xf32>
        %mul3A_449 = arith.mulf %gather3A_446, %mul3A_448 : vector<16xf32>
        tpu.vector_store_idx %arg6[%add3A_226, %add3A_445], %mul3A_449 : memref<128x128xf32, #tpu.memory_space<vmem>>[vector<16xi32>, vector<16xi32>], vector<16xf32>,
        %add3A_450 = arith.constant 32 : i32
        %add3A_451 = vector.broadcast %add3A_450 : i32 to vector<16xi32>
        %add3A_452 = arith.addi %and3A_5, %add3A_451 : vector<16xi32>
        %gather3A_453 = tpu.vector_load_idx %arg4[%add3A_452, %add3A_226] : memref<64x128xf32, #tpu.memory_space<vmem>>[vector<16xi32>, vector<16xi32>], vector<16xf32>,
        %mul3A_454 = arith.constant 8.000000e+00 : f32
        %mul3A_455 = vector.broadcast %mul3A_454 : f32 to vector<16xf32>
        %mul3A_456 = arith.mulf %gather3A_453, %mul3A_455 : vector<16xf32>
        tpu.vector_store_idx %arg6[%add3A_226, %add3A_452], %mul3A_456 : memref<128x128xf32, #tpu.memory_space<vmem>>[vector<16xi32>, vector<16xi32>], vector<16xf32>,
        %add3A_457 = arith.constant 32 : i32
        %add3A_458 = vector.broadcast %add3A_457 : i32 to vector<16xi32>
        %add3A_459 = arith.addi %and3A_11, %add3A_458 : vector<16xi32>
        %gather3A_460 = tpu.vector_load_idx %arg4[%add3A_459, %add3A_226] : memref<64x128xf32, #tpu.memory_space<vmem>>[vector<16xi32>, vector<16xi32>], vector<16xf32>,
        %mul3A_461 = arith.constant 8.000000e+00 : f32
        %mul3A_462 = vector.broadcast %mul3A_461 : f32 to vector<16xf32>
        %mul3A_463 = arith.mulf %gather3A_460, %mul3A_462 : vector<16xf32>
        tpu.vector_store_idx %arg6[%add3A_226, %add3A_459], %mul3A_463 : memref<128x128xf32, #tpu.memory_space<vmem>>[vector<16xi32>, vector<16xi32>], vector<16xf32>,
        %add3A_464 = arith.constant 32 : i32
        %add3A_465 = vector.broadcast %add3A_464 : i32 to vector<16xi32>
        %add3A_466 = arith.addi %and3A_17, %add3A_465 : vector<16xi32>
        %gather3A_467 = tpu.vector_load_idx %arg4[%add3A_466, %add3A_226] : memref<64x128xf32, #tpu.memory_space<vmem>>[vector<16xi32>, vector<16xi32>], vector<16xf32>,
        %mul3A_468 = arith.constant 8.000000e+00 : f32
        %mul3A_469 = vector.broadcast %mul3A_468 : f32 to vector<16xf32>
        %mul3A_470 = arith.mulf %gather3A_467, %mul3A_469 : vector<16xf32>
        tpu.vector_store_idx %arg6[%add3A_226, %add3A_466], %mul3A_470 : memref<128x128xf32, #tpu.memory_space<vmem>>[vector<16xi32>, vector<16xi32>], vector<16xf32>,
        %add3A_471 = arith.constant 32 : i32
        %add3A_472 = vector.broadcast %add3A_471 : i32 to vector<16xi32>
        %add3A_473 = arith.addi %and3A_23, %add3A_472 : vector<16xi32>
        %gather3A_474 = tpu.vector_load_idx %arg4[%add3A_473, %add3A_226] : memref<64x128xf32, #tpu.memory_space<vmem>>[vector<16xi32>, vector<16xi32>], vector<16xf32>,
        %mul3A_475 = arith.constant 8.000000e+00 : f32
        %mul3A_476 = vector.broadcast %mul3A_475 : f32 to vector<16xf32>
        %mul3A_477 = arith.mulf %gather3A_474, %mul3A_476 : vector<16xf32>
        tpu.vector_store_idx %arg6[%add3A_226, %add3A_473], %mul3A_477 : memref<128x128xf32, #tpu.memory_space<vmem>>[vector<16xi32>, vector<16xi32>], vector<16xf32>,
        %add3A_478 = arith.constant 32 : i32
        %add3A_479 = vector.broadcast %add3A_478 : i32 to vector<16xi32>
        %add3A_480 = arith.addi %and3A_29, %add3A_479 : vector<16xi32>
        %gather3A_481 = tpu.vector_load_idx %arg4[%add3A_480, %add3A_226] : memref<64x128xf32, #tpu.memory_space<vmem>>[vector<16xi32>, vector<16xi32>], vector<16xf32>,
        %mul3A_482 = arith.constant 8.000000e+00 : f32
        %mul3A_483 = vector.broadcast %mul3A_482 : f32 to vector<16xf32>
        %mul3A_484 = arith.mulf %gather3A_481, %mul3A_483 : vector<16xf32>
        tpu.vector_store_idx %arg6[%add3A_226, %add3A_480], %mul3A_484 : memref<128x128xf32, #tpu.memory_space<vmem>>[vector<16xi32>, vector<16xi32>], vector<16xf32>,
        %add3A_485 = arith.constant 32 : i32
        %add3A_486 = vector.broadcast %add3A_485 : i32 to vector<16xi32>
        %add3A_487 = arith.addi %and3A_35, %add3A_486 : vector<16xi32>
        %gather3A_488 = tpu.vector_load_idx %arg4[%add3A_487, %add3A_226] : memref<64x128xf32, #tpu.memory_space<vmem>>[vector<16xi32>, vector<16xi32>], vector<16xf32>,
        %mul3A_489 = arith.constant 8.000000e+00 : f32
        %mul3A_490 = vector.broadcast %mul3A_489 : f32 to vector<16xf32>
        %mul3A_491 = arith.mulf %gather3A_488, %mul3A_490 : vector<16xf32>
        tpu.vector_store_idx %arg6[%add3A_226, %add3A_487], %mul3A_491 : memref<128x128xf32, #tpu.memory_space<vmem>>[vector<16xi32>, vector<16xi32>], vector<16xf32>,
        %add3A_492 = arith.constant 32 : i32
        %add3A_493 = vector.broadcast %add3A_492 : i32 to vector<16xi32>
        %add3A_494 = arith.addi %and3A_41, %add3A_493 : vector<16xi32>
        %gather3A_495 = tpu.vector_load_idx %arg4[%add3A_494, %add3A_226] : memref<64x128xf32, #tpu.memory_space<vmem>>[vector<16xi32>, vector<16xi32>], vector<16xf32>,
        %mul3A_496 = arith.constant 8.000000e+00 : f32
        %mul3A_497 = vector.broadcast %mul3A_496 : f32 to vector<16xf32>
        %mul3A_498 = arith.mulf %gather3A_495, %mul3A_497 : vector<16xf32>
        tpu.vector_store_idx %arg6[%add3A_226, %add3A_494], %mul3A_498 : memref<128x128xf32, #tpu.memory_space<vmem>>[vector<16xi32>, vector<16xi32>], vector<16xf32>,
        %add3A_499 = arith.constant 32 : i32
        %add3A_500 = vector.broadcast %add3A_499 : i32 to vector<16xi32>
        %add3A_501 = arith.addi %and3A_47, %add3A_500 : vector<16xi32>
        %gather3A_502 = tpu.vector_load_idx %arg4[%add3A_501, %add3A_226] : memref<64x128xf32, #tpu.memory_space<vmem>>[vector<16xi32>, vector<16xi32>], vector<16xf32>,
        %mul3A_503 = arith.constant 8.000000e+00 : f32
        %mul3A_504 = vector.broadcast %mul3A_503 : f32 to vector<16xf32>
        %mul3A_505 = arith.mulf %gather3A_502, %mul3A_504 : vector<16xf32>
        tpu.vector_store_idx %arg6[%add3A_226, %add3A_501], %mul3A_505 : memref<128x128xf32, #tpu.memory_space<vmem>>[vector<16xi32>, vector<16xi32>], vector<16xf32>,
        %add3A_506 = arith.constant 32 : i32
        %add3A_507 = vector.broadcast %add3A_506 : i32 to vector<16xi32>
        %add3A_508 = arith.addi %and3A_53, %add3A_507 : vector<16xi32>
        %gather3A_509 = tpu.vector_load_idx %arg4[%add3A_508, %add3A_226] : memref<64x128xf32, #tpu.memory_space<vmem>>[vector<16xi32>, vector<16xi32>], vector<16xf32>,
        %mul3A_510 = arith.constant 8.000000e+00 : f32
        %mul3A_511 = vector.broadcast %mul3A_510 : f32 to vector<16xf32>
        %mul3A_512 = arith.mulf %gather3A_509, %mul3A_511 : vector<16xf32>
        tpu.vector_store_idx %arg6[%add3A_226, %add3A_508], %mul3A_512 : memref<128x128xf32, #tpu.memory_space<vmem>>[vector<16xi32>, vector<16xi32>], vector<16xf32>,
        %add3A_513 = arith.constant 32 : i32
        %add3A_514 = vector.broadcast %add3A_513 : i32 to vector<16xi32>
        %add3A_515 = arith.addi %and3A_59, %add3A_514 : vector<16xi32>
        %gather3A_516 = tpu.vector_load_idx %arg4[%add3A_515, %add3A_226] : memref<64x128xf32, #tpu.memory_space<vmem>>[vector<16xi32>, vector<16xi32>], vector<16xf32>,
        %mul3A_517 = arith.constant 8.000000e+00 : f32
        %mul3A_518 = vector.broadcast %mul3A_517 : f32 to vector<16xf32>
        %mul3A_519 = arith.mulf %gather3A_516, %mul3A_518 : vector<16xf32>
        tpu.vector_store_idx %arg6[%add3A_226, %add3A_515], %mul3A_519 : memref<128x128xf32, #tpu.memory_space<vmem>>[vector<16xi32>, vector<16xi32>], vector<16xf32>,
        %add3A_520 = arith.constant 32 : i32
        %add3A_521 = vector.broadcast %add3A_520 : i32 to vector<16xi32>
        %add3A_522 = arith.addi %and3A_65, %add3A_521 : vector<16xi32>
        %gather3A_523 = tpu.vector_load_idx %arg4[%add3A_522, %add3A_226] : memref<64x128xf32, #tpu.memory_space<vmem>>[vector<16xi32>, vector<16xi32>], vector<16xf32>,
        %mul3A_524 = arith.constant 8.000000e+00 : f32
        %mul3A_525 = vector.broadcast %mul3A_524 : f32 to vector<16xf32>
        %mul3A_526 = arith.mulf %gather3A_523, %mul3A_525 : vector<16xf32>
        tpu.vector_store_idx %arg6[%add3A_226, %add3A_522], %mul3A_526 : memref<128x128xf32, #tpu.memory_space<vmem>>[vector<16xi32>, vector<16xi32>], vector<16xf32>,
        %add3A_527 = arith.constant 32 : i32
        %add3A_528 = vector.broadcast %add3A_527 : i32 to vector<16xi32>
        %add3A_529 = arith.addi %and3A_71, %add3A_528 : vector<16xi32>
        %gather3A_530 = tpu.vector_load_idx %arg4[%add3A_529, %add3A_226] : memref<64x128xf32, #tpu.memory_space<vmem>>[vector<16xi32>, vector<16xi32>], vector<16xf32>,
        %mul3A_531 = arith.constant 8.000000e+00 : f32
        %mul3A_532 = vector.broadcast %mul3A_531 : f32 to vector<16xf32>
        %mul3A_533 = arith.mulf %gather3A_530, %mul3A_532 : vector<16xf32>
        tpu.vector_store_idx %arg6[%add3A_226, %add3A_529], %mul3A_533 : memref<128x128xf32, #tpu.memory_space<vmem>>[vector<16xi32>, vector<16xi32>], vector<16xf32>,
        %add3A_534 = arith.constant 32 : i32
        %add3A_535 = vector.broadcast %add3A_534 : i32 to vector<16xi32>
        %add3A_536 = arith.addi %and3A_77, %add3A_535 : vector<16xi32>
        %gather3A_537 = tpu.vector_load_idx %arg4[%add3A_536, %add3A_226] : memref<64x128xf32, #tpu.memory_space<vmem>>[vector<16xi32>, vector<16xi32>], vector<16xf32>,
        %mul3A_538 = arith.constant 8.000000e+00 : f32
        %mul3A_539 = vector.broadcast %mul3A_538 : f32 to vector<16xf32>
        %mul3A_540 = arith.mulf %gather3A_537, %mul3A_539 : vector<16xf32>
        tpu.vector_store_idx %arg6[%add3A_226, %add3A_536], %mul3A_540 : memref<128x128xf32, #tpu.memory_space<vmem>>[vector<16xi32>, vector<16xi32>], vector<16xf32>,
        %add3A_541 = arith.constant 32 : i32
        %add3A_542 = vector.broadcast %add3A_541 : i32 to vector<16xi32>
        %add3A_543 = arith.addi %and3A_83, %add3A_542 : vector<16xi32>
        %gather3A_544 = tpu.vector_load_idx %arg4[%add3A_543, %add3A_226] : memref<64x128xf32, #tpu.memory_space<vmem>>[vector<16xi32>, vector<16xi32>], vector<16xf32>,
        %mul3A_545 = arith.constant 8.000000e+00 : f32
        %mul3A_546 = vector.broadcast %mul3A_545 : f32 to vector<16xf32>
        %mul3A_547 = arith.mulf %gather3A_544, %mul3A_546 : vector<16xf32>
        tpu.vector_store_idx %arg6[%add3A_226, %add3A_543], %mul3A_547 : memref<128x128xf32, #tpu.memory_space<vmem>>[vector<16xi32>, vector<16xi32>], vector<16xf32>,
        %add3A_548 = arith.constant 32 : i32
        %add3A_549 = vector.broadcast %add3A_548 : i32 to vector<16xi32>
        %add3A_550 = arith.addi %and3A_89, %add3A_549 : vector<16xi32>
        %gather3A_551 = tpu.vector_load_idx %arg4[%add3A_550, %add3A_226] : memref<64x128xf32, #tpu.memory_space<vmem>>[vector<16xi32>, vector<16xi32>], vector<16xf32>,
        %mul3A_552 = arith.constant 8.000000e+00 : f32
        %mul3A_553 = vector.broadcast %mul3A_552 : f32 to vector<16xf32>
        %mul3A_554 = arith.mulf %gather3A_551, %mul3A_553 : vector<16xf32>
        tpu.vector_store_idx %arg6[%add3A_226, %add3A_550], %mul3A_554 : memref<128x128xf32, #tpu.memory_space<vmem>>[vector<16xi32>, vector<16xi32>], vector<16xf32>,
        %add3A_555 = arith.constant 32 : i32
        %add3A_556 = vector.broadcast %add3A_555 : i32 to vector<16xi32>
        %add3A_557 = arith.addi %and3A_95, %add3A_556 : vector<16xi32>
        %gather3A_558 = tpu.vector_load_idx %arg4[%add3A_557, %add3A_226] : memref<64x128xf32, #tpu.memory_space<vmem>>[vector<16xi32>, vector<16xi32>], vector<16xf32>,
        %mul3A_559 = arith.constant 8.000000e+00 : f32
        %mul3A_560 = vector.broadcast %mul3A_559 : f32 to vector<16xf32>
        %mul3A_561 = arith.mulf %gather3A_558, %mul3A_560 : vector<16xf32>
        tpu.vector_store_idx %arg6[%add3A_226, %add3A_557], %mul3A_561 : memref<128x128xf32, #tpu.memory_space<vmem>>[vector<16xi32>, vector<16xi32>], vector<16xf32>,
        %add3A_562 = arith.constant 48 : i32
        %add3A_563 = vector.broadcast %add3A_562 : i32 to vector<16xi32>
        %add3A_564 = arith.addi %and3A_5, %add3A_563 : vector<16xi32>
        %gather3A_565 = tpu.vector_load_idx %arg4[%add3A_564, %add3A_226] : memref<64x128xf32, #tpu.memory_space<vmem>>[vector<16xi32>, vector<16xi32>], vector<16xf32>,
        %mul3A_566 = arith.constant 8.000000e+00 : f32
        %mul3A_567 = vector.broadcast %mul3A_566 : f32 to vector<16xf32>
        %mul3A_568 = arith.mulf %gather3A_565, %mul3A_567 : vector<16xf32>
        tpu.vector_store_idx %arg6[%add3A_226, %add3A_564], %mul3A_568 : memref<128x128xf32, #tpu.memory_space<vmem>>[vector<16xi32>, vector<16xi32>], vector<16xf32>,
        %add3A_569 = arith.constant 48 : i32
        %add3A_570 = vector.broadcast %add3A_569 : i32 to vector<16xi32>
        %add3A_571 = arith.addi %and3A_11, %add3A_570 : vector<16xi32>
        %gather3A_572 = tpu.vector_load_idx %arg4[%add3A_571, %add3A_226] : memref<64x128xf32, #tpu.memory_space<vmem>>[vector<16xi32>, vector<16xi32>], vector<16xf32>,
        %mul3A_573 = arith.constant 8.000000e+00 : f32
        %mul3A_574 = vector.broadcast %mul3A_573 : f32 to vector<16xf32>
        %mul3A_575 = arith.mulf %gather3A_572, %mul3A_574 : vector<16xf32>
        tpu.vector_store_idx %arg6[%add3A_226, %add3A_571], %mul3A_575 : memref<128x128xf32, #tpu.memory_space<vmem>>[vector<16xi32>, vector<16xi32>], vector<16xf32>,
        %add3A_576 = arith.constant 48 : i32
        %add3A_577 = vector.broadcast %add3A_576 : i32 to vector<16xi32>
        %add3A_578 = arith.addi %and3A_17, %add3A_577 : vector<16xi32>
        %gather3A_579 = tpu.vector_load_idx %arg4[%add3A_578, %add3A_226] : memref<64x128xf32, #tpu.memory_space<vmem>>[vector<16xi32>, vector<16xi32>], vector<16xf32>,
        %mul3A_580 = arith.constant 8.000000e+00 : f32
        %mul3A_581 = vector.broadcast %mul3A_580 : f32 to vector<16xf32>
        %mul3A_582 = arith.mulf %gather3A_579, %mul3A_581 : vector<16xf32>
        tpu.vector_store_idx %arg6[%add3A_226, %add3A_578], %mul3A_582 : memref<128x128xf32, #tpu.memory_space<vmem>>[vector<16xi32>, vector<16xi32>], vector<16xf32>,
        %add3A_583 = arith.constant 48 : i32
        %add3A_584 = vector.broadcast %add3A_583 : i32 to vector<16xi32>
        %add3A_585 = arith.addi %and3A_23, %add3A_584 : vector<16xi32>
        %gather3A_586 = tpu.vector_load_idx %arg4[%add3A_585, %add3A_226] : memref<64x128xf32, #tpu.memory_space<vmem>>[vector<16xi32>, vector<16xi32>], vector<16xf32>,
        %mul3A_587 = arith.constant 8.000000e+00 : f32
        %mul3A_588 = vector.broadcast %mul3A_587 : f32 to vector<16xf32>
        %mul3A_589 = arith.mulf %gather3A_586, %mul3A_588 : vector<16xf32>
        tpu.vector_store_idx %arg6[%add3A_226, %add3A_585], %mul3A_589 : memref<128x128xf32, #tpu.memory_space<vmem>>[vector<16xi32>, vector<16xi32>], vector<16xf32>,
        %add3A_590 = arith.constant 48 : i32
        %add3A_591 = vector.broadcast %add3A_590 : i32 to vector<16xi32>
        %add3A_592 = arith.addi %and3A_29, %add3A_591 : vector<16xi32>
        %gather3A_593 = tpu.vector_load_idx %arg4[%add3A_592, %add3A_226] : memref<64x128xf32, #tpu.memory_space<vmem>>[vector<16xi32>, vector<16xi32>], vector<16xf32>,
        %mul3A_594 = arith.constant 8.000000e+00 : f32
        %mul3A_595 = vector.broadcast %mul3A_594 : f32 to vector<16xf32>
        %mul3A_596 = arith.mulf %gather3A_593, %mul3A_595 : vector<16xf32>
        tpu.vector_store_idx %arg6[%add3A_226, %add3A_592], %mul3A_596 : memref<128x128xf32, #tpu.memory_space<vmem>>[vector<16xi32>, vector<16xi32>], vector<16xf32>,
        %add3A_597 = arith.constant 48 : i32
        %add3A_598 = vector.broadcast %add3A_597 : i32 to vector<16xi32>
        %add3A_599 = arith.addi %and3A_35, %add3A_598 : vector<16xi32>
        %gather3A_600 = tpu.vector_load_idx %arg4[%add3A_599, %add3A_226] : memref<64x128xf32, #tpu.memory_space<vmem>>[vector<16xi32>, vector<16xi32>], vector<16xf32>,
        %mul3A_601 = arith.constant 8.000000e+00 : f32
        %mul3A_602 = vector.broadcast %mul3A_601 : f32 to vector<16xf32>
        %mul3A_603 = arith.mulf %gather3A_600, %mul3A_602 : vector<16xf32>
        tpu.vector_store_idx %arg6[%add3A_226, %add3A_599], %mul3A_603 : memref<128x128xf32, #tpu.memory_space<vmem>>[vector<16xi32>, vector<16xi32>], vector<16xf32>,
        %add3A_604 = arith.constant 48 : i32
        %add3A_605 = vector.broadcast %add3A_604 : i32 to vector<16xi32>
        %add3A_606 = arith.addi %and3A_41, %add3A_605 : vector<16xi32>
        %gather3A_607 = tpu.vector_load_idx %arg4[%add3A_606, %add3A_226] : memref<64x128xf32, #tpu.memory_space<vmem>>[vector<16xi32>, vector<16xi32>], vector<16xf32>,
        %mul3A_608 = arith.constant 8.000000e+00 : f32
        %mul3A_609 = vector.broadcast %mul3A_608 : f32 to vector<16xf32>
        %mul3A_610 = arith.mulf %gather3A_607, %mul3A_609 : vector<16xf32>
        tpu.vector_store_idx %arg6[%add3A_226, %add3A_606], %mul3A_610 : memref<128x128xf32, #tpu.memory_space<vmem>>[vector<16xi32>, vector<16xi32>], vector<16xf32>,
        %add3A_611 = arith.constant 48 : i32
        %add3A_612 = vector.broadcast %add3A_611 : i32 to vector<16xi32>
        %add3A_613 = arith.addi %and3A_47, %add3A_612 : vector<16xi32>
        %gather3A_614 = tpu.vector_load_idx %arg4[%add3A_613, %add3A_226] : memref<64x128xf32, #tpu.memory_space<vmem>>[vector<16xi32>, vector<16xi32>], vector<16xf32>,
        %mul3A_615 = arith.constant 8.000000e+00 : f32
        %mul3A_616 = vector.broadcast %mul3A_615 : f32 to vector<16xf32>
        %mul3A_617 = arith.mulf %gather3A_614, %mul3A_616 : vector<16xf32>
        tpu.vector_store_idx %arg6[%add3A_226, %add3A_613], %mul3A_617 : memref<128x128xf32, #tpu.memory_space<vmem>>[vector<16xi32>, vector<16xi32>], vector<16xf32>,
        %add3A_618 = arith.constant 48 : i32
        %add3A_619 = vector.broadcast %add3A_618 : i32 to vector<16xi32>
        %add3A_620 = arith.addi %and3A_53, %add3A_619 : vector<16xi32>
        %gather3A_621 = tpu.vector_load_idx %arg4[%add3A_620, %add3A_226] : memref<64x128xf32, #tpu.memory_space<vmem>>[vector<16xi32>, vector<16xi32>], vector<16xf32>,
        %mul3A_622 = arith.constant 8.000000e+00 : f32
        %mul3A_623 = vector.broadcast %mul3A_622 : f32 to vector<16xf32>
        %mul3A_624 = arith.mulf %gather3A_621, %mul3A_623 : vector<16xf32>
        tpu.vector_store_idx %arg6[%add3A_226, %add3A_620], %mul3A_624 : memref<128x128xf32, #tpu.memory_space<vmem>>[vector<16xi32>, vector<16xi32>], vector<16xf32>,
        %add3A_625 = arith.constant 48 : i32
        %add3A_626 = vector.broadcast %add3A_625 : i32 to vector<16xi32>
        %add3A_627 = arith.addi %and3A_59, %add3A_626 : vector<16xi32>
        %gather3A_628 = tpu.vector_load_idx %arg4[%add3A_627, %add3A_226] : memref<64x128xf32, #tpu.memory_space<vmem>>[vector<16xi32>, vector<16xi32>], vector<16xf32>,
        %mul3A_629 = arith.constant 8.000000e+00 : f32
        %mul3A_630 = vector.broadcast %mul3A_629 : f32 to vector<16xf32>
        %mul3A_631 = arith.mulf %gather3A_628, %mul3A_630 : vector<16xf32>
        tpu.vector_store_idx %arg6[%add3A_226, %add3A_627], %mul3A_631 : memref<128x128xf32, #tpu.memory_space<vmem>>[vector<16xi32>, vector<16xi32>], vector<16xf32>,
        %add3A_632 = arith.constant 48 : i32
        %add3A_633 = vector.broadcast %add3A_632 : i32 to vector<16xi32>
        %add3A_634 = arith.addi %and3A_65, %add3A_633 : vector<16xi32>
        %gather3A_635 = tpu.vector_load_idx %arg4[%add3A_634, %add3A_226] : memref<64x128xf32, #tpu.memory_space<vmem>>[vector<16xi32>, vector<16xi32>], vector<16xf32>,
        %mul3A_636 = arith.constant 8.000000e+00 : f32
        %mul3A_637 = vector.broadcast %mul3A_636 : f32 to vector<16xf32>
        %mul3A_638 = arith.mulf %gather3A_635, %mul3A_637 : vector<16xf32>
        tpu.vector_store_idx %arg6[%add3A_226, %add3A_634], %mul3A_638 : memref<128x128xf32, #tpu.memory_space<vmem>>[vector<16xi32>, vector<16xi32>], vector<16xf32>,
        %add3A_639 = arith.constant 48 : i32
        %add3A_640 = vector.broadcast %add3A_639 : i32 to vector<16xi32>
        %add3A_641 = arith.addi %and3A_71, %add3A_640 : vector<16xi32>
        %gather3A_642 = tpu.vector_load_idx %arg4[%add3A_641, %add3A_226] : memref<64x128xf32, #tpu.memory_space<vmem>>[vector<16xi32>, vector<16xi32>], vector<16xf32>,
        %mul3A_643 = arith.constant 8.000000e+00 : f32
        %mul3A_644 = vector.broadcast %mul3A_643 : f32 to vector<16xf32>
        %mul3A_645 = arith.mulf %gather3A_642, %mul3A_644 : vector<16xf32>
        tpu.vector_store_idx %arg6[%add3A_226, %add3A_641], %mul3A_645 : memref<128x128xf32, #tpu.memory_space<vmem>>[vector<16xi32>, vector<16xi32>], vector<16xf32>,
        %add3A_646 = arith.constant 48 : i32
        %add3A_647 = vector.broadcast %add3A_646 : i32 to vector<16xi32>
        %add3A_648 = arith.addi %and3A_77, %add3A_647 : vector<16xi32>
        %gather3A_649 = tpu.vector_load_idx %arg4[%add3A_648, %add3A_226] : memref<64x128xf32, #tpu.memory_space<vmem>>[vector<16xi32>, vector<16xi32>], vector<16xf32>,
        %mul3A_650 = arith.constant 8.000000e+00 : f32
        %mul3A_651 = vector.broadcast %mul3A_650 : f32 to vector<16xf32>
        %mul3A_652 = arith.mulf %gather3A_649, %mul3A_651 : vector<16xf32>
        tpu.vector_store_idx %arg6[%add3A_226, %add3A_648], %mul3A_652 : memref<128x128xf32, #tpu.memory_space<vmem>>[vector<16xi32>, vector<16xi32>], vector<16xf32>,
        %add3A_653 = arith.constant 48 : i32
        %add3A_654 = vector.broadcast %add3A_653 : i32 to vector<16xi32>
        %add3A_655 = arith.addi %and3A_83, %add3A_654 : vector<16xi32>
        %gather3A_656 = tpu.vector_load_idx %arg4[%add3A_655, %add3A_226] : memref<64x128xf32, #tpu.memory_space<vmem>>[vector<16xi32>, vector<16xi32>], vector<16xf32>,
        %mul3A_657 = arith.constant 8.000000e+00 : f32
        %mul3A_658 = vector.broadcast %mul3A_657 : f32 to vector<16xf32>
        %mul3A_659 = arith.mulf %gather3A_656, %mul3A_658 : vector<16xf32>
        tpu.vector_store_idx %arg6[%add3A_226, %add3A_655], %mul3A_659 : memref<128x128xf32, #tpu.memory_space<vmem>>[vector<16xi32>, vector<16xi32>], vector<16xf32>,
        %add3A_660 = arith.constant 48 : i32
        %add3A_661 = vector.broadcast %add3A_660 : i32 to vector<16xi32>
        %add3A_662 = arith.addi %and3A_89, %add3A_661 : vector<16xi32>
        %gather3A_663 = tpu.vector_load_idx %arg4[%add3A_662, %add3A_226] : memref<64x128xf32, #tpu.memory_space<vmem>>[vector<16xi32>, vector<16xi32>], vector<16xf32>,
        %mul3A_664 = arith.constant 8.000000e+00 : f32
        %mul3A_665 = vector.broadcast %mul3A_664 : f32 to vector<16xf32>
        %mul3A_666 = arith.mulf %gather3A_663, %mul3A_665 : vector<16xf32>
        tpu.vector_store_idx %arg6[%add3A_226, %add3A_662], %mul3A_666 : memref<128x128xf32, #tpu.memory_space<vmem>>[vector<16xi32>, vector<16xi32>], vector<16xf32>,
        %add3A_667 = arith.constant 48 : i32
        %add3A_668 = vector.broadcast %add3A_667 : i32 to vector<16xi32>
        %add3A_669 = arith.addi %and3A_95, %add3A_668 : vector<16xi32>
        %gather3A_670 = tpu.vector_load_idx %arg4[%add3A_669, %add3A_226] : memref<64x128xf32, #tpu.memory_space<vmem>>[vector<16xi32>, vector<16xi32>], vector<16xf32>,
        %mul3A_671 = arith.constant 8.000000e+00 : f32
        %mul3A_672 = vector.broadcast %mul3A_671 : f32 to vector<16xf32>
        %mul3A_673 = arith.mulf %gather3A_670, %mul3A_672 : vector<16xf32>
        tpu.vector_store_idx %arg6[%add3A_226, %add3A_669], %mul3A_673 : memref<128x128xf32, #tpu.memory_space<vmem>>[vector<16xi32>, vector<16xi32>], vector<16xf32>,
      }
      %scan3A_199 = arith.constant 8 : i32
      %mul3A_200 = arith.constant 128 : i32
      %mul3A_201 = arith.muli %add3A_177, %mul3A_200 : i32
      %dma_start3A_202 = arith.constant 0 : i32
      %dma_start3A_203 = tpu.memref_slice %arg3[%mul3A_201, %dma_start3A_202] : memref<1000000x128xf32, #tpu.memory_space<hbm>> -> memref<128x128xf32, #tpu.memory_space<hbm>>
      %dma_start3A_204 = arith.constant 0 : i32
      %dma_start3A_205 = tpu.memref_slice %arg3[%mul3A_201, %dma_start3A_204] : memref<1000000x128xf32, #tpu.memory_space<hbm>> -> memref<128x128xf32, #tpu.memory_space<hbm>>
      tpu.enqueue_dma source(%arg6 : memref<128x128xf32, #tpu.memory_space<vmem>>) target(%dma_start3A_205 : memref<128x128xf32, #tpu.memory_space<hbm>>) target_semaphore(%arg11 : memref<!tpu.dma_semaphore, #tpu.memory_space<semaphore_mem>>)
      %mul3A_206 = arith.constant 2 : i32
      %mul3A_207 = arith.muli %mul3A_206, %while3A_172 : i32
      %add3A_208 = arith.constant 2 : i32
      %add3A_209 = arith.addi %mul3A_207, %add3A_208 : i32
      %lt3A_210 = arith.cmpi slt, %add3A_209, %select_n3A : i32
      %convert_element_type3A_211 = arith.extui %lt3A_210 : i1 to i32
      %cond3A_212 = arith.constant 0 : i32
      %cond3A_213 = arith.cmpi ne, %convert_element_type3A_211, %cond3A_212 : i32
      scf.if %cond3A_213 {
        %mul3A_222 = arith.constant 2 : i32
        %mul3A_223 = arith.muli %mul3A_222, %while3A_172 : i32
        %add3A_224 = arith.constant 2 : i32
        %add3A_225 = arith.addi %mul3A_223, %add3A_224 : i32
        %mul3A_226 = arith.constant 32 : i32
        %mul3A_227 = arith.muli %add3A_225, %mul3A_226 : i32
        %add3A_228 = arith.addi %mul3A_227, %add3A : i32
        %mul3A_229 = arith.constant 128 : i32
        %mul3A_230 = arith.muli %add3A_228, %mul3A_229 : i32
        %dma_start3A_231 = arith.constant 0 : i32
        %dma_start3A_232 = tpu.memref_slice %arg2[%dma_start3A_231, %mul3A_230] : memref<64x1000000xf32, #tpu.memory_space<hbm>> -> memref<64x128xf32, #tpu.memory_space<hbm>>
        %dma_start3A_233 = arith.constant 0 : i32
        %dma_start3A_234 = tpu.memref_slice %arg2[%dma_start3A_233, %mul3A_230] : memref<64x1000000xf32, #tpu.memory_space<hbm>> -> memref<64x128xf32, #tpu.memory_space<hbm>>
        tpu.enqueue_dma source(%dma_start3A_234 : memref<64x128xf32, #tpu.memory_space<hbm>>) target(%arg4 : memref<64x128xf32, #tpu.memory_space<vmem>>) target_semaphore(%arg9 : memref<!tpu.dma_semaphore, #tpu.memory_space<semaphore_mem>>)
      } else {
      }
      %mul3A_214 = arith.constant 2 : i32
      %mul3A_215 = arith.muli %mul3A_214, %while3A_172 : i32
      %add3A_216 = arith.constant 1 : i32
      %add3A_217 = arith.addi %mul3A_215, %add3A_216 : i32
      %lt3A_218 = arith.cmpi slt, %add3A_217, %select_n3A : i32
      %convert_element_type3A_219 = arith.extui %lt3A_218 : i1 to i32
      %cond3A_220 = arith.constant 0 : i32
      %cond3A_221 = arith.cmpi ne, %convert_element_type3A_219, %cond3A_220 : i32
      scf.if %cond3A_221 {
        %mul3A_222 = arith.constant 2 : i32
        %mul3A_223 = arith.muli %mul3A_222, %while3A_172 : i32
        %add3A_224 = arith.constant 1 : i32
        %add3A_225 = arith.addi %mul3A_223, %add3A_224 : i32
        %mul3A_226 = arith.constant 32 : i32
        %mul3A_227 = arith.muli %add3A_225, %mul3A_226 : i32
        %add3A_228 = arith.addi %mul3A_227, %add3A : i32
        %mul3A_229 = arith.constant 128 : i32
        %mul3A_230 = arith.muli %add3A_228, %mul3A_229 : i32
        %dma_wait3A_231 = arith.constant 0 : i32
        %dma_wait3A_232 = tpu.memref_slice %arg2[%dma_wait3A_231, %mul3A_230] : memref<64x1000000xf32, #tpu.memory_space<hbm>> -> memref<64x128xf32, #tpu.memory_space<hbm>>
        %dma_wait3A_233 = arith.constant 0 : i32
        %dma_wait3A_234 = tpu.memref_slice %arg2[%dma_wait3A_233, %mul3A_230] : memref<64x1000000xf32, #tpu.memory_space<hbm>> -> memref<64x128xf32, #tpu.memory_space<hbm>>
        tpu.wait_dma2 semaphore(%arg10 : memref<!tpu.dma_semaphore, #tpu.memory_space<semaphore_mem>>) src(%dma_wait3A_234 : memref<64x128xf32, #tpu.memory_space<hbm>>) dst(%arg5 : memref<64x128xf32, #tpu.memory_space<vmem>>)
        %gt3A_235 = arith.constant 0 : i32
        %gt3A_236 = arith.cmpi sgt, %while3A_172, %gt3A_235 : i32
        %convert_element_type3A_237 = arith.extui %gt3A_236 : i1 to i32
        %cond3A_238 = arith.constant 0 : i32
        %cond3A_239 = arith.cmpi ne, %convert_element_type3A_237, %cond3A_238 : i32
        scf.if %cond3A_239 {
          %mul3A_252 = arith.constant 2 : i32
          %mul3A_253 = arith.muli %mul3A_252, %while3A_172 : i32
          %sub3A_254 = arith.constant 1 : i32
          %sub3A_255 = arith.subi %mul3A_253, %sub3A_254 : i32
          %mul3A_256 = arith.constant 32 : i32
          %mul3A_257 = arith.muli %sub3A_255, %mul3A_256 : i32
          %add3A_258 = arith.addi %mul3A_257, %add3A : i32
          %mul3A_259 = arith.constant 128 : i32
          %mul3A_260 = arith.muli %add3A_258, %mul3A_259 : i32
          %dma_wait3A_261 = arith.constant 0 : i32
          %dma_wait3A_262 = tpu.memref_slice %arg3[%mul3A_260, %dma_wait3A_261] : memref<1000000x128xf32, #tpu.memory_space<hbm>> -> memref<128x128xf32, #tpu.memory_space<hbm>>
          %dma_wait3A_263 = arith.constant 0 : i32
          %dma_wait3A_264 = tpu.memref_slice %arg3[%mul3A_260, %dma_wait3A_263] : memref<1000000x128xf32, #tpu.memory_space<hbm>> -> memref<128x128xf32, #tpu.memory_space<hbm>>
          tpu.wait_dma2 semaphore(%arg12 : memref<!tpu.dma_semaphore, #tpu.memory_space<semaphore_mem>>) src(%arg7 : memref<128x128xf32, #tpu.memory_space<vmem>>) dst(%dma_wait3A_264 : memref<128x128xf32, #tpu.memory_space<hbm>>)
        } else {
        }
        %scan3A_240 = arith.constant 0 : i32
        %scan3A_241 = arith.constant 0 : i32
        %scan3A_242 = arith.constant 8 : i32
        %scan3A_243 = arith.addi %scan3A_241, %scan3A_242 : i32
        %scan3A_244 = arith.constant 1 : i32
        scf.for %scan3A_252 = %scan3A_241 to %scan3A_243 step %scan3A_244  : i32 {
          %mul3A_253 = arith.constant 16 : i32
          %mul3A_254 = arith.muli %scan3A_252, %mul3A_253 : i32
          %add3A_255 = vector.broadcast %mul3A_254 : i32 to vector<16xi32>
          %add3A_256 = arith.addi %add3A_255, %iota3A : vector<16xi32>
          %add3A_257 = arith.constant 0 : i32
          %add3A_258 = vector.broadcast %add3A_257 : i32 to vector<16xi32>
          %add3A_259 = arith.addi %and3A_5, %add3A_258 : vector<16xi32>
          %gather3A = tpu.vector_load_idx %arg5[%add3A_259, %add3A_256] : memref<64x128xf32, #tpu.memory_space<vmem>>[vector<16xi32>, vector<16xi32>], vector<16xf32>,
          %mul3A_260 = arith.constant 8.000000e+00 : f32
          %mul3A_261 = vector.broadcast %mul3A_260 : f32 to vector<16xf32>
          %mul3A_262 = arith.mulf %gather3A, %mul3A_261 : vector<16xf32>
          tpu.vector_store_idx %arg7[%add3A_256, %add3A_259], %mul3A_262 : memref<128x128xf32, #tpu.memory_space<vmem>>[vector<16xi32>, vector<16xi32>], vector<16xf32>,
          %add3A_263 = arith.constant 0 : i32
          %add3A_264 = vector.broadcast %add3A_263 : i32 to vector<16xi32>
          %add3A_265 = arith.addi %and3A_11, %add3A_264 : vector<16xi32>
          %gather3A_266 = tpu.vector_load_idx %arg5[%add3A_265, %add3A_256] : memref<64x128xf32, #tpu.memory_space<vmem>>[vector<16xi32>, vector<16xi32>], vector<16xf32>,
          %mul3A_267 = arith.constant 8.000000e+00 : f32
          %mul3A_268 = vector.broadcast %mul3A_267 : f32 to vector<16xf32>
          %mul3A_269 = arith.mulf %gather3A_266, %mul3A_268 : vector<16xf32>
          tpu.vector_store_idx %arg7[%add3A_256, %add3A_265], %mul3A_269 : memref<128x128xf32, #tpu.memory_space<vmem>>[vector<16xi32>, vector<16xi32>], vector<16xf32>,
          %add3A_270 = arith.constant 0 : i32
          %add3A_271 = vector.broadcast %add3A_270 : i32 to vector<16xi32>
          %add3A_272 = arith.addi %and3A_17, %add3A_271 : vector<16xi32>
          %gather3A_273 = tpu.vector_load_idx %arg5[%add3A_272, %add3A_256] : memref<64x128xf32, #tpu.memory_space<vmem>>[vector<16xi32>, vector<16xi32>], vector<16xf32>,
          %mul3A_274 = arith.constant 8.000000e+00 : f32
          %mul3A_275 = vector.broadcast %mul3A_274 : f32 to vector<16xf32>
          %mul3A_276 = arith.mulf %gather3A_273, %mul3A_275 : vector<16xf32>
          tpu.vector_store_idx %arg7[%add3A_256, %add3A_272], %mul3A_276 : memref<128x128xf32, #tpu.memory_space<vmem>>[vector<16xi32>, vector<16xi32>], vector<16xf32>,
          %add3A_277 = arith.constant 0 : i32
          %add3A_278 = vector.broadcast %add3A_277 : i32 to vector<16xi32>
          %add3A_279 = arith.addi %and3A_23, %add3A_278 : vector<16xi32>
          %gather3A_280 = tpu.vector_load_idx %arg5[%add3A_279, %add3A_256] : memref<64x128xf32, #tpu.memory_space<vmem>>[vector<16xi32>, vector<16xi32>], vector<16xf32>,
          %mul3A_281 = arith.constant 8.000000e+00 : f32
          %mul3A_282 = vector.broadcast %mul3A_281 : f32 to vector<16xf32>
          %mul3A_283 = arith.mulf %gather3A_280, %mul3A_282 : vector<16xf32>
          tpu.vector_store_idx %arg7[%add3A_256, %add3A_279], %mul3A_283 : memref<128x128xf32, #tpu.memory_space<vmem>>[vector<16xi32>, vector<16xi32>], vector<16xf32>,
          %add3A_284 = arith.constant 0 : i32
          %add3A_285 = vector.broadcast %add3A_284 : i32 to vector<16xi32>
          %add3A_286 = arith.addi %and3A_29, %add3A_285 : vector<16xi32>
          %gather3A_287 = tpu.vector_load_idx %arg5[%add3A_286, %add3A_256] : memref<64x128xf32, #tpu.memory_space<vmem>>[vector<16xi32>, vector<16xi32>], vector<16xf32>,
          %mul3A_288 = arith.constant 8.000000e+00 : f32
          %mul3A_289 = vector.broadcast %mul3A_288 : f32 to vector<16xf32>
          %mul3A_290 = arith.mulf %gather3A_287, %mul3A_289 : vector<16xf32>
          tpu.vector_store_idx %arg7[%add3A_256, %add3A_286], %mul3A_290 : memref<128x128xf32, #tpu.memory_space<vmem>>[vector<16xi32>, vector<16xi32>], vector<16xf32>,
          %add3A_291 = arith.constant 0 : i32
          %add3A_292 = vector.broadcast %add3A_291 : i32 to vector<16xi32>
          %add3A_293 = arith.addi %and3A_35, %add3A_292 : vector<16xi32>
          %gather3A_294 = tpu.vector_load_idx %arg5[%add3A_293, %add3A_256] : memref<64x128xf32, #tpu.memory_space<vmem>>[vector<16xi32>, vector<16xi32>], vector<16xf32>,
          %mul3A_295 = arith.constant 8.000000e+00 : f32
          %mul3A_296 = vector.broadcast %mul3A_295 : f32 to vector<16xf32>
          %mul3A_297 = arith.mulf %gather3A_294, %mul3A_296 : vector<16xf32>
          tpu.vector_store_idx %arg7[%add3A_256, %add3A_293], %mul3A_297 : memref<128x128xf32, #tpu.memory_space<vmem>>[vector<16xi32>, vector<16xi32>], vector<16xf32>,
          %add3A_298 = arith.constant 0 : i32
          %add3A_299 = vector.broadcast %add3A_298 : i32 to vector<16xi32>
          %add3A_300 = arith.addi %and3A_41, %add3A_299 : vector<16xi32>
          %gather3A_301 = tpu.vector_load_idx %arg5[%add3A_300, %add3A_256] : memref<64x128xf32, #tpu.memory_space<vmem>>[vector<16xi32>, vector<16xi32>], vector<16xf32>,
          %mul3A_302 = arith.constant 8.000000e+00 : f32
          %mul3A_303 = vector.broadcast %mul3A_302 : f32 to vector<16xf32>
          %mul3A_304 = arith.mulf %gather3A_301, %mul3A_303 : vector<16xf32>
          tpu.vector_store_idx %arg7[%add3A_256, %add3A_300], %mul3A_304 : memref<128x128xf32, #tpu.memory_space<vmem>>[vector<16xi32>, vector<16xi32>], vector<16xf32>,
          %add3A_305 = arith.constant 0 : i32
          %add3A_306 = vector.broadcast %add3A_305 : i32 to vector<16xi32>
          %add3A_307 = arith.addi %and3A_47, %add3A_306 : vector<16xi32>
          %gather3A_308 = tpu.vector_load_idx %arg5[%add3A_307, %add3A_256] : memref<64x128xf32, #tpu.memory_space<vmem>>[vector<16xi32>, vector<16xi32>], vector<16xf32>,
          %mul3A_309 = arith.constant 8.000000e+00 : f32
          %mul3A_310 = vector.broadcast %mul3A_309 : f32 to vector<16xf32>
          %mul3A_311 = arith.mulf %gather3A_308, %mul3A_310 : vector<16xf32>
          tpu.vector_store_idx %arg7[%add3A_256, %add3A_307], %mul3A_311 : memref<128x128xf32, #tpu.memory_space<vmem>>[vector<16xi32>, vector<16xi32>], vector<16xf32>,
          %add3A_312 = arith.constant 0 : i32
          %add3A_313 = vector.broadcast %add3A_312 : i32 to vector<16xi32>
          %add3A_314 = arith.addi %and3A_53, %add3A_313 : vector<16xi32>
          %gather3A_315 = tpu.vector_load_idx %arg5[%add3A_314, %add3A_256] : memref<64x128xf32, #tpu.memory_space<vmem>>[vector<16xi32>, vector<16xi32>], vector<16xf32>,
          %mul3A_316 = arith.constant 8.000000e+00 : f32
          %mul3A_317 = vector.broadcast %mul3A_316 : f32 to vector<16xf32>
          %mul3A_318 = arith.mulf %gather3A_315, %mul3A_317 : vector<16xf32>
          tpu.vector_store_idx %arg7[%add3A_256, %add3A_314], %mul3A_318 : memref<128x128xf32, #tpu.memory_space<vmem>>[vector<16xi32>, vector<16xi32>], vector<16xf32>,
          %add3A_319 = arith.constant 0 : i32
          %add3A_320 = vector.broadcast %add3A_319 : i32 to vector<16xi32>
          %add3A_321 = arith.addi %and3A_59, %add3A_320 : vector<16xi32>
          %gather3A_322 = tpu.vector_load_idx %arg5[%add3A_321, %add3A_256] : memref<64x128xf32, #tpu.memory_space<vmem>>[vector<16xi32>, vector<16xi32>], vector<16xf32>,
          %mul3A_323 = arith.constant 8.000000e+00 : f32
          %mul3A_324 = vector.broadcast %mul3A_323 : f32 to vector<16xf32>
          %mul3A_325 = arith.mulf %gather3A_322, %mul3A_324 : vector<16xf32>
          tpu.vector_store_idx %arg7[%add3A_256, %add3A_321], %mul3A_325 : memref<128x128xf32, #tpu.memory_space<vmem>>[vector<16xi32>, vector<16xi32>], vector<16xf32>,
          %add3A_326 = arith.constant 0 : i32
          %add3A_327 = vector.broadcast %add3A_326 : i32 to vector<16xi32>
          %add3A_328 = arith.addi %and3A_65, %add3A_327 : vector<16xi32>
          %gather3A_329 = tpu.vector_load_idx %arg5[%add3A_328, %add3A_256] : memref<64x128xf32, #tpu.memory_space<vmem>>[vector<16xi32>, vector<16xi32>], vector<16xf32>,
          %mul3A_330 = arith.constant 8.000000e+00 : f32
          %mul3A_331 = vector.broadcast %mul3A_330 : f32 to vector<16xf32>
          %mul3A_332 = arith.mulf %gather3A_329, %mul3A_331 : vector<16xf32>
          tpu.vector_store_idx %arg7[%add3A_256, %add3A_328], %mul3A_332 : memref<128x128xf32, #tpu.memory_space<vmem>>[vector<16xi32>, vector<16xi32>], vector<16xf32>,
          %add3A_333 = arith.constant 0 : i32
          %add3A_334 = vector.broadcast %add3A_333 : i32 to vector<16xi32>
          %add3A_335 = arith.addi %and3A_71, %add3A_334 : vector<16xi32>
          %gather3A_336 = tpu.vector_load_idx %arg5[%add3A_335, %add3A_256] : memref<64x128xf32, #tpu.memory_space<vmem>>[vector<16xi32>, vector<16xi32>], vector<16xf32>,
          %mul3A_337 = arith.constant 8.000000e+00 : f32
          %mul3A_338 = vector.broadcast %mul3A_337 : f32 to vector<16xf32>
          %mul3A_339 = arith.mulf %gather3A_336, %mul3A_338 : vector<16xf32>
          tpu.vector_store_idx %arg7[%add3A_256, %add3A_335], %mul3A_339 : memref<128x128xf32, #tpu.memory_space<vmem>>[vector<16xi32>, vector<16xi32>], vector<16xf32>,
          %add3A_340 = arith.constant 0 : i32
          %add3A_341 = vector.broadcast %add3A_340 : i32 to vector<16xi32>
          %add3A_342 = arith.addi %and3A_77, %add3A_341 : vector<16xi32>
          %gather3A_343 = tpu.vector_load_idx %arg5[%add3A_342, %add3A_256] : memref<64x128xf32, #tpu.memory_space<vmem>>[vector<16xi32>, vector<16xi32>], vector<16xf32>,
          %mul3A_344 = arith.constant 8.000000e+00 : f32
          %mul3A_345 = vector.broadcast %mul3A_344 : f32 to vector<16xf32>
          %mul3A_346 = arith.mulf %gather3A_343, %mul3A_345 : vector<16xf32>
          tpu.vector_store_idx %arg7[%add3A_256, %add3A_342], %mul3A_346 : memref<128x128xf32, #tpu.memory_space<vmem>>[vector<16xi32>, vector<16xi32>], vector<16xf32>,
          %add3A_347 = arith.constant 0 : i32
          %add3A_348 = vector.broadcast %add3A_347 : i32 to vector<16xi32>
          %add3A_349 = arith.addi %and3A_83, %add3A_348 : vector<16xi32>
          %gather3A_350 = tpu.vector_load_idx %arg5[%add3A_349, %add3A_256] : memref<64x128xf32, #tpu.memory_space<vmem>>[vector<16xi32>, vector<16xi32>], vector<16xf32>,
          %mul3A_351 = arith.constant 8.000000e+00 : f32
          %mul3A_352 = vector.broadcast %mul3A_351 : f32 to vector<16xf32>
          %mul3A_353 = arith.mulf %gather3A_350, %mul3A_352 : vector<16xf32>
          tpu.vector_store_idx %arg7[%add3A_256, %add3A_349], %mul3A_353 : memref<128x128xf32, #tpu.memory_space<vmem>>[vector<16xi32>, vector<16xi32>], vector<16xf32>,
          %add3A_354 = arith.constant 0 : i32
          %add3A_355 = vector.broadcast %add3A_354 : i32 to vector<16xi32>
          %add3A_356 = arith.addi %and3A_89, %add3A_355 : vector<16xi32>
          %gather3A_357 = tpu.vector_load_idx %arg5[%add3A_356, %add3A_256] : memref<64x128xf32, #tpu.memory_space<vmem>>[vector<16xi32>, vector<16xi32>], vector<16xf32>,
          %mul3A_358 = arith.constant 8.000000e+00 : f32
          %mul3A_359 = vector.broadcast %mul3A_358 : f32 to vector<16xf32>
          %mul3A_360 = arith.mulf %gather3A_357, %mul3A_359 : vector<16xf32>
          tpu.vector_store_idx %arg7[%add3A_256, %add3A_356], %mul3A_360 : memref<128x128xf32, #tpu.memory_space<vmem>>[vector<16xi32>, vector<16xi32>], vector<16xf32>,
          %add3A_361 = arith.constant 0 : i32
          %add3A_362 = vector.broadcast %add3A_361 : i32 to vector<16xi32>
          %add3A_363 = arith.addi %and3A_95, %add3A_362 : vector<16xi32>
          %gather3A_364 = tpu.vector_load_idx %arg5[%add3A_363, %add3A_256] : memref<64x128xf32, #tpu.memory_space<vmem>>[vector<16xi32>, vector<16xi32>], vector<16xf32>,
          %mul3A_365 = arith.constant 8.000000e+00 : f32
          %mul3A_366 = vector.broadcast %mul3A_365 : f32 to vector<16xf32>
          %mul3A_367 = arith.mulf %gather3A_364, %mul3A_366 : vector<16xf32>
          tpu.vector_store_idx %arg7[%add3A_256, %add3A_363], %mul3A_367 : memref<128x128xf32, #tpu.memory_space<vmem>>[vector<16xi32>, vector<16xi32>], vector<16xf32>,
          %add3A_368 = arith.constant 16 : i32
          %add3A_369 = vector.broadcast %add3A_368 : i32 to vector<16xi32>
          %add3A_370 = arith.addi %and3A_5, %add3A_369 : vector<16xi32>
          %gather3A_371 = tpu.vector_load_idx %arg5[%add3A_370, %add3A_256] : memref<64x128xf32, #tpu.memory_space<vmem>>[vector<16xi32>, vector<16xi32>], vector<16xf32>,
          %mul3A_372 = arith.constant 8.000000e+00 : f32
          %mul3A_373 = vector.broadcast %mul3A_372 : f32 to vector<16xf32>
          %mul3A_374 = arith.mulf %gather3A_371, %mul3A_373 : vector<16xf32>
          tpu.vector_store_idx %arg7[%add3A_256, %add3A_370], %mul3A_374 : memref<128x128xf32, #tpu.memory_space<vmem>>[vector<16xi32>, vector<16xi32>], vector<16xf32>,
          %add3A_375 = arith.constant 16 : i32
          %add3A_376 = vector.broadcast %add3A_375 : i32 to vector<16xi32>
          %add3A_377 = arith.addi %and3A_11, %add3A_376 : vector<16xi32>
          %gather3A_378 = tpu.vector_load_idx %arg5[%add3A_377, %add3A_256] : memref<64x128xf32, #tpu.memory_space<vmem>>[vector<16xi32>, vector<16xi32>], vector<16xf32>,
          %mul3A_379 = arith.constant 8.000000e+00 : f32
          %mul3A_380 = vector.broadcast %mul3A_379 : f32 to vector<16xf32>
          %mul3A_381 = arith.mulf %gather3A_378, %mul3A_380 : vector<16xf32>
          tpu.vector_store_idx %arg7[%add3A_256, %add3A_377], %mul3A_381 : memref<128x128xf32, #tpu.memory_space<vmem>>[vector<16xi32>, vector<16xi32>], vector<16xf32>,
          %add3A_382 = arith.constant 16 : i32
          %add3A_383 = vector.broadcast %add3A_382 : i32 to vector<16xi32>
          %add3A_384 = arith.addi %and3A_17, %add3A_383 : vector<16xi32>
          %gather3A_385 = tpu.vector_load_idx %arg5[%add3A_384, %add3A_256] : memref<64x128xf32, #tpu.memory_space<vmem>>[vector<16xi32>, vector<16xi32>], vector<16xf32>,
          %mul3A_386 = arith.constant 8.000000e+00 : f32
          %mul3A_387 = vector.broadcast %mul3A_386 : f32 to vector<16xf32>
          %mul3A_388 = arith.mulf %gather3A_385, %mul3A_387 : vector<16xf32>
          tpu.vector_store_idx %arg7[%add3A_256, %add3A_384], %mul3A_388 : memref<128x128xf32, #tpu.memory_space<vmem>>[vector<16xi32>, vector<16xi32>], vector<16xf32>,
          %add3A_389 = arith.constant 16 : i32
          %add3A_390 = vector.broadcast %add3A_389 : i32 to vector<16xi32>
          %add3A_391 = arith.addi %and3A_23, %add3A_390 : vector<16xi32>
          %gather3A_392 = tpu.vector_load_idx %arg5[%add3A_391, %add3A_256] : memref<64x128xf32, #tpu.memory_space<vmem>>[vector<16xi32>, vector<16xi32>], vector<16xf32>,
          %mul3A_393 = arith.constant 8.000000e+00 : f32
          %mul3A_394 = vector.broadcast %mul3A_393 : f32 to vector<16xf32>
          %mul3A_395 = arith.mulf %gather3A_392, %mul3A_394 : vector<16xf32>
          tpu.vector_store_idx %arg7[%add3A_256, %add3A_391], %mul3A_395 : memref<128x128xf32, #tpu.memory_space<vmem>>[vector<16xi32>, vector<16xi32>], vector<16xf32>,
          %add3A_396 = arith.constant 16 : i32
          %add3A_397 = vector.broadcast %add3A_396 : i32 to vector<16xi32>
          %add3A_398 = arith.addi %and3A_29, %add3A_397 : vector<16xi32>
          %gather3A_399 = tpu.vector_load_idx %arg5[%add3A_398, %add3A_256] : memref<64x128xf32, #tpu.memory_space<vmem>>[vector<16xi32>, vector<16xi32>], vector<16xf32>,
          %mul3A_400 = arith.constant 8.000000e+00 : f32
          %mul3A_401 = vector.broadcast %mul3A_400 : f32 to vector<16xf32>
          %mul3A_402 = arith.mulf %gather3A_399, %mul3A_401 : vector<16xf32>
          tpu.vector_store_idx %arg7[%add3A_256, %add3A_398], %mul3A_402 : memref<128x128xf32, #tpu.memory_space<vmem>>[vector<16xi32>, vector<16xi32>], vector<16xf32>,
          %add3A_403 = arith.constant 16 : i32
          %add3A_404 = vector.broadcast %add3A_403 : i32 to vector<16xi32>
          %add3A_405 = arith.addi %and3A_35, %add3A_404 : vector<16xi32>
          %gather3A_406 = tpu.vector_load_idx %arg5[%add3A_405, %add3A_256] : memref<64x128xf32, #tpu.memory_space<vmem>>[vector<16xi32>, vector<16xi32>], vector<16xf32>,
          %mul3A_407 = arith.constant 8.000000e+00 : f32
          %mul3A_408 = vector.broadcast %mul3A_407 : f32 to vector<16xf32>
          %mul3A_409 = arith.mulf %gather3A_406, %mul3A_408 : vector<16xf32>
          tpu.vector_store_idx %arg7[%add3A_256, %add3A_405], %mul3A_409 : memref<128x128xf32, #tpu.memory_space<vmem>>[vector<16xi32>, vector<16xi32>], vector<16xf32>,
          %add3A_410 = arith.constant 16 : i32
          %add3A_411 = vector.broadcast %add3A_410 : i32 to vector<16xi32>
          %add3A_412 = arith.addi %and3A_41, %add3A_411 : vector<16xi32>
          %gather3A_413 = tpu.vector_load_idx %arg5[%add3A_412, %add3A_256] : memref<64x128xf32, #tpu.memory_space<vmem>>[vector<16xi32>, vector<16xi32>], vector<16xf32>,
          %mul3A_414 = arith.constant 8.000000e+00 : f32
          %mul3A_415 = vector.broadcast %mul3A_414 : f32 to vector<16xf32>
          %mul3A_416 = arith.mulf %gather3A_413, %mul3A_415 : vector<16xf32>
          tpu.vector_store_idx %arg7[%add3A_256, %add3A_412], %mul3A_416 : memref<128x128xf32, #tpu.memory_space<vmem>>[vector<16xi32>, vector<16xi32>], vector<16xf32>,
          %add3A_417 = arith.constant 16 : i32
          %add3A_418 = vector.broadcast %add3A_417 : i32 to vector<16xi32>
          %add3A_419 = arith.addi %and3A_47, %add3A_418 : vector<16xi32>
          %gather3A_420 = tpu.vector_load_idx %arg5[%add3A_419, %add3A_256] : memref<64x128xf32, #tpu.memory_space<vmem>>[vector<16xi32>, vector<16xi32>], vector<16xf32>,
          %mul3A_421 = arith.constant 8.000000e+00 : f32
          %mul3A_422 = vector.broadcast %mul3A_421 : f32 to vector<16xf32>
          %mul3A_423 = arith.mulf %gather3A_420, %mul3A_422 : vector<16xf32>
          tpu.vector_store_idx %arg7[%add3A_256, %add3A_419], %mul3A_423 : memref<128x128xf32, #tpu.memory_space<vmem>>[vector<16xi32>, vector<16xi32>], vector<16xf32>,
          %add3A_424 = arith.constant 16 : i32
          %add3A_425 = vector.broadcast %add3A_424 : i32 to vector<16xi32>
          %add3A_426 = arith.addi %and3A_53, %add3A_425 : vector<16xi32>
          %gather3A_427 = tpu.vector_load_idx %arg5[%add3A_426, %add3A_256] : memref<64x128xf32, #tpu.memory_space<vmem>>[vector<16xi32>, vector<16xi32>], vector<16xf32>,
          %mul3A_428 = arith.constant 8.000000e+00 : f32
          %mul3A_429 = vector.broadcast %mul3A_428 : f32 to vector<16xf32>
          %mul3A_430 = arith.mulf %gather3A_427, %mul3A_429 : vector<16xf32>
          tpu.vector_store_idx %arg7[%add3A_256, %add3A_426], %mul3A_430 : memref<128x128xf32, #tpu.memory_space<vmem>>[vector<16xi32>, vector<16xi32>], vector<16xf32>,
          %add3A_431 = arith.constant 16 : i32
          %add3A_432 = vector.broadcast %add3A_431 : i32 to vector<16xi32>
          %add3A_433 = arith.addi %and3A_59, %add3A_432 : vector<16xi32>
          %gather3A_434 = tpu.vector_load_idx %arg5[%add3A_433, %add3A_256] : memref<64x128xf32, #tpu.memory_space<vmem>>[vector<16xi32>, vector<16xi32>], vector<16xf32>,
          %mul3A_435 = arith.constant 8.000000e+00 : f32
          %mul3A_436 = vector.broadcast %mul3A_435 : f32 to vector<16xf32>
          %mul3A_437 = arith.mulf %gather3A_434, %mul3A_436 : vector<16xf32>
          tpu.vector_store_idx %arg7[%add3A_256, %add3A_433], %mul3A_437 : memref<128x128xf32, #tpu.memory_space<vmem>>[vector<16xi32>, vector<16xi32>], vector<16xf32>,
          %add3A_438 = arith.constant 16 : i32
          %add3A_439 = vector.broadcast %add3A_438 : i32 to vector<16xi32>
          %add3A_440 = arith.addi %and3A_65, %add3A_439 : vector<16xi32>
          %gather3A_441 = tpu.vector_load_idx %arg5[%add3A_440, %add3A_256] : memref<64x128xf32, #tpu.memory_space<vmem>>[vector<16xi32>, vector<16xi32>], vector<16xf32>,
          %mul3A_442 = arith.constant 8.000000e+00 : f32
          %mul3A_443 = vector.broadcast %mul3A_442 : f32 to vector<16xf32>
          %mul3A_444 = arith.mulf %gather3A_441, %mul3A_443 : vector<16xf32>
          tpu.vector_store_idx %arg7[%add3A_256, %add3A_440], %mul3A_444 : memref<128x128xf32, #tpu.memory_space<vmem>>[vector<16xi32>, vector<16xi32>], vector<16xf32>,
          %add3A_445 = arith.constant 16 : i32
          %add3A_446 = vector.broadcast %add3A_445 : i32 to vector<16xi32>
          %add3A_447 = arith.addi %and3A_71, %add3A_446 : vector<16xi32>
          %gather3A_448 = tpu.vector_load_idx %arg5[%add3A_447, %add3A_256] : memref<64x128xf32, #tpu.memory_space<vmem>>[vector<16xi32>, vector<16xi32>], vector<16xf32>,
          %mul3A_449 = arith.constant 8.000000e+00 : f32
          %mul3A_450 = vector.broadcast %mul3A_449 : f32 to vector<16xf32>
          %mul3A_451 = arith.mulf %gather3A_448, %mul3A_450 : vector<16xf32>
          tpu.vector_store_idx %arg7[%add3A_256, %add3A_447], %mul3A_451 : memref<128x128xf32, #tpu.memory_space<vmem>>[vector<16xi32>, vector<16xi32>], vector<16xf32>,
          %add3A_452 = arith.constant 16 : i32
          %add3A_453 = vector.broadcast %add3A_452 : i32 to vector<16xi32>
          %add3A_454 = arith.addi %and3A_77, %add3A_453 : vector<16xi32>
          %gather3A_455 = tpu.vector_load_idx %arg5[%add3A_454, %add3A_256] : memref<64x128xf32, #tpu.memory_space<vmem>>[vector<16xi32>, vector<16xi32>], vector<16xf32>,
          %mul3A_456 = arith.constant 8.000000e+00 : f32
          %mul3A_457 = vector.broadcast %mul3A_456 : f32 to vector<16xf32>
          %mul3A_458 = arith.mulf %gather3A_455, %mul3A_457 : vector<16xf32>
          tpu.vector_store_idx %arg7[%add3A_256, %add3A_454], %mul3A_458 : memref<128x128xf32, #tpu.memory_space<vmem>>[vector<16xi32>, vector<16xi32>], vector<16xf32>,
          %add3A_459 = arith.constant 16 : i32
          %add3A_460 = vector.broadcast %add3A_459 : i32 to vector<16xi32>
          %add3A_461 = arith.addi %and3A_83, %add3A_460 : vector<16xi32>
          %gather3A_462 = tpu.vector_load_idx %arg5[%add3A_461, %add3A_256] : memref<64x128xf32, #tpu.memory_space<vmem>>[vector<16xi32>, vector<16xi32>], vector<16xf32>,
          %mul3A_463 = arith.constant 8.000000e+00 : f32
          %mul3A_464 = vector.broadcast %mul3A_463 : f32 to vector<16xf32>
          %mul3A_465 = arith.mulf %gather3A_462, %mul3A_464 : vector<16xf32>
          tpu.vector_store_idx %arg7[%add3A_256, %add3A_461], %mul3A_465 : memref<128x128xf32, #tpu.memory_space<vmem>>[vector<16xi32>, vector<16xi32>], vector<16xf32>,
          %add3A_466 = arith.constant 16 : i32
          %add3A_467 = vector.broadcast %add3A_466 : i32 to vector<16xi32>
          %add3A_468 = arith.addi %and3A_89, %add3A_467 : vector<16xi32>
          %gather3A_469 = tpu.vector_load_idx %arg5[%add3A_468, %add3A_256] : memref<64x128xf32, #tpu.memory_space<vmem>>[vector<16xi32>, vector<16xi32>], vector<16xf32>,
          %mul3A_470 = arith.constant 8.000000e+00 : f32
          %mul3A_471 = vector.broadcast %mul3A_470 : f32 to vector<16xf32>
          %mul3A_472 = arith.mulf %gather3A_469, %mul3A_471 : vector<16xf32>
          tpu.vector_store_idx %arg7[%add3A_256, %add3A_468], %mul3A_472 : memref<128x128xf32, #tpu.memory_space<vmem>>[vector<16xi32>, vector<16xi32>], vector<16xf32>,
          %add3A_473 = arith.constant 16 : i32
          %add3A_474 = vector.broadcast %add3A_473 : i32 to vector<16xi32>
          %add3A_475 = arith.addi %and3A_95, %add3A_474 : vector<16xi32>
          %gather3A_476 = tpu.vector_load_idx %arg5[%add3A_475, %add3A_256] : memref<64x128xf32, #tpu.memory_space<vmem>>[vector<16xi32>, vector<16xi32>], vector<16xf32>,
          %mul3A_477 = arith.constant 8.000000e+00 : f32
          %mul3A_478 = vector.broadcast %mul3A_477 : f32 to vector<16xf32>
          %mul3A_479 = arith.mulf %gather3A_476, %mul3A_478 : vector<16xf32>
          tpu.vector_store_idx %arg7[%add3A_256, %add3A_475], %mul3A_479 : memref<128x128xf32, #tpu.memory_space<vmem>>[vector<16xi32>, vector<16xi32>], vector<16xf32>,
          %add3A_480 = arith.constant 32 : i32
          %add3A_481 = vector.broadcast %add3A_480 : i32 to vector<16xi32>
          %add3A_482 = arith.addi %and3A_5, %add3A_481 : vector<16xi32>
          %gather3A_483 = tpu.vector_load_idx %arg5[%add3A_482, %add3A_256] : memref<64x128xf32, #tpu.memory_space<vmem>>[vector<16xi32>, vector<16xi32>], vector<16xf32>,
          %mul3A_484 = arith.constant 8.000000e+00 : f32
          %mul3A_485 = vector.broadcast %mul3A_484 : f32 to vector<16xf32>
          %mul3A_486 = arith.mulf %gather3A_483, %mul3A_485 : vector<16xf32>
          tpu.vector_store_idx %arg7[%add3A_256, %add3A_482], %mul3A_486 : memref<128x128xf32, #tpu.memory_space<vmem>>[vector<16xi32>, vector<16xi32>], vector<16xf32>,
          %add3A_487 = arith.constant 32 : i32
          %add3A_488 = vector.broadcast %add3A_487 : i32 to vector<16xi32>
          %add3A_489 = arith.addi %and3A_11, %add3A_488 : vector<16xi32>
          %gather3A_490 = tpu.vector_load_idx %arg5[%add3A_489, %add3A_256] : memref<64x128xf32, #tpu.memory_space<vmem>>[vector<16xi32>, vector<16xi32>], vector<16xf32>,
          %mul3A_491 = arith.constant 8.000000e+00 : f32
          %mul3A_492 = vector.broadcast %mul3A_491 : f32 to vector<16xf32>
          %mul3A_493 = arith.mulf %gather3A_490, %mul3A_492 : vector<16xf32>
          tpu.vector_store_idx %arg7[%add3A_256, %add3A_489], %mul3A_493 : memref<128x128xf32, #tpu.memory_space<vmem>>[vector<16xi32>, vector<16xi32>], vector<16xf32>,
          %add3A_494 = arith.constant 32 : i32
          %add3A_495 = vector.broadcast %add3A_494 : i32 to vector<16xi32>
          %add3A_496 = arith.addi %and3A_17, %add3A_495 : vector<16xi32>
          %gather3A_497 = tpu.vector_load_idx %arg5[%add3A_496, %add3A_256] : memref<64x128xf32, #tpu.memory_space<vmem>>[vector<16xi32>, vector<16xi32>], vector<16xf32>,
          %mul3A_498 = arith.constant 8.000000e+00 : f32
          %mul3A_499 = vector.broadcast %mul3A_498 : f32 to vector<16xf32>
          %mul3A_500 = arith.mulf %gather3A_497, %mul3A_499 : vector<16xf32>
          tpu.vector_store_idx %arg7[%add3A_256, %add3A_496], %mul3A_500 : memref<128x128xf32, #tpu.memory_space<vmem>>[vector<16xi32>, vector<16xi32>], vector<16xf32>,
          %add3A_501 = arith.constant 32 : i32
          %add3A_502 = vector.broadcast %add3A_501 : i32 to vector<16xi32>
          %add3A_503 = arith.addi %and3A_23, %add3A_502 : vector<16xi32>
          %gather3A_504 = tpu.vector_load_idx %arg5[%add3A_503, %add3A_256] : memref<64x128xf32, #tpu.memory_space<vmem>>[vector<16xi32>, vector<16xi32>], vector<16xf32>,
          %mul3A_505 = arith.constant 8.000000e+00 : f32
          %mul3A_506 = vector.broadcast %mul3A_505 : f32 to vector<16xf32>
          %mul3A_507 = arith.mulf %gather3A_504, %mul3A_506 : vector<16xf32>
          tpu.vector_store_idx %arg7[%add3A_256, %add3A_503], %mul3A_507 : memref<128x128xf32, #tpu.memory_space<vmem>>[vector<16xi32>, vector<16xi32>], vector<16xf32>,
          %add3A_508 = arith.constant 32 : i32
          %add3A_509 = vector.broadcast %add3A_508 : i32 to vector<16xi32>
          %add3A_510 = arith.addi %and3A_29, %add3A_509 : vector<16xi32>
          %gather3A_511 = tpu.vector_load_idx %arg5[%add3A_510, %add3A_256] : memref<64x128xf32, #tpu.memory_space<vmem>>[vector<16xi32>, vector<16xi32>], vector<16xf32>,
          %mul3A_512 = arith.constant 8.000000e+00 : f32
          %mul3A_513 = vector.broadcast %mul3A_512 : f32 to vector<16xf32>
          %mul3A_514 = arith.mulf %gather3A_511, %mul3A_513 : vector<16xf32>
          tpu.vector_store_idx %arg7[%add3A_256, %add3A_510], %mul3A_514 : memref<128x128xf32, #tpu.memory_space<vmem>>[vector<16xi32>, vector<16xi32>], vector<16xf32>,
          %add3A_515 = arith.constant 32 : i32
          %add3A_516 = vector.broadcast %add3A_515 : i32 to vector<16xi32>
          %add3A_517 = arith.addi %and3A_35, %add3A_516 : vector<16xi32>
          %gather3A_518 = tpu.vector_load_idx %arg5[%add3A_517, %add3A_256] : memref<64x128xf32, #tpu.memory_space<vmem>>[vector<16xi32>, vector<16xi32>], vector<16xf32>,
          %mul3A_519 = arith.constant 8.000000e+00 : f32
          %mul3A_520 = vector.broadcast %mul3A_519 : f32 to vector<16xf32>
          %mul3A_521 = arith.mulf %gather3A_518, %mul3A_520 : vector<16xf32>
          tpu.vector_store_idx %arg7[%add3A_256, %add3A_517], %mul3A_521 : memref<128x128xf32, #tpu.memory_space<vmem>>[vector<16xi32>, vector<16xi32>], vector<16xf32>,
          %add3A_522 = arith.constant 32 : i32
          %add3A_523 = vector.broadcast %add3A_522 : i32 to vector<16xi32>
          %add3A_524 = arith.addi %and3A_41, %add3A_523 : vector<16xi32>
          %gather3A_525 = tpu.vector_load_idx %arg5[%add3A_524, %add3A_256] : memref<64x128xf32, #tpu.memory_space<vmem>>[vector<16xi32>, vector<16xi32>], vector<16xf32>,
          %mul3A_526 = arith.constant 8.000000e+00 : f32
          %mul3A_527 = vector.broadcast %mul3A_526 : f32 to vector<16xf32>
          %mul3A_528 = arith.mulf %gather3A_525, %mul3A_527 : vector<16xf32>
          tpu.vector_store_idx %arg7[%add3A_256, %add3A_524], %mul3A_528 : memref<128x128xf32, #tpu.memory_space<vmem>>[vector<16xi32>, vector<16xi32>], vector<16xf32>,
          %add3A_529 = arith.constant 32 : i32
          %add3A_530 = vector.broadcast %add3A_529 : i32 to vector<16xi32>
          %add3A_531 = arith.addi %and3A_47, %add3A_530 : vector<16xi32>
          %gather3A_532 = tpu.vector_load_idx %arg5[%add3A_531, %add3A_256] : memref<64x128xf32, #tpu.memory_space<vmem>>[vector<16xi32>, vector<16xi32>], vector<16xf32>,
          %mul3A_533 = arith.constant 8.000000e+00 : f32
          %mul3A_534 = vector.broadcast %mul3A_533 : f32 to vector<16xf32>
          %mul3A_535 = arith.mulf %gather3A_532, %mul3A_534 : vector<16xf32>
          tpu.vector_store_idx %arg7[%add3A_256, %add3A_531], %mul3A_535 : memref<128x128xf32, #tpu.memory_space<vmem>>[vector<16xi32>, vector<16xi32>], vector<16xf32>,
          %add3A_536 = arith.constant 32 : i32
          %add3A_537 = vector.broadcast %add3A_536 : i32 to vector<16xi32>
          %add3A_538 = arith.addi %and3A_53, %add3A_537 : vector<16xi32>
          %gather3A_539 = tpu.vector_load_idx %arg5[%add3A_538, %add3A_256] : memref<64x128xf32, #tpu.memory_space<vmem>>[vector<16xi32>, vector<16xi32>], vector<16xf32>,
          %mul3A_540 = arith.constant 8.000000e+00 : f32
          %mul3A_541 = vector.broadcast %mul3A_540 : f32 to vector<16xf32>
          %mul3A_542 = arith.mulf %gather3A_539, %mul3A_541 : vector<16xf32>
          tpu.vector_store_idx %arg7[%add3A_256, %add3A_538], %mul3A_542 : memref<128x128xf32, #tpu.memory_space<vmem>>[vector<16xi32>, vector<16xi32>], vector<16xf32>,
          %add3A_543 = arith.constant 32 : i32
          %add3A_544 = vector.broadcast %add3A_543 : i32 to vector<16xi32>
          %add3A_545 = arith.addi %and3A_59, %add3A_544 : vector<16xi32>
          %gather3A_546 = tpu.vector_load_idx %arg5[%add3A_545, %add3A_256] : memref<64x128xf32, #tpu.memory_space<vmem>>[vector<16xi32>, vector<16xi32>], vector<16xf32>,
          %mul3A_547 = arith.constant 8.000000e+00 : f32
          %mul3A_548 = vector.broadcast %mul3A_547 : f32 to vector<16xf32>
          %mul3A_549 = arith.mulf %gather3A_546, %mul3A_548 : vector<16xf32>
          tpu.vector_store_idx %arg7[%add3A_256, %add3A_545], %mul3A_549 : memref<128x128xf32, #tpu.memory_space<vmem>>[vector<16xi32>, vector<16xi32>], vector<16xf32>,
          %add3A_550 = arith.constant 32 : i32
          %add3A_551 = vector.broadcast %add3A_550 : i32 to vector<16xi32>
          %add3A_552 = arith.addi %and3A_65, %add3A_551 : vector<16xi32>
          %gather3A_553 = tpu.vector_load_idx %arg5[%add3A_552, %add3A_256] : memref<64x128xf32, #tpu.memory_space<vmem>>[vector<16xi32>, vector<16xi32>], vector<16xf32>,
          %mul3A_554 = arith.constant 8.000000e+00 : f32
          %mul3A_555 = vector.broadcast %mul3A_554 : f32 to vector<16xf32>
          %mul3A_556 = arith.mulf %gather3A_553, %mul3A_555 : vector<16xf32>
          tpu.vector_store_idx %arg7[%add3A_256, %add3A_552], %mul3A_556 : memref<128x128xf32, #tpu.memory_space<vmem>>[vector<16xi32>, vector<16xi32>], vector<16xf32>,
          %add3A_557 = arith.constant 32 : i32
          %add3A_558 = vector.broadcast %add3A_557 : i32 to vector<16xi32>
          %add3A_559 = arith.addi %and3A_71, %add3A_558 : vector<16xi32>
          %gather3A_560 = tpu.vector_load_idx %arg5[%add3A_559, %add3A_256] : memref<64x128xf32, #tpu.memory_space<vmem>>[vector<16xi32>, vector<16xi32>], vector<16xf32>,
          %mul3A_561 = arith.constant 8.000000e+00 : f32
          %mul3A_562 = vector.broadcast %mul3A_561 : f32 to vector<16xf32>
          %mul3A_563 = arith.mulf %gather3A_560, %mul3A_562 : vector<16xf32>
          tpu.vector_store_idx %arg7[%add3A_256, %add3A_559], %mul3A_563 : memref<128x128xf32, #tpu.memory_space<vmem>>[vector<16xi32>, vector<16xi32>], vector<16xf32>,
          %add3A_564 = arith.constant 32 : i32
          %add3A_565 = vector.broadcast %add3A_564 : i32 to vector<16xi32>
          %add3A_566 = arith.addi %and3A_77, %add3A_565 : vector<16xi32>
          %gather3A_567 = tpu.vector_load_idx %arg5[%add3A_566, %add3A_256] : memref<64x128xf32, #tpu.memory_space<vmem>>[vector<16xi32>, vector<16xi32>], vector<16xf32>,
          %mul3A_568 = arith.constant 8.000000e+00 : f32
          %mul3A_569 = vector.broadcast %mul3A_568 : f32 to vector<16xf32>
          %mul3A_570 = arith.mulf %gather3A_567, %mul3A_569 : vector<16xf32>
          tpu.vector_store_idx %arg7[%add3A_256, %add3A_566], %mul3A_570 : memref<128x128xf32, #tpu.memory_space<vmem>>[vector<16xi32>, vector<16xi32>], vector<16xf32>,
          %add3A_571 = arith.constant 32 : i32
          %add3A_572 = vector.broadcast %add3A_571 : i32 to vector<16xi32>
          %add3A_573 = arith.addi %and3A_83, %add3A_572 : vector<16xi32>
          %gather3A_574 = tpu.vector_load_idx %arg5[%add3A_573, %add3A_256] : memref<64x128xf32, #tpu.memory_space<vmem>>[vector<16xi32>, vector<16xi32>], vector<16xf32>,
          %mul3A_575 = arith.constant 8.000000e+00 : f32
          %mul3A_576 = vector.broadcast %mul3A_575 : f32 to vector<16xf32>
          %mul3A_577 = arith.mulf %gather3A_574, %mul3A_576 : vector<16xf32>
          tpu.vector_store_idx %arg7[%add3A_256, %add3A_573], %mul3A_577 : memref<128x128xf32, #tpu.memory_space<vmem>>[vector<16xi32>, vector<16xi32>], vector<16xf32>,
          %add3A_578 = arith.constant 32 : i32
          %add3A_579 = vector.broadcast %add3A_578 : i32 to vector<16xi32>
          %add3A_580 = arith.addi %and3A_89, %add3A_579 : vector<16xi32>
          %gather3A_581 = tpu.vector_load_idx %arg5[%add3A_580, %add3A_256] : memref<64x128xf32, #tpu.memory_space<vmem>>[vector<16xi32>, vector<16xi32>], vector<16xf32>,
          %mul3A_582 = arith.constant 8.000000e+00 : f32
          %mul3A_583 = vector.broadcast %mul3A_582 : f32 to vector<16xf32>
          %mul3A_584 = arith.mulf %gather3A_581, %mul3A_583 : vector<16xf32>
          tpu.vector_store_idx %arg7[%add3A_256, %add3A_580], %mul3A_584 : memref<128x128xf32, #tpu.memory_space<vmem>>[vector<16xi32>, vector<16xi32>], vector<16xf32>,
          %add3A_585 = arith.constant 32 : i32
          %add3A_586 = vector.broadcast %add3A_585 : i32 to vector<16xi32>
          %add3A_587 = arith.addi %and3A_95, %add3A_586 : vector<16xi32>
          %gather3A_588 = tpu.vector_load_idx %arg5[%add3A_587, %add3A_256] : memref<64x128xf32, #tpu.memory_space<vmem>>[vector<16xi32>, vector<16xi32>], vector<16xf32>,
          %mul3A_589 = arith.constant 8.000000e+00 : f32
          %mul3A_590 = vector.broadcast %mul3A_589 : f32 to vector<16xf32>
          %mul3A_591 = arith.mulf %gather3A_588, %mul3A_590 : vector<16xf32>
          tpu.vector_store_idx %arg7[%add3A_256, %add3A_587], %mul3A_591 : memref<128x128xf32, #tpu.memory_space<vmem>>[vector<16xi32>, vector<16xi32>], vector<16xf32>,
          %add3A_592 = arith.constant 48 : i32
          %add3A_593 = vector.broadcast %add3A_592 : i32 to vector<16xi32>
          %add3A_594 = arith.addi %and3A_5, %add3A_593 : vector<16xi32>
          %gather3A_595 = tpu.vector_load_idx %arg5[%add3A_594, %add3A_256] : memref<64x128xf32, #tpu.memory_space<vmem>>[vector<16xi32>, vector<16xi32>], vector<16xf32>,
          %mul3A_596 = arith.constant 8.000000e+00 : f32
          %mul3A_597 = vector.broadcast %mul3A_596 : f32 to vector<16xf32>
          %mul3A_598 = arith.mulf %gather3A_595, %mul3A_597 : vector<16xf32>
          tpu.vector_store_idx %arg7[%add3A_256, %add3A_594], %mul3A_598 : memref<128x128xf32, #tpu.memory_space<vmem>>[vector<16xi32>, vector<16xi32>], vector<16xf32>,
          %add3A_599 = arith.constant 48 : i32
          %add3A_600 = vector.broadcast %add3A_599 : i32 to vector<16xi32>
          %add3A_601 = arith.addi %and3A_11, %add3A_600 : vector<16xi32>
          %gather3A_602 = tpu.vector_load_idx %arg5[%add3A_601, %add3A_256] : memref<64x128xf32, #tpu.memory_space<vmem>>[vector<16xi32>, vector<16xi32>], vector<16xf32>,
          %mul3A_603 = arith.constant 8.000000e+00 : f32
          %mul3A_604 = vector.broadcast %mul3A_603 : f32 to vector<16xf32>
          %mul3A_605 = arith.mulf %gather3A_602, %mul3A_604 : vector<16xf32>
          tpu.vector_store_idx %arg7[%add3A_256, %add3A_601], %mul3A_605 : memref<128x128xf32, #tpu.memory_space<vmem>>[vector<16xi32>, vector<16xi32>], vector<16xf32>,
          %add3A_606 = arith.constant 48 : i32
          %add3A_607 = vector.broadcast %add3A_606 : i32 to vector<16xi32>
          %add3A_608 = arith.addi %and3A_17, %add3A_607 : vector<16xi32>
          %gather3A_609 = tpu.vector_load_idx %arg5[%add3A_608, %add3A_256] : memref<64x128xf32, #tpu.memory_space<vmem>>[vector<16xi32>, vector<16xi32>], vector<16xf32>,
          %mul3A_610 = arith.constant 8.000000e+00 : f32
          %mul3A_611 = vector.broadcast %mul3A_610 : f32 to vector<16xf32>
          %mul3A_612 = arith.mulf %gather3A_609, %mul3A_611 : vector<16xf32>
          tpu.vector_store_idx %arg7[%add3A_256, %add3A_608], %mul3A_612 : memref<128x128xf32, #tpu.memory_space<vmem>>[vector<16xi32>, vector<16xi32>], vector<16xf32>,
          %add3A_613 = arith.constant 48 : i32
          %add3A_614 = vector.broadcast %add3A_613 : i32 to vector<16xi32>
          %add3A_615 = arith.addi %and3A_23, %add3A_614 : vector<16xi32>
          %gather3A_616 = tpu.vector_load_idx %arg5[%add3A_615, %add3A_256] : memref<64x128xf32, #tpu.memory_space<vmem>>[vector<16xi32>, vector<16xi32>], vector<16xf32>,
          %mul3A_617 = arith.constant 8.000000e+00 : f32
          %mul3A_618 = vector.broadcast %mul3A_617 : f32 to vector<16xf32>
          %mul3A_619 = arith.mulf %gather3A_616, %mul3A_618 : vector<16xf32>
          tpu.vector_store_idx %arg7[%add3A_256, %add3A_615], %mul3A_619 : memref<128x128xf32, #tpu.memory_space<vmem>>[vector<16xi32>, vector<16xi32>], vector<16xf32>,
          %add3A_620 = arith.constant 48 : i32
          %add3A_621 = vector.broadcast %add3A_620 : i32 to vector<16xi32>
          %add3A_622 = arith.addi %and3A_29, %add3A_621 : vector<16xi32>
          %gather3A_623 = tpu.vector_load_idx %arg5[%add3A_622, %add3A_256] : memref<64x128xf32, #tpu.memory_space<vmem>>[vector<16xi32>, vector<16xi32>], vector<16xf32>,
          %mul3A_624 = arith.constant 8.000000e+00 : f32
          %mul3A_625 = vector.broadcast %mul3A_624 : f32 to vector<16xf32>
          %mul3A_626 = arith.mulf %gather3A_623, %mul3A_625 : vector<16xf32>
          tpu.vector_store_idx %arg7[%add3A_256, %add3A_622], %mul3A_626 : memref<128x128xf32, #tpu.memory_space<vmem>>[vector<16xi32>, vector<16xi32>], vector<16xf32>,
          %add3A_627 = arith.constant 48 : i32
          %add3A_628 = vector.broadcast %add3A_627 : i32 to vector<16xi32>
          %add3A_629 = arith.addi %and3A_35, %add3A_628 : vector<16xi32>
          %gather3A_630 = tpu.vector_load_idx %arg5[%add3A_629, %add3A_256] : memref<64x128xf32, #tpu.memory_space<vmem>>[vector<16xi32>, vector<16xi32>], vector<16xf32>,
          %mul3A_631 = arith.constant 8.000000e+00 : f32
          %mul3A_632 = vector.broadcast %mul3A_631 : f32 to vector<16xf32>
          %mul3A_633 = arith.mulf %gather3A_630, %mul3A_632 : vector<16xf32>
          tpu.vector_store_idx %arg7[%add3A_256, %add3A_629], %mul3A_633 : memref<128x128xf32, #tpu.memory_space<vmem>>[vector<16xi32>, vector<16xi32>], vector<16xf32>,
          %add3A_634 = arith.constant 48 : i32
          %add3A_635 = vector.broadcast %add3A_634 : i32 to vector<16xi32>
          %add3A_636 = arith.addi %and3A_41, %add3A_635 : vector<16xi32>
          %gather3A_637 = tpu.vector_load_idx %arg5[%add3A_636, %add3A_256] : memref<64x128xf32, #tpu.memory_space<vmem>>[vector<16xi32>, vector<16xi32>], vector<16xf32>,
          %mul3A_638 = arith.constant 8.000000e+00 : f32
          %mul3A_639 = vector.broadcast %mul3A_638 : f32 to vector<16xf32>
          %mul3A_640 = arith.mulf %gather3A_637, %mul3A_639 : vector<16xf32>
          tpu.vector_store_idx %arg7[%add3A_256, %add3A_636], %mul3A_640 : memref<128x128xf32, #tpu.memory_space<vmem>>[vector<16xi32>, vector<16xi32>], vector<16xf32>,
          %add3A_641 = arith.constant 48 : i32
          %add3A_642 = vector.broadcast %add3A_641 : i32 to vector<16xi32>
          %add3A_643 = arith.addi %and3A_47, %add3A_642 : vector<16xi32>
          %gather3A_644 = tpu.vector_load_idx %arg5[%add3A_643, %add3A_256] : memref<64x128xf32, #tpu.memory_space<vmem>>[vector<16xi32>, vector<16xi32>], vector<16xf32>,
          %mul3A_645 = arith.constant 8.000000e+00 : f32
          %mul3A_646 = vector.broadcast %mul3A_645 : f32 to vector<16xf32>
          %mul3A_647 = arith.mulf %gather3A_644, %mul3A_646 : vector<16xf32>
          tpu.vector_store_idx %arg7[%add3A_256, %add3A_643], %mul3A_647 : memref<128x128xf32, #tpu.memory_space<vmem>>[vector<16xi32>, vector<16xi32>], vector<16xf32>,
          %add3A_648 = arith.constant 48 : i32
          %add3A_649 = vector.broadcast %add3A_648 : i32 to vector<16xi32>
          %add3A_650 = arith.addi %and3A_53, %add3A_649 : vector<16xi32>
          %gather3A_651 = tpu.vector_load_idx %arg5[%add3A_650, %add3A_256] : memref<64x128xf32, #tpu.memory_space<vmem>>[vector<16xi32>, vector<16xi32>], vector<16xf32>,
          %mul3A_652 = arith.constant 8.000000e+00 : f32
          %mul3A_653 = vector.broadcast %mul3A_652 : f32 to vector<16xf32>
          %mul3A_654 = arith.mulf %gather3A_651, %mul3A_653 : vector<16xf32>
          tpu.vector_store_idx %arg7[%add3A_256, %add3A_650], %mul3A_654 : memref<128x128xf32, #tpu.memory_space<vmem>>[vector<16xi32>, vector<16xi32>], vector<16xf32>,
          %add3A_655 = arith.constant 48 : i32
          %add3A_656 = vector.broadcast %add3A_655 : i32 to vector<16xi32>
          %add3A_657 = arith.addi %and3A_59, %add3A_656 : vector<16xi32>
          %gather3A_658 = tpu.vector_load_idx %arg5[%add3A_657, %add3A_256] : memref<64x128xf32, #tpu.memory_space<vmem>>[vector<16xi32>, vector<16xi32>], vector<16xf32>,
          %mul3A_659 = arith.constant 8.000000e+00 : f32
          %mul3A_660 = vector.broadcast %mul3A_659 : f32 to vector<16xf32>
          %mul3A_661 = arith.mulf %gather3A_658, %mul3A_660 : vector<16xf32>
          tpu.vector_store_idx %arg7[%add3A_256, %add3A_657], %mul3A_661 : memref<128x128xf32, #tpu.memory_space<vmem>>[vector<16xi32>, vector<16xi32>], vector<16xf32>,
          %add3A_662 = arith.constant 48 : i32
          %add3A_663 = vector.broadcast %add3A_662 : i32 to vector<16xi32>
          %add3A_664 = arith.addi %and3A_65, %add3A_663 : vector<16xi32>
          %gather3A_665 = tpu.vector_load_idx %arg5[%add3A_664, %add3A_256] : memref<64x128xf32, #tpu.memory_space<vmem>>[vector<16xi32>, vector<16xi32>], vector<16xf32>,
          %mul3A_666 = arith.constant 8.000000e+00 : f32
          %mul3A_667 = vector.broadcast %mul3A_666 : f32 to vector<16xf32>
          %mul3A_668 = arith.mulf %gather3A_665, %mul3A_667 : vector<16xf32>
          tpu.vector_store_idx %arg7[%add3A_256, %add3A_664], %mul3A_668 : memref<128x128xf32, #tpu.memory_space<vmem>>[vector<16xi32>, vector<16xi32>], vector<16xf32>,
          %add3A_669 = arith.constant 48 : i32
          %add3A_670 = vector.broadcast %add3A_669 : i32 to vector<16xi32>
          %add3A_671 = arith.addi %and3A_71, %add3A_670 : vector<16xi32>
          %gather3A_672 = tpu.vector_load_idx %arg5[%add3A_671, %add3A_256] : memref<64x128xf32, #tpu.memory_space<vmem>>[vector<16xi32>, vector<16xi32>], vector<16xf32>,
          %mul3A_673 = arith.constant 8.000000e+00 : f32
          %mul3A_674 = vector.broadcast %mul3A_673 : f32 to vector<16xf32>
          %mul3A_675 = arith.mulf %gather3A_672, %mul3A_674 : vector<16xf32>
          tpu.vector_store_idx %arg7[%add3A_256, %add3A_671], %mul3A_675 : memref<128x128xf32, #tpu.memory_space<vmem>>[vector<16xi32>, vector<16xi32>], vector<16xf32>,
          %add3A_676 = arith.constant 48 : i32
          %add3A_677 = vector.broadcast %add3A_676 : i32 to vector<16xi32>
          %add3A_678 = arith.addi %and3A_77, %add3A_677 : vector<16xi32>
          %gather3A_679 = tpu.vector_load_idx %arg5[%add3A_678, %add3A_256] : memref<64x128xf32, #tpu.memory_space<vmem>>[vector<16xi32>, vector<16xi32>], vector<16xf32>,
          %mul3A_680 = arith.constant 8.000000e+00 : f32
          %mul3A_681 = vector.broadcast %mul3A_680 : f32 to vector<16xf32>
          %mul3A_682 = arith.mulf %gather3A_679, %mul3A_681 : vector<16xf32>
          tpu.vector_store_idx %arg7[%add3A_256, %add3A_678], %mul3A_682 : memref<128x128xf32, #tpu.memory_space<vmem>>[vector<16xi32>, vector<16xi32>], vector<16xf32>,
          %add3A_683 = arith.constant 48 : i32
          %add3A_684 = vector.broadcast %add3A_683 : i32 to vector<16xi32>
          %add3A_685 = arith.addi %and3A_83, %add3A_684 : vector<16xi32>
          %gather3A_686 = tpu.vector_load_idx %arg5[%add3A_685, %add3A_256] : memref<64x128xf32, #tpu.memory_space<vmem>>[vector<16xi32>, vector<16xi32>], vector<16xf32>,
          %mul3A_687 = arith.constant 8.000000e+00 : f32
          %mul3A_688 = vector.broadcast %mul3A_687 : f32 to vector<16xf32>
          %mul3A_689 = arith.mulf %gather3A_686, %mul3A_688 : vector<16xf32>
          tpu.vector_store_idx %arg7[%add3A_256, %add3A_685], %mul3A_689 : memref<128x128xf32, #tpu.memory_space<vmem>>[vector<16xi32>, vector<16xi32>], vector<16xf32>,
          %add3A_690 = arith.constant 48 : i32
          %add3A_691 = vector.broadcast %add3A_690 : i32 to vector<16xi32>
          %add3A_692 = arith.addi %and3A_89, %add3A_691 : vector<16xi32>
          %gather3A_693 = tpu.vector_load_idx %arg5[%add3A_692, %add3A_256] : memref<64x128xf32, #tpu.memory_space<vmem>>[vector<16xi32>, vector<16xi32>], vector<16xf32>,
          %mul3A_694 = arith.constant 8.000000e+00 : f32
          %mul3A_695 = vector.broadcast %mul3A_694 : f32 to vector<16xf32>
          %mul3A_696 = arith.mulf %gather3A_693, %mul3A_695 : vector<16xf32>
          tpu.vector_store_idx %arg7[%add3A_256, %add3A_692], %mul3A_696 : memref<128x128xf32, #tpu.memory_space<vmem>>[vector<16xi32>, vector<16xi32>], vector<16xf32>,
          %add3A_697 = arith.constant 48 : i32
          %add3A_698 = vector.broadcast %add3A_697 : i32 to vector<16xi32>
          %add3A_699 = arith.addi %and3A_95, %add3A_698 : vector<16xi32>
          %gather3A_700 = tpu.vector_load_idx %arg5[%add3A_699, %add3A_256] : memref<64x128xf32, #tpu.memory_space<vmem>>[vector<16xi32>, vector<16xi32>], vector<16xf32>,
          %mul3A_701 = arith.constant 8.000000e+00 : f32
          %mul3A_702 = vector.broadcast %mul3A_701 : f32 to vector<16xf32>
          %mul3A_703 = arith.mulf %gather3A_700, %mul3A_702 : vector<16xf32>
          tpu.vector_store_idx %arg7[%add3A_256, %add3A_699], %mul3A_703 : memref<128x128xf32, #tpu.memory_space<vmem>>[vector<16xi32>, vector<16xi32>], vector<16xf32>,
        }
        %scan3A_245 = arith.constant 8 : i32
        %mul3A_246 = arith.constant 128 : i32
        %mul3A_247 = arith.muli %add3A_228, %mul3A_246 : i32
        %dma_start3A_248 = arith.constant 0 : i32
        %dma_start3A_249 = tpu.memref_slice %arg3[%mul3A_247, %dma_start3A_248] : memref<1000000x128xf32, #tpu.memory_space<hbm>> -> memref<128x128xf32, #tpu.memory_space<hbm>>
        %dma_start3A_250 = arith.constant 0 : i32
        %dma_start3A_251 = tpu.memref_slice %arg3[%mul3A_247, %dma_start3A_250] : memref<1000000x128xf32, #tpu.memory_space<hbm>> -> memref<128x128xf32, #tpu.memory_space<hbm>>
        tpu.enqueue_dma source(%arg7 : memref<128x128xf32, #tpu.memory_space<vmem>>) target(%dma_start3A_251 : memref<128x128xf32, #tpu.memory_space<hbm>>) target_semaphore(%arg12 : memref<!tpu.dma_semaphore, #tpu.memory_space<semaphore_mem>>)
      } else {
      }
    }
    %gt3A = arith.constant 0 : i32
    %gt3A_161 = arith.cmpi sgt, %select_n3A, %gt3A : i32
    %convert_element_type3A = arith.extui %gt3A_161 : i1 to i32
    %cond3A = arith.constant 0 : i32
    %cond3A_162 = arith.cmpi ne, %convert_element_type3A, %cond3A : i32
    scf.if %cond3A_162 {
      %sub3A_172 = arith.constant 1 : i32
      %sub3A_173 = arith.subi %select_n3A, %sub3A_172 : i32
      %jit3A_174 = arith.constant 2 : i32
      %div3A_175 = arith.divsi %sub3A_173, %jit3A_174 : i32
      %sign3A_176 = arith.constant 0 : i32
      %sign3A_177 = arith.cmpi sgt, %sub3A_173, %sign3A_176 : i32
      %sign3A_178 = arith.extui %sign3A_177 : i1 to i32
      %sign3A_179 = arith.constant 0 : i32
      %sign3A_180 = arith.cmpi slt, %sub3A_173, %sign3A_179 : i32
      %sign3A_181 = arith.extui %sign3A_180 : i1 to i32
      %sign3A_182 = arith.subi %sign3A_178, %sign3A_181 : i32
      %sign3A_183 = arith.constant 0 : i32
      %sign3A_184 = arith.cmpi sgt, %jit3A_174, %sign3A_183 : i32
      %sign3A_185 = arith.extui %sign3A_184 : i1 to i32
      %sign3A_186 = arith.constant 0 : i32
      %sign3A_187 = arith.cmpi slt, %jit3A_174, %sign3A_186 : i32
      %sign3A_188 = arith.extui %sign3A_187 : i1 to i32
      %sign3A_189 = arith.subi %sign3A_185, %sign3A_188 : i32
      %ne3A_190 = arith.cmpi ne, %sign3A_182, %sign3A_189 : i32
      %rem3A_191 = arith.remsi %sub3A_173, %jit3A_174 : i32
      %ne3A_192 = arith.constant 0 : i32
      %ne3A_193 = arith.cmpi ne, %rem3A_191, %ne3A_192 : i32
      %and3A_194 = arith.andi %ne3A_190, %ne3A_193 : i1
      %sub3A_195 = arith.constant 1 : i32
      %sub3A_196 = arith.subi %div3A_175, %sub3A_195 : i32
      %select_n3A_197 = arith.select %and3A_194, %sub3A_196, %div3A_175 : i32
      %mul3A_198 = arith.constant 2 : i32
      %mul3A_199 = arith.muli %mul3A_198, %select_n3A_197 : i32
      %mul3A_200 = arith.constant 32 : i32
      %mul3A_201 = arith.muli %mul3A_199, %mul3A_200 : i32
      %add3A_202 = arith.addi %mul3A_201, %add3A : i32
      %mul3A_203 = arith.constant 128 : i32
      %mul3A_204 = arith.muli %add3A_202, %mul3A_203 : i32
      %dma_wait3A = arith.constant 0 : i32
      %dma_wait3A_205 = tpu.memref_slice %arg3[%mul3A_204, %dma_wait3A] : memref<1000000x128xf32, #tpu.memory_space<hbm>> -> memref<128x128xf32, #tpu.memory_space<hbm>>
      %dma_wait3A_206 = arith.constant 0 : i32
      %dma_wait3A_207 = tpu.memref_slice %arg3[%mul3A_204, %dma_wait3A_206] : memref<1000000x128xf32, #tpu.memory_space<hbm>> -> memref<128x128xf32, #tpu.memory_space<hbm>>
      tpu.wait_dma2 semaphore(%arg11 : memref<!tpu.dma_semaphore, #tpu.memory_space<semaphore_mem>>) src(%arg6 : memref<128x128xf32, #tpu.memory_space<vmem>>) dst(%dma_wait3A_207 : memref<128x128xf32, #tpu.memory_space<hbm>>)
    } else {
    }
    %gt3A_163 = arith.constant 1 : i32
    %gt3A_164 = arith.cmpi sgt, %select_n3A, %gt3A_163 : i32
    %convert_element_type3A_165 = arith.extui %gt3A_164 : i1 to i32
    %cond3A_166 = arith.constant 0 : i32
    %cond3A_167 = arith.cmpi ne, %convert_element_type3A_165, %cond3A_166 : i32
    scf.if %cond3A_167 {
      %jit3A_172 = arith.constant 2 : i32
      %div3A_173 = arith.divsi %select_n3A, %jit3A_172 : i32
      %sign3A_174 = arith.constant 0 : i32
      %sign3A_175 = arith.cmpi sgt, %select_n3A, %sign3A_174 : i32
      %sign3A_176 = arith.extui %sign3A_175 : i1 to i32
      %sign3A_177 = arith.constant 0 : i32
      %sign3A_178 = arith.cmpi slt, %select_n3A, %sign3A_177 : i32
      %sign3A_179 = arith.extui %sign3A_178 : i1 to i32
      %sign3A_180 = arith.subi %sign3A_176, %sign3A_179 : i32
      %sign3A_181 = arith.constant 0 : i32
      %sign3A_182 = arith.cmpi sgt, %jit3A_172, %sign3A_181 : i32
      %sign3A_183 = arith.extui %sign3A_182 : i1 to i32
      %sign3A_184 = arith.constant 0 : i32
      %sign3A_185 = arith.cmpi slt, %jit3A_172, %sign3A_184 : i32
      %sign3A_186 = arith.extui %sign3A_185 : i1 to i32
      %sign3A_187 = arith.subi %sign3A_183, %sign3A_186 : i32
      %ne3A_188 = arith.cmpi ne, %sign3A_180, %sign3A_187 : i32
      %rem3A_189 = arith.remsi %select_n3A, %jit3A_172 : i32
      %ne3A_190 = arith.constant 0 : i32
      %ne3A_191 = arith.cmpi ne, %rem3A_189, %ne3A_190 : i32
      %and3A_192 = arith.andi %ne3A_188, %ne3A_191 : i1
      %sub3A_193 = arith.constant 1 : i32
      %sub3A_194 = arith.subi %div3A_173, %sub3A_193 : i32
      %select_n3A_195 = arith.select %and3A_192, %sub3A_194, %div3A_173 : i32
      %mul3A_196 = arith.constant 2 : i32
      %mul3A_197 = arith.muli %mul3A_196, %select_n3A_195 : i32
      %sub3A_198 = arith.constant 1 : i32
      %sub3A_199 = arith.subi %mul3A_197, %sub3A_198 : i32
      %mul3A_200 = arith.constant 32 : i32
      %mul3A_201 = arith.muli %sub3A_199, %mul3A_200 : i32
      %add3A_202 = arith.addi %mul3A_201, %add3A : i32
      %mul3A_203 = arith.constant 128 : i32
      %mul3A_204 = arith.muli %add3A_202, %mul3A_203 : i32
      %dma_wait3A = arith.constant 0 : i32
      %dma_wait3A_205 = tpu.memref_slice %arg3[%mul3A_204, %dma_wait3A] : memref<1000000x128xf32, #tpu.memory_space<hbm>> -> memref<128x128xf32, #tpu.memory_space<hbm>>
      %dma_wait3A_206 = arith.constant 0 : i32
      %dma_wait3A_207 = tpu.memref_slice %arg3[%mul3A_204, %dma_wait3A_206] : memref<1000000x128xf32, #tpu.memory_space<hbm>> -> memref<128x128xf32, #tpu.memory_space<hbm>>
      tpu.wait_dma2 semaphore(%arg12 : memref<!tpu.dma_semaphore, #tpu.memory_space<semaphore_mem>>) src(%arg7 : memref<128x128xf32, #tpu.memory_space<vmem>>) dst(%dma_wait3A_207 : memref<128x128xf32, #tpu.memory_space<hbm>>)
    } else {
    }
    %eq3A = arith.constant 0 : i32
    %eq3A_168 = arith.cmpi eq, %add3A, %eq3A : i32
    %convert_element_type3A_169 = arith.extui %eq3A_168 : i1 to i32
    %cond3A_170 = arith.constant 0 : i32
    %cond3A_171 = arith.cmpi ne, %convert_element_type3A_169, %cond3A_170 : i32
    scf.if %cond3A_171 {
      "tpu.region"() ({
        %run_scoped3A = tpu.sem_alloc : memref<!tpu.dma_semaphore, #tpu.memory_space<semaphore_mem>>
        %dma_start3A_177 = arith.constant 0 : i32
        %dma_start3A_178 = arith.constant 999936 : i32
        %dma_start3A_179 = tpu.memref_slice %arg2[%dma_start3A_177, %dma_start3A_178] : memref<64x1000000xf32, #tpu.memory_space<hbm>> -> memref<64x64xf32, #tpu.memory_space<hbm>>
        %dma_start3A_180 = arith.constant 0 : i32
        %dma_start3A_181 = arith.constant 999936 : i32
        %dma_start3A_182 = tpu.memref_slice %arg2[%dma_start3A_180, %dma_start3A_181] : memref<64x1000000xf32, #tpu.memory_space<hbm>> -> memref<64x64xf32, #tpu.memory_space<hbm>>
        tpu.enqueue_dma source(%dma_start3A_182 : memref<64x64xf32, #tpu.memory_space<hbm>>) target(%arg8 : memref<64x64xf32, #tpu.memory_space<vmem>>) target_semaphore(%run_scoped3A : memref<!tpu.dma_semaphore, #tpu.memory_space<semaphore_mem>>)
        %dma_wait3A = arith.constant 0 : i32
        %dma_wait3A_183 = arith.constant 999936 : i32
        %dma_wait3A_184 = tpu.memref_slice %arg2[%dma_wait3A, %dma_wait3A_183] : memref<64x1000000xf32, #tpu.memory_space<hbm>> -> memref<64x64xf32, #tpu.memory_space<hbm>>
        %dma_wait3A_185 = arith.constant 0 : i32
        %dma_wait3A_186 = arith.constant 999936 : i32
        %dma_wait3A_187 = tpu.memref_slice %arg2[%dma_wait3A_185, %dma_wait3A_186] : memref<64x1000000xf32, #tpu.memory_space<hbm>> -> memref<64x64xf32, #tpu.memory_space<hbm>>
        tpu.wait_dma2 semaphore(%run_scoped3A : memref<!tpu.dma_semaphore, #tpu.memory_space<semaphore_mem>>) src(%dma_wait3A_187 : memref<64x64xf32, #tpu.memory_space<hbm>>) dst(%arg8 : memref<64x64xf32, #tpu.memory_space<vmem>>)
        tpu.yield
      }) : () -> ()
      %scan3A = arith.constant 0 : i32
      %scan3A_172 = arith.constant 0 : i32
      %scan3A_173 = arith.constant 64 : i32
      %scan3A_174 = arith.addi %scan3A_172, %scan3A_173 : i32
      %scan3A_175 = arith.constant 1 : i32
      scf.for %scan3A_177 = %scan3A_172 to %scan3A_174 step %scan3A_175  : i32 {
        %add3A_178 = arith.constant 0 : i32
        %add3A_179 = vector.broadcast %add3A_178 : i32 to vector<16xi32>
        %add3A_180 = arith.addi %iota3A, %add3A_179 : vector<16xi32>
        %broadcast_in_dim3A = vector.broadcast %scan3A_177 : i32 to vector<16xi32>
        %gather3A = tpu.vector_load_idx %arg8[%add3A_180, %broadcast_in_dim3A] : memref<64x64xf32, #tpu.memory_space<vmem>>[vector<16xi32>, vector<16xi32>], vector<16xf32>,
        %mul3A_181 = arith.constant 8.000000e+00 : f32
        %mul3A_182 = vector.broadcast %mul3A_181 : f32 to vector<16xf32>
        %mul3A_183 = arith.mulf %gather3A, %mul3A_182 : vector<16xf32>
        %swap3A = arith.index_cast %scan3A_177 : i32 to index
        %swap3A_184 = arith.constant 0 : index
        %swap3A_185 = tpu.vector_load %arg6[%swap3A, %swap3A_184] {strides = array<i32>} : memref<128x128xf32, #tpu.memory_space<vmem>>, vector<16xf32>,
        tpu.vector_store %arg6[%swap3A, %swap3A_184], %mul3A_183 {strides = array<i32>} : memref<128x128xf32, #tpu.memory_space<vmem>>, vector<16xf32>,
        %add3A_186 = arith.constant 16 : i32
        %add3A_187 = vector.broadcast %add3A_186 : i32 to vector<16xi32>
        %add3A_188 = arith.addi %iota3A, %add3A_187 : vector<16xi32>
        %broadcast_in_dim3A_189 = vector.broadcast %scan3A_177 : i32 to vector<16xi32>
        %gather3A_190 = tpu.vector_load_idx %arg8[%add3A_188, %broadcast_in_dim3A_189] : memref<64x64xf32, #tpu.memory_space<vmem>>[vector<16xi32>, vector<16xi32>], vector<16xf32>,
        %mul3A_191 = arith.constant 8.000000e+00 : f32
        %mul3A_192 = vector.broadcast %mul3A_191 : f32 to vector<16xf32>
        %mul3A_193 = arith.mulf %gather3A_190, %mul3A_192 : vector<16xf32>
        %swap3A_194 = arith.index_cast %scan3A_177 : i32 to index
        %swap3A_195 = arith.constant 16 : index
        %swap3A_196 = tpu.vector_load %arg6[%swap3A_194, %swap3A_195] {strides = array<i32>} : memref<128x128xf32, #tpu.memory_space<vmem>>, vector<16xf32>,
        tpu.vector_store %arg6[%swap3A_194, %swap3A_195], %mul3A_193 {strides = array<i32>} : memref<128x128xf32, #tpu.memory_space<vmem>>, vector<16xf32>,
        %add3A_197 = arith.constant 32 : i32
        %add3A_198 = vector.broadcast %add3A_197 : i32 to vector<16xi32>
        %add3A_199 = arith.addi %iota3A, %add3A_198 : vector<16xi32>
        %broadcast_in_dim3A_200 = vector.broadcast %scan3A_177 : i32 to vector<16xi32>
        %gather3A_201 = tpu.vector_load_idx %arg8[%add3A_199, %broadcast_in_dim3A_200] : memref<64x64xf32, #tpu.memory_space<vmem>>[vector<16xi32>, vector<16xi32>], vector<16xf32>,
        %mul3A_202 = arith.constant 8.000000e+00 : f32
        %mul3A_203 = vector.broadcast %mul3A_202 : f32 to vector<16xf32>
        %mul3A_204 = arith.mulf %gather3A_201, %mul3A_203 : vector<16xf32>
        %swap3A_205 = arith.index_cast %scan3A_177 : i32 to index
        %swap3A_206 = arith.constant 32 : index
        %swap3A_207 = tpu.vector_load %arg6[%swap3A_205, %swap3A_206] {strides = array<i32>} : memref<128x128xf32, #tpu.memory_space<vmem>>, vector<16xf32>,
        tpu.vector_store %arg6[%swap3A_205, %swap3A_206], %mul3A_204 {strides = array<i32>} : memref<128x128xf32, #tpu.memory_space<vmem>>, vector<16xf32>,
        %add3A_208 = arith.constant 48 : i32
        %add3A_209 = vector.broadcast %add3A_208 : i32 to vector<16xi32>
        %add3A_210 = arith.addi %iota3A, %add3A_209 : vector<16xi32>
        %broadcast_in_dim3A_211 = vector.broadcast %scan3A_177 : i32 to vector<16xi32>
        %gather3A_212 = tpu.vector_load_idx %arg8[%add3A_210, %broadcast_in_dim3A_211] : memref<64x64xf32, #tpu.memory_space<vmem>>[vector<16xi32>, vector<16xi32>], vector<16xf32>,
        %mul3A_213 = arith.constant 8.000000e+00 : f32
        %mul3A_214 = vector.broadcast %mul3A_213 : f32 to vector<16xf32>
        %mul3A_215 = arith.mulf %gather3A_212, %mul3A_214 : vector<16xf32>
        %swap3A_216 = arith.index_cast %scan3A_177 : i32 to index
        %swap3A_217 = arith.constant 48 : index
        %swap3A_218 = tpu.vector_load %arg6[%swap3A_216, %swap3A_217] {strides = array<i32>} : memref<128x128xf32, #tpu.memory_space<vmem>>, vector<16xf32>,
        tpu.vector_store %arg6[%swap3A_216, %swap3A_217], %mul3A_215 {strides = array<i32>} : memref<128x128xf32, #tpu.memory_space<vmem>>, vector<16xf32>,
      }
      %scan3A_176 = arith.constant 64 : i32
      "tpu.region"() ({
        %run_scoped3A = tpu.sem_alloc : memref<!tpu.dma_semaphore, #tpu.memory_space<semaphore_mem>>
        %dma_start3A_177 = arith.constant 0 : i32
        %dma_start3A_178 = arith.constant 0 : i32
        %dma_start3A_179 = tpu.memref_slice %arg6[%dma_start3A_177, %dma_start3A_178] : memref<128x128xf32, #tpu.memory_space<vmem>> -> memref<64x128xf32, #tpu.memory_space<vmem>>
        %dma_start3A_180 = arith.constant 999936 : i32
        %dma_start3A_181 = arith.constant 0 : i32
        %dma_start3A_182 = tpu.memref_slice %arg3[%dma_start3A_180, %dma_start3A_181] : memref<1000000x128xf32, #tpu.memory_space<hbm>> -> memref<64x128xf32, #tpu.memory_space<hbm>>
        %dma_start3A_183 = arith.constant 999936 : i32
        %dma_start3A_184 = arith.constant 0 : i32
        %dma_start3A_185 = tpu.memref_slice %arg3[%dma_start3A_183, %dma_start3A_184] : memref<1000000x128xf32, #tpu.memory_space<hbm>> -> memref<64x128xf32, #tpu.memory_space<hbm>>
        %dma_start3A_186 = arith.constant 0 : i32
        %dma_start3A_187 = arith.constant 0 : i32
        %dma_start3A_188 = tpu.memref_slice %arg6[%dma_start3A_186, %dma_start3A_187] : memref<128x128xf32, #tpu.memory_space<vmem>> -> memref<64x128xf32, #tpu.memory_space<vmem>>
        tpu.enqueue_dma source(%dma_start3A_188 : memref<64x128xf32, #tpu.memory_space<vmem>>) target(%dma_start3A_185 : memref<64x128xf32, #tpu.memory_space<hbm>>) target_semaphore(%run_scoped3A : memref<!tpu.dma_semaphore, #tpu.memory_space<semaphore_mem>>)
        %dma_wait3A = arith.constant 0 : i32
        %dma_wait3A_189 = arith.constant 0 : i32
        %dma_wait3A_190 = tpu.memref_slice %arg6[%dma_wait3A, %dma_wait3A_189] : memref<128x128xf32, #tpu.memory_space<vmem>> -> memref<64x128xf32, #tpu.memory_space<vmem>>
        %dma_wait3A_191 = arith.constant 999936 : i32
        %dma_wait3A_192 = arith.constant 0 : i32
        %dma_wait3A_193 = tpu.memref_slice %arg3[%dma_wait3A_191, %dma_wait3A_192] : memref<1000000x128xf32, #tpu.memory_space<hbm>> -> memref<64x128xf32, #tpu.memory_space<hbm>>
        %dma_wait3A_194 = arith.constant 999936 : i32
        %dma_wait3A_195 = arith.constant 0 : i32
        %dma_wait3A_196 = tpu.memref_slice %arg3[%dma_wait3A_194, %dma_wait3A_195] : memref<1000000x128xf32, #tpu.memory_space<hbm>> -> memref<64x128xf32, #tpu.memory_space<hbm>>
        %dma_wait3A_197 = arith.constant 0 : i32
        %dma_wait3A_198 = arith.constant 0 : i32
        %dma_wait3A_199 = tpu.memref_slice %arg6[%dma_wait3A_197, %dma_wait3A_198] : memref<128x128xf32, #tpu.memory_space<vmem>> -> memref<64x128xf32, #tpu.memory_space<vmem>>
        tpu.wait_dma2 semaphore(%run_scoped3A : memref<!tpu.dma_semaphore, #tpu.memory_space<semaphore_mem>>) src(%dma_wait3A_199 : memref<64x128xf32, #tpu.memory_space<vmem>>) dst(%dma_wait3A_196 : memref<64x128xf32, #tpu.memory_space<hbm>>)
        tpu.yield
      }) : () -> ()
    } else {
    }
    return
  }
}

#map = affine_map<(d0, d1) -> (0)>
#map1 = affine_map<(d0, d1) -> (0, 0)>
module attributes {stable_mosaic.version = 14 : i64} {
  func.func @lookup(%arg0: i32, %arg1: i32, %arg2: memref<819200xi32, #tpu.memory_space<hbm>>, %arg3: memref<1000000x128xf32, #tpu.memory_space<hbm>>, %arg4: memref<819200x64xf32, #tpu.memory_space<hbm>>, %arg5: memref<128xi32, #tpu.memory_space<vmem>>, %arg6: memref<128xi32, #tpu.memory_space<vmem>>, %arg7: memref<128x128xf32, #tpu.memory_space<vmem>>, %arg8: memref<128x128xf32, #tpu.memory_space<vmem>>, %arg9: memref<128x64xf32, #tpu.memory_space<vmem>>, %arg10: memref<128x64xf32, #tpu.memory_space<vmem>>, %arg11: memref<!tpu.dma_semaphore, #tpu.memory_space<semaphore_mem>>, %arg12: memref<!tpu.dma_semaphore, #tpu.memory_space<semaphore_mem>>, %arg13: memref<!tpu.dma_semaphore, #tpu.memory_space<semaphore_mem>>, %arg14: memref<!tpu.dma_semaphore, #tpu.memory_space<semaphore_mem>>) attributes {dimension_semantics = [#tpu.dimension_semantics<core_parallel>, #tpu.dimension_semantics<subcore_parallel>], iteration_bounds = array<i64: 2, 16>, scalar_prefetch = 0 : i64, scratch_operands = 10 : i64, tpu.core_type = #tpu.core_type<sc_vector_subcore>, window_params = [{transform_indices = #map}, {transform_indices = #map1}, {transform_indices = #map1}]} {
    %mul3A = arith.constant 2 : i32
    %mul3A_0 = arith.muli %arg1, %mul3A : i32
    %add3A = arith.addi %mul3A_0, %arg0 : i32
    %mul3A_1 = arith.constant 25600 : i32
    %mul3A_2 = arith.muli %add3A, %mul3A_1 : i32
    %add3A_3 = arith.constant 0 : i32
    %add3A_4 = arith.addi %mul3A_2, %add3A_3 : i32
    "tpu.region"() ({
      %run_scoped3A = tpu.sem_alloc : memref<!tpu.dma_semaphore, #tpu.memory_space<semaphore_mem>>
      %dma_start3A_23 = tpu.memref_slice %arg2[%add3A_4] : memref<819200xi32, #tpu.memory_space<hbm>> -> memref<128xi32, #tpu.memory_space<hbm>>
      %dma_start3A_24 = tpu.memref_slice %arg2[%add3A_4] : memref<819200xi32, #tpu.memory_space<hbm>> -> memref<128xi32, #tpu.memory_space<hbm>>
      tpu.enqueue_dma source(%dma_start3A_24 : memref<128xi32, #tpu.memory_space<hbm>>) target(%arg5 : memref<128xi32, #tpu.memory_space<vmem>>) target_semaphore(%run_scoped3A : memref<!tpu.dma_semaphore, #tpu.memory_space<semaphore_mem>>)
      %dma_wait3A_25 = tpu.memref_slice %arg2[%add3A_4] : memref<819200xi32, #tpu.memory_space<hbm>> -> memref<128xi32, #tpu.memory_space<hbm>>
      %dma_wait3A_26 = tpu.memref_slice %arg2[%add3A_4] : memref<819200xi32, #tpu.memory_space<hbm>> -> memref<128xi32, #tpu.memory_space<hbm>>
      tpu.wait_dma2 semaphore(%run_scoped3A : memref<!tpu.dma_semaphore, #tpu.memory_space<semaphore_mem>>) src(%dma_wait3A_26 : memref<128xi32, #tpu.memory_space<hbm>>) dst(%arg5 : memref<128xi32, #tpu.memory_space<vmem>>)
      tpu.yield
    }) : () -> ()
    %dma_start3A = arith.constant 0 : i32
    %dma_start3A_5 = arith.constant 0 : i32
    %dma_start3A_6 = tpu.memref_slice %arg3[%dma_start3A, %dma_start3A_5] : memref<1000000x128xf32, #tpu.memory_space<hbm>> -> memref<1000000x128xf32, #tpu.memory_space<hbm>>
    tpu.enqueue_indirect_dma source(%dma_start3A_6 : memref<1000000x128xf32, #tpu.memory_space<hbm>>) target(%arg7 : memref<128x128xf32, #tpu.memory_space<vmem>>) offsets(%arg5 : memref<128xi32, #tpu.memory_space<vmem>>) semaphore(%arg11 : memref<!tpu.dma_semaphore, #tpu.memory_space<semaphore_mem>>)
    %scan3A = arith.constant 0 : i32
    %scan3A_7 = arith.constant 0 : i32
    %scan3A_8 = arith.constant 100 : i32
    %scan3A_9 = arith.addi %scan3A_7, %scan3A_8 : i32
    %scan3A_10 = arith.constant 1 : i32
    scf.for %scan3A_23 = %scan3A_7 to %scan3A_9 step %scan3A_10  : i32 {
      %mul3A_24 = arith.constant 2 : i32
      %mul3A_25 = arith.muli %mul3A_24, %scan3A_23 : i32
      %add3A_26 = arith.constant 1 : i32
      %add3A_27 = arith.addi %mul3A_25, %add3A_26 : i32
      %mul3A_28 = arith.constant 128 : i32
      %mul3A_29 = arith.muli %add3A_27, %mul3A_28 : i32
      %add3A_30 = arith.addi %mul3A_2, %mul3A_29 : i32
      "tpu.region"() ({
        %run_scoped3A = tpu.sem_alloc : memref<!tpu.dma_semaphore, #tpu.memory_space<semaphore_mem>>
        %dma_start3A_77 = tpu.memref_slice %arg2[%add3A_30] : memref<819200xi32, #tpu.memory_space<hbm>> -> memref<128xi32, #tpu.memory_space<hbm>>
        %dma_start3A_78 = tpu.memref_slice %arg2[%add3A_30] : memref<819200xi32, #tpu.memory_space<hbm>> -> memref<128xi32, #tpu.memory_space<hbm>>
        tpu.enqueue_dma source(%dma_start3A_78 : memref<128xi32, #tpu.memory_space<hbm>>) target(%arg6 : memref<128xi32, #tpu.memory_space<vmem>>) target_semaphore(%run_scoped3A : memref<!tpu.dma_semaphore, #tpu.memory_space<semaphore_mem>>)
        %dma_wait3A_79 = tpu.memref_slice %arg2[%add3A_30] : memref<819200xi32, #tpu.memory_space<hbm>> -> memref<128xi32, #tpu.memory_space<hbm>>
        %dma_wait3A_80 = tpu.memref_slice %arg2[%add3A_30] : memref<819200xi32, #tpu.memory_space<hbm>> -> memref<128xi32, #tpu.memory_space<hbm>>
        tpu.wait_dma2 semaphore(%run_scoped3A : memref<!tpu.dma_semaphore, #tpu.memory_space<semaphore_mem>>) src(%dma_wait3A_80 : memref<128xi32, #tpu.memory_space<hbm>>) dst(%arg6 : memref<128xi32, #tpu.memory_space<vmem>>)
        tpu.yield
      }) : () -> ()
      %dma_start3A_31 = arith.constant 0 : i32
      %dma_start3A_32 = arith.constant 0 : i32
      %dma_start3A_33 = tpu.memref_slice %arg3[%dma_start3A_31, %dma_start3A_32] : memref<1000000x128xf32, #tpu.memory_space<hbm>> -> memref<1000000x128xf32, #tpu.memory_space<hbm>>
      tpu.enqueue_indirect_dma source(%dma_start3A_33 : memref<1000000x128xf32, #tpu.memory_space<hbm>>) target(%arg8 : memref<128x128xf32, #tpu.memory_space<vmem>>) offsets(%arg6 : memref<128xi32, #tpu.memory_space<vmem>>) semaphore(%arg12 : memref<!tpu.dma_semaphore, #tpu.memory_space<semaphore_mem>>)
      %dma_wait3A_34 = arith.constant 0 : i32
      %dma_wait3A_35 = arith.constant 0 : i32
      %dma_wait3A_36 = tpu.memref_slice %arg3[%dma_wait3A_34, %dma_wait3A_35] : memref<1000000x128xf32, #tpu.memory_space<hbm>> -> memref<1000000x128xf32, #tpu.memory_space<hbm>>
      tpu.wait_indirect_dma semaphore(%arg11 : memref<!tpu.dma_semaphore, #tpu.memory_space<semaphore_mem>>) src(%dma_wait3A_36 : memref<1000000x128xf32, #tpu.memory_space<hbm>>) dst(%arg7 : memref<128x128xf32, #tpu.memory_space<vmem>>)
      %gt3A = arith.constant 0 : i32
      %gt3A_37 = arith.cmpi sgt, %scan3A_23, %gt3A : i32
      %convert_element_type3A = arith.extui %gt3A_37 : i1 to i32
      %cond3A = arith.constant 0 : i32
      %cond3A_38 = arith.cmpi ne, %convert_element_type3A, %cond3A : i32
      scf.if %cond3A_38 {
        %sub3A = arith.constant 2 : i32
        %sub3A_77 = arith.subi %mul3A_25, %sub3A : i32
        %mul3A_78 = arith.constant 128 : i32
        %mul3A_79 = arith.muli %sub3A_77, %mul3A_78 : i32
        %add3A_80 = arith.addi %mul3A_2, %mul3A_79 : i32
        %dma_wait3A_81 = arith.constant 0 : i32
        %dma_wait3A_82 = tpu.memref_slice %arg4[%add3A_80, %dma_wait3A_81] : memref<819200x64xf32, #tpu.memory_space<hbm>> -> memref<128x64xf32, #tpu.memory_space<hbm>>
        %dma_wait3A_83 = arith.constant 0 : i32
        %dma_wait3A_84 = tpu.memref_slice %arg4[%add3A_80, %dma_wait3A_83] : memref<819200x64xf32, #tpu.memory_space<hbm>> -> memref<128x64xf32, #tpu.memory_space<hbm>>
        tpu.wait_dma2 semaphore(%arg13 : memref<!tpu.dma_semaphore, #tpu.memory_space<semaphore_mem>>) src(%arg9 : memref<128x64xf32, #tpu.memory_space<vmem>>) dst(%dma_wait3A_84 : memref<128x64xf32, #tpu.memory_space<hbm>>)
      } else {
      }
      %scan3A_39 = arith.constant 0 : i32
      %scan3A_40 = arith.constant 0 : i32
      %scan3A_41 = arith.constant 128 : i32
      %scan3A_42 = arith.addi %scan3A_40, %scan3A_41 : i32
      %scan3A_43 = arith.constant 4 : i32
      scf.for %scan3A_77 = %scan3A_40 to %scan3A_42 step %scan3A_43  : i32 {
        %get3A = arith.index_cast %scan3A_77 : i32 to index
        %get3A_78 = arith.constant 0 : index
        %get3A_79 = tpu.vector_load %arg7[%get3A, %get3A_78] {strides = array<i32>} : memref<128x128xf32, #tpu.memory_space<vmem>>, vector<16xf32>,
        %swap3A = arith.index_cast %scan3A_77 : i32 to index
        %swap3A_80 = arith.constant 0 : index
        %swap3A_81 = tpu.vector_load %arg9[%swap3A, %swap3A_80] {strides = array<i32>} : memref<128x64xf32, #tpu.memory_space<vmem>>, vector<16xf32>,
        tpu.vector_store %arg9[%swap3A, %swap3A_80], %get3A_79 {strides = array<i32>} : memref<128x64xf32, #tpu.memory_space<vmem>>, vector<16xf32>,
        %get3A_82 = arith.index_cast %scan3A_77 : i32 to index
        %get3A_83 = arith.constant 16 : index
        %get3A_84 = tpu.vector_load %arg7[%get3A_82, %get3A_83] {strides = array<i32>} : memref<128x128xf32, #tpu.memory_space<vmem>>, vector<16xf32>,
        %swap3A_85 = arith.index_cast %scan3A_77 : i32 to index
        %swap3A_86 = arith.constant 16 : index
        %swap3A_87 = tpu.vector_load %arg9[%swap3A_85, %swap3A_86] {strides = array<i32>} : memref<128x64xf32, #tpu.memory_space<vmem>>, vector<16xf32>,
        tpu.vector_store %arg9[%swap3A_85, %swap3A_86], %get3A_84 {strides = array<i32>} : memref<128x64xf32, #tpu.memory_space<vmem>>, vector<16xf32>,
        %get3A_88 = arith.index_cast %scan3A_77 : i32 to index
        %get3A_89 = arith.constant 32 : index
        %get3A_90 = tpu.vector_load %arg7[%get3A_88, %get3A_89] {strides = array<i32>} : memref<128x128xf32, #tpu.memory_space<vmem>>, vector<16xf32>,
        %swap3A_91 = arith.index_cast %scan3A_77 : i32 to index
        %swap3A_92 = arith.constant 32 : index
        %swap3A_93 = tpu.vector_load %arg9[%swap3A_91, %swap3A_92] {strides = array<i32>} : memref<128x64xf32, #tpu.memory_space<vmem>>, vector<16xf32>,
        tpu.vector_store %arg9[%swap3A_91, %swap3A_92], %get3A_90 {strides = array<i32>} : memref<128x64xf32, #tpu.memory_space<vmem>>, vector<16xf32>,
        %get3A_94 = arith.index_cast %scan3A_77 : i32 to index
        %get3A_95 = arith.constant 48 : index
        %get3A_96 = tpu.vector_load %arg7[%get3A_94, %get3A_95] {strides = array<i32>} : memref<128x128xf32, #tpu.memory_space<vmem>>, vector<16xf32>,
        %swap3A_97 = arith.index_cast %scan3A_77 : i32 to index
        %swap3A_98 = arith.constant 48 : index
        %swap3A_99 = tpu.vector_load %arg9[%swap3A_97, %swap3A_98] {strides = array<i32>} : memref<128x64xf32, #tpu.memory_space<vmem>>, vector<16xf32>,
        tpu.vector_store %arg9[%swap3A_97, %swap3A_98], %get3A_96 {strides = array<i32>} : memref<128x64xf32, #tpu.memory_space<vmem>>, vector<16xf32>,
        %scan3A_100 = arith.constant 1 : i32
        %scan3A_101 = arith.addi %scan3A_77, %scan3A_100 : i32
        %get3A_102 = arith.index_cast %scan3A_101 : i32 to index
        %get3A_103 = arith.constant 0 : index
        %get3A_104 = tpu.vector_load %arg7[%get3A_102, %get3A_103] {strides = array<i32>} : memref<128x128xf32, #tpu.memory_space<vmem>>, vector<16xf32>,
        %swap3A_105 = arith.index_cast %scan3A_101 : i32 to index
        %swap3A_106 = arith.constant 0 : index
        %swap3A_107 = tpu.vector_load %arg9[%swap3A_105, %swap3A_106] {strides = array<i32>} : memref<128x64xf32, #tpu.memory_space<vmem>>, vector<16xf32>,
        tpu.vector_store %arg9[%swap3A_105, %swap3A_106], %get3A_104 {strides = array<i32>} : memref<128x64xf32, #tpu.memory_space<vmem>>, vector<16xf32>,
        %get3A_108 = arith.index_cast %scan3A_101 : i32 to index
        %get3A_109 = arith.constant 16 : index
        %get3A_110 = tpu.vector_load %arg7[%get3A_108, %get3A_109] {strides = array<i32>} : memref<128x128xf32, #tpu.memory_space<vmem>>, vector<16xf32>,
        %swap3A_111 = arith.index_cast %scan3A_101 : i32 to index
        %swap3A_112 = arith.constant 16 : index
        %swap3A_113 = tpu.vector_load %arg9[%swap3A_111, %swap3A_112] {strides = array<i32>} : memref<128x64xf32, #tpu.memory_space<vmem>>, vector<16xf32>,
        tpu.vector_store %arg9[%swap3A_111, %swap3A_112], %get3A_110 {strides = array<i32>} : memref<128x64xf32, #tpu.memory_space<vmem>>, vector<16xf32>,
        %get3A_114 = arith.index_cast %scan3A_101 : i32 to index
        %get3A_115 = arith.constant 32 : index
        %get3A_116 = tpu.vector_load %arg7[%get3A_114, %get3A_115] {strides = array<i32>} : memref<128x128xf32, #tpu.memory_space<vmem>>, vector<16xf32>,
        %swap3A_117 = arith.index_cast %scan3A_101 : i32 to index
        %swap3A_118 = arith.constant 32 : index
        %swap3A_119 = tpu.vector_load %arg9[%swap3A_117, %swap3A_118] {strides = array<i32>} : memref<128x64xf32, #tpu.memory_space<vmem>>, vector<16xf32>,
        tpu.vector_store %arg9[%swap3A_117, %swap3A_118], %get3A_116 {strides = array<i32>} : memref<128x64xf32, #tpu.memory_space<vmem>>, vector<16xf32>,
        %get3A_120 = arith.index_cast %scan3A_101 : i32 to index
        %get3A_121 = arith.constant 48 : index
        %get3A_122 = tpu.vector_load %arg7[%get3A_120, %get3A_121] {strides = array<i32>} : memref<128x128xf32, #tpu.memory_space<vmem>>, vector<16xf32>,
        %swap3A_123 = arith.index_cast %scan3A_101 : i32 to index
        %swap3A_124 = arith.constant 48 : index
        %swap3A_125 = tpu.vector_load %arg9[%swap3A_123, %swap3A_124] {strides = array<i32>} : memref<128x64xf32, #tpu.memory_space<vmem>>, vector<16xf32>,
        tpu.vector_store %arg9[%swap3A_123, %swap3A_124], %get3A_122 {strides = array<i32>} : memref<128x64xf32, #tpu.memory_space<vmem>>, vector<16xf32>,
        %scan3A_126 = arith.constant 2 : i32
        %scan3A_127 = arith.addi %scan3A_77, %scan3A_126 : i32
        %get3A_128 = arith.index_cast %scan3A_127 : i32 to index
        %get3A_129 = arith.constant 0 : index
        %get3A_130 = tpu.vector_load %arg7[%get3A_128, %get3A_129] {strides = array<i32>} : memref<128x128xf32, #tpu.memory_space<vmem>>, vector<16xf32>,
        %swap3A_131 = arith.index_cast %scan3A_127 : i32 to index
        %swap3A_132 = arith.constant 0 : index
        %swap3A_133 = tpu.vector_load %arg9[%swap3A_131, %swap3A_132] {strides = array<i32>} : memref<128x64xf32, #tpu.memory_space<vmem>>, vector<16xf32>,
        tpu.vector_store %arg9[%swap3A_131, %swap3A_132], %get3A_130 {strides = array<i32>} : memref<128x64xf32, #tpu.memory_space<vmem>>, vector<16xf32>,
        %get3A_134 = arith.index_cast %scan3A_127 : i32 to index
        %get3A_135 = arith.constant 16 : index
        %get3A_136 = tpu.vector_load %arg7[%get3A_134, %get3A_135] {strides = array<i32>} : memref<128x128xf32, #tpu.memory_space<vmem>>, vector<16xf32>,
        %swap3A_137 = arith.index_cast %scan3A_127 : i32 to index
        %swap3A_138 = arith.constant 16 : index
        %swap3A_139 = tpu.vector_load %arg9[%swap3A_137, %swap3A_138] {strides = array<i32>} : memref<128x64xf32, #tpu.memory_space<vmem>>, vector<16xf32>,
        tpu.vector_store %arg9[%swap3A_137, %swap3A_138], %get3A_136 {strides = array<i32>} : memref<128x64xf32, #tpu.memory_space<vmem>>, vector<16xf32>,
        %get3A_140 = arith.index_cast %scan3A_127 : i32 to index
        %get3A_141 = arith.constant 32 : index
        %get3A_142 = tpu.vector_load %arg7[%get3A_140, %get3A_141] {strides = array<i32>} : memref<128x128xf32, #tpu.memory_space<vmem>>, vector<16xf32>,
        %swap3A_143 = arith.index_cast %scan3A_127 : i32 to index
        %swap3A_144 = arith.constant 32 : index
        %swap3A_145 = tpu.vector_load %arg9[%swap3A_143, %swap3A_144] {strides = array<i32>} : memref<128x64xf32, #tpu.memory_space<vmem>>, vector<16xf32>,
        tpu.vector_store %arg9[%swap3A_143, %swap3A_144], %get3A_142 {strides = array<i32>} : memref<128x64xf32, #tpu.memory_space<vmem>>, vector<16xf32>,
        %get3A_146 = arith.index_cast %scan3A_127 : i32 to index
        %get3A_147 = arith.constant 48 : index
        %get3A_148 = tpu.vector_load %arg7[%get3A_146, %get3A_147] {strides = array<i32>} : memref<128x128xf32, #tpu.memory_space<vmem>>, vector<16xf32>,
        %swap3A_149 = arith.index_cast %scan3A_127 : i32 to index
        %swap3A_150 = arith.constant 48 : index
        %swap3A_151 = tpu.vector_load %arg9[%swap3A_149, %swap3A_150] {strides = array<i32>} : memref<128x64xf32, #tpu.memory_space<vmem>>, vector<16xf32>,
        tpu.vector_store %arg9[%swap3A_149, %swap3A_150], %get3A_148 {strides = array<i32>} : memref<128x64xf32, #tpu.memory_space<vmem>>, vector<16xf32>,
        %scan3A_152 = arith.constant 3 : i32
        %scan3A_153 = arith.addi %scan3A_77, %scan3A_152 : i32
        %get3A_154 = arith.index_cast %scan3A_153 : i32 to index
        %get3A_155 = arith.constant 0 : index
        %get3A_156 = tpu.vector_load %arg7[%get3A_154, %get3A_155] {strides = array<i32>} : memref<128x128xf32, #tpu.memory_space<vmem>>, vector<16xf32>,
        %swap3A_157 = arith.index_cast %scan3A_153 : i32 to index
        %swap3A_158 = arith.constant 0 : index
        %swap3A_159 = tpu.vector_load %arg9[%swap3A_157, %swap3A_158] {strides = array<i32>} : memref<128x64xf32, #tpu.memory_space<vmem>>, vector<16xf32>,
        tpu.vector_store %arg9[%swap3A_157, %swap3A_158], %get3A_156 {strides = array<i32>} : memref<128x64xf32, #tpu.memory_space<vmem>>, vector<16xf32>,
        %get3A_160 = arith.index_cast %scan3A_153 : i32 to index
        %get3A_161 = arith.constant 16 : index
        %get3A_162 = tpu.vector_load %arg7[%get3A_160, %get3A_161] {strides = array<i32>} : memref<128x128xf32, #tpu.memory_space<vmem>>, vector<16xf32>,
        %swap3A_163 = arith.index_cast %scan3A_153 : i32 to index
        %swap3A_164 = arith.constant 16 : index
        %swap3A_165 = tpu.vector_load %arg9[%swap3A_163, %swap3A_164] {strides = array<i32>} : memref<128x64xf32, #tpu.memory_space<vmem>>, vector<16xf32>,
        tpu.vector_store %arg9[%swap3A_163, %swap3A_164], %get3A_162 {strides = array<i32>} : memref<128x64xf32, #tpu.memory_space<vmem>>, vector<16xf32>,
        %get3A_166 = arith.index_cast %scan3A_153 : i32 to index
        %get3A_167 = arith.constant 32 : index
        %get3A_168 = tpu.vector_load %arg7[%get3A_166, %get3A_167] {strides = array<i32>} : memref<128x128xf32, #tpu.memory_space<vmem>>, vector<16xf32>,
        %swap3A_169 = arith.index_cast %scan3A_153 : i32 to index
        %swap3A_170 = arith.constant 32 : index
        %swap3A_171 = tpu.vector_load %arg9[%swap3A_169, %swap3A_170] {strides = array<i32>} : memref<128x64xf32, #tpu.memory_space<vmem>>, vector<16xf32>,
        tpu.vector_store %arg9[%swap3A_169, %swap3A_170], %get3A_168 {strides = array<i32>} : memref<128x64xf32, #tpu.memory_space<vmem>>, vector<16xf32>,
        %get3A_172 = arith.index_cast %scan3A_153 : i32 to index
        %get3A_173 = arith.constant 48 : index
        %get3A_174 = tpu.vector_load %arg7[%get3A_172, %get3A_173] {strides = array<i32>} : memref<128x128xf32, #tpu.memory_space<vmem>>, vector<16xf32>,
        %swap3A_175 = arith.index_cast %scan3A_153 : i32 to index
        %swap3A_176 = arith.constant 48 : index
        %swap3A_177 = tpu.vector_load %arg9[%swap3A_175, %swap3A_176] {strides = array<i32>} : memref<128x64xf32, #tpu.memory_space<vmem>>, vector<16xf32>,
        tpu.vector_store %arg9[%swap3A_175, %swap3A_176], %get3A_174 {strides = array<i32>} : memref<128x64xf32, #tpu.memory_space<vmem>>, vector<16xf32>,
      }
      %scan3A_44 = arith.constant 128 : i32
      %mul3A_45 = arith.constant 128 : i32
      %mul3A_46 = arith.muli %mul3A_25, %mul3A_45 : i32
      %add3A_47 = arith.addi %mul3A_2, %mul3A_46 : i32
      %dma_start3A_48 = arith.constant 0 : i32
      %dma_start3A_49 = tpu.memref_slice %arg4[%add3A_47, %dma_start3A_48] : memref<819200x64xf32, #tpu.memory_space<hbm>> -> memref<128x64xf32, #tpu.memory_space<hbm>>
      %dma_start3A_50 = arith.constant 0 : i32
      %dma_start3A_51 = tpu.memref_slice %arg4[%add3A_47, %dma_start3A_50] : memref<819200x64xf32, #tpu.memory_space<hbm>> -> memref<128x64xf32, #tpu.memory_space<hbm>>
      tpu.enqueue_dma source(%arg9 : memref<128x64xf32, #tpu.memory_space<vmem>>) target(%dma_start3A_51 : memref<128x64xf32, #tpu.memory_space<hbm>>) target_semaphore(%arg13 : memref<!tpu.dma_semaphore, #tpu.memory_space<semaphore_mem>>)
      %lt3A = arith.constant 99 : i32
      %lt3A_52 = arith.cmpi slt, %scan3A_23, %lt3A : i32
      %convert_element_type3A_53 = arith.extui %lt3A_52 : i1 to i32
      %cond3A_54 = arith.constant 0 : i32
      %cond3A_55 = arith.cmpi ne, %convert_element_type3A_53, %cond3A_54 : i32
      scf.if %cond3A_55 {
        %add3A_77 = arith.constant 2 : i32
        %add3A_78 = arith.addi %mul3A_25, %add3A_77 : i32
        %mul3A_79 = arith.constant 128 : i32
        %mul3A_80 = arith.muli %add3A_78, %mul3A_79 : i32
        %add3A_81 = arith.addi %mul3A_2, %mul3A_80 : i32
        "tpu.region"() ({
          %run_scoped3A = tpu.sem_alloc : memref<!tpu.dma_semaphore, #tpu.memory_space<semaphore_mem>>
          %dma_start3A_85 = tpu.memref_slice %arg2[%add3A_81] : memref<819200xi32, #tpu.memory_space<hbm>> -> memref<128xi32, #tpu.memory_space<hbm>>
          %dma_start3A_86 = tpu.memref_slice %arg2[%add3A_81] : memref<819200xi32, #tpu.memory_space<hbm>> -> memref<128xi32, #tpu.memory_space<hbm>>
          tpu.enqueue_dma source(%dma_start3A_86 : memref<128xi32, #tpu.memory_space<hbm>>) target(%arg5 : memref<128xi32, #tpu.memory_space<vmem>>) target_semaphore(%run_scoped3A : memref<!tpu.dma_semaphore, #tpu.memory_space<semaphore_mem>>)
          %dma_wait3A_87 = tpu.memref_slice %arg2[%add3A_81] : memref<819200xi32, #tpu.memory_space<hbm>> -> memref<128xi32, #tpu.memory_space<hbm>>
          %dma_wait3A_88 = tpu.memref_slice %arg2[%add3A_81] : memref<819200xi32, #tpu.memory_space<hbm>> -> memref<128xi32, #tpu.memory_space<hbm>>
          tpu.wait_dma2 semaphore(%run_scoped3A : memref<!tpu.dma_semaphore, #tpu.memory_space<semaphore_mem>>) src(%dma_wait3A_88 : memref<128xi32, #tpu.memory_space<hbm>>) dst(%arg5 : memref<128xi32, #tpu.memory_space<vmem>>)
          tpu.yield
        }) : () -> ()
        %dma_start3A_82 = arith.constant 0 : i32
        %dma_start3A_83 = arith.constant 0 : i32
        %dma_start3A_84 = tpu.memref_slice %arg3[%dma_start3A_82, %dma_start3A_83] : memref<1000000x128xf32, #tpu.memory_space<hbm>> -> memref<1000000x128xf32, #tpu.memory_space<hbm>>
        tpu.enqueue_indirect_dma source(%dma_start3A_84 : memref<1000000x128xf32, #tpu.memory_space<hbm>>) target(%arg7 : memref<128x128xf32, #tpu.memory_space<vmem>>) offsets(%arg5 : memref<128xi32, #tpu.memory_space<vmem>>) semaphore(%arg11 : memref<!tpu.dma_semaphore, #tpu.memory_space<semaphore_mem>>)
      } else {
      }
      %dma_wait3A_56 = arith.constant 0 : i32
      %dma_wait3A_57 = arith.constant 0 : i32
      %dma_wait3A_58 = tpu.memref_slice %arg3[%dma_wait3A_56, %dma_wait3A_57] : memref<1000000x128xf32, #tpu.memory_space<hbm>> -> memref<1000000x128xf32, #tpu.memory_space<hbm>>
      tpu.wait_indirect_dma semaphore(%arg12 : memref<!tpu.dma_semaphore, #tpu.memory_space<semaphore_mem>>) src(%dma_wait3A_58 : memref<1000000x128xf32, #tpu.memory_space<hbm>>) dst(%arg8 : memref<128x128xf32, #tpu.memory_space<vmem>>)
      %gt3A_59 = arith.constant 0 : i32
      %gt3A_60 = arith.cmpi sgt, %scan3A_23, %gt3A_59 : i32
      %convert_element_type3A_61 = arith.extui %gt3A_60 : i1 to i32
      %cond3A_62 = arith.constant 0 : i32
      %cond3A_63 = arith.cmpi ne, %convert_element_type3A_61, %cond3A_62 : i32
      scf.if %cond3A_63 {
        %sub3A = arith.constant 2 : i32
        %sub3A_77 = arith.subi %add3A_27, %sub3A : i32
        %mul3A_78 = arith.constant 128 : i32
        %mul3A_79 = arith.muli %sub3A_77, %mul3A_78 : i32
        %add3A_80 = arith.addi %mul3A_2, %mul3A_79 : i32
        %dma_wait3A_81 = arith.constant 0 : i32
        %dma_wait3A_82 = tpu.memref_slice %arg4[%add3A_80, %dma_wait3A_81] : memref<819200x64xf32, #tpu.memory_space<hbm>> -> memref<128x64xf32, #tpu.memory_space<hbm>>
        %dma_wait3A_83 = arith.constant 0 : i32
        %dma_wait3A_84 = tpu.memref_slice %arg4[%add3A_80, %dma_wait3A_83] : memref<819200x64xf32, #tpu.memory_space<hbm>> -> memref<128x64xf32, #tpu.memory_space<hbm>>
        tpu.wait_dma2 semaphore(%arg14 : memref<!tpu.dma_semaphore, #tpu.memory_space<semaphore_mem>>) src(%arg10 : memref<128x64xf32, #tpu.memory_space<vmem>>) dst(%dma_wait3A_84 : memref<128x64xf32, #tpu.memory_space<hbm>>)
      } else {
      }
      %scan3A_64 = arith.constant 0 : i32
      %scan3A_65 = arith.constant 0 : i32
      %scan3A_66 = arith.constant 128 : i32
      %scan3A_67 = arith.addi %scan3A_65, %scan3A_66 : i32
      %scan3A_68 = arith.constant 4 : i32
      scf.for %scan3A_77 = %scan3A_65 to %scan3A_67 step %scan3A_68  : i32 {
        %get3A = arith.index_cast %scan3A_77 : i32 to index
        %get3A_78 = arith.constant 0 : index
        %get3A_79 = tpu.vector_load %arg8[%get3A, %get3A_78] {strides = array<i32>} : memref<128x128xf32, #tpu.memory_space<vmem>>, vector<16xf32>,
        %swap3A = arith.index_cast %scan3A_77 : i32 to index
        %swap3A_80 = arith.constant 0 : index
        %swap3A_81 = tpu.vector_load %arg10[%swap3A, %swap3A_80] {strides = array<i32>} : memref<128x64xf32, #tpu.memory_space<vmem>>, vector<16xf32>,
        tpu.vector_store %arg10[%swap3A, %swap3A_80], %get3A_79 {strides = array<i32>} : memref<128x64xf32, #tpu.memory_space<vmem>>, vector<16xf32>,
        %get3A_82 = arith.index_cast %scan3A_77 : i32 to index
        %get3A_83 = arith.constant 16 : index
        %get3A_84 = tpu.vector_load %arg8[%get3A_82, %get3A_83] {strides = array<i32>} : memref<128x128xf32, #tpu.memory_space<vmem>>, vector<16xf32>,
        %swap3A_85 = arith.index_cast %scan3A_77 : i32 to index
        %swap3A_86 = arith.constant 16 : index
        %swap3A_87 = tpu.vector_load %arg10[%swap3A_85, %swap3A_86] {strides = array<i32>} : memref<128x64xf32, #tpu.memory_space<vmem>>, vector<16xf32>,
        tpu.vector_store %arg10[%swap3A_85, %swap3A_86], %get3A_84 {strides = array<i32>} : memref<128x64xf32, #tpu.memory_space<vmem>>, vector<16xf32>,
        %get3A_88 = arith.index_cast %scan3A_77 : i32 to index
        %get3A_89 = arith.constant 32 : index
        %get3A_90 = tpu.vector_load %arg8[%get3A_88, %get3A_89] {strides = array<i32>} : memref<128x128xf32, #tpu.memory_space<vmem>>, vector<16xf32>,
        %swap3A_91 = arith.index_cast %scan3A_77 : i32 to index
        %swap3A_92 = arith.constant 32 : index
        %swap3A_93 = tpu.vector_load %arg10[%swap3A_91, %swap3A_92] {strides = array<i32>} : memref<128x64xf32, #tpu.memory_space<vmem>>, vector<16xf32>,
        tpu.vector_store %arg10[%swap3A_91, %swap3A_92], %get3A_90 {strides = array<i32>} : memref<128x64xf32, #tpu.memory_space<vmem>>, vector<16xf32>,
        %get3A_94 = arith.index_cast %scan3A_77 : i32 to index
        %get3A_95 = arith.constant 48 : index
        %get3A_96 = tpu.vector_load %arg8[%get3A_94, %get3A_95] {strides = array<i32>} : memref<128x128xf32, #tpu.memory_space<vmem>>, vector<16xf32>,
        %swap3A_97 = arith.index_cast %scan3A_77 : i32 to index
        %swap3A_98 = arith.constant 48 : index
        %swap3A_99 = tpu.vector_load %arg10[%swap3A_97, %swap3A_98] {strides = array<i32>} : memref<128x64xf32, #tpu.memory_space<vmem>>, vector<16xf32>,
        tpu.vector_store %arg10[%swap3A_97, %swap3A_98], %get3A_96 {strides = array<i32>} : memref<128x64xf32, #tpu.memory_space<vmem>>, vector<16xf32>,
        %scan3A_100 = arith.constant 1 : i32
        %scan3A_101 = arith.addi %scan3A_77, %scan3A_100 : i32
        %get3A_102 = arith.index_cast %scan3A_101 : i32 to index
        %get3A_103 = arith.constant 0 : index
        %get3A_104 = tpu.vector_load %arg8[%get3A_102, %get3A_103] {strides = array<i32>} : memref<128x128xf32, #tpu.memory_space<vmem>>, vector<16xf32>,
        %swap3A_105 = arith.index_cast %scan3A_101 : i32 to index
        %swap3A_106 = arith.constant 0 : index
        %swap3A_107 = tpu.vector_load %arg10[%swap3A_105, %swap3A_106] {strides = array<i32>} : memref<128x64xf32, #tpu.memory_space<vmem>>, vector<16xf32>,
        tpu.vector_store %arg10[%swap3A_105, %swap3A_106], %get3A_104 {strides = array<i32>} : memref<128x64xf32, #tpu.memory_space<vmem>>, vector<16xf32>,
        %get3A_108 = arith.index_cast %scan3A_101 : i32 to index
        %get3A_109 = arith.constant 16 : index
        %get3A_110 = tpu.vector_load %arg8[%get3A_108, %get3A_109] {strides = array<i32>} : memref<128x128xf32, #tpu.memory_space<vmem>>, vector<16xf32>,
        %swap3A_111 = arith.index_cast %scan3A_101 : i32 to index
        %swap3A_112 = arith.constant 16 : index
        %swap3A_113 = tpu.vector_load %arg10[%swap3A_111, %swap3A_112] {strides = array<i32>} : memref<128x64xf32, #tpu.memory_space<vmem>>, vector<16xf32>,
        tpu.vector_store %arg10[%swap3A_111, %swap3A_112], %get3A_110 {strides = array<i32>} : memref<128x64xf32, #tpu.memory_space<vmem>>, vector<16xf32>,
        %get3A_114 = arith.index_cast %scan3A_101 : i32 to index
        %get3A_115 = arith.constant 32 : index
        %get3A_116 = tpu.vector_load %arg8[%get3A_114, %get3A_115] {strides = array<i32>} : memref<128x128xf32, #tpu.memory_space<vmem>>, vector<16xf32>,
        %swap3A_117 = arith.index_cast %scan3A_101 : i32 to index
        %swap3A_118 = arith.constant 32 : index
        %swap3A_119 = tpu.vector_load %arg10[%swap3A_117, %swap3A_118] {strides = array<i32>} : memref<128x64xf32, #tpu.memory_space<vmem>>, vector<16xf32>,
        tpu.vector_store %arg10[%swap3A_117, %swap3A_118], %get3A_116 {strides = array<i32>} : memref<128x64xf32, #tpu.memory_space<vmem>>, vector<16xf32>,
        %get3A_120 = arith.index_cast %scan3A_101 : i32 to index
        %get3A_121 = arith.constant 48 : index
        %get3A_122 = tpu.vector_load %arg8[%get3A_120, %get3A_121] {strides = array<i32>} : memref<128x128xf32, #tpu.memory_space<vmem>>, vector<16xf32>,
        %swap3A_123 = arith.index_cast %scan3A_101 : i32 to index
        %swap3A_124 = arith.constant 48 : index
        %swap3A_125 = tpu.vector_load %arg10[%swap3A_123, %swap3A_124] {strides = array<i32>} : memref<128x64xf32, #tpu.memory_space<vmem>>, vector<16xf32>,
        tpu.vector_store %arg10[%swap3A_123, %swap3A_124], %get3A_122 {strides = array<i32>} : memref<128x64xf32, #tpu.memory_space<vmem>>, vector<16xf32>,
        %scan3A_126 = arith.constant 2 : i32
        %scan3A_127 = arith.addi %scan3A_77, %scan3A_126 : i32
        %get3A_128 = arith.index_cast %scan3A_127 : i32 to index
        %get3A_129 = arith.constant 0 : index
        %get3A_130 = tpu.vector_load %arg8[%get3A_128, %get3A_129] {strides = array<i32>} : memref<128x128xf32, #tpu.memory_space<vmem>>, vector<16xf32>,
        %swap3A_131 = arith.index_cast %scan3A_127 : i32 to index
        %swap3A_132 = arith.constant 0 : index
        %swap3A_133 = tpu.vector_load %arg10[%swap3A_131, %swap3A_132] {strides = array<i32>} : memref<128x64xf32, #tpu.memory_space<vmem>>, vector<16xf32>,
        tpu.vector_store %arg10[%swap3A_131, %swap3A_132], %get3A_130 {strides = array<i32>} : memref<128x64xf32, #tpu.memory_space<vmem>>, vector<16xf32>,
        %get3A_134 = arith.index_cast %scan3A_127 : i32 to index
        %get3A_135 = arith.constant 16 : index
        %get3A_136 = tpu.vector_load %arg8[%get3A_134, %get3A_135] {strides = array<i32>} : memref<128x128xf32, #tpu.memory_space<vmem>>, vector<16xf32>,
        %swap3A_137 = arith.index_cast %scan3A_127 : i32 to index
        %swap3A_138 = arith.constant 16 : index
        %swap3A_139 = tpu.vector_load %arg10[%swap3A_137, %swap3A_138] {strides = array<i32>} : memref<128x64xf32, #tpu.memory_space<vmem>>, vector<16xf32>,
        tpu.vector_store %arg10[%swap3A_137, %swap3A_138], %get3A_136 {strides = array<i32>} : memref<128x64xf32, #tpu.memory_space<vmem>>, vector<16xf32>,
        %get3A_140 = arith.index_cast %scan3A_127 : i32 to index
        %get3A_141 = arith.constant 32 : index
        %get3A_142 = tpu.vector_load %arg8[%get3A_140, %get3A_141] {strides = array<i32>} : memref<128x128xf32, #tpu.memory_space<vmem>>, vector<16xf32>,
        %swap3A_143 = arith.index_cast %scan3A_127 : i32 to index
        %swap3A_144 = arith.constant 32 : index
        %swap3A_145 = tpu.vector_load %arg10[%swap3A_143, %swap3A_144] {strides = array<i32>} : memref<128x64xf32, #tpu.memory_space<vmem>>, vector<16xf32>,
        tpu.vector_store %arg10[%swap3A_143, %swap3A_144], %get3A_142 {strides = array<i32>} : memref<128x64xf32, #tpu.memory_space<vmem>>, vector<16xf32>,
        %get3A_146 = arith.index_cast %scan3A_127 : i32 to index
        %get3A_147 = arith.constant 48 : index
        %get3A_148 = tpu.vector_load %arg8[%get3A_146, %get3A_147] {strides = array<i32>} : memref<128x128xf32, #tpu.memory_space<vmem>>, vector<16xf32>,
        %swap3A_149 = arith.index_cast %scan3A_127 : i32 to index
        %swap3A_150 = arith.constant 48 : index
        %swap3A_151 = tpu.vector_load %arg10[%swap3A_149, %swap3A_150] {strides = array<i32>} : memref<128x64xf32, #tpu.memory_space<vmem>>, vector<16xf32>,
        tpu.vector_store %arg10[%swap3A_149, %swap3A_150], %get3A_148 {strides = array<i32>} : memref<128x64xf32, #tpu.memory_space<vmem>>, vector<16xf32>,
        %scan3A_152 = arith.constant 3 : i32
        %scan3A_153 = arith.addi %scan3A_77, %scan3A_152 : i32
        %get3A_154 = arith.index_cast %scan3A_153 : i32 to index
        %get3A_155 = arith.constant 0 : index
        %get3A_156 = tpu.vector_load %arg8[%get3A_154, %get3A_155] {strides = array<i32>} : memref<128x128xf32, #tpu.memory_space<vmem>>, vector<16xf32>,
        %swap3A_157 = arith.index_cast %scan3A_153 : i32 to index
        %swap3A_158 = arith.constant 0 : index
        %swap3A_159 = tpu.vector_load %arg10[%swap3A_157, %swap3A_158] {strides = array<i32>} : memref<128x64xf32, #tpu.memory_space<vmem>>, vector<16xf32>,
        tpu.vector_store %arg10[%swap3A_157, %swap3A_158], %get3A_156 {strides = array<i32>} : memref<128x64xf32, #tpu.memory_space<vmem>>, vector<16xf32>,
        %get3A_160 = arith.index_cast %scan3A_153 : i32 to index
        %get3A_161 = arith.constant 16 : index
        %get3A_162 = tpu.vector_load %arg8[%get3A_160, %get3A_161] {strides = array<i32>} : memref<128x128xf32, #tpu.memory_space<vmem>>, vector<16xf32>,
        %swap3A_163 = arith.index_cast %scan3A_153 : i32 to index
        %swap3A_164 = arith.constant 16 : index
        %swap3A_165 = tpu.vector_load %arg10[%swap3A_163, %swap3A_164] {strides = array<i32>} : memref<128x64xf32, #tpu.memory_space<vmem>>, vector<16xf32>,
        tpu.vector_store %arg10[%swap3A_163, %swap3A_164], %get3A_162 {strides = array<i32>} : memref<128x64xf32, #tpu.memory_space<vmem>>, vector<16xf32>,
        %get3A_166 = arith.index_cast %scan3A_153 : i32 to index
        %get3A_167 = arith.constant 32 : index
        %get3A_168 = tpu.vector_load %arg8[%get3A_166, %get3A_167] {strides = array<i32>} : memref<128x128xf32, #tpu.memory_space<vmem>>, vector<16xf32>,
        %swap3A_169 = arith.index_cast %scan3A_153 : i32 to index
        %swap3A_170 = arith.constant 32 : index
        %swap3A_171 = tpu.vector_load %arg10[%swap3A_169, %swap3A_170] {strides = array<i32>} : memref<128x64xf32, #tpu.memory_space<vmem>>, vector<16xf32>,
        tpu.vector_store %arg10[%swap3A_169, %swap3A_170], %get3A_168 {strides = array<i32>} : memref<128x64xf32, #tpu.memory_space<vmem>>, vector<16xf32>,
        %get3A_172 = arith.index_cast %scan3A_153 : i32 to index
        %get3A_173 = arith.constant 48 : index
        %get3A_174 = tpu.vector_load %arg8[%get3A_172, %get3A_173] {strides = array<i32>} : memref<128x128xf32, #tpu.memory_space<vmem>>, vector<16xf32>,
        %swap3A_175 = arith.index_cast %scan3A_153 : i32 to index
        %swap3A_176 = arith.constant 48 : index
        %swap3A_177 = tpu.vector_load %arg10[%swap3A_175, %swap3A_176] {strides = array<i32>} : memref<128x64xf32, #tpu.memory_space<vmem>>, vector<16xf32>,
        tpu.vector_store %arg10[%swap3A_175, %swap3A_176], %get3A_174 {strides = array<i32>} : memref<128x64xf32, #tpu.memory_space<vmem>>, vector<16xf32>,
      }
      %scan3A_69 = arith.constant 128 : i32
      %mul3A_70 = arith.constant 128 : i32
      %mul3A_71 = arith.muli %add3A_27, %mul3A_70 : i32
      %add3A_72 = arith.addi %mul3A_2, %mul3A_71 : i32
      %dma_start3A_73 = arith.constant 0 : i32
      %dma_start3A_74 = tpu.memref_slice %arg4[%add3A_72, %dma_start3A_73] : memref<819200x64xf32, #tpu.memory_space<hbm>> -> memref<128x64xf32, #tpu.memory_space<hbm>>
      %dma_start3A_75 = arith.constant 0 : i32
      %dma_start3A_76 = tpu.memref_slice %arg4[%add3A_72, %dma_start3A_75] : memref<819200x64xf32, #tpu.memory_space<hbm>> -> memref<128x64xf32, #tpu.memory_space<hbm>>
      tpu.enqueue_dma source(%arg10 : memref<128x64xf32, #tpu.memory_space<vmem>>) target(%dma_start3A_76 : memref<128x64xf32, #tpu.memory_space<hbm>>) target_semaphore(%arg14 : memref<!tpu.dma_semaphore, #tpu.memory_space<semaphore_mem>>)
    }
    %scan3A_11 = arith.constant 100 : i32
    %add3A_12 = arith.constant 25344 : i32
    %add3A_13 = arith.addi %mul3A_2, %add3A_12 : i32
    %dma_wait3A = arith.constant 0 : i32
    %dma_wait3A_14 = tpu.memref_slice %arg4[%add3A_13, %dma_wait3A] : memref<819200x64xf32, #tpu.memory_space<hbm>> -> memref<128x64xf32, #tpu.memory_space<hbm>>
    %dma_wait3A_15 = arith.constant 0 : i32
    %dma_wait3A_16 = tpu.memref_slice %arg4[%add3A_13, %dma_wait3A_15] : memref<819200x64xf32, #tpu.memory_space<hbm>> -> memref<128x64xf32, #tpu.memory_space<hbm>>
    tpu.wait_dma2 semaphore(%arg13 : memref<!tpu.dma_semaphore, #tpu.memory_space<semaphore_mem>>) src(%arg9 : memref<128x64xf32, #tpu.memory_space<vmem>>) dst(%dma_wait3A_16 : memref<128x64xf32, #tpu.memory_space<hbm>>)
    %add3A_17 = arith.constant 25472 : i32
    %add3A_18 = arith.addi %mul3A_2, %add3A_17 : i32
    %dma_wait3A_19 = arith.constant 0 : i32
    %dma_wait3A_20 = tpu.memref_slice %arg4[%add3A_18, %dma_wait3A_19] : memref<819200x64xf32, #tpu.memory_space<hbm>> -> memref<128x64xf32, #tpu.memory_space<hbm>>
    %dma_wait3A_21 = arith.constant 0 : i32
    %dma_wait3A_22 = tpu.memref_slice %arg4[%add3A_18, %dma_wait3A_21] : memref<819200x64xf32, #tpu.memory_space<hbm>> -> memref<128x64xf32, #tpu.memory_space<hbm>>
    tpu.wait_dma2 semaphore(%arg14 : memref<!tpu.dma_semaphore, #tpu.memory_space<semaphore_mem>>) src(%arg10 : memref<128x64xf32, #tpu.memory_space<vmem>>) dst(%dma_wait3A_22 : memref<128x64xf32, #tpu.memory_space<hbm>>)
    return
  }
}

</mosaic_0001>

<sc_bundles>
// kernel: kernel.4.cloned.1.call-start
scs
__scs_entry_jumppad:
0x0: {  	(pc) =	sbr.rel $0x88, $3  }
0x1: {  	(tag) =	ssettag $0x0;
	lr =	simm.s32 $0x1  }
0x2: {  	[smem:$0x3F9F] =	sst lr;
	_ =	strace $0xD0000000  }
0x3: {  	_ = 	snop  }
0x4: {  	_ = 	snop  }
0x5: {  	_ = 	snop  }
0x6: {  	_ = 	snop  }
0x7: {  	_ = 	snop  }
__scs_overlays_trampoline_lowered:
0x8: {  	[smem:$0x3FAE] =	sst s0  }
0x9: {  	[smem:$0x3FAF] =	sst s1  }
0xa: {  	[smem:$0x3FB0] =	sst s2  }
0xb: {  	[smem:$0x3FB1] =	sst s3  }
0xc: {  	[smem:$0x3FB2] =	sst s4  }
0xd: {  	[smem:$0x3FB3] =	sst s5  }
0xe: {  	[smem:$0x3FB4] =	sst s6  }
0xf: {  	[smem:$0x3FB5] =	sst s7  }
0x10: {  	[smem:$0x3FB6] =	sst s8  }
0x11: {  	[smem:$0x3FB7] =	sst s9;
	s0 =	simm.s32 @!p0 $0x0  }
0x12: {  	s1 =	sld [smem:$0x3F9D];
	s0 =	simm.s32 @p0 $0x1  }
0x13: {  	[smem:$0x3FB8] =	sst s0;
	s0 =	simm.s32 @!p1 $0x0  }
0x14: {  	s2 =	sld [smem:$0x3F9C];
	s0 =	simm.s32 @p1 $0x1  }
0x15: {  	[smem:$0x3FB9] =	sst s0;
	s0 =	simm.s32 @!p2 $0x0  }
0x16: {  	s3 =	sld [smem:$0x3FDB];
	s0 =	simm.s32 @p2 $0x1  }
0x17: {  	s4 =	simm.s32 $0x1BF5;
	[smem:$0x3FBB] =	sst s0  }
0x18: {  	s0 =	sld [smem:$0x3F9E];
	_ =	swait.ge [sflag:s4], $0x0  }
0x19: {  	s7 =	sld [smem:$0x3F9F]  }
0x1a: {  	s8 =	sadd.s32 $0xFFFFE003, lr  }
0x1b: {  	s9 =	sadd.s32 $0xFFFFFEF7, lr;
	s5 =	simm.s32 $0xFFFFFFFF;
	p2 =	slt.u32 s8, $0xFFFFF086  }
0x1c: {  	p1 =	slt.u32 s9, $0xF7A;
	s5 =	simm.s32 @!p2 $0x0  }
0x1d: {  	s5 =	simm.s32 @p1 $0x1;
	p0 =	seq.s32 s7, s2  }
0x1e: {  	s7 =	smul.u32 @!p0 $0xF7A, s2;
	p2 =	seq.s32 @!p0 s5, $0x0  }
0x1f: {  	s9 =	smul.u32 $0xF7A, s1;
	s8 =	simm.s32 @!p0 $0x1BF5;
	p2 =	por !p2, p0  }
0x20: {  	[sflag:s8] =	ssyncset.s32 @!p0 $0xFFFFF086;
	s6 =	sadd.s32 @!p0 s3, s7;
	s7 =	simm.s32 @!p0 $0x108  }
0x21: {  	s3 =	sadd.s32 s3, s9;
	s6 =	sadd.s32 @!p0 $0x88, s6;
	s7 =	simm.s32 @p2 $0x1082  }
0x22: {  	[simem:s7], [sflag:s8] =	dma.local @!p0 [hbm:s6], $0xF7A  }
0x23: {  	s9 =	sor.u32 $0xD0000000, s2;
	s6 =	simm.s32 $0x108;
	_ =	swait.ge @!p0 [sflag:s8], $0x0  }
0x24: {  	s3 =	sadd.s32 $0x88, s3;
	s6 =	simm.s32 @!p1 $0x1082;
	[sflag:s4] =	ssyncset.s32 $0xFFFFF086  }
0x25: {  	[simem:s6], [sflag:s4] =	dma.local [hbm:s3], $0xF7A  }
0x26: {  	[smem:$0x3F9F] =	sst s1;
	(tag) =	ssettag s2;
	_ =	strace s9  }
0x27: {  	s1 =	sld [smem:$0x3FAF]  }
0x28: {  	s2 =	sld [smem:$0x3FB0]  }
0x29: {  	s4 =	sld [smem:$0x3FB2]  }
0x2a: {  	p0 =	seq.s32 s5, $0x0;
	s5 =	sld [smem:$0x3FB3]  }
0x2b: {  	s6 =	sld [smem:$0x3FB4]  }
0x2c: {  	s7 =	sld [smem:$0x3FB5]  }
0x2d: {  	s3 =	simm.s32 $0x108;
	s8 =	sld [smem:$0x3FB6]  }
0x2e: {  	s3 =	simm.s32 @!p0 $0x1082;
	s9 =	sld [smem:$0x3FB7]  }
0x2f: {  	lr =	sadd.s32 s0, s3;
	s0 =	sld [smem:$0x3FAE]  }
0x30: {  	s3 =	sld [smem:$0x3FB1]  }
0x31: {  	[smem:$0x3FBA] =	sst s10  }
0x32: {  	s10 =	sld [smem:$0x3FB8];
	_ =	sdelay $0x3  }
0x33: {  	p0 =	seq.s32 s10, $0x1;
	s10 =	sld [smem:$0x3FBA];
	_ =	sdelay $0x3  }
0x34: {  	[smem:$0x3FBA] =	sst s10  }
0x35: {  	s10 =	sld [smem:$0x3FB9];
	_ =	sdelay $0x3  }
0x36: {  	p1 =	seq.s32 s10, $0x1;
	s10 =	sld [smem:$0x3FBA];
	_ =	sdelay $0x3  }
0x37: {  	[smem:$0x3FBA] =	sst s10  }
0x38: {  	s10 =	sld [smem:$0x3FBB]  }
0x39: {  	_ = 	snop;
	(pc) =	sbr.ind lr, $3  }
0x3a: {  	_ = 	snop  }
0x3b: {  	_ = 	snop  }
0x3c: {  	p2 =	seq.s32 s10, $0x1;
	s10 =	sld [smem:$0x3FBA]  }
0x3d: {  	_ =	shalt  }
0x3e: {  	_ =	shalt  }
0x3f: {  	_ =	shalt  }
0x40: {  	_ =	shalt  }
0x41: {  	_ =	shalt  }
0x42: {  	_ =	shalt  }
0x43: {  	_ =	shalt  }
0x44: {  	_ =	shalt  }
0x45: {  	_ =	shalt  }
0x46: {  	_ =	shalt  }
0x47: {  	_ =	shalt  }
0x48: {  	_ =	shalt  }
0x49: {  	_ =	shalt  }
0x4a: {  	_ =	shalt  }
0x4b: {  	_ =	shalt  }
0x4c: {  	_ =	shalt  }
0x4d: {  	_ =	shalt  }
0x4e: {  	_ =	shalt  }
0x4f: {  	_ =	shalt  }
0x50: {  	_ =	shalt  }
0x51: {  	_ =	shalt  }
0x52: {  	_ =	shalt  }
0x53: {  	_ =	shalt  }
0x54: {  	_ =	shalt  }
0x55: {  	_ =	shalt  }
0x56: {  	_ =	shalt  }
0x57: {  	_ =	shalt  }
0x58: {  	_ =	shalt  }
0x59: {  	_ =	shalt  }
0x5a: {  	_ =	shalt  }
0x5b: {  	_ =	shalt  }
0x5c: {  	_ =	shalt  }
0x5d: {  	_ =	shalt  }
0x5e: {  	_ =	shalt  }
0x5f: {  	_ =	shalt  }
0x60: {  	_ =	shalt  }
0x61: {  	_ =	shalt  }
0x62: {  	_ =	shalt  }
0x63: {  	_ =	shalt  }
0x64: {  	_ =	shalt  }
0x65: {  	_ =	shalt  }
0x66: {  	_ =	shalt  }
0x67: {  	_ =	shalt  }
0x68: {  	_ =	shalt  }
0x69: {  	_ =	shalt  }
0x6a: {  	_ =	shalt  }
0x6b: {  	_ =	shalt  }
0x6c: {  	_ =	shalt  }
0x6d: {  	_ =	shalt  }
0x6e: {  	_ =	shalt  }
0x6f: {  	_ =	shalt  }
0x70: {  	_ =	shalt  }
0x71: {  	_ =	shalt  }
0x72: {  	_ =	shalt  }
0x73: {  	_ =	shalt  }
0x74: {  	_ =	shalt  }
0x75: {  	_ =	shalt  }
0x76: {  	_ =	shalt  }
0x77: {  	_ =	shalt  }
0x78: {  	_ =	shalt  }
0x79: {  	_ =	shalt  }
0x7a: {  	_ =	shalt  }
0x7b: {  	_ =	shalt  }
0x7c: {  	_ =	shalt  }
0x7d: {  	_ =	shalt  }
0x7e: {  	_ =	shalt  }
0x7f: {  	_ =	shalt  }
0x80: {  	_ =	shalt  }
0x81: {  	_ =	shalt  }
0x82: {  	_ =	shalt  }
0x83: {  	_ =	shalt  }
0x84: {  	_ =	shalt  }
0x85: {  	_ =	shalt  }
0x86: {  	_ =	shalt  }
0x87: {  	_ =	shalt  }
.Lfunc_end0:
.L_simem_size_0:
called_computation.1_lowered:
.L_overlay_start_0:
0x88: {  	s2 =	sld [smem:$0x3FD9]  }
0x89: {  	s3 =	sld [smem:$0x3FFE];
	_ =	sdelay $0x1  }
0x8a: {  	s1 =	srdreg.scid  }
0x8b: {  	s0 =	sand.u32 $0x1, s1  }
0x8c: {  	s17 =	sshll.u32 s0, $0xA;
	s2 =	sadd.s32 s3, s2  }
0x8d: {  	s2 =	sadd.s32 s2, s17  }
0x8e: {  	[smem:$0x3FC6] =	sst s2  }
0x8f: {  	_ = 	snop  }
0x90: {  	s2 =	sld [smem:$0x3FC8];
	(tm) =	ssettm $0x1  }
0x91: {  	s18 =	sld [smem:$0x3FFB];
	_ =	sdelay $0x3  }
0x92: {  	_ =	strace s18  }
0x93: {  	s3 =	sld [smem:$0x3FFC];
	_ =	sdelay $0x3  }
0x94: {  	_ =	strace s3  }
0x95: {  	s3 =	sld [smem:$0x3FFD];
	_ =	sdelay $0x3  }
0x96: {  	_ =	strace s3  }
0x97: {  	_ =	strace $0x8FFFFFFF  }
0x98: {  	s19 =	sld [smem:$0x3FDB];
	_ =	sdelay $0x1  }
0x99: {  	s4 =	simm.s32 $_scs_section_size  }
0x9a: {  	s5 =	simm.s32 $_size__tile_overlayer_lowered;
	s6 =	simm.s32 $_tile_overlayer_lowered  }
0x9b: {  	s22 =	simm.s32 $0x1BFF;
	s21 =	sshll.u32 s6, $0x1;
	s3 =	sadd.s32 s4, s19  }
0x9c: {  	s7 =	simm.s32 $0x0;
	s20 =	sshll.u32 s5, $0x1;
	s5 =	sadd.s32 s21, s3  }
0x9d: {  	[timem:s7], [sflag:s22] =	dma.local [hbm:s5], s20  }
0x9e: {  	_ =	swait.ge [sflag:s22], s20  }
0x9f: {  	s4 =	ssub.s32 $0x0, s20;
	[sflag:s22] =	ssyncset.done $0x0  }
0xa0: {  	[sflag:s22] =	ssyncadd.s32 s4;
	_ =	sdelay $0x1  }
0xa1: {  	s23 =	simm.s32 $0x1B8B  }
0xa2: {  	_ =	swait.ge [sflag:s23], $0x1  }
0xa3: {  	[sflag:s23] =	ssyncset.done $0x0  }
0xa4: {  	s25 =	simm.s32 $0x1B8E;
	s24 =	sld [smem:$0x3FFE];
	[sflag:s23] =	ssyncadd.s32 $0xFFFFFFFF  }
0xa5: {  	s26 =	simm.s32 $execute0_lowered;
	[smem:$0x3FD2] =	sst s25  }
0xa6: {  	s5 =	sshll.u32 s26, $0x1;
	_ =	strace $0x80000046;
	[dreg:$0x1] =	wrdreg $0xFFFFFFFF  }
0xa7: {  	s28 =	simm.s32 $_size_execute0_lowered;
	s3 =	sadd.s32 s3, s5;
	[dreg:$0x0] =	wrdreg $0x0  }
0xa8: {  	s5 =	sshll.u32 s28, $0x1;
	[dreg:$0x2] =	wrdreg s3  }
0xa9: {  	[dreg:$0x3] =	wrdreg s5  }
0xaa: {  	[dreg:$0x4] =	wrdreg $0xC0  }
0xab: {  	_ =	task [dreg:s7], $0x5FFFF  }
0xac: {  	[dreg:$0x1] =	wrdreg $0xFFFFFFFF  }
0xad: {  	[dreg:$0x0] =	wrdreg $0x60  }
0xae: {  	[dreg:$0x2] =	wrdreg s2  }
0xaf: {  	[dreg:$0x3] =	wrdreg s24  }
0xb0: {  	[dreg:$0x4] =	wrdreg $0x9  }
0xb1: {  	_ =	task.clear_ibuf [dreg:s7], $0x5FFFF;
	_ =	strace $0x90000046  }
0xb2: {  	s29 =	simm.s32 $0x9;
	_ =	strace $0x80000048  }
0xb3: {  	_ =	swait.ge [sflag:s29], $0x1  }
0xb4: {  	[sflag:s29] =	ssyncadd.s32 $0xFFFFFFFF  }
0xb5: {  	_ =	strace $0x90000048  }
0xb6: {  	_ =	sfence  }
0xb7: {  	s30 =	sld [smem:$0x0];
	_ =	sdelay $0x2  }
0xb8: {  	s31 =	sshll.u32 s1, $0xD;
	s1 =	sshrl.u32 s1, $0x2  }
0xb9: {  	s3 =	sand.u32 $0x4000, s31;
	s1 =	sadd.s32 s1, s30  }
0xba: {  	s0 =	sor.u32 s3, s0;
	s1 =	sshll.u32 s1, $0x11  }
0xbb: {  	s0 =	sor.u32 s1, s0  }
0xbc: {  	s0 =	sadd.s32 $0x8F2B, s0  }
0xbd: {  	[sflag:s0] =	ssyncadd.remote.s32 $0x1  }
0xbe: {  	_ =	sfence.sel $0xFFFF  }
0xbf: {  	[dreg:$0x0] =	wrdreg $0xFFFFFFFF;
	(pc) =	sbr.abs _section_cstart, $3  }
0xc0: {  	[dreg:$0x1] =	wrdreg $0xFFFFFFFF  }
0xc1: {  	_ =	task.clear_ibuf [dreg:s7], $0x2FFFF;
	_ =	strace $0x9FFFFFFF  }
0xc2: {  	(tm) =	ssettm $0x7FFFFFFF  }
0xc3: {  	_ =	shalt  }
tec
execute0_lowered:
.L_overlay_start_1:
0x0: {  	(tag) =	ssettag $0x1  }
0x1: {  	vm14 =	vcmask $0x300;
	v0 =	vimm.s32 $0xF;
	vm13 =	vcmask $0x704  }
0x2: {  	vm12 =	vcmask $0xB08;
	vm11 =	vcmask $0xF0C;
	vm9 =	vcmask $0x1310  }
0x3: {  	vm10 =	vcmask $0x1714;
	vm8 =	vcmask $0x1B18;
	vm7 =	vcmask $0x1F1C  }
0x4: {  	vm5 =	vcmask $0x2320;
	vm6 =	vcmask $0x2724;
	v1 =	vimm.s32 $0x8F  }
0x5: {  	vm4 =	vcmask $0x2B28;
	vm3 =	vcmask $0x2F2C;
	vm2 =	vcmask $0x3330  }
0x6: {  	vm0 =	vcmask $0x3734;
	v2 =	vimm.s32 $0xFEDCBA9;
	v3 =	vimm.s32 $0x87654321  }
0x7: {  	v5 =	vimm.s32 $0x10F;
	vm1 =	vcmask $0x3B38;
	v6 =	vimm.s32 $0x18F  }
0x8: {  	v8 =	vimm.s32 $0xA9876543;
	v10 =	vimm.s32 $0x28F;
	v12 =	vimm.s32 $0x30F  }
0x9: {  	v24 =	vimm.s32 $0xDCBA9876;
	v25 =	vimm.s32 $0x6543210F;
	v15 =	vimm.s32 $0xEDCBA987  }
0xa: {  	v29 =	vimm.s32 $0x40F;
	v31 =	vimm.s32 $0x48F;
	v34 =	vimm.s32 $0x76543210  }
0xb: {  	v35 =	vimm.s32 $0xFEDCBA98;
	v36 =	vimm.s32 $0x50F;
	v39 =	vimm.s32 $0xF0F  }
0xc: {  	v40 =	vimm.s32 $0x100F;
	v41 =	vimm.s32 $0x108F;
	v42 =	vimm.s32 $0x110F  }
0xd: {  	v43 =	vimm.s32 $0x118F;
	v44 =	vimm.s32 $0x120F;
	v45 =	vimm.s32 $0x128F  }
0xe: {  	v19 =	vimm.s32 $0x130F;
	v20 =	vimm.s32 $0x138F;
	v21 =	vimm.s32 $0x140F  }
0xf: {  	v61 =	vimm.s32 $0x19181716;
	v0 =	vsel vm14, $0x80, v0;
	v1 =	vsel vm14, $0x100, v1  }
0x10: {  	v2 =	vunpack.c.l.s4.s8 v2;
	v3 =	vunpack.c.l.s4.s8 v3;
	v7 =	vsel vm14, $0x200, v6  }
0x11: {  	v8 =	vunpack.c.l.s4.s8 v8;
	v10 =	vsel vm14, $0x300, v10;
	v13 =	vsel vm14, $0x380, v12  }
0x12: {  	v15 =	vunpack.c.l.s4.s8 v15;
	v30 =	vsel vm14, $0x480, v29;
	v33 =	vsel vm14, $0x500, v31  }
0x13: {  	v12 =	vsel vm14, $0xF80, v39;
	v19 =	vsel vm14, $0x1380, v19;
	v20 =	vsel vm14, $0x1400, v20  }
0x14: {  	v21 =	vsel vm14, $0x1480, v21;
	v29 =	vimm.s32 $0x188F;
	v31 =	vimm.s32 $0x198F  }
0x15: {  	v39 =	vimm.s32 $0x1D8F;
	v0 =	vsel vm13, $0x101, v0;
	v1 =	vsel vm13, $0x181, v1  }
0x16: {  	v10 =	vsel vm13, $0x381, v10;
	v29 =	vsel vm14, $0x1900, v29;
	v31 =	vsel vm14, $0x1A00, v31  }
0x17: {  	v39 =	vsel vm14, $0x1E00, v39;
	v12 =	vsel vm13, $0x801, v12;
	v0 =	vsel vm12, $0x182, v0  }
0x18: {  	v19 =	vsel vm13, $0x1401, v19;
	v20 =	vsel vm13, $0x1481, v20;
	v0 =	vsel vm11, $0x203, v0  }
0x19: {  	v21 =	vsel vm13, $0x1501, v21;
	v1 =	vsel vm12, $0x202, v1;
	v0 =	vsel vm9, $0x284, v0  }
0x1a: {  	v10 =	vsel vm12, $0x402, v10;
	v29 =	vsel vm13, $0x1981, v29;
	v0 =	vsel vm10, $0x305, v0  }
0x1b: {  	v31 =	vsel vm13, $0x1A81, v31;
	v39 =	vsel vm13, $0x1E81, v39;
	v0 =	vsel vm8, $0x386, v0  }
0x1c: {  	v12 =	vsel vm12, $0x882, v12;
	v19 =	vsel vm12, $0x1482, v19;
	v0 =	vsel vm7, $0x407, v0  }
0x1d: {  	v20 =	vsel vm12, $0x1502, v20;
	v21 =	vsel vm12, $0x1582, v21;
	v0 =	vsel vm5, $0x488, v0  }
0x1e: {  	v1 =	vsel vm11, $0x283, v1;
	v10 =	vsel vm11, $0x483, v10;
	v0 =	vsel vm6, $0x509, v0  }
0x1f: {  	v29 =	vsel vm12, $0x1A02, v29;
	v1 =	vsel vm9, $0x304, v1;
	v0 =	vsel vm4, $0x58A, v0  }
0x20: {  	v31 =	vsel vm12, $0x1B02, v31;
	v1 =	vsel vm10, $0x385, v1;
	v0 =	vsel vm3, $0x60B, v0  }
0x21: {  	v39 =	vsel vm12, $0x1F02, v39;
	v1 =	vsel vm8, $0x406, v1;
	v0 =	vsel vm2, $0x68C, v0  }
0x22: {  	v4 =	vsel vm0, $0x70D, v0;
	v0 =	vunpack.c.0.s8.s32 v2;
	v2 =	vsel vm7, $0x487, v1  }
0x23: {  	v1 =	vunpack.c.0.s8.s32 v3;
	v3 =	vsel vm14, $0x180, v5;
	v2 =	vsel vm5, $0x508, v2  }
0x24: {  	v3 =	vsel vm13, $0x201, v3;
	v55 =	vsel vm1, $0x78E, v4;
	v4 =	vimm.s32 $0x10FEDCBA  }
0x25: {  	v2 =	vsel vm6, $0x589, v2;
	v5 =	vcombine.low v1, v0;
	v3 =	vsel vm12, $0x282, v3  }
0x26: {  	v4 =	vunpack.c.l.s4.s8 v4;
	v2 =	vsel vm4, $0x60A, v2;
	v3 =	vsel vm11, $0x303, v3  }
0x27: {  	v0 =	vcombine.low v0, v1;
	v2 =	vsel vm3, $0x68B, v2;
	v3 =	vsel vm9, $0x384, v3  }
0x28: {  	v56 =	vand.u32 $0xF, v5;
	v5 =	vimm.s32 $0x98765432;
	v3 =	vsel vm10, $0x405, v3  }
0x29: {  	v4 =	vunpack.c.0.s8.s32 v4;
	v5 =	vunpack.c.l.s4.s8 v5;
	v3 =	vsel vm8, $0x486, v3  }
0x2a: {  	v0 =	vand.u32 $0xF, v0;
	v2 =	vsel vm2, $0x70C, v2;
	v3 =	vsel vm7, $0x507, v3  }
0x2b: {  	v2 =	vsel vm0, $0x78D, v2;
	v6 =	vunpack.c.0.s8.s32 v5;
	v3 =	vsel vm5, $0x588, v3  }
0x2c: {  	v5 =	vsel vm13, $0x281, v7;
	v7 =	vimm.s32 $0x210FEDCB;
	v3 =	vsel vm6, $0x609, v3  }
0x2d: {  	v57 =	vsel vm1, $0xE, v2;
	v7 =	vunpack.c.l.s4.s8 v7;
	v2 =	vsel vm4, $0x68A, v3  }
0x2e: {  	v3 =	vsel vm12, $0x302, v5;
	v5 =	vcombine.low v6, v4;
	v4 =	vcombine.low v4, v6  }
0x2f: {  	v6 =	vimm.s32 $0x58F;
	v2 =	vsel vm3, $0x70B, v2;
	v3 =	vsel vm11, $0x383, v3  }
0x30: {  	v3 =	vsel vm9, $0x404, v3;
	v58 =	vand.u32 $0xF, v5;
	v5 =	vsel vm2, $0x78C, v2  }
0x31: {  	v2 =	vunpack.c.0.s8.s32 v7;
	v63 =	vand.u32 $0xF, v4;
	v4 =	vimm.s32 $0x60F  }
0x32: {  	v3 =	vsel vm10, $0x485, v3;
	v5 =	vsel vm0, $0xD, v5;
	v4 =	vsel vm14, $0x680, v4  }
0x33: {  	v9 =	vsel vm8, $0x506, v3;
	v3 =	vunpack.c.0.s8.s32 v8;
	v8 =	vimm.s32 $0x20F  }
0x34: {  	v59 =	vsel vm1, $0x8E, v5;
	v4 =	vsel vm13, $0x701, v4;
	v7 =	vsel vm7, $0x587, v9  }
0x35: {  	v8 =	vsel vm14, $0x280, v8;
	v4 =	vsel vm12, $0x782, v4;
	v7 =	vsel vm5, $0x608, v7  }
0x36: {  	v9 =	vcombine.low v3, v2;
	v4 =	vsel vm11, $0x3, v4;
	v7 =	vsel vm6, $0x689, v7  }
0x37: {  	v2 =	vcombine.low v2, v3;
	v4 =	vsel vm9, $0x84, v4;
	v5 =	vsel vm4, $0x70A, v7  }
0x38: {  	v7 =	vsel vm13, $0x301, v8;
	v8 =	vand.u32 $0xF, v9;
	v9 =	vimm.s32 $0xBA987654  }
0x39: {  	v4 =	vsel vm10, $0x105, v4;
	v2 =	vand.u32 $0xF, v2;
	v5 =	vsel vm3, $0x78B, v5  }
0x3a: {  	v7 =	vsel vm12, $0x382, v7;
	v9 =	vunpack.c.l.s4.s8 v9;
	v3 =	vsel vm8, $0x186, v4  }
0x3b: {  	[tilespmem:$0x1F850] =	vst v8;
	v8 =	vsel vm2, $0xC, v5;
	v5 =	vimm.s32 $0x3210FEDC;
	v7 =	vsel vm11, $0x403, v7  }
0x3c: {  	[tilespmem:$0x1F870] =	vst v2;
	v2 =	vimm.s32 $0x68F;
	v5 =	vunpack.c.l.s4.s8 v5;
	v7 =	vsel vm9, $0x484, v7  }
0x3d: {  	v4 =	vimm.s32 $0xB0F;
	v2 =	vsel vm14, $0x700, v2;
	v7 =	vsel vm10, $0x505, v7  }
0x3e: {  	v5 =	vunpack.c.0.s8.s32 v5;
	v11 =	vsel vm8, $0x586, v7;
	v7 =	vunpack.c.0.s8.s32 v9  }
0x3f: {  	v4 =	vsel vm14, $0xB80, v4;
	v8 =	vsel vm0, $0x8D, v8;
	v9 =	vsel vm7, $0x607, v11  }
0x40: {  	v2 =	vsel vm13, $0x781, v2;
	v9 =	vsel vm5, $0x688, v9;
	v11 =	vcombine.low v7, v5  }
0x41: {  	v4 =	vsel vm13, $0xC01, v4;
	v60 =	vsel vm1, $0x10E, v8;
	v9 =	vsel vm6, $0x709, v9  }
0x42: {  	v8 =	vsel vm4, $0x78A, v9;
	v9 =	vsel vm9, $0x504, v10;
	v10 =	vand.u32 $0xF, v11  }
0x43: {  	v11 =	vimm.s32 $0xCBA98765;
	v8 =	vsel vm3, $0xB, v8;
	v9 =	vsel vm10, $0x585, v9  }
0x44: {  	[tilespmem:$0x1FCA0] =	vst v10;
	v11 =	vunpack.c.l.s4.s8 v11;
	v10 =	vsel vm2, $0x8C, v8;
	v8 =	vimm.s32 $0x43210FED  }
0x45: {  	v4 =	vsel vm12, $0xC82, v4;
	v9 =	vsel vm8, $0x606, v9;
	v8 =	vunpack.c.l.s4.s8 v8  }
0x46: {  	v9 =	vsel vm7, $0x687, v9;
	v22 =	vunpack.c.0.s8.s32 v11;
	v11 =	vsel vm13, $0x401, v13  }
0x47: {  	v10 =	vsel vm0, $0x10D, v10;
	v13 =	vunpack.c.l.s4.s8 v24;
	v24 =	vimm.s32 $0x158F  }
0x48: {  	v9 =	vsel vm5, $0x708, v9;
	v11 =	vsel vm12, $0x482, v11;
	v10 =	vsel vm1, $0x18E, v10  }
0x49: {  	v24 =	vsel vm14, $0x1600, v24;
	v8 =	vunpack.c.0.s8.s32 v8;
	v9 =	vsel vm6, $0x789, v9  }
0x4a: {  	v11 =	vsel vm11, $0x503, v11;
	v13 =	vunpack.c.0.s8.s32 v13;
	v9 =	vsel vm4, $0xA, v9  }
0x4b: {  	v24 =	vsel vm13, $0x1681, v24;
	v9 =	vsel vm3, $0x8B, v9;
	v23 =	vcombine.low v22, v8  }
0x4c: {  	[tilespmem:$0x1FA40] =	vst v10;
	v10 =	vsel vm9, $0x584, v11;
	v24 =	vsel vm12, $0x1702, v24;
	v9 =	vsel vm2, $0x10C, v9  }
0x4d: {  	v9 =	vsel vm0, $0x18D, v9;
	v11 =	vand.u32 $0xF, v23;
	v23 =	vimm.s32 $0x150F  }
0x4e: {  	[tilespmem:$0x1FA30] =	vst v11;
	v9 =	vsel vm1, $0x20E, v9;
	v11 =	vimm.s32 $0x38F;
	v23 =	vsel vm14, $0x1580, v23  }
0x4f: {  	[tilespmem:$0x1FA60] =	vst v9;
	v9 =	vsel vm10, $0x605, v10;
	v10 =	vimm.s32 $0x543210FE;
	v11 =	vsel vm14, $0x400, v11  }
0x50: {  	v23 =	vsel vm13, $0x1601, v23;
	v9 =	vsel vm8, $0x686, v9;
	v11 =	vsel vm13, $0x481, v11  }
0x51: {  	v10 =	vunpack.c.l.s4.s8 v10;
	v9 =	vsel vm7, $0x707, v9;
	v11 =	vsel vm12, $0x502, v11  }
0x52: {  	v23 =	vsel vm12, $0x1682, v23;
	v9 =	vsel vm5, $0x788, v9;
	v11 =	vsel vm11, $0x583, v11  }
0x53: {  	v14 =	vsel vm6, $0x9, v9;
	v9 =	vunpack.c.0.s8.s32 v10;
	v11 =	vsel vm9, $0x604, v11  }
0x54: {  	v10 =	vsel vm4, $0x8A, v14;
	v11 =	vsel vm10, $0x685, v11;
	v14 =	vunpack.c.l.s4.s8 v25  }
0x55: {  	v25 =	vimm.s32 $0x160F;
	v10 =	vsel vm3, $0x10B, v10;
	v11 =	vsel vm8, $0x706, v11  }
0x56: {  	v16 =	vcombine.low v13, v9;
	v25 =	vsel vm14, $0x1680, v25;
	v17 =	vsel vm2, $0x18C, v10  }
0x57: {  	v18 =	vsel vm7, $0x787, v11;
	v10 =	vunpack.c.0.s8.s32 v14;
	v11 =	vunpack.c.0.s8.s32 v15  }
0x58: {  	v25 =	vsel vm13, $0x1701, v25;
	v26 =	vsel vm5, $0x8, v18;
	v54 =	vand.u32 $0xF, v16  }
0x59: {  	v27 =	vsel vm0, $0x20D, v17;
	v17 =	vunpack.c.l.s4.s8 v35;
	v16 =	vunpack.c.l.s4.s8 v34  }
0x5a: {  	v18 =	vsel vm14, $0x1300, v45;
	v34 =	vimm.s32 $0x1B0F;
	v35 =	vimm.s32 $0x1B8F  }
0x5b: {  	v25 =	vsel vm12, $0x1782, v25;
	v14 =	vsel vm6, $0x89, v26;
	v28 =	vcombine.low v11, v10  }
0x5c: {  	v15 =	vsel vm1, $0x28E, v27;
	v26 =	vimm.s32 $0x168F;
	v27 =	vimm.s32 $0x170F  }
0x5d: {  	v34 =	vsel vm14, $0x1B80, v34;
	v35 =	vsel vm14, $0x1C00, v35;
	v18 =	vsel vm13, $0x1381, v18  }
0x5e: {  	v14 =	vsel vm4, $0x10A, v14;
	[tilespmem:$0x1FA70] =	vst v15;
	v15 =	vsel vm13, $0x501, v30;
	v17 =	vunpack.c.0.s8.s32 v17  }
0x5f: {  	v16 =	vunpack.c.0.s8.s32 v16;
	v26 =	vsel vm14, $0x1700, v26;
	v27 =	vsel vm14, $0x1780, v27  }
0x60: {  	v30 =	vimm.s32 $0x190F;
	v34 =	vsel vm13, $0x1C01, v34;
	v35 =	vsel vm13, $0x1C81, v35  }
0x61: {  	v18 =	vsel vm12, $0x1402, v18;
	v14 =	vsel vm3, $0x18B, v14;
	v53 =	vand.u32 $0xF, v28  }
0x62: {  	v15 =	vsel vm12, $0x582, v15;
	v28 =	vimm.s32 $0x180F;
	v30 =	vsel vm14, $0x1980, v30  }
0x63: {  	v26 =	vsel vm13, $0x1781, v26;
	v27 =	vsel vm13, $0x1001, v27;
	v34 =	vsel vm12, $0x1C82, v34  }
0x64: {  	v35 =	vsel vm12, $0x1D02, v35;
	v14 =	vsel vm2, $0x20C, v14;
	v32 =	vsel vm11, $0x603, v15  }
0x65: {  	v15 =	vsel vm13, $0x581, v33;
	v17 =	vand.u32 $0xF, v17;
	v28 =	vsel vm14, $0x1880, v28  }
0x66: {  	v33 =	vimm.s32 $0x1A8F;
	v30 =	vsel vm13, $0x1A01, v30;
	v26 =	vsel vm12, $0x1002, v26  }
0x67: {  	v27 =	vsel vm12, $0x1082, v27;
	v14 =	vsel vm0, $0x28D, v14;
	v15 =	vsel vm12, $0x602, v15  }
0x68: {  	v16 =	vcombine.low v17, v16;
	v17 =	vsel vm14, $0x1280, v44;
	v33 =	vsel vm14, $0x1B00, v33  }
0x69: {  	v28 =	vsel vm13, $0x1901, v28;
	v44 =	vunpack.c.0.s8.s32 v61;
	v30 =	vsel vm12, $0x1A82, v30  }
0x6a: {  	v61 =	vimm.s32 $0x1E1D1C1B;
	v51 =	vsel vm1, $0x30E, v14;
	v14 =	vsel vm9, $0x684, v32  }
0x6b: {  	v15 =	vsel vm11, $0x683, v15;
	v32 =	vimm.s32 $0x1A0F;
	v17 =	vsel vm13, $0x1301, v17  }
0x6c: {  	v33 =	vsel vm13, $0x1B81, v33;
	v28 =	vsel vm12, $0x1982, v28;
	v14 =	vsel vm10, $0x705, v14  }
0x6d: {  	v15 =	vsel vm9, $0x704, v15;
	[tilespmem:$0x1FCB0] =	vst v16;
	v16 =	vsel vm14, $0x580, v36;
	v32 =	vsel vm14, $0x1A80, v32  }
0x6e: {  	v36 =	vimm.s32 $0x1C0F;
	v17 =	vsel vm12, $0x1382, v17;
	v33 =	vsel vm12, $0x1C02, v33  }
0x6f: {  	v14 =	vsel vm8, $0x786, v14;
	v15 =	vsel vm10, $0x785, v15;
	v37 =	vsel vm13, $0x601, v16  }
0x70: {  	v16 =	vsel vm14, $0x1200, v43;
	v36 =	vsel vm14, $0x1C80, v36;
	v43 =	vimm.s32 $0x15141312  }
0x71: {  	v32 =	vsel vm13, $0x1B01, v32;
	v14 =	vsel vm7, $0x7, v14;
	v15 =	vsel vm8, $0x6, v15  }
0x72: {  	v38 =	vsel vm12, $0x682, v37;
	v37 =	vimm.s32 $0x1C8F;
	v45 =	vunpack.c.0.s8.s32 v43  }
0x73: {  	v16 =	vsel vm13, $0x1281, v16;
	v36 =	vsel vm13, $0x1D01, v36;
	v32 =	vsel vm12, $0x1B82, v32  }
0x74: {  	v14 =	vsel vm5, $0x88, v14;
	v15 =	vsel vm7, $0x87, v15;
	v37 =	vsel vm14, $0x1D00, v37  }
0x75: {  	v16 =	vsel vm12, $0x1302, v16;
	v14 =	vsel vm6, $0x109, v14;
	v15 =	vsel vm5, $0x108, v15  }
0x76: {  	v36 =	vsel vm12, $0x1D82, v36;
	v14 =	vsel vm4, $0x18A, v14;
	v15 =	vsel vm6, $0x189, v15  }
0x77: {  	v37 =	vsel vm13, $0x1D81, v37;
	v14 =	vsel vm3, $0x20B, v14;
	v15 =	vsel vm4, $0x20A, v15  }
0x78: {  	v37 =	vsel vm12, $0x1E02, v37;
	v14 =	vsel vm2, $0x28C, v14;
	v1 =	vsel vm3, $0x28B, v15  }
0x79: {  	v15 =	vsel vm14, $0x1180, v42;
	v42 =	vimm.s32 $0x1F0F;
	v14 =	vsel vm0, $0x30D, v14  }
0x7a: {  	v1 =	vsel vm2, $0x30C, v1;
	v42 =	vsel vm14, $0x1F80, v42;
	v15 =	vsel vm13, $0x1201, v15  }
0x7b: {  	[tilespmem:$0x1FA50] =	vst v0;
	v14 =	vsel vm1, $0x38E, v14;
	v0 =	vsel vm0, $0x38D, v1;
	v1 =	vsel vm11, $0x703, v38  }
0x7c: {  	v38 =	vimm.s32 $0x1D0F;
	v42 =	vsel vm13, $0x1801, v42;
	v15 =	vsel vm12, $0x1282, v15  }
0x7d: {  	[tilespmem:$0x1FA80] =	vst v14;
	v1 =	vsel vm9, $0x784, v1;
	v62 =	vsel vm1, $0x40E, v0;
	v14 =	vsel vm14, $0x1100, v41  }
0x7e: {  	v38 =	vsel vm14, $0x1D80, v38;
	v41 =	vimm.s32 $0x1E8F;
	v42 =	vsel vm12, $0x1882, v42  }
0x7f: {  	v0 =	vsel vm10, $0x5, v1;
	v1 =	vsel vm14, $0x600, v6;
	v6 =	vimm.s32 $0xC0F  }
0x80: {  	v41 =	vsel vm14, $0x1F00, v41;
	v0 =	vsel vm8, $0x86, v0;
	v1 =	vsel vm13, $0x681, v1  }
0x81: {  	v14 =	vsel vm13, $0x1181, v14;
	v0 =	vsel vm7, $0x107, v0;
	v1 =	vsel vm12, $0x702, v1  }
0x82: {  	v38 =	vsel vm13, $0x1E01, v38;
	v0 =	vsel vm5, $0x188, v0;
	v1 =	vsel vm11, $0x783, v1  }
0x83: {  	v6 =	vsel vm14, $0xC80, v6;
	v0 =	vsel vm6, $0x209, v0;
	v1 =	vsel vm9, $0x4, v1  }
0x84: {  	v41 =	vsel vm13, $0x1F81, v41;
	v0 =	vsel vm4, $0x28A, v0;
	v1 =	vsel vm10, $0x85, v1  }
0x85: {  	v14 =	vsel vm12, $0x1202, v14;
	v0 =	vsel vm3, $0x30B, v0;
	v1 =	vsel vm8, $0x106, v1  }
0x86: {  	v38 =	vsel vm12, $0x1E82, v38;
	v0 =	vsel vm2, $0x38C, v0;
	v1 =	vsel vm7, $0x187, v1  }
0x87: {  	v6 =	vsel vm13, $0xD01, v6;
	v0 =	vsel vm0, $0x40D, v0;
	v1 =	vsel vm5, $0x208, v1  }
0x88: {  	v41 =	vsel vm12, $0x1802, v41;
	v1 =	vsel vm6, $0x289, v1;
	v0 =	vsel vm1, $0x48E, v0  }
0x89: {  	v6 =	vsel vm12, $0xD82, v6;
	[tilespmem:$0x1F860] =	vst v0;
	v0 =	vsel vm4, $0x30A, v1;
	v1 =	vsel vm7, $0x207, v3  }
0x8a: {  	v3 =	vcombine.low v5, v7;
	v5 =	vimm.s32 $0xB8F;
	v7 =	vimm.s32 $0xC8F  }
0x8b: {  	v0 =	vsel vm3, $0x38B, v0;
	v1 =	vsel vm5, $0x288, v1;
	v5 =	vsel vm14, $0xC00, v5  }
0x8c: {  	v7 =	vsel vm14, $0xD00, v7;
	v0 =	vsel vm2, $0x40C, v0;
	v1 =	vsel vm6, $0x309, v1  }
0x8d: {  	v5 =	vsel vm13, $0xC81, v5;
	v0 =	vsel vm0, $0x48D, v0;
	v1 =	vsel vm4, $0x38A, v1  }
0x8e: {  	v7 =	vsel vm13, $0xD81, v7;
	v1 =	vsel vm3, $0x40B, v1;
	v0 =	vsel vm1, $0x50E, v0  }
0x8f: {  	v5 =	vsel vm12, $0xD02, v5;
	v7 =	vsel vm12, $0xE02, v7;
	[tilespmem:$0x1F880] =	vst v0;
	v0 =	vsel vm2, $0x48C, v1  }
0x90: {  	v1 =	vsel vm12, $0x2, v2;
	v2 =	vand.u32 $0xF, v3;
	v3 =	vimm.s32 $0x70F  }
0x91: {  	[tilespmem:$0x1F890] =	vst v2;
	v0 =	vsel vm0, $0x50D, v0;
	v1 =	vsel vm11, $0x83, v1;
	v2 =	vcombine.low v8, v22  }
0x92: {  	v8 =	vimm.s32 $0xD0F;
	v22 =	vimm.s32 $0x148F;
	v1 =	vsel vm9, $0x104, v1  }
0x93: {  	v0 =	vsel vm1, $0x58E, v0;
	v8 =	vsel vm14, $0xD80, v8;
	v22 =	vsel vm14, $0x1500, v22  }
0x94: {  	[tilespmem:$0x1F8A0] =	vst v0;
	v0 =	vsel vm10, $0x185, v1;
	v1 =	vsel vm14, $0x780, v3;
	v2 =	vand.u32 $0xF, v2  }
0x95: {  	v3 =	vcombine.low v9, v13;
	v9 =	vimm.s32 $0xD8F;
	v13 =	vsel vm14, $0x1080, v40  }
0x96: {  	v40 =	vimm.s32 $0x1E0F;
	v8 =	vsel vm13, $0xE01, v8;
	v22 =	vsel vm13, $0x1581, v22  }
0x97: {  	[tilespmem:$0x1F8B0] =	vst v2;
	v0 =	vsel vm8, $0x206, v0;
	v1 =	vsel vm13, $0x1, v1;
	v2 =	vimm.s32 $0x80F  }
0x98: {  	v9 =	vsel vm14, $0xE00, v9;
	v40 =	vsel vm14, $0x1E80, v40;
	v13 =	vsel vm13, $0x1101, v13  }
0x99: {  	v8 =	vsel vm12, $0xE82, v8;
	v22 =	vsel vm12, $0x1602, v22;
	v0 =	vsel vm7, $0x287, v0  }
0x9a: {  	v1 =	vsel vm12, $0x82, v1;
	v2 =	vsel vm14, $0x880, v2;
	v9 =	vsel vm13, $0xE81, v9  }
0x9b: {  	v40 =	vsel vm13, $0x1F01, v40;
	v13 =	vsel vm12, $0x1182, v13;
	v0 =	vsel vm5, $0x308, v0  }
0x9c: {  	v1 =	vsel vm11, $0x103, v1;
	v2 =	vsel vm13, $0x901, v2;
	v9 =	vsel vm12, $0xF02, v9  }
0x9d: {  	v40 =	vsel vm12, $0x1F82, v40;
	v0 =	vsel vm6, $0x389, v0;
	v1 =	vsel vm9, $0x184, v1  }
0x9e: {  	v2 =	vsel vm12, $0x982, v2;
	v0 =	vsel vm4, $0x40A, v0;
	v1 =	vsel vm10, $0x205, v1  }
0x9f: {  	v2 =	vsel vm11, $0xA03, v2;
	v0 =	vsel vm3, $0x48B, v0;
	v1 =	vsel vm8, $0x286, v1  }
0xa0: {  	v2 =	vsel vm9, $0xA84, v2;
	v0 =	vsel vm2, $0x50C, v0;
	v1 =	vsel vm7, $0x307, v1  }
0xa1: {  	v2 =	vsel vm10, $0xB05, v2;
	v0 =	vsel vm0, $0x58D, v0;
	v1 =	vsel vm5, $0x388, v1  }
0xa2: {  	v2 =	vsel vm8, $0xB86, v2;
	v1 =	vsel vm6, $0x409, v1;
	v0 =	vsel vm1, $0x60E, v0  }
0xa3: {  	[tilespmem:$0x1F8C0] =	vst v0;
	v0 =	vsel vm4, $0x48A, v1;
	v1 =	vsel vm7, $0xC07, v2;
	v2 =	vand.u32 $0xF, v3  }
0xa4: {  	v3 =	vcombine.low v10, v11;
	v0 =	vsel vm3, $0x50B, v0;
	v1 =	vsel vm5, $0xC88, v1  }
0xa5: {  	v10 =	vimm.s32 $0xE0F;
	v0 =	vsel vm2, $0x58C, v0;
	v1 =	vsel vm6, $0xD09, v1  }
0xa6: {  	[tilespmem:$0x1F8D0] =	vst v2;
	v2 =	vimm.s32 $0x88F;
	v0 =	vsel vm0, $0x60D, v0;
	v1 =	vsel vm4, $0xD8A, v1  }
0xa7: {  	v2 =	vsel vm14, $0x900, v2;
	v1 =	vsel vm3, $0xE0B, v1;
	v0 =	vsel vm1, $0x68E, v0  }
0xa8: {  	v11 =	vimm.s32 $0xE8F;
	v2 =	vsel vm13, $0x981, v2;
	[tilespmem:$0x1F8E0] =	vst v0;
	v0 =	vsel vm2, $0xE8C, v1  }
0xa9: {  	v10 =	vsel vm14, $0xE80, v10;
	v1 =	vsel vm12, $0xA02, v2;
	v0 =	vsel vm0, $0xF0D, v0  }
0xaa: {  	v11 =	vsel vm14, $0xF00, v11;
	v1 =	vsel vm11, $0xA83, v1;
	v0 =	vsel vm1, $0xF8E, v0  }
0xab: {  	v10 =	vsel vm13, $0xF01, v10;
	v1 =	vsel vm9, $0xB04, v1;
	[tilespmem:$0x1F900] =	vst v0;
	v0 =	vimm.s32 $0x1C1B1A19  }
0xac: {  	v1 =	vsel vm10, $0xB85, v1;
	v52 =	vunpack.c.0.s8.s32 v0;
	v0 =	vimm.s32 $0x101F1E1D  }
0xad: {  	v11 =	vsel vm13, $0xF81, v11;
	v50 =	vunpack.c.0.s8.s32 v0;
	v0 =	vsel vm8, $0xC06, v1  }
0xae: {  	v10 =	vsel vm12, $0xF82, v10;
	v1 =	vimm.s32 $0x90F;
	v0 =	vsel vm7, $0xC87, v0  }
0xaf: {  	v11 =	vsel vm12, $0x802, v11;
	v1 =	vsel vm14, $0x980, v1;
	v0 =	vsel vm5, $0xD08, v0  }
0xb0: {  	v2 =	vand.u32 $0xF, v3;
	v1 =	vsel vm13, $0xA01, v1;
	v0 =	vsel vm6, $0xD89, v0  }
0xb1: {  	[tilespmem:$0x1F8F0] =	vst v2;
	v2 =	vimm.s32 $0x14131211;
	v1 =	vsel vm12, $0xA82, v1;
	v0 =	vsel vm4, $0xE0A, v0  }
0xb2: {  	v49 =	vunpack.c.0.s8.s32 v2;
	v1 =	vsel vm11, $0xB03, v1;
	v0 =	vsel vm3, $0xE8B, v0  }
0xb3: {  	v2 =	vimm.s32 $0x18171615;
	v1 =	vsel vm9, $0xB84, v1;
	v0 =	vsel vm2, $0xF0C, v0  }
0xb4: {  	v48 =	vunpack.c.0.s8.s32 v2;
	v1 =	vsel vm10, $0xC05, v1;
	v0 =	vsel vm0, $0xF8D, v0  }
0xb5: {  	v2 =	vimm.s32 $0x98F;
	v1 =	vsel vm8, $0xC86, v1;
	v0 =	vsel vm1, $0x80E, v0  }
0xb6: {  	v3 =	vimm.s32 $0xA8F;
	v2 =	vsel vm14, $0xA00, v2;
	[tilespmem:$0x1F910] =	vst v0;
	v0 =	vsel vm7, $0xD07, v1  }
0xb7: {  	v3 =	vsel vm14, $0xB00, v3;
	v2 =	vsel vm13, $0xA81, v2;
	v0 =	vsel vm5, $0xD88, v0  }
0xb8: {  	v3 =	vsel vm13, $0xB81, v3;
	v1 =	vsel vm12, $0xB02, v2;
	v0 =	vsel vm6, $0xE09, v0  }
0xb9: {  	v2 =	vimm.s32 $0x1D1C1B1A;
	v1 =	vsel vm11, $0xB83, v1;
	v0 =	vsel vm4, $0xE8A, v0  }
0xba: {  	v47 =	vunpack.c.0.s8.s32 v2;
	v1 =	vsel vm9, $0xC04, v1;
	v0 =	vsel vm3, $0xF0B, v0  }
0xbb: {  	v2 =	vimm.s32 $0x11101F1E;
	v1 =	vsel vm10, $0xC85, v1;
	v0 =	vsel vm2, $0xF8C, v0  }
0xbc: {  	v46 =	vunpack.c.0.s8.s32 v2;
	v1 =	vsel vm8, $0xD06, v1;
	v0 =	vsel vm0, $0x80D, v0  }
0xbd: {  	v2 =	vimm.s32 $0xA0F;
	v1 =	vsel vm7, $0xD87, v1;
	v0 =	vsel vm1, $0x88E, v0  }
0xbe: {  	v2 =	vsel vm14, $0xA80, v2;
	v1 =	vsel vm5, $0xE08, v1;
	[tilespmem:$0x1F920] =	vst v0;
	v0 =	vunpack.c.0.s8.s32 v61  }
0xbf: {  	v3 =	vsel vm12, $0xC02, v3;
	v2 =	vsel vm13, $0xB01, v2;
	v1 =	vsel vm6, $0xE89, v1  }
0xc0: {  	v2 =	vsel vm12, $0xB82, v2;
	v61 =	vimm.s32 $0x1211101F;
	[tilespmem:$0x1F930] =	vst v0;
	v0 =	vsel vm4, $0xF0A, v1  }
0xc1: {  	v1 =	vsel vm11, $0xC03, v2;
	v2 =	vsel vm11, $0xC83, v3;
	v3 =	vsel vm11, $0xD03, v4  }
0xc2: {  	v4 =	vsel vm11, $0xD83, v5;
	v5 =	vsel vm11, $0xE03, v6;
	v6 =	vsel vm11, $0xE83, v7  }
0xc3: {  	v7 =	vsel vm11, $0xF03, v8;
	v8 =	vsel vm11, $0xF83, v9;
	v9 =	vsel vm11, $0x803, v10  }
0xc4: {  	v10 =	vsel vm11, $0x883, v11;
	v11 =	vsel vm11, $0x903, v12;
	v12 =	vsel vm11, $0x1203, v13  }
0xc5: {  	v13 =	vsel vm11, $0x1283, v14;
	v14 =	vsel vm11, $0x1303, v15;
	v15 =	vsel vm11, $0x1383, v16  }
0xc6: {  	v16 =	vsel vm11, $0x1403, v17;
	v17 =	vsel vm11, $0x1483, v18;
	v18 =	vsel vm11, $0x1503, v19  }
0xc7: {  	v19 =	vsel vm11, $0x1583, v20;
	v20 =	vsel vm11, $0x1603, v21;
	v21 =	vsel vm11, $0x1683, v22  }
0xc8: {  	v22 =	vsel vm11, $0x1703, v23;
	v23 =	vsel vm11, $0x1783, v24;
	v24 =	vsel vm11, $0x1003, v25  }
0xc9: {  	v25 =	vsel vm11, $0x1083, v26;
	v26 =	vsel vm11, $0x1103, v27;
	v27 =	vsel vm11, $0x1A03, v28  }
0xca: {  	v28 =	vsel vm11, $0x1A83, v29;
	v29 =	vsel vm11, $0x1B03, v30;
	v30 =	vsel vm11, $0x1B83, v31  }
0xcb: {  	v31 =	vsel vm11, $0x1C03, v32;
	v32 =	vsel vm11, $0x1C83, v33;
	v33 =	vsel vm11, $0x1D03, v34  }
0xcc: {  	v34 =	vsel vm11, $0x1D83, v35;
	v35 =	vsel vm11, $0x1E03, v36;
	v36 =	vsel vm11, $0x1E83, v37  }
0xcd: {  	v37 =	vsel vm11, $0x1F03, v38;
	v38 =	vsel vm11, $0x1F83, v39;
	v39 =	vsel vm11, $0x1803, v40  }
0xce: {  	v40 =	vsel vm11, $0x1883, v41;
	v41 =	vsel vm11, $0x1903, v42;
	v42 =	vunpack.c.0.s8.s32 v61  }
0xcf: {  	v61 =	vimm.s32 $0x1A191817;
	v0 =	vsel vm3, $0xF8B, v0;
	v1 =	vsel vm9, $0xC84, v1  }
0xd0: {  	v2 =	vsel vm9, $0xD04, v2;
	v3 =	vsel vm9, $0xD84, v3;
	v4 =	vsel vm9, $0xE04, v4  }
0xd1: {  	v5 =	vsel vm9, $0xE84, v5;
	v6 =	vsel vm9, $0xF04, v6;
	v7 =	vsel vm9, $0xF84, v7  }
0xd2: {  	v8 =	vsel vm9, $0x804, v8;
	v9 =	vsel vm9, $0x884, v9;
	v10 =	vsel vm9, $0x904, v10  }
0xd3: {  	v11 =	vsel vm9, $0x984, v11;
	v12 =	vsel vm9, $0x1284, v12;
	v13 =	vsel vm9, $0x1304, v13  }
0xd4: {  	v14 =	vsel vm9, $0x1384, v14;
	v15 =	vsel vm9, $0x1404, v15;
	v16 =	vsel vm9, $0x1484, v16  }
0xd5: {  	v17 =	vsel vm9, $0x1504, v17;
	v18 =	vsel vm9, $0x1584, v18;
	v19 =	vsel vm9, $0x1604, v19  }
0xd6: {  	v20 =	vsel vm9, $0x1684, v20;
	v21 =	vsel vm9, $0x1704, v21;
	v22 =	vsel vm9, $0x1784, v22  }
0xd7: {  	v23 =	vsel vm9, $0x1004, v23;
	v24 =	vsel vm9, $0x1084, v24;
	v25 =	vsel vm9, $0x1104, v25  }
0xd8: {  	v26 =	vsel vm9, $0x1184, v26;
	v27 =	vsel vm9, $0x1A84, v27;
	v28 =	vsel vm9, $0x1B04, v28  }
0xd9: {  	v29 =	vsel vm9, $0x1B84, v29;
	v30 =	vsel vm9, $0x1C04, v30;
	v31 =	vsel vm9, $0x1C84, v31  }
0xda: {  	v32 =	vsel vm9, $0x1D04, v32;
	v33 =	vsel vm9, $0x1D84, v33;
	v34 =	vsel vm9, $0x1E04, v34  }
0xdb: {  	v35 =	vsel vm9, $0x1E84, v35;
	v36 =	vsel vm9, $0x1F04, v36;
	v37 =	vsel vm9, $0x1F84, v37  }
0xdc: {  	v38 =	vsel vm9, $0x1804, v38;
	v39 =	vsel vm9, $0x1884, v39;
	v40 =	vsel vm9, $0x1904, v40  }
0xdd: {  	v41 =	vsel vm9, $0x1984, v41;
	v61 =	vunpack.c.0.s8.s32 v61;
	v0 =	vsel vm2, $0x80C, v0  }
0xde: {  	v1 =	vsel vm10, $0xD05, v1;
	v2 =	vsel vm10, $0xD85, v2;
	v3 =	vsel vm10, $0xE05, v3  }
0xdf: {  	v4 =	vsel vm10, $0xE85, v4;
	v5 =	vsel vm10, $0xF05, v5;
	v6 =	vsel vm10, $0xF85, v6  }
0xe0: {  	v7 =	vsel vm10, $0x805, v7;
	v8 =	vsel vm10, $0x885, v8;
	v9 =	vsel vm10, $0x905, v9  }
0xe1: {  	v10 =	vsel vm10, $0x985, v10;
	v11 =	vsel vm10, $0xA05, v11;
	v12 =	vsel vm10, $0x1305, v12  }
0xe2: {  	v13 =	vsel vm10, $0x1385, v13;
	v14 =	vsel vm10, $0x1405, v14;
	v15 =	vsel vm10, $0x1485, v15  }
0xe3: {  	v16 =	vsel vm10, $0x1505, v16;
	v17 =	vsel vm10, $0x1585, v17;
	v18 =	vsel vm10, $0x1605, v18  }
0xe4: {  	v19 =	vsel vm10, $0x1685, v19;
	v20 =	vsel vm10, $0x1705, v20;
	v21 =	vsel vm10, $0x1785, v21  }
0xe5: {  	v22 =	vsel vm10, $0x1005, v22;
	v23 =	vsel vm10, $0x1085, v23;
	v24 =	vsel vm10, $0x1105, v24  }
0xe6: {  	v25 =	vsel vm10, $0x1185, v25;
	v26 =	vsel vm10, $0x1205, v26;
	v27 =	vsel vm10, $0x1B05, v27  }
0xe7: {  	v28 =	vsel vm10, $0x1B85, v28;
	v29 =	vsel vm10, $0x1C05, v29;
	v30 =	vsel vm10, $0x1C85, v30  }
0xe8: {  	v31 =	vsel vm10, $0x1D05, v31;
	v32 =	vsel vm10, $0x1D85, v32;
	v33 =	vsel vm10, $0x1E05, v33  }
0xe9: {  	v34 =	vsel vm10, $0x1E85, v34;
	v35 =	vsel vm10, $0x1F05, v35;
	v36 =	vsel vm10, $0x1F85, v36  }
0xea: {  	v37 =	vsel vm10, $0x1805, v37;
	v38 =	vsel vm10, $0x1885, v38;
	v39 =	vsel vm10, $0x1905, v39  }
0xeb: {  	[tilespmem:$0x1F940] =	vst v42;
	v40 =	vsel vm10, $0x1985, v40;
	v41 =	vsel vm10, $0x1A05, v41;
	v42 =	vimm.s32 $0x16151413  }
0xec: {  	v42 =	vunpack.c.0.s8.s32 v42;
	v0 =	vsel vm0, $0x88D, v0;
	v1 =	vsel vm8, $0xD86, v1  }
0xed: {  	v2 =	vsel vm8, $0xE06, v2;
	v3 =	vsel vm8, $0xE86, v3;
	v4 =	vsel vm8, $0xF06, v4  }
0xee: {  	v5 =	vsel vm8, $0xF86, v5;
	v6 =	vsel vm8, $0x806, v6;
	v7 =	vsel vm8, $0x886, v7  }
0xef: {  	v8 =	vsel vm8, $0x906, v8;
	v9 =	vsel vm8, $0x986, v9;
	v10 =	vsel vm8, $0xA06, v10  }
0xf0: {  	v11 =	vsel vm8, $0xA86, v11;
	v12 =	vsel vm8, $0x1386, v12;
	v13 =	vsel vm8, $0x1406, v13  }
0xf1: {  	v14 =	vsel vm8, $0x1486, v14;
	v15 =	vsel vm8, $0x1506, v15;
	v16 =	vsel vm8, $0x1586, v16  }
0xf2: {  	v17 =	vsel vm8, $0x1606, v17;
	v18 =	vsel vm8, $0x1686, v18;
	v19 =	vsel vm8, $0x1706, v19  }
0xf3: {  	v20 =	vsel vm8, $0x1786, v20;
	v21 =	vsel vm8, $0x1006, v21;
	v22 =	vsel vm8, $0x1086, v22  }
0xf4: {  	v23 =	vsel vm8, $0x1106, v23;
	v24 =	vsel vm8, $0x1186, v24;
	v25 =	vsel vm8, $0x1206, v25  }
0xf5: {  	v26 =	vsel vm8, $0x1286, v26;
	v27 =	vsel vm8, $0x1B86, v27;
	v28 =	vsel vm8, $0x1C06, v28  }
0xf6: {  	v29 =	vsel vm8, $0x1C86, v29;
	v30 =	vsel vm8, $0x1D06, v30;
	v31 =	vsel vm8, $0x1D86, v31  }
0xf7: {  	v32 =	vsel vm8, $0x1E06, v32;
	v33 =	vsel vm8, $0x1E86, v33;
	v34 =	vsel vm8, $0x1F06, v34  }
0xf8: {  	[tilespmem:$0x1F960] =	vst v61;
	v35 =	vsel vm8, $0x1F86, v35;
	v36 =	vsel vm8, $0x1806, v36;
	v61 =	vimm.s32 $0x1F1E1D1C  }
0xf9: {  	v43 =	vmovc v51;
	v37 =	vsel vm8, $0x1886, v37;
	v51 =	vsel vm1, $0x90E, v0;
	v0 =	vunpack.c.0.s8.s32 v61  }
0xfa: {  	v38 =	vsel vm8, $0x1906, v38;
	v39 =	vsel vm8, $0x1986, v39;
	v40 =	vsel vm8, $0x1A06, v40  }
0xfb: {  	v41 =	vsel vm8, $0x1A86, v41;
	v61 =	vimm.s32 $0x13121110;
	[tilespmem:$0x1F970] =	vst v0;
	v0 =	vsel vm7, $0xE07, v1  }
0xfc: {  	v1 =	vsel vm7, $0xE87, v2;
	v2 =	vsel vm7, $0xF07, v3;
	v3 =	vsel vm7, $0xF87, v4  }
0xfd: {  	v4 =	vsel vm7, $0x807, v5;
	v5 =	vsel vm7, $0x887, v6;
	v6 =	vsel vm7, $0x907, v7  }
0xfe: {  	v7 =	vsel vm7, $0x987, v8;
	v8 =	vsel vm7, $0xA07, v9;
	v9 =	vsel vm7, $0xA87, v10  }
0xff: {  	v10 =	vsel vm7, $0xB07, v11;
	v11 =	vsel vm7, $0x1407, v12;
	v12 =	vsel vm7, $0x1487, v13  }
0x100: {  	v13 =	vsel vm7, $0x1507, v14;
	v14 =	vsel vm7, $0x1587, v15;
	v15 =	vsel vm7, $0x1607, v16  }
0x101: {  	v16 =	vsel vm7, $0x1687, v17;
	v17 =	vsel vm7, $0x1707, v18;
	v18 =	vsel vm7, $0x1787, v19  }
0x102: {  	v19 =	vsel vm7, $0x1007, v20;
	v20 =	vsel vm7, $0x1087, v21;
	v21 =	vsel vm7, $0x1107, v22  }
0x103: {  	v22 =	vsel vm7, $0x1187, v23;
	v23 =	vsel vm7, $0x1207, v24;
	v24 =	vsel vm7, $0x1287, v25  }
0x104: {  	v25 =	vsel vm7, $0x1307, v26;
	v26 =	vsel vm7, $0x1C07, v27;
	v27 =	vsel vm7, $0x1C87, v28  }
0x105: {  	v28 =	vsel vm7, $0x1D07, v29;
	v29 =	vsel vm7, $0x1D87, v30;
	v30 =	vsel vm7, $0x1E07, v31  }
0x106: {  	v31 =	vsel vm7, $0x1E87, v32;
	v32 =	vsel vm7, $0x1F07, v33;
	v33 =	vsel vm7, $0x1F87, v34  }
0x107: {  	v34 =	vsel vm7, $0x1807, v35;
	v35 =	vsel vm7, $0x1887, v36;
	v36 =	vsel vm7, $0x1907, v37  }
0x108: {  	v37 =	vsel vm7, $0x1987, v38;
	v38 =	vsel vm7, $0x1A07, v39;
	v39 =	vsel vm7, $0x1A87, v40  }
0x109: {  	v40 =	vsel vm7, $0x1B07, v41;
	v41 =	vunpack.c.0.s8.s32 v61;
	v61 =	vimm.s32 $0x1B1A1918  }
0x10a: {  	v0 =	vsel vm5, $0xE88, v0;
	v1 =	vsel vm5, $0xF08, v1;
	v2 =	vsel vm5, $0xF88, v2  }
0x10b: {  	v3 =	vsel vm5, $0x808, v3;
	v4 =	vsel vm5, $0x888, v4;
	v5 =	vsel vm5, $0x908, v5  }
0x10c: {  	v6 =	vsel vm5, $0x988, v6;
	v7 =	vsel vm5, $0xA08, v7;
	v8 =	vsel vm5, $0xA88, v8  }
0x10d: {  	v9 =	vsel vm5, $0xB08, v9;
	v10 =	vsel vm5, $0xB88, v10;
	v11 =	vsel vm5, $0x1488, v11  }
0x10e: {  	v12 =	vsel vm5, $0x1508, v12;
	v13 =	vsel vm5, $0x1588, v13;
	v14 =	vsel vm5, $0x1608, v14  }
0x10f: {  	v15 =	vsel vm5, $0x1688, v15;
	v16 =	vsel vm5, $0x1708, v16;
	v17 =	vsel vm5, $0x1788, v17  }
0x110: {  	v18 =	vsel vm5, $0x1008, v18;
	v19 =	vsel vm5, $0x1088, v19;
	v20 =	vsel vm5, $0x1108, v20  }
0x111: {  	v21 =	vsel vm5, $0x1188, v21;
	v22 =	vsel vm5, $0x1208, v22;
	v23 =	vsel vm5, $0x1288, v23  }
0x112: {  	v24 =	vsel vm5, $0x1308, v24;
	v25 =	vsel vm5, $0x1388, v25;
	v26 =	vsel vm5, $0x1C88, v26  }
0x113: {  	v27 =	vsel vm5, $0x1D08, v27;
	v28 =	vsel vm5, $0x1D88, v28;
	v29 =	vsel vm5, $0x1E08, v29  }
0x114: {  	v30 =	vsel vm5, $0x1E88, v30;
	v31 =	vsel vm5, $0x1F08, v31;
	v32 =	vsel vm5, $0x1F88, v32  }
0x115: {  	v33 =	vsel vm5, $0x1808, v33;
	v34 =	vsel vm5, $0x1888, v34;
	v35 =	vsel vm5, $0x1908, v35  }
0x116: {  	v36 =	vsel vm5, $0x1988, v36;
	v37 =	vsel vm5, $0x1A08, v37;
	v38 =	vsel vm5, $0x1A88, v38  }
0x117: {  	[tilespmem:$0x1F950] =	vst v42;
	v39 =	vsel vm5, $0x1B08, v39;
	v40 =	vsel vm5, $0x1B88, v40;
	v42 =	vunpack.c.0.s8.s32 v61  }
0x118: {  	v0 =	vsel vm6, $0xF09, v0;
	v1 =	vsel vm6, $0xF89, v1;
	v2 =	vsel vm6, $0x809, v2  }
0x119: {  	v3 =	vsel vm6, $0x889, v3;
	v4 =	vsel vm6, $0x909, v4;
	v5 =	vsel vm6, $0x989, v5  }
0x11a: {  	v6 =	vsel vm6, $0xA09, v6;
	v7 =	vsel vm6, $0xA89, v7;
	v8 =	vsel vm6, $0xB09, v8  }
0x11b: {  	v9 =	vsel vm6, $0xB89, v9;
	v10 =	vsel vm6, $0xC09, v10;
	v11 =	vsel vm6, $0x1509, v11  }
0x11c: {  	v12 =	vsel vm6, $0x1589, v12;
	v13 =	vsel vm6, $0x1609, v13;
	v14 =	vsel vm6, $0x1689, v14  }
0x11d: {  	v15 =	vsel vm6, $0x1709, v15;
	v16 =	vsel vm6, $0x1789, v16;
	v17 =	vsel vm6, $0x1009, v17  }
0x11e: {  	v18 =	vsel vm6, $0x1089, v18;
	v19 =	vsel vm6, $0x1109, v19;
	v20 =	vsel vm6, $0x1189, v20  }
0x11f: {  	v21 =	vsel vm6, $0x1209, v21;
	v22 =	vsel vm6, $0x1289, v22;
	v23 =	vsel vm6, $0x1309, v23  }
0x120: {  	v24 =	vsel vm6, $0x1389, v24;
	v25 =	vsel vm6, $0x1409, v25;
	v26 =	vsel vm6, $0x1D09, v26  }
0x121: {  	v27 =	vsel vm6, $0x1D89, v27;
	v28 =	vsel vm6, $0x1E09, v28;
	v29 =	vsel vm6, $0x1E89, v29  }
0x122: {  	v30 =	vsel vm6, $0x1F09, v30;
	v31 =	vsel vm6, $0x1F89, v31;
	v32 =	vsel vm6, $0x1809, v32  }
0x123: {  	v33 =	vsel vm6, $0x1889, v33;
	v34 =	vsel vm6, $0x1909, v34;
	v35 =	vsel vm6, $0x1989, v35  }
0x124: {  	v36 =	vsel vm6, $0x1A09, v36;
	v37 =	vsel vm6, $0x1A89, v37;
	v38 =	vsel vm6, $0x1B09, v38  }
0x125: {  	v39 =	vsel vm6, $0x1B89, v39;
	v40 =	vsel vm6, $0x1C09, v40;
	v0 =	vsel vm4, $0xF8A, v0  }
0x126: {  	v1 =	vsel vm4, $0x80A, v1;
	v2 =	vsel vm4, $0x88A, v2;
	v61 =	vsel vm4, $0x1A8A, v36  }
0x127: {  	v38 =	vsel vm4, $0x1B8A, v38;
	v39 =	vsel vm4, $0x1C0A, v39;
	v40 =	vsel vm4, $0x1C8A, v40  }
0x128: {  	v0 =	vsel vm3, $0x80B, v0;
	v1 =	vsel vm3, $0x88B, v1;
	v2 =	vsel vm3, $0x90B, v2  }
0x129: {  	v61 =	vsel vm3, $0x1B0B, v61;
	v38 =	vsel vm3, $0x1C0B, v38;
	v0 =	vsel vm2, $0x88C, v0  }
0x12a: {  	v39 =	vsel vm3, $0x1C8B, v39;
	v40 =	vsel vm3, $0x1D0B, v40;
	v0 =	vsel vm0, $0x90D, v0  }
0x12b: {  	v1 =	vsel vm2, $0x90C, v1;
	v2 =	vsel vm2, $0x98C, v2;
	v0 =	vsel vm1, $0x98E, v0  }
0x12c: {  	[tilespmem:$0x1F990] =	vst v0;
	v0 =	vsel vm0, $0x98D, v1;
	v1 =	vsel vm0, $0xA0D, v2;
	v2 =	vsel vm4, $0xA0A, v5  }
0x12d: {  	v5 =	vsel vm4, $0x178A, v15;
	v15 =	vsel vm4, $0x148A, v25;
	v0 =	vsel vm1, $0xA0E, v0  }
0x12e: {  	v25 =	vsel vm4, $0x1A0A, v35;
	v2 =	vsel vm3, $0xA8B, v2;
	[tilespmem:$0x1F9A0] =	vst v0;
	v0 =	vsel vm1, $0xA8E, v1  }
0x12f: {  	v36 =	vmovc v54;
	v54 =	vsel vm3, $0x1A8B, v25;
	v1 =	vsel vm4, $0x98A, v4;
	[tilespmem:$0x1F9B0] =	vst v0;
	v0 =	vsel vm4, $0x90A, v3  }
0x130: {  	v2 =	vsel vm2, $0xB0C, v2;
	v4 =	vsel vm4, $0x170A, v14;
	v0 =	vsel vm3, $0x98B, v0  }
0x131: {  	v14 =	vsel vm4, $0x140A, v24;
	v24 =	vsel vm4, $0x198A, v34;
	v0 =	vsel vm2, $0xA0C, v0  }
0x132: {  	v1 =	vsel vm3, $0xA0B, v1;
	v3 =	vsel vm4, $0x168A, v13;
	v0 =	vsel vm0, $0xA8D, v0  }
0x133: {  	v13 =	vsel vm4, $0x138A, v23;
	v1 =	vsel vm2, $0xA8C, v1;
	v0 =	vsel vm1, $0xB0E, v0  }
0x134: {  	v23 =	vsel vm4, $0x190A, v33;
	[tilespmem:$0x1F9C0] =	vst v0;
	v0 =	vsel vm0, $0xB0D, v1;
	v1 =	vsel vm0, $0xB8D, v2  }
0x135: {  	v2 =	vsel vm4, $0xB8A, v8;
	v8 =	vsel vm4, $0x110A, v18;
	v18 =	vsel vm4, $0x1E8A, v28  }
0x136: {  	v28 =	vsel vm2, $0x1D8C, v40;
	v0 =	vsel vm1, $0xB8E, v0;
	v2 =	vsel vm3, $0xC0B, v2  }
0x137: {  	[tilespmem:$0x1F9D0] =	vst v0;
	v0 =	vsel vm1, $0xC0E, v1;
	v1 =	vsel vm4, $0xB0A, v7;
	v2 =	vsel vm2, $0xC8C, v2  }
0x138: {  	v7 =	vsel vm4, $0x108A, v17;
	v17 =	vsel vm4, $0x1E0A, v27;
	[tilespmem:$0x1F9E0] =	vst v0;
	v0 =	vsel vm4, $0xA8A, v6  }
0x139: {  	v27 =	vsel vm4, $0x1B0A, v37;
	v37 =	vmovc v53;
	v53 =	vimm.s32 $0x2C2B2A29;
	v0 =	vsel vm3, $0xB0B, v0  }
0x13a: {  	v1 =	vsel vm3, $0xB8B, v1;
	v6 =	vsel vm4, $0x100A, v16;
	v0 =	vsel vm2, $0xB8C, v0  }
0x13b: {  	v16 =	vsel vm4, $0x1D8A, v26;
	v35 =	vsel vm3, $0x1B8B, v27;
	v0 =	vsel vm0, $0xC0D, v0  }
0x13c: {  	v26 =	vsel vm2, $0x1C8C, v38;
	v1 =	vsel vm2, $0xC0C, v1;
	v0 =	vsel vm1, $0xC8E, v0  }
0x13d: {  	v27 =	vsel vm2, $0x1D0C, v39;
	v25 =	vsel vm2, $0x1C0C, v35;
	[tilespmem:$0x1F9F0] =	vst v0;
	v0 =	vsel vm0, $0xC8D, v1  }
0x13e: {  	v1 =	vsel vm0, $0xD0D, v2;
	v2 =	vsel vm4, $0x158A, v11;
	v0 =	vsel vm1, $0xD0E, v0  }
0x13f: {  	v11 =	vsel vm4, $0x128A, v21;
	v21 =	vsel vm4, $0x180A, v31;
	[tilespmem:$0x1FA00] =	vst v0;
	v0 =	vsel vm1, $0xD8E, v1  }
0x140: {  	v31 =	vunpack.c.0.s8.s32 v53;
	v53 =	vimm.s32 $0x202F2E2D;
	[tilespmem:$0x1FA10] =	vst v0;
	v0 =	vsel vm4, $0xC0A, v9  }
0x141: {  	v2 =	vsel vm3, $0x160B, v2;
	v1 =	vsel vm4, $0xC8A, v10;
	v0 =	vsel vm3, $0xC8B, v0  }
0x142: {  	v2 =	vsel vm2, $0x168C, v2;
	v10 =	vsel vm4, $0x120A, v20;
	v0 =	vsel vm2, $0xD0C, v0  }
0x143: {  	v20 =	vsel vm4, $0x1F8A, v30;
	v1 =	vsel vm3, $0xD0B, v1;
	v0 =	vsel vm0, $0xD8D, v0  }
0x144: {  	v30 =	vunpack.c.0.s8.s32 v53;
	v1 =	vsel vm2, $0xD8C, v1;
	v0 =	vsel vm1, $0xE0E, v0  }
0x145: {  	v9 =	vsel vm4, $0x118A, v19;
	v19 =	vsel vm4, $0x1F0A, v29;
	[tilespmem:$0x1FA20] =	vst v0;
	v0 =	vsel vm0, $0xE0D, v1  }
0x146: {  	v1 =	vsel vm0, $0x170D, v2;
	v2 =	vsel vm4, $0x160A, v12;
	v12 =	vsel vm4, $0x130A, v22  }
0x147: {  	v22 =	vsel vm4, $0x188A, v32;
	v32 =	vsel vm1, $0xE8E, v0;
	v34 =	vsel vm1, $0x178E, v1  }
0x148: {  	v0 =	vsel vm3, $0x168B, v2;
	v1 =	vsel vm3, $0x170B, v3;
	v2 =	vsel vm3, $0x178B, v4  }
0x149: {  	v3 =	vsel vm3, $0x100B, v5;
	v4 =	vsel vm3, $0x108B, v6;
	v5 =	vsel vm3, $0x110B, v7  }
0x14a: {  	v6 =	vsel vm3, $0x118B, v8;
	v7 =	vsel vm3, $0x120B, v9;
	v8 =	vsel vm3, $0x128B, v10  }
0x14b: {  	v9 =	vsel vm3, $0x130B, v11;
	v10 =	vsel vm3, $0x138B, v12;
	v11 =	vsel vm3, $0x140B, v13  }
0x14c: {  	v12 =	vsel vm3, $0x148B, v14;
	v13 =	vsel vm3, $0x150B, v15;
	v14 =	vsel vm3, $0x1E0B, v16  }
0x14d: {  	v15 =	vsel vm3, $0x1E8B, v17;
	v16 =	vsel vm3, $0x1F0B, v18;
	v17 =	vsel vm3, $0x1F8B, v19  }
0x14e: {  	v18 =	vsel vm3, $0x180B, v20;
	v19 =	vsel vm3, $0x188B, v21;
	v20 =	vsel vm3, $0x190B, v22  }
0x14f: {  	v21 =	vsel vm3, $0x198B, v23;
	v22 =	vsel vm3, $0x1A0B, v24;
	v23 =	vsel vm2, $0x1B0C, v54  }
0x150: {  	v24 =	vsel vm2, $0x1B8C, v61;
	v54 =	vimm.s32 $0x24232221;
	v0 =	vsel vm2, $0x170C, v0  }
0x151: {  	v1 =	vsel vm2, $0x178C, v1;
	v2 =	vsel vm2, $0x100C, v2;
	v3 =	vsel vm2, $0x108C, v3  }
0x152: {  	v4 =	vsel vm2, $0x110C, v4;
	v5 =	vsel vm2, $0x118C, v5;
	v6 =	vsel vm2, $0x120C, v6  }
0x153: {  	v7 =	vsel vm2, $0x128C, v7;
	v8 =	vsel vm2, $0x130C, v8;
	v9 =	vsel vm2, $0x138C, v9  }
0x154: {  	v10 =	vsel vm2, $0x140C, v10;
	v11 =	vsel vm2, $0x148C, v11;
	v12 =	vsel vm2, $0x150C, v12  }
0x155: {  	v13 =	vsel vm2, $0x158C, v13;
	v14 =	vsel vm2, $0x1E8C, v14;
	v15 =	vsel vm2, $0x1F0C, v15  }
0x156: {  	v16 =	vsel vm2, $0x1F8C, v16;
	v17 =	vsel vm2, $0x180C, v17;
	v18 =	vsel vm2, $0x188C, v18  }
0x157: {  	v19 =	vsel vm2, $0x190C, v19;
	v20 =	vsel vm2, $0x198C, v20;
	v21 =	vsel vm2, $0x1A0C, v21  }
0x158: {  	v22 =	vsel vm2, $0x1A8C, v22;
	v0 =	vsel vm0, $0x178D, v0;
	v1 =	vsel vm0, $0x100D, v1  }
0x159: {  	v29 =	vunpack.c.0.s8.s32 v54;
	v35 =	vsel vm1, $0x100E, v0;
	v38 =	vsel vm1, $0x108E, v1  }
0x15a: {  	v0 =	vsel vm0, $0x108D, v2;
	v1 =	vsel vm0, $0x110D, v3;
	v2 =	vsel vm0, $0x118D, v4  }
0x15b: {  	v39 =	vsel vm1, $0x110E, v0;
	v40 =	vsel vm1, $0x118E, v1;
	v53 =	vsel vm1, $0x120E, v2  }
0x15c: {  	v0 =	vsel vm0, $0x120D, v5;
	v1 =	vsel vm0, $0x128D, v6;
	v2 =	vsel vm0, $0x130D, v7  }
0x15d: {  	v6 =	vmovc v62;
	v54 =	vsel vm1, $0x128E, v0;
	v62 =	vsel vm1, $0x130E, v1;
	v0 =	vsel vm0, $0x138D, v8  }
0x15e: {  	v7 =	vmovc v63;
	v63 =	vsel vm1, $0x138E, v2;
	v1 =	vsel vm0, $0x140D, v9;
	v0 =	vsel vm1, $0x140E, v0  }
0x15f: {  	v2 =	vsel vm0, $0x148D, v10;
	[tilespmem:$0x1FA90] =	vst v0;
	v0 =	vsel vm1, $0x148E, v1;
	v1 =	vsel vm0, $0x158D, v12  }
0x160: {  	v12 =	vmovc v50;
	[tilespmem:$0x1FAA0] =	vst v0;
	v0 =	vsel vm1, $0x150E, v2;
	v2 =	vsel vm0, $0x160D, v13;
	v50 =	vsel vm1, $0x160E, v1  }
0x161: {  	v1 =	vsel vm0, $0x1F8D, v15;
	[tilespmem:$0x1FAB0] =	vst v0;
	v0 =	vsel vm0, $0x150D, v11;
	v11 =	vmovc v52;
	v52 =	vsel vm1, $0x168E, v2  }
0x162: {  	v15 =	vmovc v47;
	v2 =	vsel vm0, $0x180D, v16;
	v47 =	vsel vm1, $0x180E, v1;
	v1 =	vsel vm0, $0x190D, v18  }
0x163: {  	v13 =	vmovc v49;
	v49 =	vsel vm1, $0x158E, v0;
	v0 =	vsel vm0, $0x1F0D, v14;
	v14 =	vmovc v48;
	v48 =	vsel vm1, $0x188E, v2  }
0x164: {  	v16 =	vmovc v46;
	v2 =	vsel vm0, $0x198D, v19;
	v46 =	vsel vm1, $0x1F8E, v0;
	v0 =	vsel vm0, $0x188D, v17  }
0x165: {  	v17 =	vmovc v45;
	v45 =	vsel vm1, $0x198E, v1;
	v19 =	vsel vm1, $0x190E, v0;
	v0 =	vsel vm1, $0x1A0E, v2  }
0x166: {  	v1 =	vsel vm0, $0x1A8D, v21;
	v2 =	vsel vm0, $0x1B0D, v22;
	[tilespmem:$0x1FAC0] =	vst v0;
	v0 =	vsel vm0, $0x1A0D, v20  }
0x167: {  	v21 =	vsel vm1, $0x1B0E, v1;
	v20 =	vsel vm1, $0x1A8E, v0;
	v0 =	vsel vm0, $0x1B8D, v23  }
0x168: {  	v1 =	vsel vm0, $0x1C0D, v24;
	v23 =	vsel vm1, $0x1C0E, v0;
	v0 =	vsel vm0, $0x1D0D, v26  }
0x169: {  	v22 =	vsel vm1, $0x1B8E, v2;
	v26 =	vsel vm1, $0x1D8E, v0;
	v0 =	vimm.s32 $0x28272625  }
0x16a: {  	v24 =	vsel vm1, $0x1C8E, v1;
	v1 =	vsel vm0, $0x1D8D, v27;
	v0 =	vunpack.c.0.s8.s32 v0  }
0x16b: {  	v2 =	vsel vm0, $0x1C8D, v25;
	v27 =	vsel vm1, $0x1E0E, v1;
	v1 =	vimm.s32 $0x2D2C2B2A  }
0x16c: {  	v25 =	vsel vm1, $0x1D0E, v2;
	v2 =	vsel vm0, $0x1E0D, v28;
	[tilespmem:$0x1FAD0] =	vst v0;
	v0 =	vunpack.c.0.s8.s32 v1  }
0x16d: {  	v28 =	vsel vm1, $0x1E8E, v2;
	v2 =	vimm.s32 $0x21202F2E  }
0x16e: {  	[tilespmem:$0x1FAE0] =	vst v0;
	v0 =	vunpack.c.0.s8.s32 v2;
	_ =	sdelay $0x1  }
0x16f: {  	[tilespmem:$0x1FAF0] =	vst v0;
	v0 =	vimm.s32 $0x25242322  }
0x170: {  	v0 =	vunpack.c.0.s8.s32 v0  }
0x171: {  	v1 =	vimm.s32 $0x29282726  }
0x172: {  	[tilespmem:$0x1FB00] =	vst v0;
	v0 =	vunpack.c.0.s8.s32 v1  }
0x173: {  	v2 =	vimm.s32 $0x2E2D2C2B  }
0x174: {  	[tilespmem:$0x1FB10] =	vst v0;
	v0 =	vunpack.c.0.s8.s32 v2;
	_ =	sdelay $0x1  }
0x175: {  	[tilespmem:$0x1FB20] =	vst v0;
	v0 =	vimm.s32 $0x2221202F  }
0x176: {  	v0 =	vunpack.c.0.s8.s32 v0  }
0x177: {  	v1 =	vimm.s32 $0x26252423  }
0x178: {  	[tilespmem:$0x1FB30] =	vst v0;
	v0 =	vunpack.c.0.s8.s32 v1  }
0x179: {  	v2 =	vimm.s32 $0x2A292827  }
0x17a: {  	[tilespmem:$0x1FB40] =	vst v0;
	v0 =	vunpack.c.0.s8.s32 v2;
	_ =	sdelay $0x1  }
0x17b: {  	[tilespmem:$0x1FB50] =	vst v0;
	v0 =	vimm.s32 $0x2F2E2D2C  }
0x17c: {  	v0 =	vunpack.c.0.s8.s32 v0  }
0x17d: {  	v1 =	vimm.s32 $0x23222120  }
0x17e: {  	[tilespmem:$0x1FB60] =	vst v0;
	v0 =	vunpack.c.0.s8.s32 v1  }
0x17f: {  	v2 =	vimm.s32 $0x27262524  }
0x180: {  	[tilespmem:$0x1FB70] =	vst v0;
	v0 =	vunpack.c.0.s8.s32 v2;
	_ =	sdelay $0x1  }
0x181: {  	[tilespmem:$0x1FB80] =	vst v0;
	v0 =	vimm.s32 $0x2B2A2928  }
0x182: {  	v0 =	vunpack.c.0.s8.s32 v0  }
0x183: {  	v1 =	vimm.s32 $0x3C3B3A39  }
0x184: {  	v33 =	vld [tilespmem:$0x1FA30];
	[tilespmem:$0x1FB90] =	vst v0;
	v0 =	vunpack.c.0.s8.s32 v1  }
0x185: {  	v3 =	vld [tilespmem:$0x1FA40];
	v2 =	vimm.s32 $0x303F3E3D  }
0x186: {  	s0 =	rddreg [dreg:$0x0];
	v61 =	vimm.s32 $0x33323130;
	v5 =	vld [tilespmem:$0x1FA50];
	[tilespmem:$0x1FBA0] =	vst v0;
	v0 =	vunpack.c.0.s8.s32 v2  }
0x187: {  	s9 =	rddreg [dreg:$0x1];
	s2 =	simm.s32 $0x0;
	[tilespmem:$0x1F980] =	vst v41;
	v8 =	vld [tilespmem:$0x1FA60];
	v18 =	vmov v44;
	v44 =	vunpack.c.0.s8.s32 v61  }
0x188: {  	[smem:$0x7FF] =	sst s2;
	v9 =	vld [tilespmem:$0x1FA70];
	[tilespmem:$0x1FBB0] =	vst v0  }
0x189: {  	s1 =	rddreg [dreg:$0x2];
	v10 =	vld [tilespmem:$0x1FA80];
	_ =	strace $0x80000047;
	[tilespmem:$0x1FC70] =	vst v44  }
0x18a: {  	[tilespmem:$0x1FD50] =	vst v6  }
0x18b: {  	[tilespmem:$0x1FD60] =	vst v7  }
0x18c: {  	[tilespmem:$0x1FD70] =	vst v11  }
0x18d: {  	[tilespmem:$0x1FD80] =	vst v12  }
0x18e: {  	[tilespmem:$0x1FD90] =	vst v13  }
0x18f: {  	[tilespmem:$0x1FDA0] =	vst v14  }
0x190: {  	[tilespmem:$0x1FDB0] =	vst v15  }
0x191: {  	[tilespmem:$0x1FDC0] =	vst v16  }
0x192: {  	v41 =	vimm.s32 $0x17161514;
	[tilespmem:$0x1FDD0] =	vst v17  }
0x193: {  	v41 =	vunpack.c.0.s8.s32 v41;
	[tilespmem:$0x1FDE0] =	vst v18  }
0x194: {  	[tilespmem:$0x1FDF0] =	vst v51  }
0x195: {  	[tilespmem:$0x1FE00] =	vst v41  }
0x196: {  	[tilespmem:$0x1FE10] =	vst v32  }
0x197: {  	[tilespmem:$0x1FE20] =	vst v34  }
0x198: {  	[tilespmem:$0x1FE30] =	vst v31  }
0x199: {  	[tilespmem:$0x1FE40] =	vst v30  }
0x19a: {  	[tilespmem:$0x1FE50] =	vst v29  }
0x19b: {  	[tilespmem:$0x1FE60] =	vst v35  }
0x19c: {  	[tilespmem:$0x1FE70] =	vst v38  }
0x19d: {  	[tilespmem:$0x1FE80] =	vst v39  }
0x19e: {  	[tilespmem:$0x1FE90] =	vst v40  }
0x19f: {  	[tilespmem:$0x1FEA0] =	vst v53  }
0x1a0: {  	[tilespmem:$0x1FEB0] =	vst v54  }
0x1a1: {  	[tilespmem:$0x1FEC0] =	vst v62  }
0x1a2: {  	[tilespmem:$0x1FED0] =	vst v63  }
0x1a3: {  	[tilespmem:$0x1FEE0] =	vst v49  }
0x1a4: {  	[tilespmem:$0x1FEF0] =	vst v50  }
0x1a5: {  	v0 =	vimm.s32 $0x34333231;
	[tilespmem:$0x1FF00] =	vst v52  }
0x1a6: {  	v0 =	vunpack.c.0.s8.s32 v0;
	[tilespmem:$0x1FF10] =	vst v46  }
0x1a7: {  	v1 =	vimm.s32 $0x38373635;
	[tilespmem:$0x1FF20] =	vst v47  }
0x1a8: {  	[tilespmem:$0x1FBC0] =	vst v0;
	v0 =	vunpack.c.0.s8.s32 v1  }
0x1a9: {  	v2 =	vimm.s32 $0x3D3C3B3A;
	[tilespmem:$0x1FF30] =	vst v48  }
0x1aa: {  	[tilespmem:$0x1FBD0] =	vst v0;
	v0 =	vunpack.c.0.s8.s32 v2  }
0x1ab: {  	[tilespmem:$0x1FF40] =	vst v19  }
0x1ac: {  	[tilespmem:$0x1FBE0] =	vst v0;
	v0 =	vimm.s32 $0x31303F3E  }
0x1ad: {  	[tilespmem:$0x1FF50] =	vst v45;
	v0 =	vunpack.c.0.s8.s32 v0  }
0x1ae: {  	[tilespmem:$0x1FF60] =	vst v20;
	v1 =	vimm.s32 $0x35343332  }
0x1af: {  	[tilespmem:$0x1FBF0] =	vst v0;
	v0 =	vunpack.c.0.s8.s32 v1  }
0x1b0: {  	[tilespmem:$0x1FF70] =	vst v21;
	v2 =	vimm.s32 $0x39383736  }
0x1b1: {  	[tilespmem:$0x1FC00] =	vst v0;
	v0 =	vunpack.c.0.s8.s32 v2  }
0x1b2: {  	[tilespmem:$0x1FF80] =	vst v22  }
0x1b3: {  	[tilespmem:$0x1FC10] =	vst v0;
	v0 =	vimm.s32 $0x3E3D3C3B  }
0x1b4: {  	[tilespmem:$0x1FF90] =	vst v23;
	v0 =	vunpack.c.0.s8.s32 v0  }
0x1b5: {  	[tilespmem:$0x1FFA0] =	vst v24;
	v1 =	vimm.s32 $0x3231303F  }
0x1b6: {  	[tilespmem:$0x1FC20] =	vst v0;
	v0 =	vunpack.c.0.s8.s32 v1  }
0x1b7: {  	[tilespmem:$0x1FFB0] =	vst v25;
	v2 =	vimm.s32 $0x36353433  }
0x1b8: {  	[tilespmem:$0x1FC30] =	vst v0;
	v0 =	vunpack.c.0.s8.s32 v2  }
0x1b9: {  	[tilespmem:$0x1FFC0] =	vst v26  }
0x1ba: {  	[tilespmem:$0x1FC40] =	vst v0;
	v0 =	vimm.s32 $0x3A393837  }
0x1bb: {  	[tilespmem:$0x1FFD0] =	vst v27;
	v0 =	vunpack.c.0.s8.s32 v0  }
0x1bc: {  	[tilespmem:$0x1FFE0] =	vst v28;
	v1 =	vimm.s32 $0x3F3E3D3C  }
0x1bd: {  	[tilespmem:$0x1FC50] =	vst v0;
	v0 =	vunpack.c.0.s8.s32 v1;
	v1 =	vimm.s32 $0x37363534  }
0x1be: {  	v4 =	vlaneseq.u32;
	[tilespmem:$0x1FFF0] =	vst v42;
	v1 =	vunpack.c.0.s8.s32 v1  }
0x1bf: {  	s4 =	srdreg.scid;
	v2 =	vimm.s32 $0x3B3A3938;
	[tilespmem:$0x1FC60] =	vst v0;
	v0 =	vmul.u32 $0x81, v4  }
0x1c0: {  	s3 =	stileid.u32;
	s10 =	simm.s32 $0x400;
	s14 =	simm.s32 $0x7A1400;
	[tilespmem:$0x1FC80] =	vst v1;
	v1 =	vunpack.c.0.s8.s32 v2  }
0x1c1: {  	s15 =	simm.s32 $0x1;
	s16 =	simm.s32 $0x4000;
	s17 =	simm.s32 $0x2;
	[tilespmem:$0x1FCD0] =	vst v0  }
0x1c2: {  	s18 =	simm.s32 $0x2000;
	s19 =	simm.s32 $0x8000;
	s21 =	simm.s32 $0x4;
	v0 =	vor.u32 $0x800, v0;
	[tilespmem:$0x1FC90] =	vst v1  }
0x1c3: {  	s22 =	simm.s32 $0xC000;
	s23 =	simm.s32 $0x5;
	s24 =	simm.s32 $0x0;
	v1 =	vmul.u32 $0x80, v4;
	[tilespmem:$0x1FCE0] =	vst v0;
	v0 =	vor.u32 $0x10, v4  }
0x1c4: {  	s5 =	sand.u32 $0x1, s4;
	s31 =	sshll.u32 s3, $0x1;
	s4 =	sadd.s32 $0xE00, s9;
	vm0 =	vcmask $0x1F10;
	[tilespmem:$0x1FCF0] =	vst v0  }
0x1c5: {  	s8 =	sadd.s32 $0xF4200, s0;
	s9 =	sadd.s32 $0xF42E00, s9;
	s20 =	sor.u32 s5, s31;
	v0 =	vsel vm0, v12, v11;
	[tilespmem:$0x1FCC0] =	vst v1;
	v1 =	vsel vm0, v14, v13  }
.Ltmp0:
0x1c6: {  	s5 =	ssub.s32 $0x2, s5;
	s6 =	ssub.s32 $0x1EA3, s20;
	[tilespmem:$0x1FD00] =	vst v0;
	v0 =	vcombine.low v1, v0;
	(pc) =	sbr.rel .LBB2_1-.Ltmp0, $4  }
0x1c7: {  	s7 =	sshrl.u32 s5, $0x1;
	s11 =	sshll.u32 s20, $0x7;
	p0 =	sne.s32 s20, $0x0;
	[tilespmem:$0x1FD10] =	vst v1  }
0x1c8: {  	s13 =	ssub.s32 s5, s7;
	s5 =	sshrl.u32 s6, $0x5;
	s6 =	sshll.u32 s20, $0xA;
	[tilespmem:$0x1FD20] =	vst v0;
	v0 =	vsel vm0, v16, v15  }
0x1c9: {  	s7 =	sshll.u32 s20, $0xE;
	s11 =	sadd.s32 s0, s11;
	s12 =	sadd.s32 $0x1, s5;
	v44 =	vld [tilespmem:$0x1FCB0];
	[tilespmem:$0x1FD30] =	vst v0;
	v0 =	vsel vm0, v18, v17  }
0x1ca: {  	s20 =	simm.s32 $0x3;
	s13 =	smax.u32 s13, $0x1;
	s12 =	sshrl.u32 s12, $0x1;
	v2 =	vld [tilespmem:$0x1FCA0];
	[tilespmem:$0x1FD40] =	vst v0  }
.LBB2_9:
0x1cb: {  	_ =	swait.ge [sflag:s20], $0x4000  }
.Ltmp1:
0x1cc: {  	[sflag:s20] =	ssyncset.done $0x0;
	(pc) =	sbr.rel @!p0 .LBB2_10-.Ltmp1, $4  }
0x1cd: {  	[sflag:s20] =	ssyncadd.s32 $0xFFFFC000  }
0x1ce: {  	_ =	swait.ge [sflag:s21], $0x4000  }
0x1cf: {  	[sflag:s21] =	ssyncset.done $0x0  }
0x1d0: {  	[sflag:s21] =	ssyncadd.s32 $0xFFFFC000  }
.LBB2_13:
0x1d1: {  	s24 =	sadd.s32 $0x1, s24  }
0x1d2: {  	p1 =	sne.s32 s24, s13  }
.Ltmp2:
0x1d3: {  	_ = 	snop;
	(pc) =	sbr.rel @!p1 .LBB2_14-.Ltmp2, $1  }
0x1d4: {  	_ =	sdelay $0x3  }
.LBB2_1:
.Ltmp3:
0x1d5: {  	(pc) =	sbr.rel .LBB2_2-.Ltmp3, $3  }
0x1d6: {  	_ =	sdelay $0x1  }
0x1d7: {  	[tilespmem:s2], [sflag:$0x1] =	stream.strided.gather [hbm4b:s11+s10], $0x2000, s14, s10, $0x38;
	[tilespmem:$0xE000] =	vst v63  }
0x1d8: {  	s25 =	simm.s32 $0x0  }
.LBB2_8:
0x1d9: {  	s25 =	sadd.s32 $0x1, s25  }
0x1da: {  	p1 =	sne.s32 s25, s12  }
.Ltmp4:
0x1db: {  	_ = 	snop;
	(pc) =	sbr.rel @!p1 .LBB2_9-.Ltmp4, $1  }
0x1dc: {  	_ =	sdelay $0x3  }
.LBB2_2:
0x1dd: {  	s26 =	sshllo.u32 s25, $0x1  }
0x1de: {  	p1 =	sge.u32 s26, s5  }
0x1df: {  	s28 =	sshll.u32 @!p1 s26, $0xF  }
0x1e0: {  	s28 =	sor.u32 @!p1 s6, s28  }
0x1e1: {  	s29 =	simm.s32 @!p1 $0x400;
	s28 =	sshrl.u32 @!p1 s28, $0x3  }
0x1e2: {  	s30 =	simm.s32 @!p1 $0x7A1400;
	s31 =	simm.s32 @!p1 $0x2000;
	s28 =	sadd.s32 @!p1 s0, s28  }
0x1e3: {  	[tilespmem:s31], [sflag:$0x2] =	stream.strided.gather @!p1 [hbm4b:s28+s29], $0x2000, s30, s29, $0x38;
	[tilespmem:$0xE000] =	vst v63  }
0x1e4: {  	_ =	swait.ge [sflag:s15], $0x2000  }
0x1e5: {  	p2 =	seq.s32 s25, $0x0;
	[sflag:s15] =	ssyncset.done $0x0  }
0x1e6: {  	s30 =	simm.s32 @!p2 $0x3;
	[sflag:s15] =	ssyncadd.s32 $0xFFFFE000  }
0x1e7: {  	_ =	swait.ge @!p2 [sflag:s30], $0x4000  }
0x1e8: {  	s28 =	sshll.u32 s25, $0x1;
	s29 =	sshll.u32 s25, $0x14;
	[sflag:s30] =	ssyncset.done @!p2 $0x0  }
0x1e9: {  	s29 =	sor.u32 s7, s29;
	[sflag:s30] =	ssyncadd.s32 @!p2 $0xFFFFC000;
	s30 =	simm.s32 $0x0  }
.LBB2_3:
0x1ea: {  	v46 =	vld [tilespmem:$0x1FCD0];
	_ =	sdelay $0x4  }
0x1eb: {  	v0 =	vor.u32 s30, v46  }
0x1ec: {  	v11 =	vld [tilespmem:$0x1FCC0];
	_ =	sdelay $0x2  }
0x1ed: {  	v1 =	vmov s30  }
0x1ee: {  	v1 =	vshll.u32 v1, $0x7;
	v0 =	vld.idx.msk [tilespmem:v0+s2+$0x0], $0xffff  }
0x1ef: {  	v35 =	vor.u32 v11, v1  }
0x1f0: {  	v1 =	vor.u32 v4, v35  }
0x1f1: {  	v4 =	vor.u32 s30, v55;
	_ =	sdelay $0x1  }
0x1f2: {  	v0 =	vmul.f32 $8.000000000e+00, v0;
	_ =	sdelay $0x1  }
0x1f3: {  	[tilespmem:v1+s16+$0x0] =	vst.idx.msk $0xffff, v0  }
0x1f4: {  	v0 =	vld.idx.msk [tilespmem:v4+s2+$0x0], $0xffff;
	_ =	sdelay $0x1  }
0x1f5: {  	v1 =	vor.u32 v56, v35  }
0x1f6: {  	v4 =	vor.u32 s30, v57;
	_ =	sdelay $0x1  }
0x1f7: {  	v0 =	vmul.f32 $8.000000000e+00, v0;
	_ =	sdelay $0x1  }
0x1f8: {  	[tilespmem:v1+s16+$0x0] =	vst.idx.msk $0xffff, v0  }
0x1f9: {  	v0 =	vld.idx.msk [tilespmem:v4+s2+$0x0], $0xffff;
	_ =	sdelay $0x1  }
0x1fa: {  	v1 =	vor.u32 v58, v35;
	_ =	sdelay $0x2  }
0x1fb: {  	v4 =	vor.u32 s30, v59;
	v0 =	vmul.f32 $8.000000000e+00, v0;
	_ =	sdelay $0x1  }
0x1fc: {  	[tilespmem:v1+s16+$0x0] =	vst.idx.msk $0xffff, v0;
	v1 =	vld [tilespmem:$0x1F850];
	_ =	sdelay $0x2  }
0x1fd: {  	v0 =	vld.idx.msk [tilespmem:v4+s2+$0x0], $0xffff;
	_ =	sdelay $0x1  }
0x1fe: {  	v1 =	vor.u32 v1, v35  }
0x1ff: {  	v4 =	vor.u32 s30, v60;
	_ =	sdelay $0x1  }
0x200: {  	v0 =	vmul.f32 $8.000000000e+00, v0;
	_ =	sdelay $0x1  }
0x201: {  	[tilespmem:v1+s16+$0x0] =	vst.idx.msk $0xffff, v0  }
0x202: {  	v0 =	vld.idx.msk [tilespmem:v4+s2+$0x0], $0xffff;
	_ =	sdelay $0x1  }
0x203: {  	v1 =	vor.u32 v2, v35  }
0x204: {  	v4 =	vor.u32 s30, v3;
	_ =	sdelay $0x1  }
0x205: {  	v0 =	vmul.f32 $8.000000000e+00, v0;
	_ =	sdelay $0x1  }
0x206: {  	[tilespmem:v1+s16+$0x0] =	vst.idx.msk $0xffff, v0  }
0x207: {  	v0 =	vld.idx.msk [tilespmem:v4+s2+$0x0], $0xffff;
	_ =	sdelay $0x1  }
0x208: {  	v1 =	vor.u32 v33, v35  }
0x209: {  	v4 =	vor.u32 s30, v8;
	_ =	sdelay $0x1  }
0x20a: {  	v0 =	vmul.f32 $8.000000000e+00, v0;
	_ =	sdelay $0x1  }
0x20b: {  	[tilespmem:v1+s16+$0x0] =	vst.idx.msk $0xffff, v0  }
0x20c: {  	v0 =	vld.idx.msk [tilespmem:v4+s2+$0x0], $0xffff;
	_ =	sdelay $0x1  }
0x20d: {  	v1 =	vor.u32 v36, v35  }
0x20e: {  	v4 =	vor.u32 s30, v9;
	_ =	sdelay $0x1  }
0x20f: {  	v0 =	vmul.f32 $8.000000000e+00, v0;
	_ =	sdelay $0x1  }
0x210: {  	[tilespmem:v1+s16+$0x0] =	vst.idx.msk $0xffff, v0  }
0x211: {  	v0 =	vld.idx.msk [tilespmem:v4+s2+$0x0], $0xffff;
	_ =	sdelay $0x1  }
0x212: {  	v1 =	vor.u32 v37, v35  }
0x213: {  	v4 =	vor.u32 s30, v43;
	_ =	sdelay $0x1  }
0x214: {  	v0 =	vmul.f32 $8.000000000e+00, v0;
	_ =	sdelay $0x1  }
0x215: {  	[tilespmem:v1+s16+$0x0] =	vst.idx.msk $0xffff, v0  }
0x216: {  	v0 =	vld.idx.msk [tilespmem:v4+s2+$0x0], $0xffff;
	_ =	sdelay $0x1  }
0x217: {  	v1 =	vor.u32 v44, v35  }
0x218: {  	v4 =	vor.u32 s30, v10;
	_ =	sdelay $0x1  }
0x219: {  	v0 =	vmul.f32 $8.000000000e+00, v0;
	_ =	sdelay $0x1  }
0x21a: {  	[tilespmem:v1+s16+$0x0] =	vst.idx.msk $0xffff, v0  }
0x21b: {  	v0 =	vld.idx.msk [tilespmem:v4+s2+$0x0], $0xffff;
	_ =	sdelay $0x1  }
0x21c: {  	v1 =	vor.u32 v5, v35  }
0x21d: {  	v4 =	vor.u32 s30, v6;
	_ =	sdelay $0x1  }
0x21e: {  	v0 =	vmul.f32 $8.000000000e+00, v0;
	_ =	sdelay $0x1  }
0x21f: {  	[tilespmem:v1+s16+$0x0] =	vst.idx.msk $0xffff, v0  }
0x220: {  	v0 =	vld.idx.msk [tilespmem:v4+s2+$0x0], $0xffff  }
0x221: {  	v4 =	vld [tilespmem:$0x1F860];
	_ =	sdelay $0x3  }
0x222: {  	v1 =	vor.u32 v7, v35  }
0x223: {  	v4 =	vor.u32 s30, v4;
	_ =	sdelay $0x1  }
0x224: {  	v0 =	vmul.f32 $8.000000000e+00, v0;
	_ =	sdelay $0x1  }
0x225: {  	[tilespmem:v1+s16+$0x0] =	vst.idx.msk $0xffff, v0;
	v1 =	vld [tilespmem:$0x1F870]  }
0x226: {  	v0 =	vld.idx.msk [tilespmem:v4+s2+$0x0], $0xffff  }
0x227: {  	v4 =	vld [tilespmem:$0x1F880];
	_ =	sdelay $0x3  }
0x228: {  	v1 =	vor.u32 v1, v35  }
0x229: {  	v4 =	vor.u32 s30, v4;
	_ =	sdelay $0x1  }
0x22a: {  	v0 =	vmul.f32 $8.000000000e+00, v0;
	_ =	sdelay $0x1  }
0x22b: {  	[tilespmem:v1+s16+$0x0] =	vst.idx.msk $0xffff, v0;
	v1 =	vld [tilespmem:$0x1F890]  }
0x22c: {  	v0 =	vld.idx.msk [tilespmem:v4+s2+$0x0], $0xffff  }
0x22d: {  	v4 =	vld [tilespmem:$0x1F8A0];
	_ =	sdelay $0x3  }
0x22e: {  	v1 =	vor.u32 v1, v35  }
0x22f: {  	v4 =	vor.u32 s30, v4;
	_ =	sdelay $0x1  }
0x230: {  	v0 =	vmul.f32 $8.000000000e+00, v0;
	_ =	sdelay $0x1  }
0x231: {  	[tilespmem:v1+s16+$0x0] =	vst.idx.msk $0xffff, v0;
	v1 =	vld [tilespmem:$0x1F8B0]  }
0x232: {  	v0 =	vld.idx.msk [tilespmem:v4+s2+$0x0], $0xffff  }
0x233: {  	v4 =	vld [tilespmem:$0x1F8C0];
	_ =	sdelay $0x3  }
0x234: {  	v1 =	vor.u32 v1, v35  }
0x235: {  	v4 =	vor.u32 s30, v4;
	_ =	sdelay $0x1  }
0x236: {  	v0 =	vmul.f32 $8.000000000e+00, v0;
	_ =	sdelay $0x1  }
0x237: {  	[tilespmem:v1+s16+$0x0] =	vst.idx.msk $0xffff, v0;
	v1 =	vld [tilespmem:$0x1F8D0]  }
0x238: {  	v0 =	vld.idx.msk [tilespmem:v4+s2+$0x0], $0xffff  }
0x239: {  	v4 =	vld [tilespmem:$0x1F8E0];
	_ =	sdelay $0x3  }
0x23a: {  	v1 =	vor.u32 v1, v35  }
0x23b: {  	v4 =	vor.u32 s30, v4;
	_ =	sdelay $0x1  }
0x23c: {  	v0 =	vmul.f32 $8.000000000e+00, v0;
	_ =	sdelay $0x1  }
0x23d: {  	[tilespmem:v1+s16+$0x0] =	vst.idx.msk $0xffff, v0;
	v1 =	vld [tilespmem:$0x1F8F0]  }
0x23e: {  	v0 =	vld.idx.msk [tilespmem:v4+s2+$0x0], $0xffff  }
0x23f: {  	v4 =	vld [tilespmem:$0x1FCE0];
	_ =	sdelay $0x3  }
0x240: {  	v1 =	vor.u32 v1, v35  }
0x241: {  	v4 =	vor.u32 s30, v4;
	_ =	sdelay $0x1  }
0x242: {  	v0 =	vmul.f32 $8.000000000e+00, v0;
	_ =	sdelay $0x1  }
0x243: {  	[tilespmem:v1+s16+$0x0] =	vst.idx.msk $0xffff, v0;
	v1 =	vld [tilespmem:$0x1FCF0]  }
0x244: {  	v0 =	vld.idx.msk [tilespmem:v4+s2+$0x0], $0xffff  }
0x245: {  	v4 =	vld [tilespmem:$0x1F900];
	_ =	sdelay $0x3  }
0x246: {  	v1 =	vor.u32 v1, v35  }
0x247: {  	v4 =	vor.u32 s30, v4;
	_ =	sdelay $0x1  }
0x248: {  	v0 =	vmul.f32 $8.000000000e+00, v0;
	_ =	sdelay $0x1  }
0x249: {  	[tilespmem:v1+s16+$0x0] =	vst.idx.msk $0xffff, v0;
	v1 =	vld [tilespmem:$0x1FD20]  }
0x24a: {  	v0 =	vld.idx.msk [tilespmem:v4+s2+$0x0], $0xffff  }
0x24b: {  	v4 =	vld [tilespmem:$0x1F910];
	_ =	sdelay $0x3  }
0x24c: {  	v1 =	vor.u32 v1, v35  }
0x24d: {  	v4 =	vor.u32 s30, v4;
	_ =	sdelay $0x1  }
0x24e: {  	v24 =	vld [tilespmem:$0x1FD30];
	v0 =	vmul.f32 $8.000000000e+00, v0  }
0x24f: {  	v25 =	vld [tilespmem:$0x1FD40]  }
0x250: {  	[tilespmem:v1+s16+$0x0] =	vst.idx.msk $0xffff, v0  }
0x251: {  	v0 =	vld.idx.msk [tilespmem:v4+s2+$0x0], $0xffff  }
0x252: {  	v4 =	vld [tilespmem:$0x1F920]  }
0x253: {  	v19 =	vld [tilespmem:$0x1F930]  }
0x254: {  	v18 =	vld [tilespmem:$0x1F940];
	v1 =	vcombine.low v25, v24  }
0x255: {  	v20 =	vld [tilespmem:$0x1F950]  }
0x256: {  	v21 =	vld [tilespmem:$0x1F960];
	[tilespmem:$0x1F740] =	vst v1;
	v1 =	vor.u32 v1, v35  }
0x257: {  	v5 =	vor.u32 s30, v4;
	_ =	sdelay $0x1  }
0x258: {  	v0 =	vmul.f32 $8.000000000e+00, v0;
	_ =	sdelay $0x1  }
0x259: {  	[tilespmem:v1+s16+$0x0] =	vst.idx.msk $0xffff, v0;
	v0 =	vsel vm0, v18, v19;
	v1 =	vsel vm0, v21, v20  }
0x25a: {  	v4 =	vcombine.low v1, v0;
	v6 =	vld.idx.msk [tilespmem:v5+s2+$0x0], $0xffff;
	_ =	sdelay $0x1  }
0x25b: {  	v7 =	vor.u32 v4, v35;
	_ =	sdelay $0x1  }
0x25c: {  	[tilespmem:$0x1F750] =	vst v4;
	v4 =	vld [tilespmem:$0x1FDF0]  }
0x25d: {  	v22 =	vld [tilespmem:$0x1F980];
	v6 =	vmul.f32 $8.000000000e+00, v6  }
0x25e: {  	v23 =	vld [tilespmem:$0x1FE00]  }
0x25f: {  	[tilespmem:v7+s16+$0x0] =	vst.idx.msk $0xffff, v6;
	v6 =	vld [tilespmem:$0x1F970];
	_ =	sdelay $0x1  }
0x260: {  	v8 =	vor.u32 s30, v4;
	_ =	sdelay $0x2  }
0x261: {  	v13 =	vsel vm0, v42, v23;
	v12 =	vsel vm0, v22, v6  }
0x262: {  	v4 =	vcombine.low v13, v12  }
0x263: {  	v7 =	vld.idx.msk [tilespmem:v8+s2+$0x0], $0xffff  }
0x264: {  	[tilespmem:$0x1F760] =	vst v4;
	v8 =	vor.u32 v4, v35;
	v4 =	vld [tilespmem:$0x1F990];
	_ =	sdelay $0x3  }
0x265: {  	v5 =	vld [tilespmem:$0x1FD90]  }
0x266: {  	v9 =	vor.u32 s30, v4;
	v4 =	vld [tilespmem:$0x1FD80];
	_ =	sdelay $0x4  }
0x267: {  	v14 =	vsel vm0, v5, v4;
	v4 =	vld [tilespmem:$0x1FD70]  }
0x268: {  	v5 =	vld [tilespmem:$0x1FDA0];
	_ =	sdelay $0x3  }
0x269: {  	v7 =	vmul.f32 $8.000000000e+00, v7  }
0x26a: {  	v15 =	vsel vm0, v4, v5  }
0x26b: {  	[tilespmem:v8+s16+$0x0] =	vst.idx.msk $0xffff, v7;
	v4 =	vcombine.low v15, v14  }
0x26c: {  	v8 =	vld.idx.msk [tilespmem:v9+s2+$0x0], $0xffff  }
0x26d: {  	[tilespmem:$0x1F770] =	vst v4;
	v9 =	vor.u32 v4, v35;
	v4 =	vld [tilespmem:$0x1F9A0];
	_ =	sdelay $0x3  }
0x26e: {  	v5 =	vld [tilespmem:$0x1FDD0]  }
0x26f: {  	v10 =	vor.u32 s30, v4;
	v4 =	vld [tilespmem:$0x1FDC0];
	_ =	sdelay $0x4  }
0x270: {  	v16 =	vsel vm0, v5, v4;
	v4 =	vld [tilespmem:$0x1FDB0]  }
0x271: {  	v5 =	vld [tilespmem:$0x1FDE0];
	_ =	sdelay $0x3  }
0x272: {  	v8 =	vmul.f32 $8.000000000e+00, v8  }
0x273: {  	v17 =	vsel vm0, v4, v5  }
0x274: {  	[tilespmem:v9+s16+$0x0] =	vst.idx.msk $0xffff, v8;
	v4 =	vcombine.low v17, v16  }
0x275: {  	v9 =	vld.idx.msk [tilespmem:v10+s2+$0x0], $0xffff  }
0x276: {  	[tilespmem:$0x1F780] =	vst v4;
	v10 =	vor.u32 v4, v35;
	v4 =	vld [tilespmem:$0x1F9B0];
	_ =	sdelay $0x4  }
0x277: {  	v11 =	vor.u32 s30, v4;
	_ =	sdelay $0x1  }
0x278: {  	v9 =	vmul.f32 $8.000000000e+00, v9;
	_ =	sdelay $0x1  }
0x279: {  	v18 =	vsel vm0, v20, v18;
	v19 =	vsel vm0, v19, v21;
	[tilespmem:v10+s16+$0x0] =	vst.idx.msk $0xffff, v9  }
0x27a: {  	v4 =	vcombine.low v19, v18;
	v10 =	vld.idx.msk [tilespmem:v11+s2+$0x0], $0xffff;
	_ =	sdelay $0x1  }
0x27b: {  	v11 =	vor.u32 v4, v35  }
0x27c: {  	[tilespmem:$0x1F790] =	vst v4;
	v4 =	vld [tilespmem:$0x1F9C0];
	_ =	sdelay $0x1  }
0x27d: {  	v10 =	vmul.f32 $8.000000000e+00, v10;
	_ =	sdelay $0x1  }
0x27e: {  	[tilespmem:v11+s16+$0x0] =	vst.idx.msk $0xffff, v10;
	v10 =	vsel vm0, v23, v22;
	v11 =	vsel vm0, v6, v42  }
0x27f: {  	v20 =	vor.u32 s30, v4;
	v4 =	vcombine.low v11, v10;
	_ =	sdelay $0x1  }
0x280: {  	[tilespmem:$0x1F7A0] =	vst v4;
	v10 =	vor.u32 v4, v35;
	v4 =	vld [tilespmem:$0x1F9D0];
	_ =	sdelay $0x2  }
0x281: {  	v20 =	vld.idx.msk [tilespmem:v20+s2+$0x0], $0xffff  }
0x282: {  	v5 =	vld [tilespmem:$0x1FD10]  }
0x283: {  	v11 =	vor.u32 s30, v4;
	v4 =	vld [tilespmem:$0x1FD00];
	_ =	sdelay $0x2  }
0x284: {  	v20 =	vmul.f32 $8.000000000e+00, v20;
	_ =	sdelay $0x1  }
0x285: {  	[tilespmem:v10+s16+$0x0] =	vst.idx.msk $0xffff, v20;
	v4 =	vcombine.low v4, v5  }
0x286: {  	v10 =	vld.idx.msk [tilespmem:v11+s2+$0x0], $0xffff  }
0x287: {  	[tilespmem:$0x1F7B0] =	vst v4;
	v11 =	vor.u32 v4, v35;
	v4 =	vld [tilespmem:$0x1F9E0];
	_ =	sdelay $0x4  }
0x288: {  	v20 =	vor.u32 s30, v4;
	_ =	sdelay $0x1  }
0x289: {  	v10 =	vmul.f32 $8.000000000e+00, v10;
	_ =	sdelay $0x1  }
0x28a: {  	[tilespmem:v11+s16+$0x0] =	vst.idx.msk $0xffff, v10;
	v4 =	vcombine.low v24, v25  }
0x28b: {  	v11 =	vld.idx.msk [tilespmem:v20+s2+$0x0], $0xffff  }
0x28c: {  	[tilespmem:$0x1F7C0] =	vst v4;
	v20 =	vor.u32 v4, v35;
	v4 =	vld [tilespmem:$0x1F9F0];
	_ =	sdelay $0x4  }
0x28d: {  	v21 =	vor.u32 s30, v4;
	_ =	sdelay $0x1  }
0x28e: {  	v11 =	vmul.f32 $8.000000000e+00, v11  }
0x28f: {  	v0 =	vcombine.low v0, v1;
	v1 =	vld [tilespmem:$0x1FA00]  }
0x290: {  	[tilespmem:v20+s16+$0x0] =	vst.idx.msk $0xffff, v11  }
0x291: {  	v20 =	vld.idx.msk [tilespmem:v21+s2+$0x0], $0xffff;
	_ =	sdelay $0x1  }
0x292: {  	[tilespmem:$0x1F7D0] =	vst v0;
	v0 =	vor.u32 v0, v35  }
0x293: {  	v1 =	vor.u32 s30, v1;
	_ =	sdelay $0x1  }
0x294: {  	v20 =	vmul.f32 $8.000000000e+00, v20  }
0x295: {  	v4 =	vld [tilespmem:$0x1FA10]  }
0x296: {  	[tilespmem:v0+s16+$0x0] =	vst.idx.msk $0xffff, v20  }
0x297: {  	v0 =	vld.idx.msk [tilespmem:v1+s2+$0x0], $0xffff;
	v1 =	vcombine.low v12, v13;
	_ =	sdelay $0x1  }
0x298: {  	[tilespmem:$0x1F7E0] =	vst v1;
	v1 =	vor.u32 v1, v35  }
0x299: {  	v13 =	vor.u32 s30, v4;
	_ =	sdelay $0x1  }
0x29a: {  	v0 =	vmul.f32 $8.000000000e+00, v0  }
0x29b: {  	v4 =	vld [tilespmem:$0x1FA20]  }
0x29c: {  	[tilespmem:v1+s16+$0x0] =	vst.idx.msk $0xffff, v0  }
0x29d: {  	v1 =	vcombine.low v14, v15;
	v0 =	vld.idx.msk [tilespmem:v13+s2+$0x0], $0xffff;
	_ =	sdelay $0x1  }
0x29e: {  	[tilespmem:$0x1F7F0] =	vst v1;
	v1 =	vor.u32 v1, v35  }
0x29f: {  	v14 =	vor.u32 s30, v4;
	_ =	sdelay $0x1  }
0x2a0: {  	v0 =	vmul.f32 $8.000000000e+00, v0  }
0x2a1: {  	v4 =	vld [tilespmem:$0x1FE10]  }
0x2a2: {  	[tilespmem:v1+s16+$0x0] =	vst.idx.msk $0xffff, v0  }
0x2a3: {  	v1 =	vcombine.low v16, v17;
	v0 =	vld.idx.msk [tilespmem:v14+s2+$0x0], $0xffff;
	_ =	sdelay $0x1  }
0x2a4: {  	[tilespmem:$0x1F800] =	vst v1;
	v1 =	vor.u32 v1, v35  }
0x2a5: {  	v15 =	vor.u32 s30, v4;
	_ =	sdelay $0x1  }
0x2a6: {  	v0 =	vmul.f32 $8.000000000e+00, v0;
	_ =	sdelay $0x1  }
0x2a7: {  	[tilespmem:v1+s16+$0x0] =	vst.idx.msk $0xffff, v0  }
0x2a8: {  	v1 =	vcombine.low v18, v19;
	v0 =	vld.idx.msk [tilespmem:v15+s2+$0x0], $0xffff;
	_ =	sdelay $0x1  }
0x2a9: {  	v4 =	vor.u32 $0x1000, v46;
	[tilespmem:$0x1F810] =	vst v1;
	v1 =	vor.u32 v1, v35  }
0x2aa: {  	v17 =	vor.u32 s30, v4;
	_ =	sdelay $0x1  }
0x2ab: {  	[tilespmem:$0x1F820] =	vst v4;
	v4 =	vld [tilespmem:$0x1FE20];
	v0 =	vmul.f32 $8.000000000e+00, v0  }
0x2ac: {  	v8 =	vld [tilespmem:$0x1FAD0]  }
0x2ad: {  	v6 =	vld [tilespmem:$0x1FE50];
	[tilespmem:v1+s16+$0x0] =	vst.idx.msk $0xffff, v0  }
0x2ae: {  	v32 =	vlaneseq.u32;
	v0 =	vld.idx.msk [tilespmem:v17+s2+$0x0], $0xffff  }
0x2af: {  	v5 =	vld [tilespmem:$0x1FE40];
	v1 =	vor.u32 $0x20, v32  }
0x2b0: {  	v18 =	vor.u32 s30, v4;
	v4 =	vld [tilespmem:$0x1FE30];
	[tilespmem:$0x1F830] =	vst v1;
	v1 =	vor.u32 v1, v35;
	_ =	sdelay $0x2  }
0x2b1: {  	v0 =	vmul.f32 $8.000000000e+00, v0;
	_ =	sdelay $0x1  }
0x2b2: {  	v22 =	vsel vm0, v8, v6;
	[tilespmem:v1+s16+$0x0] =	vst.idx.msk $0xffff, v0;
	v1 =	vsel vm0, v5, v4  }
0x2b3: {  	v7 =	vcombine.low v22, v1  }
0x2b4: {  	v34 =	vld [tilespmem:$0x1FB00]  }
0x2b5: {  	[tilespmem:$0x1F840] =	vst v7;
	v19 =	vor.u32 v7, v35;
	v7 =	vld [tilespmem:$0x1FE60]  }
0x2b6: {  	v39 =	vld [tilespmem:$0x1FB10]  }
0x2b7: {  	v0 =	vld.idx.msk [tilespmem:v18+s2+$0x0], $0xffff  }
0x2b8: {  	v9 =	vld [tilespmem:$0x1FAE0]  }
0x2b9: {  	v10 =	vld [tilespmem:$0x1FAF0]  }
0x2ba: {  	v20 =	vor.u32 s30, v7;
	_ =	sdelay $0x1  }
0x2bb: {  	v41 =	vld [tilespmem:$0x1FB20];
	v0 =	vmul.f32 $8.000000000e+00, v0  }
0x2bc: {  	v7 =	vld [tilespmem:$0x1FE70]  }
0x2bd: {  	v45 =	vld [tilespmem:$0x1FB40];
	v24 =	vsel vm0, v39, v34;
	v23 =	vsel vm0, v10, v9;
	[tilespmem:v19+s16+$0x0] =	vst.idx.msk $0xffff, v0  }
0x2be: {  	v19 =	vcombine.low v24, v23;
	v0 =	vld.idx.msk [tilespmem:v20+s2+$0x0], $0xffff  }
0x2bf: {  	v48 =	vld [tilespmem:$0x1FB50]  }
0x2c0: {  	v61 =	vmov v60;
	v60 =	vld [tilespmem:$0x1FB30];
	v20 =	vor.u32 v19, v35  }
0x2c1: {  	v21 =	vor.u32 s30, v7;
	_ =	sdelay $0x1  }
0x2c2: {  	v49 =	vld [tilespmem:$0x1FB60];
	v0 =	vmul.f32 $8.000000000e+00, v0  }
0x2c3: {  	v7 =	vld [tilespmem:$0x1FE80]  }
0x2c4: {  	v50 =	vld [tilespmem:$0x1FB70];
	v26 =	vsel vm0, v48, v45;
	v25 =	vsel vm0, v60, v41;
	[tilespmem:v20+s16+$0x0] =	vst.idx.msk $0xffff, v0  }
0x2c5: {  	v20 =	vcombine.low v26, v25;
	v0 =	vld.idx.msk [tilespmem:v21+s2+$0x0], $0xffff  }
0x2c6: {  	v51 =	vld [tilespmem:$0x1FB80]  }
0x2c7: {  	v52 =	vld [tilespmem:$0x1FB90];
	v21 =	vor.u32 v20, v35  }
0x2c8: {  	v27 =	vor.u32 s30, v7;
	_ =	sdelay $0x1  }
0x2c9: {  	v0 =	vmul.f32 $8.000000000e+00, v0  }
0x2ca: {  	v7 =	vld [tilespmem:$0x1FE90]  }
0x2cb: {  	v28 =	vsel vm0, v50, v49;
	v29 =	vsel vm0, v52, v51;
	[tilespmem:v21+s16+$0x0] =	vst.idx.msk $0xffff, v0  }
0x2cc: {  	v21 =	vcombine.low v29, v28;
	v0 =	vld.idx.msk [tilespmem:v27+s2+$0x0], $0xffff;
	_ =	sdelay $0x1  }
0x2cd: {  	v27 =	vor.u32 v21, v35  }
0x2ce: {  	v30 =	vor.u32 s30, v7;
	_ =	sdelay $0x1  }
0x2cf: {  	v0 =	vmul.f32 $8.000000000e+00, v0  }
0x2d0: {  	v31 =	vsel vm0, v4, v8;
	v4 =	vld [tilespmem:$0x1FEA0]  }
0x2d1: {  	[tilespmem:v27+s16+$0x0] =	vst.idx.msk $0xffff, v0;
	v27 =	vsel vm0, v6, v5  }
0x2d2: {  	v0 =	vld.idx.msk [tilespmem:v30+s2+$0x0], $0xffff;
	v18 =	vcombine.low v31, v27;
	_ =	sdelay $0x1  }
0x2d3: {  	v30 =	vor.u32 v18, v35  }
0x2d4: {  	v38 =	vor.u32 s30, v4;
	_ =	sdelay $0x1  }
0x2d5: {  	v0 =	vmul.f32 $8.000000000e+00, v0  }
0x2d6: {  	v4 =	vld [tilespmem:$0x1FEB0]  }
0x2d7: {  	v40 =	vsel vm0, v9, v39;
	[tilespmem:v30+s16+$0x0] =	vst.idx.msk $0xffff, v0;
	v30 =	vsel vm0, v34, v10  }
0x2d8: {  	v0 =	vld.idx.msk [tilespmem:v38+s2+$0x0], $0xffff;
	v47 =	vcombine.low v40, v30;
	_ =	sdelay $0x1  }
0x2d9: {  	v62 =	vor.u32 v47, v35  }
0x2da: {  	v63 =	vor.u32 s30, v4;
	_ =	sdelay $0x1  }
0x2db: {  	v0 =	vmul.f32 $8.000000000e+00, v0  }
0x2dc: {  	v4 =	vld [tilespmem:$0x1FEC0]  }
0x2dd: {  	v38 =	vsel vm0, v45, v60;
	v45 =	vsel vm0, v41, v48;
	[tilespmem:v62+s16+$0x0] =	vst.idx.msk $0xffff, v0  }
0x2de: {  	v39 =	vcombine.low v45, v38;
	v0 =	vld.idx.msk [tilespmem:v63+s2+$0x0], $0xffff;
	_ =	sdelay $0x1  }
0x2df: {  	v34 =	vor.u32 v39, v35  }
0x2e0: {  	v53 =	vor.u32 s30, v4;
	_ =	sdelay $0x1  }
0x2e1: {  	v0 =	vmul.f32 $8.000000000e+00, v0  }
0x2e2: {  	v4 =	vld [tilespmem:$0x1FED0]  }
0x2e3: {  	v54 =	vsel vm0, v49, v52;
	[tilespmem:v34+s16+$0x0] =	vst.idx.msk $0xffff, v0;
	v0 =	vsel vm0, v51, v50  }
0x2e4: {  	v48 =	vld.idx.msk [tilespmem:v53+s2+$0x0], $0xffff;
	v0 =	vcombine.low v54, v0;
	_ =	sdelay $0x1  }
0x2e5: {  	v41 =	vor.u32 v0, v35  }
0x2e6: {  	v60 =	vor.u32 s30, v4;
	_ =	sdelay $0x1  }
0x2e7: {  	v48 =	vmul.f32 $8.000000000e+00, v48  }
0x2e8: {  	v49 =	vcombine.low v1, v22;
	v1 =	vld [tilespmem:$0x1FA90]  }
0x2e9: {  	[tilespmem:v41+s16+$0x0] =	vst.idx.msk $0xffff, v48  }
0x2ea: {  	v41 =	vld.idx.msk [tilespmem:v60+s2+$0x0], $0xffff;
	_ =	sdelay $0x1  }
0x2eb: {  	v22 =	vor.u32 v49, v35  }
0x2ec: {  	v62 =	vor.u32 s30, v1;
	_ =	sdelay $0x1  }
0x2ed: {  	v41 =	vmul.f32 $8.000000000e+00, v41  }
0x2ee: {  	v1 =	vld [tilespmem:$0x1FAA0]  }
0x2ef: {  	[tilespmem:v22+s16+$0x0] =	vst.idx.msk $0xffff, v41  }
0x2f0: {  	v48 =	vcombine.low v23, v24;
	v22 =	vld.idx.msk [tilespmem:v62+s2+$0x0], $0xffff;
	_ =	sdelay $0x1  }
0x2f1: {  	v23 =	vor.u32 v48, v35  }
0x2f2: {  	v63 =	vor.u32 s30, v1;
	_ =	sdelay $0x1  }
0x2f3: {  	v22 =	vmul.f32 $8.000000000e+00, v22  }
0x2f4: {  	v1 =	vld [tilespmem:$0x1FAB0]  }
0x2f5: {  	[tilespmem:v23+s16+$0x0] =	vst.idx.msk $0xffff, v22  }
0x2f6: {  	v41 =	vcombine.low v25, v26;
	v22 =	vld.idx.msk [tilespmem:v63+s2+$0x0], $0xffff;
	_ =	sdelay $0x1  }
0x2f7: {  	v23 =	vor.u32 v41, v35  }
0x2f8: {  	v34 =	vor.u32 s30, v1;
	_ =	sdelay $0x1  }
0x2f9: {  	v22 =	vmul.f32 $8.000000000e+00, v22  }
0x2fa: {  	v4 =	vld [tilespmem:$0x1FEE0]  }
0x2fb: {  	[tilespmem:v23+s16+$0x0] =	vst.idx.msk $0xffff, v22  }
0x2fc: {  	v1 =	vcombine.low v28, v29;
	v22 =	vld.idx.msk [tilespmem:v34+s2+$0x0], $0xffff;
	_ =	sdelay $0x1  }
0x2fd: {  	v23 =	vor.u32 v1, v35  }
0x2fe: {  	v42 =	vor.u32 s30, v4;
	_ =	sdelay $0x1  }
0x2ff: {  	v22 =	vmul.f32 $8.000000000e+00, v22  }
0x300: {  	v4 =	vld [tilespmem:$0x1FEF0]  }
0x301: {  	[tilespmem:v23+s16+$0x0] =	vst.idx.msk $0xffff, v22  }
0x302: {  	v31 =	vcombine.low v27, v31;
	v22 =	vld.idx.msk [tilespmem:v42+s2+$0x0], $0xffff;
	_ =	sdelay $0x1  }
0x303: {  	v23 =	vor.u32 v31, v35  }
0x304: {  	v50 =	vor.u32 s30, v4;
	_ =	sdelay $0x1  }
0x305: {  	v22 =	vmul.f32 $8.000000000e+00, v22  }
0x306: {  	v4 =	vld [tilespmem:$0x1FF00]  }
0x307: {  	[tilespmem:v23+s16+$0x0] =	vst.idx.msk $0xffff, v22  }
0x308: {  	v62 =	vcombine.low v30, v40;
	v22 =	vld.idx.msk [tilespmem:v50+s2+$0x0], $0xffff;
	_ =	sdelay $0x1  }
0x309: {  	v23 =	vor.u32 v62, v35  }
0x30a: {  	v51 =	vor.u32 s30, v4;
	_ =	sdelay $0x1  }
0x30b: {  	v22 =	vmul.f32 $8.000000000e+00, v22;
	_ =	sdelay $0x1  }
0x30c: {  	[tilespmem:v23+s16+$0x0] =	vst.idx.msk $0xffff, v22  }
0x30d: {  	v22 =	vcombine.low v38, v45;
	v23 =	vld.idx.msk [tilespmem:v51+s2+$0x0], $0xffff;
	_ =	sdelay $0x1  }
0x30e: {  	v63 =	vor.u32 $0x1800, v46;
	v52 =	vor.u32 v22, v35  }
0x30f: {  	v53 =	vor.u32 s30, v63;
	_ =	sdelay $0x1  }
0x310: {  	v8 =	vld [tilespmem:$0x1FBD0];
	v23 =	vmul.f32 $8.000000000e+00, v23  }
0x311: {  	v4 =	vld [tilespmem:$0x1FF10]  }
0x312: {  	v7 =	vld [tilespmem:$0x1FBC0];
	[tilespmem:v52+s16+$0x0] =	vst.idx.msk $0xffff, v23  }
0x313: {  	v24 =	vld.idx.msk [tilespmem:v53+s2+$0x0], $0xffff  }
0x314: {  	v5 =	vld [tilespmem:$0x1FBA0];
	v46 =	vor.u32 $0x30, v32  }
0x315: {  	v6 =	vld [tilespmem:$0x1FBB0];
	v54 =	vor.u32 v46, v35  }
0x316: {  	v60 =	vor.u32 s30, v4;
	_ =	sdelay $0x1  }
0x317: {  	v24 =	vmul.f32 $8.000000000e+00, v24;
	_ =	sdelay $0x1  }
0x318: {  	v38 =	vsel vm0, v6, v5;
	v45 =	vsel vm0, v8, v7;
	[tilespmem:v54+s16+$0x0] =	vst.idx.msk $0xffff, v24  }
0x319: {  	v11 =	vcombine.low v45, v38;
	v25 =	vld.idx.msk [tilespmem:v60+s2+$0x0], $0xffff;
	_ =	sdelay $0x1  }
0x31a: {  	v32 =	vor.u32 v11, v35  }
0x31b: {  	v4 =	vld [tilespmem:$0x1FF20]  }
0x31c: {  	v34 =	vld [tilespmem:$0x1FBF0]  }
0x31d: {  	v42 =	vld [tilespmem:$0x1FC00];
	v25 =	vmul.f32 $8.000000000e+00, v25  }
0x31e: {  	v60 =	vld [tilespmem:$0x1FC10]  }
0x31f: {  	[tilespmem:v32+s16+$0x0] =	vst.idx.msk $0xffff, v25;
	v32 =	vld [tilespmem:$0x1FBE0]  }
0x320: {  	v27 =	vor.u32 s30, v4;
	_ =	sdelay $0x3  }
0x321: {  	v51 =	vsel vm0, v60, v42;
	v50 =	vsel vm0, v34, v32  }
0x322: {  	v26 =	vld.idx.msk [tilespmem:v27+s2+$0x0], $0xffff;
	v12 =	vcombine.low v51, v50;
	_ =	sdelay $0x1  }
0x323: {  	v27 =	vor.u32 v12, v35  }
0x324: {  	v4 =	vld [tilespmem:$0x1FF30]  }
0x325: {  	v23 =	vld [tilespmem:$0x1FC20]  }
0x326: {  	v24 =	vld [tilespmem:$0x1FC30];
	v26 =	vmul.f32 $8.000000000e+00, v26  }
0x327: {  	v25 =	vld [tilespmem:$0x1FC40]  }
0x328: {  	[tilespmem:v27+s16+$0x0] =	vst.idx.msk $0xffff, v26;
	v26 =	vld [tilespmem:$0x1FC50]  }
0x329: {  	v28 =	vor.u32 s30, v4;
	_ =	sdelay $0x3  }
0x32a: {  	v52 =	vsel vm0, v24, v23;
	v53 =	vsel vm0, v26, v25  }
0x32b: {  	v27 =	vld.idx.msk [tilespmem:v28+s2+$0x0], $0xffff;
	v13 =	vcombine.low v53, v52;
	_ =	sdelay $0x1  }
0x32c: {  	v28 =	vor.u32 v13, v35  }
0x32d: {  	v4 =	vld [tilespmem:$0x1FF40]  }
0x32e: {  	v16 =	vld [tilespmem:$0x1FC80]  }
0x32f: {  	v15 =	vld [tilespmem:$0x1FC70];
	v27 =	vmul.f32 $8.000000000e+00, v27  }
0x330: {  	v17 =	vld [tilespmem:$0x1FC90]  }
0x331: {  	[tilespmem:v28+s16+$0x0] =	vst.idx.msk $0xffff, v27;
	v27 =	vld [tilespmem:$0x1FC60]  }
0x332: {  	v29 =	vor.u32 s30, v4;
	_ =	sdelay $0x2  }
0x333: {  	v4 =	vld [tilespmem:$0x1FF50]  }
0x334: {  	v9 =	vmovc v36;
	v36 =	vmov v55;
	v55 =	vsel vm0, v17, v16;
	v54 =	vsel vm0, v15, v27  }
0x335: {  	v28 =	vld.idx.msk [tilespmem:v29+s2+$0x0], $0xffff;
	v14 =	vcombine.low v55, v54;
	_ =	sdelay $0x1  }
0x336: {  	v29 =	vor.u32 v14, v35  }
0x337: {  	v30 =	vor.u32 s30, v4;
	_ =	sdelay $0x1  }
0x338: {  	v28 =	vmul.f32 $8.000000000e+00, v28  }
0x339: {  	v10 =	vmovc v44;
	v44 =	vmovc v43;
	v43 =	vmov v37;
	v37 =	vmov v56;
	v56 =	vsel vm0, v7, v6;
	v4 =	vld [tilespmem:$0x1FAC0]  }
0x33a: {  	v6 =	vmov v2;
	v2 =	vmov v57;
	v57 =	vsel vm0, v5, v8;
	[tilespmem:v29+s16+$0x0] =	vst.idx.msk $0xffff, v28  }
0x33b: {  	v28 =	vcombine.low v57, v56;
	v29 =	vld.idx.msk [tilespmem:v30+s2+$0x0], $0xffff;
	_ =	sdelay $0x1  }
0x33c: {  	v30 =	vor.u32 v28, v35  }
0x33d: {  	v40 =	vor.u32 s30, v4;
	_ =	sdelay $0x1  }
0x33e: {  	v29 =	vmul.f32 $8.000000000e+00, v29  }
0x33f: {  	v7 =	vmov v3;
	v3 =	vmov v58;
	v58 =	vsel vm0, v42, v34;
	v5 =	vld [tilespmem:$0x1FF60]  }
0x340: {  	v8 =	vmov v33;
	v33 =	vmov v59;
	v59 =	vsel vm0, v32, v60;
	[tilespmem:v30+s16+$0x0] =	vst.idx.msk $0xffff, v29  }
0x341: {  	v29 =	vcombine.low v59, v58;
	v30 =	vld.idx.msk [tilespmem:v40+s2+$0x0], $0xffff;
	_ =	sdelay $0x1  }
0x342: {  	v40 =	vor.u32 v29, v35  }
0x343: {  	v34 =	vor.u32 s30, v5;
	_ =	sdelay $0x1  }
0x344: {  	v30 =	vmul.f32 $8.000000000e+00, v30  }
0x345: {  	v5 =	vmov v61;
	v61 =	vsel vm0, v25, v24;
	v25 =	vld [tilespmem:$0x1FF70]  }
0x346: {  	v42 =	vsel vm0, v23, v26;
	[tilespmem:v40+s16+$0x0] =	vst.idx.msk $0xffff, v30  }
0x347: {  	v30 =	vcombine.low v42, v61;
	v40 =	vld.idx.msk [tilespmem:v34+s2+$0x0], $0xffff;
	_ =	sdelay $0x1  }
0x348: {  	v24 =	vor.u32 v30, v35  }
0x349: {  	v32 =	vor.u32 s30, v25;
	_ =	sdelay $0x1  }
0x34a: {  	v40 =	vmul.f32 $8.000000000e+00, v40;
	_ =	sdelay $0x1  }
0x34b: {  	v26 =	vsel vm0, v16, v15;
	v25 =	vld [tilespmem:$0x1FF80];
	[tilespmem:v24+s16+$0x0] =	vst.idx.msk $0xffff, v40;
	v24 =	vsel vm0, v27, v17  }
0x34c: {  	v32 =	vld.idx.msk [tilespmem:v32+s2+$0x0], $0xffff;
	v40 =	vcombine.low v24, v26;
	_ =	sdelay $0x1  }
0x34d: {  	v60 =	vor.u32 v40, v35;
	_ =	sdelay $0x1  }
0x34e: {  	v34 =	vor.u32 s30, v25  }
0x34f: {  	v32 =	vmul.f32 $8.000000000e+00, v32;
	_ =	sdelay $0x1  }
0x350: {  	[tilespmem:v60+s16+$0x0] =	vst.idx.msk $0xffff, v32;
	v60 =	vld [tilespmem:$0x1FF90];
	_ =	sdelay $0x1  }
0x351: {  	v38 =	vcombine.low v38, v45;
	v32 =	vld.idx.msk [tilespmem:v34+s2+$0x0], $0xffff;
	_ =	sdelay $0x1  }
0x352: {  	v26 =	vor.u32 v38, v35  }
0x353: {  	v45 =	vor.u32 s30, v60;
	_ =	sdelay $0x1  }
0x354: {  	v32 =	vmul.f32 $8.000000000e+00, v32  }
0x355: {  	v25 =	vld [tilespmem:$0x1FFA0]  }
0x356: {  	[tilespmem:v26+s16+$0x0] =	vst.idx.msk $0xffff, v32  }
0x357: {  	v32 =	vld.idx.msk [tilespmem:v45+s2+$0x0], $0xffff;
	v45 =	vcombine.low v50, v51;
	_ =	sdelay $0x1  }
0x358: {  	v24 =	vor.u32 v45, v35  }
0x359: {  	v50 =	vor.u32 s30, v25;
	_ =	sdelay $0x1  }
0x35a: {  	v32 =	vmul.f32 $8.000000000e+00, v32  }
0x35b: {  	v60 =	vld [tilespmem:$0x1FFB0]  }
0x35c: {  	[tilespmem:v24+s16+$0x0] =	vst.idx.msk $0xffff, v32  }
0x35d: {  	v32 =	vld.idx.msk [tilespmem:v50+s2+$0x0], $0xffff;
	v50 =	vcombine.low v52, v53;
	_ =	sdelay $0x1  }
0x35e: {  	v26 =	vor.u32 v50, v35  }
0x35f: {  	v51 =	vor.u32 s30, v60;
	_ =	sdelay $0x1  }
0x360: {  	v32 =	vmul.f32 $8.000000000e+00, v32  }
0x361: {  	v25 =	vld [tilespmem:$0x1FFC0]  }
0x362: {  	[tilespmem:v26+s16+$0x0] =	vst.idx.msk $0xffff, v32  }
0x363: {  	v32 =	vld.idx.msk [tilespmem:v51+s2+$0x0], $0xffff;
	v51 =	vcombine.low v54, v55;
	_ =	sdelay $0x1  }
0x364: {  	v24 =	vor.u32 v51, v35  }
0x365: {  	v52 =	vor.u32 s30, v25;
	_ =	sdelay $0x1  }
0x366: {  	v32 =	vmul.f32 $8.000000000e+00, v32  }
0x367: {  	v60 =	vld [tilespmem:$0x1FFD0]  }
0x368: {  	[tilespmem:v24+s16+$0x0] =	vst.idx.msk $0xffff, v32  }
0x369: {  	v32 =	vld.idx.msk [tilespmem:v52+s2+$0x0], $0xffff;
	v52 =	vcombine.low v56, v57;
	_ =	sdelay $0x1  }
0x36a: {  	v26 =	vor.u32 v52, v35  }
0x36b: {  	v53 =	vor.u32 s30, v60;
	_ =	sdelay $0x1  }
0x36c: {  	v32 =	vmul.f32 $8.000000000e+00, v32  }
0x36d: {  	v25 =	vld [tilespmem:$0x1FFE0]  }
0x36e: {  	[tilespmem:v26+s16+$0x0] =	vst.idx.msk $0xffff, v32  }
0x36f: {  	v32 =	vld.idx.msk [tilespmem:v53+s2+$0x0], $0xffff;
	v53 =	vcombine.low v58, v59;
	_ =	sdelay $0x1  }
0x370: {  	v24 =	vor.u32 v53, v35  }
0x371: {  	v26 =	vor.u32 s30, v25;
	_ =	sdelay $0x1  }
0x372: {  	v32 =	vmul.f32 $8.000000000e+00, v32;
	_ =	sdelay $0x1  }
0x373: {  	[tilespmem:v24+s16+$0x0] =	vst.idx.msk $0xffff, v32  }
0x374: {  	v54 =	vcombine.low v61, v42;
	v32 =	vld.idx.msk [tilespmem:v26+s2+$0x0], $0xffff  }
0x375: {  	v60 =	vmov v5;
	v5 =	vld [tilespmem:$0x1FA50]  }
0x376: {  	p3 =	sne.s32 s30, $0x70;
	v42 =	vld [tilespmem:$0x1FFF0];
	v61 =	vor.u32 v54, v35  }
.Ltmp5:
0x377: {  	v55 =	vmov v36;
	v36 =	vmov v9;
	v9 =	vld [tilespmem:$0x1FA70];
	(pc) =	sbr.rel @p3 .LBB2_3-.Ltmp5, $4  }
0x378: {  	v57 =	vmov v2;
	v2 =	vmov v6;
	v6 =	vld [tilespmem:$0x1FD50]  }
0x379: {  	v56 =	vmovc v37;
	v37 =	vmovc v43;
	v43 =	vmov v44;
	v44 =	vmov v10;
	v10 =	vld [tilespmem:$0x1FA80];
	v32 =	vmul.f32 $8.000000000e+00, v32  }
0x37a: {  	v59 =	vmov v33;
	v33 =	vmov v8;
	v8 =	vld [tilespmem:$0x1FA60]  }
0x37b: {  	v4 =	vlaneseq.u32;
	s30 =	sadd.s32 $0x10, s30;
	v58 =	vmov v3;
	v3 =	vmov v7;
	v7 =	vld [tilespmem:$0x1FD60];
	[tilespmem:v61+s16+$0x0] =	vst.idx.msk $0xffff, v32  }
0x37c: {  	[tilespmem:$0x1F730] =	vst v18;
	v18 =	vld [tilespmem:$0x1F840];
	s29 =	sshrl.u32 s29, $0x3;
	s28 =	sadd.s32 $0x2, s28  }
0x37d: {  	v17 =	vld [tilespmem:$0x1F830];
	s29 =	sadd.s32 s4, s29;
	p3 =	sge.u32 s28, s5  }
0x37e: {  	v16 =	vld [tilespmem:$0x1F820];
	[hbm4b:s29+s2] =	stream.linear.scatter [tilespmem:s16], [sflag:$0x3], $0x4000, $0x38  }
.Ltmp6:
0x37f: {  	[tilespmem:$0x1F6F0] =	vst v63;
	v15 =	vld [tilespmem:$0x1F810];
	s28 =	sshll.u32 @!p3 s28, $0xF;
	(pc) =	sbr.rel @p1 .LBB2_8-.Ltmp6, $4  }
0x380: {  	v27 =	vmov v14;
	[tilespmem:$0x1F700] =	vst v22;
	v14 =	vld [tilespmem:$0x1F800];
	s28 =	sor.u32 @!p3 s6, s28  }
0x381: {  	v26 =	vmov v13;
	[tilespmem:$0x1F710] =	vst v62;
	v13 =	vld [tilespmem:$0x1F7F0];
	s29 =	simm.s32 @!p3 $0x400;
	s28 =	sshrl.u32 @!p3 s28, $0x3  }
0x382: {  	v25 =	vmov v12;
	[tilespmem:$0x1F720] =	vst v47;
	v12 =	vld [tilespmem:$0x1F7E0];
	s30 =	simm.s32 @!p3 $0x7A1400;
	s31 =	simm.s32 @!p3 $0x0;
	s28 =	sadd.s32 @!p3 s0, s28  }
0x383: {  	v24 =	vmov v11;
	v11 =	vld [tilespmem:$0x1F7D0];
	[tilespmem:s31], [sflag:$0x1] =	stream.strided.gather @!p3 [hbm4b:s28+s29], $0x2000, s30, s29, $0x38  }
0x384: {  	_ =	swait.ge [sflag:s17], $0x2000  }
0x385: {  	[sflag:s17] =	ssyncset.done $0x0  }
0x386: {  	s28 =	simm.s32 @!p2 $0x4;
	[sflag:s17] =	ssyncadd.s32 $0xFFFFE000  }
0x387: {  	_ =	swait.ge @!p2 [sflag:s28], $0x4000  }
0x388: {  	v61 =	vld [tilespmem:$0x1F860]  }
0x389: {  	v63 =	vmov v14;
	v14 =	vmov v15;
	v15 =	vmov v16;
	v62 =	vld [tilespmem:$0x1F7C0]  }
0x38a: {  	v16 =	vmovc v17;
	v17 =	vmovc v18;
	v18 =	vmov v19;
	v19 =	vmov v20;
	v20 =	vmov v21;
	v21 =	vld [tilespmem:$0x1F730]  }
0x38b: {  	v23 =	vmov v46;
	v47 =	vmov v39;
	v39 =	vmov v0;
	v46 =	vld [tilespmem:$0x1F720]  }
0x38c: {  	v0 =	vmovc v49;
	v49 =	vmovc v48;
	v48 =	vmov v41;
	v41 =	vmov v1;
	v1 =	vmov v31;
	v31 =	vld [tilespmem:$0x1F710]  }
0x38d: {  	s26 =	sshll.u32 s26, $0x13;
	[sflag:s28] =	ssyncset.done @!p2 $0x0;
	v4 =	vld [tilespmem:$0x1F700]  }
0x38e: {  	s26 =	sor.u32 s7, s26;
	v22 =	vld [tilespmem:$0x1F6F0];
	[sflag:s28] =	ssyncadd.s32 @!p2 $0xFFFFC000;
	s28 =	simm.s32 $0x0  }
.LBB2_6:
0x38f: {  	v32 =	vld [tilespmem:$0x1FCD0];
	_ =	sdelay $0x4  }
0x390: {  	v32 =	vor.u32 s28, v32  }
0x391: {  	v35 =	vld [tilespmem:$0x1FCC0];
	_ =	sdelay $0x2  }
0x392: {  	v34 =	vmov s28  }
0x393: {  	v34 =	vshll.u32 v34, $0x7;
	v32 =	vld.idx.msk [tilespmem:v32+s18+$0x0], $0xffff  }
0x394: {  	v42 =	vlaneseq.u32;
	v35 =	vor.u32 v35, v34  }
0x395: {  	v34 =	vor.u32 v42, v35  }
0x396: {  	v42 =	vor.u32 s28, v55;
	_ =	sdelay $0x1  }
0x397: {  	v32 =	vmul.f32 $8.000000000e+00, v32;
	_ =	sdelay $0x1  }
0x398: {  	[tilespmem:v34+s19+$0x0] =	vst.idx.msk $0xffff, v32  }
0x399: {  	v32 =	vld.idx.msk [tilespmem:v42+s18+$0x0], $0xffff;
	_ =	sdelay $0x1  }
0x39a: {  	v34 =	vor.u32 v56, v35  }
0x39b: {  	v42 =	vor.u32 s28, v57;
	_ =	sdelay $0x1  }
0x39c: {  	v32 =	vmul.f32 $8.000000000e+00, v32;
	_ =	sdelay $0x1  }
0x39d: {  	[tilespmem:v34+s19+$0x0] =	vst.idx.msk $0xffff, v32  }
0x39e: {  	v32 =	vld.idx.msk [tilespmem:v42+s18+$0x0], $0xffff;
	_ =	sdelay $0x1  }
0x39f: {  	v34 =	vor.u32 v58, v35  }
0x3a0: {  	v42 =	vor.u32 s28, v59;
	_ =	sdelay $0x1  }
0x3a1: {  	v32 =	vmul.f32 $8.000000000e+00, v32;
	_ =	sdelay $0x1  }
0x3a2: {  	[tilespmem:v34+s19+$0x0] =	vst.idx.msk $0xffff, v32  }
0x3a3: {  	v32 =	vld.idx.msk [tilespmem:v42+s18+$0x0], $0xffff  }
0x3a4: {  	v42 =	vld [tilespmem:$0x1F850];
	_ =	sdelay $0x4  }
0x3a5: {  	v34 =	vor.u32 v42, v35  }
0x3a6: {  	v42 =	vor.u32 s28, v60;
	_ =	sdelay $0x1  }
0x3a7: {  	v32 =	vmul.f32 $8.000000000e+00, v32;
	_ =	sdelay $0x1  }
0x3a8: {  	[tilespmem:v34+s19+$0x0] =	vst.idx.msk $0xffff, v32  }
0x3a9: {  	v32 =	vld.idx.msk [tilespmem:v42+s18+$0x0], $0xffff;
	_ =	sdelay $0x1  }
0x3aa: {  	v34 =	vor.u32 v2, v35  }
0x3ab: {  	v42 =	vor.u32 s28, v3;
	_ =	sdelay $0x1  }
0x3ac: {  	v32 =	vmul.f32 $8.000000000e+00, v32;
	_ =	sdelay $0x1  }
0x3ad: {  	[tilespmem:v34+s19+$0x0] =	vst.idx.msk $0xffff, v32  }
0x3ae: {  	v32 =	vld.idx.msk [tilespmem:v42+s18+$0x0], $0xffff;
	_ =	sdelay $0x1  }
0x3af: {  	v34 =	vor.u32 v33, v35  }
0x3b0: {  	v42 =	vor.u32 s28, v8;
	_ =	sdelay $0x1  }
0x3b1: {  	v32 =	vmul.f32 $8.000000000e+00, v32;
	_ =	sdelay $0x1  }
0x3b2: {  	[tilespmem:v34+s19+$0x0] =	vst.idx.msk $0xffff, v32  }
0x3b3: {  	v32 =	vld.idx.msk [tilespmem:v42+s18+$0x0], $0xffff;
	_ =	sdelay $0x1  }
0x3b4: {  	v34 =	vor.u32 v36, v35  }
0x3b5: {  	v42 =	vor.u32 s28, v9;
	_ =	sdelay $0x1  }
0x3b6: {  	v32 =	vmul.f32 $8.000000000e+00, v32;
	_ =	sdelay $0x1  }
0x3b7: {  	[tilespmem:v34+s19+$0x0] =	vst.idx.msk $0xffff, v32  }
0x3b8: {  	v32 =	vld.idx.msk [tilespmem:v42+s18+$0x0], $0xffff;
	_ =	sdelay $0x1  }
0x3b9: {  	v34 =	vor.u32 v37, v35  }
0x3ba: {  	v42 =	vor.u32 s28, v43;
	_ =	sdelay $0x1  }
0x3bb: {  	v32 =	vmul.f32 $8.000000000e+00, v32;
	_ =	sdelay $0x1  }
0x3bc: {  	[tilespmem:v34+s19+$0x0] =	vst.idx.msk $0xffff, v32  }
0x3bd: {  	v32 =	vld.idx.msk [tilespmem:v42+s18+$0x0], $0xffff;
	_ =	sdelay $0x1  }
0x3be: {  	v34 =	vor.u32 v44, v35  }
0x3bf: {  	v42 =	vor.u32 s28, v10;
	_ =	sdelay $0x1  }
0x3c0: {  	v32 =	vmul.f32 $8.000000000e+00, v32;
	_ =	sdelay $0x1  }
0x3c1: {  	[tilespmem:v34+s19+$0x0] =	vst.idx.msk $0xffff, v32  }
0x3c2: {  	v32 =	vld.idx.msk [tilespmem:v42+s18+$0x0], $0xffff;
	_ =	sdelay $0x1  }
0x3c3: {  	v34 =	vor.u32 v5, v35  }
0x3c4: {  	v42 =	vor.u32 s28, v6;
	_ =	sdelay $0x1  }
0x3c5: {  	v32 =	vmul.f32 $8.000000000e+00, v32;
	_ =	sdelay $0x1  }
0x3c6: {  	[tilespmem:v34+s19+$0x0] =	vst.idx.msk $0xffff, v32  }
0x3c7: {  	v32 =	vld.idx.msk [tilespmem:v42+s18+$0x0], $0xffff;
	_ =	sdelay $0x1  }
0x3c8: {  	v34 =	vor.u32 v7, v35  }
0x3c9: {  	v42 =	vor.u32 s28, v61;
	_ =	sdelay $0x1  }
0x3ca: {  	v32 =	vmul.f32 $8.000000000e+00, v32;
	_ =	sdelay $0x1  }
0x3cb: {  	[tilespmem:v34+s19+$0x0] =	vst.idx.msk $0xffff, v32  }
0x3cc: {  	v32 =	vld.idx.msk [tilespmem:v42+s18+$0x0], $0xffff  }
0x3cd: {  	v42 =	vld [tilespmem:$0x1F870];
	_ =	sdelay $0x4  }
0x3ce: {  	v34 =	vor.u32 v42, v35;
	v42 =	vld [tilespmem:$0x1F880];
	_ =	sdelay $0x4  }
0x3cf: {  	v42 =	vor.u32 s28, v42;
	_ =	sdelay $0x1  }
0x3d0: {  	v32 =	vmul.f32 $8.000000000e+00, v32;
	_ =	sdelay $0x1  }
0x3d1: {  	[tilespmem:v34+s19+$0x0] =	vst.idx.msk $0xffff, v32  }
0x3d2: {  	v32 =	vld.idx.msk [tilespmem:v42+s18+$0x0], $0xffff  }
0x3d3: {  	v42 =	vld [tilespmem:$0x1F890];
	_ =	sdelay $0x4  }
0x3d4: {  	v34 =	vor.u32 v42, v35;
	v42 =	vld [tilespmem:$0x1F8A0];
	_ =	sdelay $0x4  }
0x3d5: {  	v42 =	vor.u32 s28, v42;
	_ =	sdelay $0x1  }
0x3d6: {  	v32 =	vmul.f32 $8.000000000e+00, v32;
	_ =	sdelay $0x1  }
0x3d7: {  	[tilespmem:v34+s19+$0x0] =	vst.idx.msk $0xffff, v32  }
0x3d8: {  	v32 =	vld.idx.msk [tilespmem:v42+s18+$0x0], $0xffff  }
0x3d9: {  	v42 =	vld [tilespmem:$0x1F8B0];
	_ =	sdelay $0x4  }
0x3da: {  	v34 =	vor.u32 v42, v35;
	v42 =	vld [tilespmem:$0x1F8C0];
	_ =	sdelay $0x4  }
0x3db: {  	v42 =	vor.u32 s28, v42;
	_ =	sdelay $0x1  }
0x3dc: {  	v32 =	vmul.f32 $8.000000000e+00, v32;
	_ =	sdelay $0x1  }
0x3dd: {  	[tilespmem:v34+s19+$0x0] =	vst.idx.msk $0xffff, v32  }
0x3de: {  	v32 =	vld.idx.msk [tilespmem:v42+s18+$0x0], $0xffff  }
0x3df: {  	v42 =	vld [tilespmem:$0x1F8D0];
	_ =	sdelay $0x4  }
0x3e0: {  	v34 =	vor.u32 v42, v35;
	v42 =	vld [tilespmem:$0x1F8E0];
	_ =	sdelay $0x4  }
0x3e1: {  	v42 =	vor.u32 s28, v42;
	_ =	sdelay $0x1  }
0x3e2: {  	v32 =	vmul.f32 $8.000000000e+00, v32;
	_ =	sdelay $0x1  }
0x3e3: {  	[tilespmem:v34+s19+$0x0] =	vst.idx.msk $0xffff, v32  }
0x3e4: {  	v32 =	vld.idx.msk [tilespmem:v42+s18+$0x0], $0xffff  }
0x3e5: {  	v42 =	vld [tilespmem:$0x1F8F0];
	_ =	sdelay $0x4  }
0x3e6: {  	v34 =	vor.u32 v42, v35;
	v42 =	vld [tilespmem:$0x1FCE0];
	_ =	sdelay $0x4  }
0x3e7: {  	v42 =	vor.u32 s28, v42;
	_ =	sdelay $0x1  }
0x3e8: {  	v32 =	vmul.f32 $8.000000000e+00, v32;
	_ =	sdelay $0x1  }
0x3e9: {  	[tilespmem:v34+s19+$0x0] =	vst.idx.msk $0xffff, v32  }
0x3ea: {  	v32 =	vld.idx.msk [tilespmem:v42+s18+$0x0], $0xffff  }
0x3eb: {  	v42 =	vld [tilespmem:$0x1FCF0];
	_ =	sdelay $0x4  }
0x3ec: {  	v34 =	vor.u32 v42, v35;
	v42 =	vld [tilespmem:$0x1F900];
	_ =	sdelay $0x4  }
0x3ed: {  	v42 =	vor.u32 s28, v42;
	_ =	sdelay $0x1  }
0x3ee: {  	v32 =	vmul.f32 $8.000000000e+00, v32;
	_ =	sdelay $0x1  }
0x3ef: {  	[tilespmem:v34+s19+$0x0] =	vst.idx.msk $0xffff, v32  }
0x3f0: {  	v32 =	vld.idx.msk [tilespmem:v42+s18+$0x0], $0xffff  }
0x3f1: {  	v42 =	vld [tilespmem:$0x1FD20];
	_ =	sdelay $0x4  }
0x3f2: {  	v34 =	vor.u32 v42, v35;
	v42 =	vld [tilespmem:$0x1F910];
	_ =	sdelay $0x4  }
0x3f3: {  	v42 =	vor.u32 s28, v42;
	_ =	sdelay $0x1  }
0x3f4: {  	v32 =	vmul.f32 $8.000000000e+00, v32;
	_ =	sdelay $0x1  }
0x3f5: {  	[tilespmem:v34+s19+$0x0] =	vst.idx.msk $0xffff, v32  }
0x3f6: {  	v32 =	vld.idx.msk [tilespmem:v42+s18+$0x0], $0xffff  }
0x3f7: {  	v42 =	vld [tilespmem:$0x1F740];
	_ =	sdelay $0x4  }
0x3f8: {  	v34 =	vor.u32 v42, v35;
	v42 =	vld [tilespmem:$0x1F920];
	_ =	sdelay $0x4  }
0x3f9: {  	v42 =	vor.u32 s28, v42;
	_ =	sdelay $0x1  }
0x3fa: {  	v32 =	vmul.f32 $8.000000000e+00, v32;
	_ =	sdelay $0x1  }
0x3fb: {  	[tilespmem:v34+s19+$0x0] =	vst.idx.msk $0xffff, v32  }
0x3fc: {  	v32 =	vld.idx.msk [tilespmem:v42+s18+$0x0], $0xffff  }
0x3fd: {  	v42 =	vld [tilespmem:$0x1F750];
	_ =	sdelay $0x4  }
0x3fe: {  	v34 =	vor.u32 v42, v35;
	v42 =	vld [tilespmem:$0x1FDF0];
	_ =	sdelay $0x4  }
0x3ff: {  	v42 =	vor.u32 s28, v42;
	_ =	sdelay $0x1  }
0x400: {  	v32 =	vmul.f32 $8.000000000e+00, v32;
	_ =	sdelay $0x1  }
0x401: {  	[tilespmem:v34+s19+$0x0] =	vst.idx.msk $0xffff, v32  }
0x402: {  	v32 =	vld.idx.msk [tilespmem:v42+s18+$0x0], $0xffff  }
0x403: {  	v42 =	vld [tilespmem:$0x1F760];
	_ =	sdelay $0x4  }
0x404: {  	v34 =	vor.u32 v42, v35;
	v42 =	vld [tilespmem:$0x1F990];
	_ =	sdelay $0x4  }
0x405: {  	v42 =	vor.u32 s28, v42;
	_ =	sdelay $0x1  }
0x406: {  	v32 =	vmul.f32 $8.000000000e+00, v32;
	_ =	sdelay $0x1  }
0x407: {  	[tilespmem:v34+s19+$0x0] =	vst.idx.msk $0xffff, v32  }
0x408: {  	v32 =	vld.idx.msk [tilespmem:v42+s18+$0x0], $0xffff  }
0x409: {  	v42 =	vld [tilespmem:$0x1F770];
	_ =	sdelay $0x4  }
0x40a: {  	v34 =	vor.u32 v42, v35;
	v42 =	vld [tilespmem:$0x1F9A0];
	_ =	sdelay $0x4  }
0x40b: {  	v42 =	vor.u32 s28, v42;
	_ =	sdelay $0x1  }
0x40c: {  	v32 =	vmul.f32 $8.000000000e+00, v32;
	_ =	sdelay $0x1  }
0x40d: {  	[tilespmem:v34+s19+$0x0] =	vst.idx.msk $0xffff, v32  }
0x40e: {  	v32 =	vld.idx.msk [tilespmem:v42+s18+$0x0], $0xffff  }
0x40f: {  	v42 =	vld [tilespmem:$0x1F780];
	_ =	sdelay $0x4  }
0x410: {  	v34 =	vor.u32 v42, v35;
	v42 =	vld [tilespmem:$0x1F9B0];
	_ =	sdelay $0x4  }
0x411: {  	v42 =	vor.u32 s28, v42;
	_ =	sdelay $0x1  }
0x412: {  	v32 =	vmul.f32 $8.000000000e+00, v32;
	_ =	sdelay $0x1  }
0x413: {  	[tilespmem:v34+s19+$0x0] =	vst.idx.msk $0xffff, v32  }
0x414: {  	v32 =	vld.idx.msk [tilespmem:v42+s18+$0x0], $0xffff  }
0x415: {  	v42 =	vld [tilespmem:$0x1F790];
	_ =	sdelay $0x4  }
0x416: {  	v34 =	vor.u32 v42, v35;
	v42 =	vld [tilespmem:$0x1F9C0];
	_ =	sdelay $0x4  }
0x417: {  	v42 =	vor.u32 s28, v42;
	_ =	sdelay $0x1  }
0x418: {  	v32 =	vmul.f32 $8.000000000e+00, v32;
	_ =	sdelay $0x1  }
0x419: {  	[tilespmem:v34+s19+$0x0] =	vst.idx.msk $0xffff, v32  }
0x41a: {  	v32 =	vld.idx.msk [tilespmem:v42+s18+$0x0], $0xffff  }
0x41b: {  	v42 =	vld [tilespmem:$0x1F7A0];
	_ =	sdelay $0x4  }
0x41c: {  	v34 =	vor.u32 v42, v35;
	v42 =	vld [tilespmem:$0x1F9D0];
	_ =	sdelay $0x4  }
0x41d: {  	v42 =	vor.u32 s28, v42;
	_ =	sdelay $0x1  }
0x41e: {  	v32 =	vmul.f32 $8.000000000e+00, v32;
	_ =	sdelay $0x1  }
0x41f: {  	[tilespmem:v34+s19+$0x0] =	vst.idx.msk $0xffff, v32  }
0x420: {  	v32 =	vld.idx.msk [tilespmem:v42+s18+$0x0], $0xffff  }
0x421: {  	v42 =	vld [tilespmem:$0x1F7B0];
	_ =	sdelay $0x4  }
0x422: {  	v34 =	vor.u32 v42, v35;
	v42 =	vld [tilespmem:$0x1F9E0];
	_ =	sdelay $0x4  }
0x423: {  	v42 =	vor.u32 s28, v42;
	_ =	sdelay $0x1  }
0x424: {  	v32 =	vmul.f32 $8.000000000e+00, v32;
	_ =	sdelay $0x1  }
0x425: {  	[tilespmem:v34+s19+$0x0] =	vst.idx.msk $0xffff, v32  }
0x426: {  	v32 =	vld.idx.msk [tilespmem:v42+s18+$0x0], $0xffff  }
0x427: {  	v42 =	vld [tilespmem:$0x1F9F0];
	_ =	sdelay $0x3  }
0x428: {  	v34 =	vor.u32 v62, v35  }
0x429: {  	v42 =	vor.u32 s28, v42;
	_ =	sdelay $0x1  }
0x42a: {  	v32 =	vmul.f32 $8.000000000e+00, v32;
	_ =	sdelay $0x1  }
0x42b: {  	[tilespmem:v34+s19+$0x0] =	vst.idx.msk $0xffff, v32  }
0x42c: {  	v32 =	vld.idx.msk [tilespmem:v42+s18+$0x0], $0xffff  }
0x42d: {  	v42 =	vld [tilespmem:$0x1FA00];
	_ =	sdelay $0x3  }
0x42e: {  	v34 =	vor.u32 v11, v35  }
0x42f: {  	v42 =	vor.u32 s28, v42;
	_ =	sdelay $0x1  }
0x430: {  	v32 =	vmul.f32 $8.000000000e+00, v32;
	_ =	sdelay $0x1  }
0x431: {  	[tilespmem:v34+s19+$0x0] =	vst.idx.msk $0xffff, v32  }
0x432: {  	v32 =	vld.idx.msk [tilespmem:v42+s18+$0x0], $0xffff  }
0x433: {  	v42 =	vld [tilespmem:$0x1FA10];
	_ =	sdelay $0x3  }
0x434: {  	v34 =	vor.u32 v12, v35  }
0x435: {  	v42 =	vor.u32 s28, v42;
	_ =	sdelay $0x1  }
0x436: {  	v32 =	vmul.f32 $8.000000000e+00, v32;
	_ =	sdelay $0x1  }
0x437: {  	[tilespmem:v34+s19+$0x0] =	vst.idx.msk $0xffff, v32  }
0x438: {  	v32 =	vld.idx.msk [tilespmem:v42+s18+$0x0], $0xffff  }
0x439: {  	v42 =	vld [tilespmem:$0x1FA20];
	_ =	sdelay $0x3  }
0x43a: {  	v34 =	vor.u32 v13, v35  }
0x43b: {  	v42 =	vor.u32 s28, v42;
	_ =	sdelay $0x1  }
0x43c: {  	v32 =	vmul.f32 $8.000000000e+00, v32;
	_ =	sdelay $0x1  }
0x43d: {  	[tilespmem:v34+s19+$0x0] =	vst.idx.msk $0xffff, v32  }
0x43e: {  	v32 =	vld.idx.msk [tilespmem:v42+s18+$0x0], $0xffff  }
0x43f: {  	v42 =	vld [tilespmem:$0x1FE10];
	_ =	sdelay $0x3  }
0x440: {  	v34 =	vor.u32 v63, v35  }
0x441: {  	v42 =	vor.u32 s28, v42;
	_ =	sdelay $0x1  }
0x442: {  	v32 =	vmul.f32 $8.000000000e+00, v32;
	_ =	sdelay $0x1  }
0x443: {  	[tilespmem:v34+s19+$0x0] =	vst.idx.msk $0xffff, v32  }
0x444: {  	v32 =	vld.idx.msk [tilespmem:v42+s18+$0x0], $0xffff;
	_ =	sdelay $0x1  }
0x445: {  	v34 =	vor.u32 v14, v35  }
0x446: {  	v42 =	vor.u32 s28, v15;
	_ =	sdelay $0x1  }
0x447: {  	v32 =	vmul.f32 $8.000000000e+00, v32;
	_ =	sdelay $0x1  }
0x448: {  	[tilespmem:v34+s19+$0x0] =	vst.idx.msk $0xffff, v32  }
0x449: {  	v32 =	vld.idx.msk [tilespmem:v42+s18+$0x0], $0xffff  }
0x44a: {  	v42 =	vld [tilespmem:$0x1FE20];
	_ =	sdelay $0x3  }
0x44b: {  	v34 =	vor.u32 v16, v35  }
0x44c: {  	v42 =	vor.u32 s28, v42;
	_ =	sdelay $0x1  }
0x44d: {  	v32 =	vmul.f32 $8.000000000e+00, v32;
	_ =	sdelay $0x1  }
0x44e: {  	[tilespmem:v34+s19+$0x0] =	vst.idx.msk $0xffff, v32  }
0x44f: {  	v32 =	vld.idx.msk [tilespmem:v42+s18+$0x0], $0xffff  }
0x450: {  	v42 =	vld [tilespmem:$0x1FE60];
	_ =	sdelay $0x3  }
0x451: {  	v34 =	vor.u32 v17, v35  }
0x452: {  	v42 =	vor.u32 s28, v42;
	_ =	sdelay $0x1  }
0x453: {  	v32 =	vmul.f32 $8.000000000e+00, v32;
	_ =	sdelay $0x1  }
0x454: {  	[tilespmem:v34+s19+$0x0] =	vst.idx.msk $0xffff, v32  }
0x455: {  	v32 =	vld.idx.msk [tilespmem:v42+s18+$0x0], $0xffff  }
0x456: {  	v42 =	vld [tilespmem:$0x1FE70];
	_ =	sdelay $0x3  }
0x457: {  	v34 =	vor.u32 v18, v35  }
0x458: {  	v42 =	vor.u32 s28, v42;
	_ =	sdelay $0x1  }
0x459: {  	v32 =	vmul.f32 $8.000000000e+00, v32;
	_ =	sdelay $0x1  }
0x45a: {  	[tilespmem:v34+s19+$0x0] =	vst.idx.msk $0xffff, v32  }
0x45b: {  	v32 =	vld.idx.msk [tilespmem:v42+s18+$0x0], $0xffff  }
0x45c: {  	v42 =	vld [tilespmem:$0x1FE80];
	_ =	sdelay $0x3  }
0x45d: {  	v34 =	vor.u32 v19, v35  }
0x45e: {  	v42 =	vor.u32 s28, v42;
	_ =	sdelay $0x1  }
0x45f: {  	v32 =	vmul.f32 $8.000000000e+00, v32;
	_ =	sdelay $0x1  }
0x460: {  	[tilespmem:v34+s19+$0x0] =	vst.idx.msk $0xffff, v32  }
0x461: {  	v32 =	vld.idx.msk [tilespmem:v42+s18+$0x0], $0xffff  }
0x462: {  	v42 =	vld [tilespmem:$0x1FE90];
	_ =	sdelay $0x3  }
0x463: {  	v34 =	vor.u32 v20, v35  }
0x464: {  	v42 =	vor.u32 s28, v42;
	_ =	sdelay $0x1  }
0x465: {  	v32 =	vmul.f32 $8.000000000e+00, v32;
	_ =	sdelay $0x1  }
0x466: {  	[tilespmem:v34+s19+$0x0] =	vst.idx.msk $0xffff, v32  }
0x467: {  	v32 =	vld.idx.msk [tilespmem:v42+s18+$0x0], $0xffff  }
0x468: {  	v42 =	vld [tilespmem:$0x1FEA0];
	_ =	sdelay $0x3  }
0x469: {  	v34 =	vor.u32 v21, v35  }
0x46a: {  	v42 =	vor.u32 s28, v42;
	_ =	sdelay $0x1  }
0x46b: {  	v32 =	vmul.f32 $8.000000000e+00, v32;
	_ =	sdelay $0x1  }
0x46c: {  	[tilespmem:v34+s19+$0x0] =	vst.idx.msk $0xffff, v32  }
0x46d: {  	v32 =	vld.idx.msk [tilespmem:v42+s18+$0x0], $0xffff  }
0x46e: {  	v42 =	vld [tilespmem:$0x1FEB0];
	_ =	sdelay $0x3  }
0x46f: {  	v34 =	vor.u32 v46, v35  }
0x470: {  	v42 =	vor.u32 s28, v42;
	_ =	sdelay $0x1  }
0x471: {  	v32 =	vmul.f32 $8.000000000e+00, v32;
	_ =	sdelay $0x1  }
0x472: {  	[tilespmem:v34+s19+$0x0] =	vst.idx.msk $0xffff, v32  }
0x473: {  	v32 =	vld.idx.msk [tilespmem:v42+s18+$0x0], $0xffff  }
0x474: {  	v42 =	vld [tilespmem:$0x1FEC0];
	_ =	sdelay $0x3  }
0x475: {  	v34 =	vor.u32 v47, v35  }
0x476: {  	v42 =	vor.u32 s28, v42;
	_ =	sdelay $0x1  }
0x477: {  	v32 =	vmul.f32 $8.000000000e+00, v32;
	_ =	sdelay $0x1  }
0x478: {  	[tilespmem:v34+s19+$0x0] =	vst.idx.msk $0xffff, v32  }
0x479: {  	v32 =	vld.idx.msk [tilespmem:v42+s18+$0x0], $0xffff  }
0x47a: {  	v42 =	vld [tilespmem:$0x1FED0];
	_ =	sdelay $0x3  }
0x47b: {  	v34 =	vor.u32 v39, v35  }
0x47c: {  	v42 =	vor.u32 s28, v42;
	_ =	sdelay $0x1  }
0x47d: {  	v32 =	vmul.f32 $8.000000000e+00, v32;
	_ =	sdelay $0x1  }
0x47e: {  	[tilespmem:v34+s19+$0x0] =	vst.idx.msk $0xffff, v32  }
0x47f: {  	v32 =	vld.idx.msk [tilespmem:v42+s18+$0x0], $0xffff  }
0x480: {  	v42 =	vld [tilespmem:$0x1FA90];
	_ =	sdelay $0x3  }
0x481: {  	v34 =	vor.u32 v0, v35  }
0x482: {  	v42 =	vor.u32 s28, v42;
	_ =	sdelay $0x1  }
0x483: {  	v32 =	vmul.f32 $8.000000000e+00, v32;
	_ =	sdelay $0x1  }
0x484: {  	[tilespmem:v34+s19+$0x0] =	vst.idx.msk $0xffff, v32  }
0x485: {  	v32 =	vld.idx.msk [tilespmem:v42+s18+$0x0], $0xffff  }
0x486: {  	v42 =	vld [tilespmem:$0x1FAA0];
	_ =	sdelay $0x3  }
0x487: {  	v34 =	vor.u32 v49, v35  }
0x488: {  	v42 =	vor.u32 s28, v42;
	_ =	sdelay $0x1  }
0x489: {  	v32 =	vmul.f32 $8.000000000e+00, v32;
	_ =	sdelay $0x1  }
0x48a: {  	[tilespmem:v34+s19+$0x0] =	vst.idx.msk $0xffff, v32  }
0x48b: {  	v32 =	vld.idx.msk [tilespmem:v42+s18+$0x0], $0xffff  }
0x48c: {  	v42 =	vld [tilespmem:$0x1FAB0];
	_ =	sdelay $0x3  }
0x48d: {  	v34 =	vor.u32 v48, v35  }
0x48e: {  	v42 =	vor.u32 s28, v42;
	_ =	sdelay $0x1  }
0x48f: {  	v32 =	vmul.f32 $8.000000000e+00, v32;
	_ =	sdelay $0x1  }
0x490: {  	[tilespmem:v34+s19+$0x0] =	vst.idx.msk $0xffff, v32  }
0x491: {  	v32 =	vld.idx.msk [tilespmem:v42+s18+$0x0], $0xffff  }
0x492: {  	v42 =	vld [tilespmem:$0x1FEE0];
	_ =	sdelay $0x3  }
0x493: {  	v34 =	vor.u32 v41, v35  }
0x494: {  	v42 =	vor.u32 s28, v42;
	_ =	sdelay $0x1  }
0x495: {  	v32 =	vmul.f32 $8.000000000e+00, v32;
	_ =	sdelay $0x1  }
0x496: {  	[tilespmem:v34+s19+$0x0] =	vst.idx.msk $0xffff, v32  }
0x497: {  	v32 =	vld.idx.msk [tilespmem:v42+s18+$0x0], $0xffff  }
0x498: {  	v42 =	vld [tilespmem:$0x1FEF0];
	_ =	sdelay $0x3  }
0x499: {  	v34 =	vor.u32 v1, v35  }
0x49a: {  	v42 =	vor.u32 s28, v42;
	_ =	sdelay $0x1  }
0x49b: {  	v32 =	vmul.f32 $8.000000000e+00, v32;
	_ =	sdelay $0x1  }
0x49c: {  	[tilespmem:v34+s19+$0x0] =	vst.idx.msk $0xffff, v32  }
0x49d: {  	v32 =	vld.idx.msk [tilespmem:v42+s18+$0x0], $0xffff  }
0x49e: {  	v42 =	vld [tilespmem:$0x1FF00];
	_ =	sdelay $0x3  }
0x49f: {  	v34 =	vor.u32 v31, v35  }
0x4a0: {  	v42 =	vor.u32 s28, v42;
	_ =	sdelay $0x1  }
0x4a1: {  	v32 =	vmul.f32 $8.000000000e+00, v32;
	_ =	sdelay $0x1  }
0x4a2: {  	[tilespmem:v34+s19+$0x0] =	vst.idx.msk $0xffff, v32  }
0x4a3: {  	v32 =	vld.idx.msk [tilespmem:v42+s18+$0x0], $0xffff;
	_ =	sdelay $0x1  }
0x4a4: {  	v34 =	vor.u32 v4, v35  }
0x4a5: {  	v42 =	vor.u32 s28, v22;
	_ =	sdelay $0x1  }
0x4a6: {  	v32 =	vmul.f32 $8.000000000e+00, v32;
	_ =	sdelay $0x1  }
0x4a7: {  	[tilespmem:v34+s19+$0x0] =	vst.idx.msk $0xffff, v32  }
0x4a8: {  	v32 =	vld.idx.msk [tilespmem:v42+s18+$0x0], $0xffff  }
0x4a9: {  	v42 =	vld [tilespmem:$0x1FF10];
	_ =	sdelay $0x3  }
0x4aa: {  	v34 =	vor.u32 v23, v35  }
0x4ab: {  	v42 =	vor.u32 s28, v42;
	_ =	sdelay $0x1  }
0x4ac: {  	v32 =	vmul.f32 $8.000000000e+00, v32;
	_ =	sdelay $0x1  }
0x4ad: {  	[tilespmem:v34+s19+$0x0] =	vst.idx.msk $0xffff, v32  }
0x4ae: {  	v32 =	vld.idx.msk [tilespmem:v42+s18+$0x0], $0xffff  }
0x4af: {  	v42 =	vld [tilespmem:$0x1FF20];
	_ =	sdelay $0x3  }
0x4b0: {  	v34 =	vor.u32 v24, v35  }
0x4b1: {  	v42 =	vor.u32 s28, v42;
	_ =	sdelay $0x1  }
0x4b2: {  	v32 =	vmul.f32 $8.000000000e+00, v32;
	_ =	sdelay $0x1  }
0x4b3: {  	[tilespmem:v34+s19+$0x0] =	vst.idx.msk $0xffff, v32  }
0x4b4: {  	v32 =	vld.idx.msk [tilespmem:v42+s18+$0x0], $0xffff  }
0x4b5: {  	v42 =	vld [tilespmem:$0x1FF30];
	_ =	sdelay $0x3  }
0x4b6: {  	v34 =	vor.u32 v25, v35  }
0x4b7: {  	v42 =	vor.u32 s28, v42;
	_ =	sdelay $0x1  }
0x4b8: {  	v32 =	vmul.f32 $8.000000000e+00, v32;
	_ =	sdelay $0x1  }
0x4b9: {  	[tilespmem:v34+s19+$0x0] =	vst.idx.msk $0xffff, v32  }
0x4ba: {  	v32 =	vld.idx.msk [tilespmem:v42+s18+$0x0], $0xffff  }
0x4bb: {  	v42 =	vld [tilespmem:$0x1FF40];
	_ =	sdelay $0x3  }
0x4bc: {  	v34 =	vor.u32 v26, v35  }
0x4bd: {  	v42 =	vor.u32 s28, v42;
	_ =	sdelay $0x1  }
0x4be: {  	v32 =	vmul.f32 $8.000000000e+00, v32;
	_ =	sdelay $0x1  }
0x4bf: {  	[tilespmem:v34+s19+$0x0] =	vst.idx.msk $0xffff, v32  }
0x4c0: {  	v32 =	vld.idx.msk [tilespmem:v42+s18+$0x0], $0xffff  }
0x4c1: {  	v42 =	vld [tilespmem:$0x1FF50];
	_ =	sdelay $0x3  }
0x4c2: {  	v34 =	vor.u32 v27, v35  }
0x4c3: {  	v42 =	vor.u32 s28, v42;
	_ =	sdelay $0x1  }
0x4c4: {  	v32 =	vmul.f32 $8.000000000e+00, v32;
	_ =	sdelay $0x1  }
0x4c5: {  	[tilespmem:v34+s19+$0x0] =	vst.idx.msk $0xffff, v32  }
0x4c6: {  	v32 =	vld.idx.msk [tilespmem:v42+s18+$0x0], $0xffff  }
0x4c7: {  	v42 =	vld [tilespmem:$0x1FAC0];
	_ =	sdelay $0x3  }
0x4c8: {  	v34 =	vor.u32 v28, v35  }
0x4c9: {  	v42 =	vor.u32 s28, v42;
	_ =	sdelay $0x1  }
0x4ca: {  	v32 =	vmul.f32 $8.000000000e+00, v32;
	_ =	sdelay $0x1  }
0x4cb: {  	[tilespmem:v34+s19+$0x0] =	vst.idx.msk $0xffff, v32  }
0x4cc: {  	v32 =	vld.idx.msk [tilespmem:v42+s18+$0x0], $0xffff  }
0x4cd: {  	v42 =	vld [tilespmem:$0x1FF60];
	_ =	sdelay $0x3  }
0x4ce: {  	v34 =	vor.u32 v29, v35  }
0x4cf: {  	v42 =	vor.u32 s28, v42;
	_ =	sdelay $0x1  }
0x4d0: {  	v32 =	vmul.f32 $8.000000000e+00, v32;
	_ =	sdelay $0x1  }
0x4d1: {  	[tilespmem:v34+s19+$0x0] =	vst.idx.msk $0xffff, v32  }
0x4d2: {  	v32 =	vld.idx.msk [tilespmem:v42+s18+$0x0], $0xffff  }
0x4d3: {  	v42 =	vld [tilespmem:$0x1FF70];
	_ =	sdelay $0x3  }
0x4d4: {  	v34 =	vor.u32 v30, v35  }
0x4d5: {  	v42 =	vor.u32 s28, v42;
	_ =	sdelay $0x1  }
0x4d6: {  	v32 =	vmul.f32 $8.000000000e+00, v32;
	_ =	sdelay $0x1  }
0x4d7: {  	[tilespmem:v34+s19+$0x0] =	vst.idx.msk $0xffff, v32  }
0x4d8: {  	v32 =	vld.idx.msk [tilespmem:v42+s18+$0x0], $0xffff  }
0x4d9: {  	v42 =	vld [tilespmem:$0x1FF80];
	_ =	sdelay $0x3  }
0x4da: {  	v34 =	vor.u32 v40, v35  }
0x4db: {  	v42 =	vor.u32 s28, v42;
	_ =	sdelay $0x1  }
0x4dc: {  	v32 =	vmul.f32 $8.000000000e+00, v32;
	_ =	sdelay $0x1  }
0x4dd: {  	[tilespmem:v34+s19+$0x0] =	vst.idx.msk $0xffff, v32  }
0x4de: {  	v32 =	vld.idx.msk [tilespmem:v42+s18+$0x0], $0xffff  }
0x4df: {  	v42 =	vld [tilespmem:$0x1FF90];
	_ =	sdelay $0x3  }
0x4e0: {  	v34 =	vor.u32 v38, v35  }
0x4e1: {  	v42 =	vor.u32 s28, v42;
	_ =	sdelay $0x1  }
0x4e2: {  	v32 =	vmul.f32 $8.000000000e+00, v32;
	_ =	sdelay $0x1  }
0x4e3: {  	[tilespmem:v34+s19+$0x0] =	vst.idx.msk $0xffff, v32  }
0x4e4: {  	v32 =	vld.idx.msk [tilespmem:v42+s18+$0x0], $0xffff  }
0x4e5: {  	v42 =	vld [tilespmem:$0x1FFA0];
	_ =	sdelay $0x3  }
0x4e6: {  	v34 =	vor.u32 v45, v35  }
0x4e7: {  	v42 =	vor.u32 s28, v42;
	_ =	sdelay $0x1  }
0x4e8: {  	v32 =	vmul.f32 $8.000000000e+00, v32;
	_ =	sdelay $0x1  }
0x4e9: {  	[tilespmem:v34+s19+$0x0] =	vst.idx.msk $0xffff, v32  }
0x4ea: {  	v32 =	vld.idx.msk [tilespmem:v42+s18+$0x0], $0xffff  }
0x4eb: {  	v42 =	vld [tilespmem:$0x1FFB0];
	_ =	sdelay $0x3  }
0x4ec: {  	v34 =	vor.u32 v50, v35  }
0x4ed: {  	v42 =	vor.u32 s28, v42;
	_ =	sdelay $0x1  }
0x4ee: {  	v32 =	vmul.f32 $8.000000000e+00, v32;
	_ =	sdelay $0x1  }
0x4ef: {  	[tilespmem:v34+s19+$0x0] =	vst.idx.msk $0xffff, v32  }
0x4f0: {  	v32 =	vld.idx.msk [tilespmem:v42+s18+$0x0], $0xffff  }
0x4f1: {  	v42 =	vld [tilespmem:$0x1FFC0];
	_ =	sdelay $0x3  }
0x4f2: {  	v34 =	vor.u32 v51, v35  }
0x4f3: {  	v42 =	vor.u32 s28, v42;
	_ =	sdelay $0x1  }
0x4f4: {  	v32 =	vmul.f32 $8.000000000e+00, v32;
	_ =	sdelay $0x1  }
0x4f5: {  	[tilespmem:v34+s19+$0x0] =	vst.idx.msk $0xffff, v32  }
0x4f6: {  	v32 =	vld.idx.msk [tilespmem:v42+s18+$0x0], $0xffff  }
0x4f7: {  	v42 =	vld [tilespmem:$0x1FFD0];
	_ =	sdelay $0x3  }
0x4f8: {  	v34 =	vor.u32 v52, v35  }
0x4f9: {  	v42 =	vor.u32 s28, v42;
	_ =	sdelay $0x1  }
0x4fa: {  	v32 =	vmul.f32 $8.000000000e+00, v32;
	_ =	sdelay $0x1  }
0x4fb: {  	[tilespmem:v34+s19+$0x0] =	vst.idx.msk $0xffff, v32  }
0x4fc: {  	v32 =	vld.idx.msk [tilespmem:v42+s18+$0x0], $0xffff  }
0x4fd: {  	v42 =	vld [tilespmem:$0x1FFE0];
	_ =	sdelay $0x3  }
0x4fe: {  	v34 =	vor.u32 v53, v35  }
0x4ff: {  	v42 =	vor.u32 s28, v42;
	_ =	sdelay $0x1  }
0x500: {  	v32 =	vmul.f32 $8.000000000e+00, v32;
	_ =	sdelay $0x1  }
0x501: {  	[tilespmem:v34+s19+$0x0] =	vst.idx.msk $0xffff, v32  }
0x502: {  	v32 =	vld.idx.msk [tilespmem:v42+s18+$0x0], $0xffff;
	_ =	sdelay $0x1  }
0x503: {  	p1 =	sne.s32 s28, $0x70;
	v42 =	vor.u32 v54, v35  }
.Ltmp7:
0x504: {  	_ = 	snop;
	(pc) =	sbr.rel @p1 .LBB2_6-.Ltmp7, $3  }
0x505: {  	_ = 	snop  }
0x506: {  	v32 =	vmul.f32 $8.000000000e+00, v32;
	_ =	sdelay $0x1  }
0x507: {  	s28 =	sadd.s32 $0x10, s28;
	[tilespmem:v42+s19+$0x0] =	vst.idx.msk $0xffff, v32  }
.Ltmp8:
0x508: {  	(pc) =	sbr.rel .LBB2_8-.Ltmp8, $4  }
0x509: {  	_ = 	snop  }
0x50a: {  	s26 =	sshrl.u32 s26, $0x3  }
0x50b: {  	s26 =	sadd.s32 s4, s26  }
0x50c: {  	v42 =	vld [tilespmem:$0x1FFF0];
	v4 =	vlaneseq.u32;
	[hbm4b:s26+s2] =	stream.linear.scatter [tilespmem:s19], [sflag:$0x4], $0x4000, $0x38  }
.LBB2_10:
0x50d: {  	s25 =	simm.s32 $0x0;
	v7 =	vld [tilespmem:$0x1FCC0]  }
0x50e: {  	v0 =	vmov s25  }
0x50f: {  	v0 =	vand.u32 $0x7F, v0  }
0x510: {  	v5 =	vbroadcast v0, $0x0;
	_ =	sdelay $0x1  }
0x511: {  	v0 =	vor.u32 v7, v5  }
0x512: {  	[tilespmem:s22], [sflag:$0x5] =	stream.strided.gather [hbm4b:s8+s10], $0x2000, s14, s10, $0x38;
	[tilespmem:$0xE000] =	vst v63  }
0x513: {  	_ =	swait.ge [sflag:s23], $0x2000  }
0x514: {  	[sflag:s23] =	ssyncset.done $0x0  }
0x515: {  	[sflag:s23] =	ssyncadd.s32 $0xFFFFE000  }
0x516: {  	v1 =	vld.idx.msk [tilespmem:v0+s22+$0x0], $0xffff;
	_ =	sdelay $0x1  }
0x517: {  	v0 =	vor.u32 $0x800, v7  }
0x518: {  	v4 =	vor.u32 v0, v5;
	_ =	sdelay $0x1  }
0x519: {  	v1 =	vmul.f32 $8.000000000e+00, v1  }
0x51a: {  	s25 =	simm.s32 $0x4020  }
0x51b: {  	[tilespmem:s25+$0xFFFFFFE0] =	vst v1  }
0x51c: {  	v4 =	vld.idx.msk [tilespmem:v4+s22+$0x0], $0xffff;
	_ =	sdelay $0x1  }
0x51d: {  	v1 =	vor.u32 $0x1000, v7  }
0x51e: {  	v6 =	vor.u32 v1, v5;
	_ =	sdelay $0x1  }
0x51f: {  	v4 =	vmul.f32 $8.000000000e+00, v4;
	_ =	sdelay $0x1  }
0x520: {  	[tilespmem:s25+$0xFFFFFFF0] =	vst v4  }
0x521: {  	v6 =	vld.idx.msk [tilespmem:v6+s22+$0x0], $0xffff;
	_ =	sdelay $0x1  }
0x522: {  	v4 =	vor.u32 $0x1800, v7  }
0x523: {  	v5 =	vor.u32 v4, v5;
	_ =	sdelay $0x1  }
0x524: {  	v6 =	vmul.f32 $8.000000000e+00, v6;
	_ =	sdelay $0x1  }
0x525: {  	s26 =	simm.s32 $0x1;
	[tilespmem:s25+$0x0] =	vst v6  }
0x526: {  	v6 =	vmov s26;
	s26 =	simm.s32 $0x2;
	v5 =	vld.idx.msk [tilespmem:v5+s22+$0x0], $0xffff  }
.LBB2_11:
0x527: {  	v7 =	vld [tilespmem:$0x1FCC0];
	_ =	sdelay $0x1  }
0x528: {  	v6 =	vand.u32 $0x7F, v6  }
0x529: {  	v6 =	vbroadcast v6, $0x0;
	_ =	sdelay $0x1  }
0x52a: {  	v7 =	vor.u32 v7, v6;
	_ =	sdelay $0x1  }
0x52b: {  	v5 =	vmul.f32 $8.000000000e+00, v5;
	_ =	sdelay $0x1  }
0x52c: {  	[tilespmem:s25+$0x10] =	vst v5  }
0x52d: {  	v5 =	vld.idx.msk [tilespmem:v7+s22+$0x0], $0xffff;
	_ =	sdelay $0x2  }
0x52e: {  	v7 =	vor.u32 v0, v6;
	_ =	sdelay $0x1  }
0x52f: {  	v5 =	vmul.f32 $8.000000000e+00, v5  }
0x530: {  	s25 =	sadd.s32 $0x80, s25  }
0x531: {  	[tilespmem:s25+$0xFFFFFFE0] =	vst v5  }
0x532: {  	v5 =	vld.idx.msk [tilespmem:v7+s22+$0x0], $0xffff;
	_ =	sdelay $0x2  }
0x533: {  	v7 =	vor.u32 v1, v6;
	_ =	sdelay $0x1  }
0x534: {  	v5 =	vmul.f32 $8.000000000e+00, v5;
	_ =	sdelay $0x1  }
0x535: {  	[tilespmem:s25+$0xFFFFFFF0] =	vst v5  }
0x536: {  	v5 =	vld.idx.msk [tilespmem:v7+s22+$0x0], $0xffff;
	_ =	sdelay $0x2  }
0x537: {  	v7 =	vor.u32 v4, v6  }
0x538: {  	p1 =	sne.s32 s26, $0x3F  }
.Ltmp9:
0x539: {  	v5 =	vmul.f32 $8.000000000e+00, v5;
	(pc) =	sbr.rel @p1 .LBB2_11-.Ltmp9, $4  }
0x53a: {  	_ = 	snop  }
0x53b: {  	[tilespmem:s25+$0x0] =	vst v5  }
0x53c: {  	v5 =	vld.idx.msk [tilespmem:v7+s22+$0x0], $0xffff  }
0x53d: {  	v6 =	vmov s26;
	s26 =	sadd.s32 $0x1, s26;
	v7 =	vld [tilespmem:$0x1FCC0]  }
0x53e: {  	_ = 	snop  }
0x53f: {  	v6 =	vand.u32 $0x7F, v6  }
0x540: {  	v6 =	vbroadcast v6, $0x0;
	_ =	sdelay $0x1  }
0x541: {  	v7 =	vor.u32 v7, v6;
	_ =	sdelay $0x1  }
0x542: {  	v5 =	vmul.f32 $8.000000000e+00, v5;
	_ =	sdelay $0x1  }
0x543: {  	[tilespmem:s25+$0x10] =	vst v5  }
0x544: {  	v5 =	vld.idx.msk [tilespmem:v7+s22+$0x0], $0xffff;
	_ =	sdelay $0x2  }
0x545: {  	v0 =	vor.u32 v0, v6;
	_ =	sdelay $0x1  }
0x546: {  	v5 =	vmul.f32 $8.000000000e+00, v5  }
0x547: {  	s31 =	sadd.s32 $0x80, s25  }
0x548: {  	[tilespmem:s31+$0xFFFFFFE0] =	vst v5  }
0x549: {  	v0 =	vld.idx.msk [tilespmem:v0+s22+$0x0], $0xffff;
	_ =	sdelay $0x2  }
0x54a: {  	v1 =	vor.u32 v1, v6;
	_ =	sdelay $0x1  }
0x54b: {  	v0 =	vmul.f32 $8.000000000e+00, v0;
	_ =	sdelay $0x1  }
0x54c: {  	[tilespmem:s31+$0xFFFFFFF0] =	vst v0  }
0x54d: {  	v0 =	vld.idx.msk [tilespmem:v1+s22+$0x0], $0xffff;
	_ =	sdelay $0x2  }
0x54e: {  	v1 =	vor.u32 v4, v6;
	_ =	sdelay $0x1  }
0x54f: {  	v0 =	vmul.f32 $8.000000000e+00, v0;
	_ =	sdelay $0x1  }
0x550: {  	[tilespmem:s31+$0x0] =	vst v0  }
0x551: {  	v0 =	vld.idx.msk [tilespmem:v1+s22+$0x0], $0xffff;
	_ =	sdelay $0x4  }
0x552: {  	v0 =	vmul.f32 $8.000000000e+00, v0;
	_ =	sdelay $0x1  }
0x553: {  	[tilespmem:s31+$0x10] =	vst v0  }
0x554: {  	[hbm4b:s9+s2] =	stream.linear.scatter [tilespmem:s16], [sflag:$0x5], $0x2000, $0x38;
	[tilespmem:$0xE000] =	vst v63  }
.Ltmp10:
0x555: {  	_ = 	snop;
	(pc) =	sbr.rel .LBB2_13-.Ltmp10, $4  }
0x556: {  	_ =	swait.ge [sflag:s23], $0x2000  }
0x557: {  	v5 =	vld [tilespmem:$0x1FA50]  }
0x558: {  	[sflag:s23] =	ssyncset.done $0x0;
	v6 =	vld [tilespmem:$0x1FD50]  }
0x559: {  	v4 =	vlaneseq.u32;
	v7 =	vld [tilespmem:$0x1FD60];
	[sflag:s23] =	ssyncadd.s32 $0xFFFFE000  }
.LBB2_14:
0x55a: {  	_ =	sfence.sel $0x180000  }
0x55b: {  	[bflag:$0x0] =	sbarrier.arrive $0xFFFF  }
0x55c: {  	p0 =	sne.s32 s3, $0x0;
	_ =	strace $0x90000047  }
0x55d: {  	s0 =	sadd.s32 @!p0 $0x100000, s1;
	[bflag:$0x2] =	sbarrier.arrive $0xFFFF  }
0x55e: {  	[sflag:s0] =	ssyncadd.tile.s32 @!p0 $0x1;
	_ =	shalt  }
.Lfunc_end2:
_tile_overlayer_lowered:
.L_overlay_start_2:
0x55f: {  	(tag) =	ssettag $0x2  }
0x560: {  	s0 =	rddreg [dreg:$0x0];
	s2 =	stileid.u32  }
0x561: {  	s1 =	rddreg [dreg:$0x1];
	p0 =	sne.s32 s2, $0x0  }
0x562: {  	s3 =	rddreg [dreg:$0x2];
	[bflag:$0x3] =	sbarrier.arrive $0xFFFF;
	s2 =	simm.s32 @!p0 $0x1C05  }
0x563: {  	[timem:s3], [sflag:s2] =	dma.local @!p0 [hbm:s0], s1  }
0x564: {  	s0 =	simm.s32 @!p0 $0x5  }
0x565: {  	_ =	swait.ge @!p0 [sflag:s0], s1  }
0x566: {  	s1 =	ssub.s32 @!p0 $0x0, s1;
	[sflag:s0] =	ssyncset.done @!p0 $0x0  }
0x567: {  	[sflag:s0] =	ssyncadd.s32 @!p0 s1  }
0x568: {  	[bflag:$0x3] =	sbarrier.arrive $0xFFFF  }
0x569: {  	_ =	shalt  }

// kernel: kernel.7.cloned.1.call-start
scs
__scs_entry_jumppad:
0x0: {  	(pc) =	sbr.rel $0x88, $3  }
0x1: {  	(tag) =	ssettag $0x0;
	lr =	simm.s32 $0x1  }
0x2: {  	[smem:$0x3F9F] =	sst lr;
	_ =	strace $0xD0000000  }
0x3: {  	_ = 	snop  }
0x4: {  	_ = 	snop  }
0x5: {  	_ = 	snop  }
0x6: {  	_ = 	snop  }
0x7: {  	_ = 	snop  }
__scs_overlays_trampoline_lowered:
0x8: {  	[smem:$0x3FAE] =	sst s0  }
0x9: {  	[smem:$0x3FAF] =	sst s1  }
0xa: {  	[smem:$0x3FB0] =	sst s2  }
0xb: {  	[smem:$0x3FB1] =	sst s3  }
0xc: {  	[smem:$0x3FB2] =	sst s4  }
0xd: {  	[smem:$0x3FB3] =	sst s5  }
0xe: {  	[smem:$0x3FB4] =	sst s6  }
0xf: {  	[smem:$0x3FB5] =	sst s7  }
0x10: {  	[smem:$0x3FB6] =	sst s8  }
0x11: {  	[smem:$0x3FB7] =	sst s9;
	s0 =	simm.s32 @!p0 $0x0  }
0x12: {  	s1 =	sld [smem:$0x3F9D];
	s0 =	simm.s32 @p0 $0x1  }
0x13: {  	[smem:$0x3FB8] =	sst s0;
	s0 =	simm.s32 @!p1 $0x0  }
0x14: {  	s2 =	sld [smem:$0x3F9C];
	s0 =	simm.s32 @p1 $0x1  }
0x15: {  	[smem:$0x3FB9] =	sst s0;
	s0 =	simm.s32 @!p2 $0x0  }
0x16: {  	s3 =	sld [smem:$0x3FDB];
	s0 =	simm.s32 @p2 $0x1  }
0x17: {  	s4 =	simm.s32 $0x1BF5;
	[smem:$0x3FBB] =	sst s0  }
0x18: {  	s0 =	sld [smem:$0x3F9E];
	_ =	swait.ge [sflag:s4], $0x0  }
0x19: {  	s7 =	sld [smem:$0x3F9F]  }
0x1a: {  	s8 =	sadd.s32 $0xFFFFE003, lr  }
0x1b: {  	s9 =	sadd.s32 $0xFFFFFEF7, lr;
	s5 =	simm.s32 $0xFFFFFFFF;
	p2 =	slt.u32 s8, $0xFFFFF086  }
0x1c: {  	p1 =	slt.u32 s9, $0xF7A;
	s5 =	simm.s32 @!p2 $0x0  }
0x1d: {  	s5 =	simm.s32 @p1 $0x1;
	p0 =	seq.s32 s7, s2  }
0x1e: {  	s7 =	smul.u32 @!p0 $0xF7A, s2;
	p2 =	seq.s32 @!p0 s5, $0x0  }
0x1f: {  	s9 =	smul.u32 $0xF7A, s1;
	s8 =	simm.s32 @!p0 $0x1BF5;
	p2 =	por !p2, p0  }
0x20: {  	[sflag:s8] =	ssyncset.s32 @!p0 $0xFFFFF086;
	s6 =	sadd.s32 @!p0 s3, s7;
	s7 =	simm.s32 @!p0 $0x108  }
0x21: {  	s3 =	sadd.s32 s3, s9;
	s6 =	sadd.s32 @!p0 $0x88, s6;
	s7 =	simm.s32 @p2 $0x1082  }
0x22: {  	[simem:s7], [sflag:s8] =	dma.local @!p0 [hbm:s6], $0xF7A  }
0x23: {  	s9 =	sor.u32 $0xD0000000, s2;
	s6 =	simm.s32 $0x108;
	_ =	swait.ge @!p0 [sflag:s8], $0x0  }
0x24: {  	s3 =	sadd.s32 $0x88, s3;
	s6 =	simm.s32 @!p1 $0x1082;
	[sflag:s4] =	ssyncset.s32 $0xFFFFF086  }
0x25: {  	[simem:s6], [sflag:s4] =	dma.local [hbm:s3], $0xF7A  }
0x26: {  	[smem:$0x3F9F] =	sst s1;
	(tag) =	ssettag s2;
	_ =	strace s9  }
0x27: {  	s1 =	sld [smem:$0x3FAF]  }
0x28: {  	s2 =	sld [smem:$0x3FB0]  }
0x29: {  	s4 =	sld [smem:$0x3FB2]  }
0x2a: {  	p0 =	seq.s32 s5, $0x0;
	s5 =	sld [smem:$0x3FB3]  }
0x2b: {  	s6 =	sld [smem:$0x3FB4]  }
0x2c: {  	s7 =	sld [smem:$0x3FB5]  }
0x2d: {  	s3 =	simm.s32 $0x108;
	s8 =	sld [smem:$0x3FB6]  }
0x2e: {  	s3 =	simm.s32 @!p0 $0x1082;
	s9 =	sld [smem:$0x3FB7]  }
0x2f: {  	lr =	sadd.s32 s0, s3;
	s0 =	sld [smem:$0x3FAE]  }
0x30: {  	s3 =	sld [smem:$0x3FB1]  }
0x31: {  	[smem:$0x3FBA] =	sst s10  }
0x32: {  	s10 =	sld [smem:$0x3FB8];
	_ =	sdelay $0x3  }
0x33: {  	p0 =	seq.s32 s10, $0x1;
	s10 =	sld [smem:$0x3FBA];
	_ =	sdelay $0x3  }
0x34: {  	[smem:$0x3FBA] =	sst s10  }
0x35: {  	s10 =	sld [smem:$0x3FB9];
	_ =	sdelay $0x3  }
0x36: {  	p1 =	seq.s32 s10, $0x1;
	s10 =	sld [smem:$0x3FBA];
	_ =	sdelay $0x3  }
0x37: {  	[smem:$0x3FBA] =	sst s10  }
0x38: {  	s10 =	sld [smem:$0x3FBB]  }
0x39: {  	_ = 	snop;
	(pc) =	sbr.ind lr, $3  }
0x3a: {  	_ = 	snop  }
0x3b: {  	_ = 	snop  }
0x3c: {  	p2 =	seq.s32 s10, $0x1;
	s10 =	sld [smem:$0x3FBA]  }
0x3d: {  	_ =	shalt  }
0x3e: {  	_ =	shalt  }
0x3f: {  	_ =	shalt  }
0x40: {  	_ =	shalt  }
0x41: {  	_ =	shalt  }
0x42: {  	_ =	shalt  }
0x43: {  	_ =	shalt  }
0x44: {  	_ =	shalt  }
0x45: {  	_ =	shalt  }
0x46: {  	_ =	shalt  }
0x47: {  	_ =	shalt  }
0x48: {  	_ =	shalt  }
0x49: {  	_ =	shalt  }
0x4a: {  	_ =	shalt  }
0x4b: {  	_ =	shalt  }
0x4c: {  	_ =	shalt  }
0x4d: {  	_ =	shalt  }
0x4e: {  	_ =	shalt  }
0x4f: {  	_ =	shalt  }
0x50: {  	_ =	shalt  }
0x51: {  	_ =	shalt  }
0x52: {  	_ =	shalt  }
0x53: {  	_ =	shalt  }
0x54: {  	_ =	shalt  }
0x55: {  	_ =	shalt  }
0x56: {  	_ =	shalt  }
0x57: {  	_ =	shalt  }
0x58: {  	_ =	shalt  }
0x59: {  	_ =	shalt  }
0x5a: {  	_ =	shalt  }
0x5b: {  	_ =	shalt  }
0x5c: {  	_ =	shalt  }
0x5d: {  	_ =	shalt  }
0x5e: {  	_ =	shalt  }
0x5f: {  	_ =	shalt  }
0x60: {  	_ =	shalt  }
0x61: {  	_ =	shalt  }
0x62: {  	_ =	shalt  }
0x63: {  	_ =	shalt  }
0x64: {  	_ =	shalt  }
0x65: {  	_ =	shalt  }
0x66: {  	_ =	shalt  }
0x67: {  	_ =	shalt  }
0x68: {  	_ =	shalt  }
0x69: {  	_ =	shalt  }
0x6a: {  	_ =	shalt  }
0x6b: {  	_ =	shalt  }
0x6c: {  	_ =	shalt  }
0x6d: {  	_ =	shalt  }
0x6e: {  	_ =	shalt  }
0x6f: {  	_ =	shalt  }
0x70: {  	_ =	shalt  }
0x71: {  	_ =	shalt  }
0x72: {  	_ =	shalt  }
0x73: {  	_ =	shalt  }
0x74: {  	_ =	shalt  }
0x75: {  	_ =	shalt  }
0x76: {  	_ =	shalt  }
0x77: {  	_ =	shalt  }
0x78: {  	_ =	shalt  }
0x79: {  	_ =	shalt  }
0x7a: {  	_ =	shalt  }
0x7b: {  	_ =	shalt  }
0x7c: {  	_ =	shalt  }
0x7d: {  	_ =	shalt  }
0x7e: {  	_ =	shalt  }
0x7f: {  	_ =	shalt  }
0x80: {  	_ =	shalt  }
0x81: {  	_ =	shalt  }
0x82: {  	_ =	shalt  }
0x83: {  	_ =	shalt  }
0x84: {  	_ =	shalt  }
0x85: {  	_ =	shalt  }
0x86: {  	_ =	shalt  }
0x87: {  	_ =	shalt  }
.Lfunc_end0:
.L_simem_size_0:
called_computation.2_lowered:
.L_overlay_start_0:
0x88: {  	s2 =	sld [smem:$0x3FD9]  }
0x89: {  	s3 =	sld [smem:$0x3FFE];
	_ =	sdelay $0x1  }
0x8a: {  	s1 =	srdreg.scid  }
0x8b: {  	s0 =	sand.u32 $0x1, s1  }
0x8c: {  	s17 =	sshll.u32 s0, $0xA;
	s2 =	sadd.s32 s3, s2  }
0x8d: {  	s2 =	sadd.s32 s2, s17  }
0x8e: {  	[smem:$0x3FC6] =	sst s2  }
0x8f: {  	_ = 	snop  }
0x90: {  	s2 =	sld [smem:$0x3FD0];
	(tm) =	ssettm $0x1  }
0x91: {  	s18 =	sld [smem:$0x3FFB];
	_ =	sdelay $0x3  }
0x92: {  	_ =	strace s18  }
0x93: {  	s3 =	sld [smem:$0x3FFC];
	_ =	sdelay $0x3  }
0x94: {  	_ =	strace s3  }
0x95: {  	s3 =	sld [smem:$0x3FFD];
	_ =	sdelay $0x3  }
0x96: {  	_ =	strace s3  }
0x97: {  	_ =	strace $0x8FFFFFFF  }
0x98: {  	s19 =	sld [smem:$0x3FDB];
	_ =	sdelay $0x1  }
0x99: {  	s4 =	simm.s32 $_scs_section_size  }
0x9a: {  	s5 =	simm.s32 $_size__tile_overlayer_lowered;
	s6 =	simm.s32 $_tile_overlayer_lowered  }
0x9b: {  	s22 =	simm.s32 $0x1BFF;
	s21 =	sshll.u32 s6, $0x1;
	s3 =	sadd.s32 s4, s19  }
0x9c: {  	s7 =	simm.s32 $0x0;
	s20 =	sshll.u32 s5, $0x1;
	s5 =	sadd.s32 s21, s3  }
0x9d: {  	[timem:s7], [sflag:s22] =	dma.local [hbm:s5], s20  }
0x9e: {  	_ =	swait.ge [sflag:s22], s20  }
0x9f: {  	s4 =	ssub.s32 $0x0, s20;
	[sflag:s22] =	ssyncset.done $0x0  }
0xa0: {  	[sflag:s22] =	ssyncadd.s32 s4;
	_ =	sdelay $0x1  }
0xa1: {  	s23 =	simm.s32 $0x1B8B  }
0xa2: {  	_ =	swait.ge [sflag:s23], $0x1  }
0xa3: {  	[sflag:s23] =	ssyncset.done $0x0  }
0xa4: {  	s25 =	simm.s32 $0x1B8E;
	s24 =	sld [smem:$0x3FFE];
	[sflag:s23] =	ssyncadd.s32 $0xFFFFFFFF  }
0xa5: {  	s26 =	simm.s32 $execute0_lowered;
	[smem:$0x3FD2] =	sst s25  }
0xa6: {  	s5 =	sshll.u32 s26, $0x1;
	_ =	strace $0x80000049;
	[dreg:$0x1] =	wrdreg $0xFFFFFFFF  }
0xa7: {  	s28 =	simm.s32 $_size_execute0_lowered;
	s3 =	sadd.s32 s3, s5;
	[dreg:$0x0] =	wrdreg $0x0  }
0xa8: {  	s5 =	sshll.u32 s28, $0x1;
	[dreg:$0x2] =	wrdreg s3  }
0xa9: {  	[dreg:$0x3] =	wrdreg s5  }
0xaa: {  	[dreg:$0x4] =	wrdreg $0xC0  }
0xab: {  	_ =	task [dreg:s7], $0x5FFFF  }
0xac: {  	[dreg:$0x1] =	wrdreg $0xFFFFFFFF  }
0xad: {  	[dreg:$0x0] =	wrdreg $0x60  }
0xae: {  	[dreg:$0x2] =	wrdreg s2  }
0xaf: {  	[dreg:$0x3] =	wrdreg s24  }
0xb0: {  	[dreg:$0x4] =	wrdreg $0x9  }
0xb1: {  	_ =	task.clear_ibuf [dreg:s7], $0x5FFFF;
	_ =	strace $0x90000049  }
0xb2: {  	s29 =	simm.s32 $0x9;
	_ =	strace $0x8000004B  }
0xb3: {  	_ =	swait.ge [sflag:s29], $0x1  }
0xb4: {  	[sflag:s29] =	ssyncadd.s32 $0xFFFFFFFF  }
0xb5: {  	_ =	strace $0x9000004B  }
0xb6: {  	_ =	sfence  }
0xb7: {  	s30 =	sld [smem:$0x0];
	_ =	sdelay $0x2  }
0xb8: {  	s31 =	sshll.u32 s1, $0xD;
	s1 =	sshrl.u32 s1, $0x2  }
0xb9: {  	s3 =	sand.u32 $0x4000, s31;
	s1 =	sadd.s32 s1, s30  }
0xba: {  	s0 =	sor.u32 s3, s0;
	s1 =	sshll.u32 s1, $0x11  }
0xbb: {  	s0 =	sor.u32 s1, s0  }
0xbc: {  	s0 =	sadd.s32 $0x8F2B, s0  }
0xbd: {  	[sflag:s0] =	ssyncadd.remote.s32 $0x1  }
0xbe: {  	_ =	sfence.sel $0xFFFF  }
0xbf: {  	[dreg:$0x0] =	wrdreg $0xFFFFFFFF;
	(pc) =	sbr.abs _section_cstart, $3  }
0xc0: {  	[dreg:$0x1] =	wrdreg $0xFFFFFFFF  }
0xc1: {  	_ =	task.clear_ibuf [dreg:s7], $0x2FFFF;
	_ =	strace $0x9FFFFFFF  }
0xc2: {  	(tm) =	ssettm $0x7FFFFFFF  }
0xc3: {  	_ =	shalt  }
tec
execute0_lowered:
.L_overlay_start_1:
0x0: {  	(tag) =	ssettag $0x1  }
0x1: {  	s2 =	rddreg [dreg:$0x0]  }
0x2: {  	s1 =	srdreg.scid;
	s0 =	stileid.u32  }
0x3: {  	s6 =	rddreg [dreg:$0x1];
	s3 =	simm.s32 $0x0;
	s11 =	simm.s32 $0x5  }
0x4: {  	s12 =	simm.s32 $0x80;
	s13 =	simm.s32 $0x100;
	s14 =	simm.s32 $0x4100  }
0x5: {  	s15 =	simm.s32 $0x1;
	s16 =	simm.s32 $0x8100;
	s17 =	simm.s32 $0x2  }
0x6: {  	s18 =	simm.s32 $0x4;
	s19 =	simm.s32 $0xC100;
	s20 =	simm.s32 $0x3  }
0x7: {  	s4 =	sand.u32 $0x1, s1;
	s5 =	sshll.u32 s0, $0x1;
	s1 =	rddreg [dreg:$0x2]  }
0x8: {  	s21 =	simm.s32 $0x0;
	[smem:$0x7FF] =	sst s3;
	s8 =	sor.u32 s4, s5  }
0x9: {  	s7 =	ssub.s32 $0x2, s4;
	_ =	strace $0x8000004A;
	s4 =	smul.u32 $0x6400, s8  }
0xa: {  	s5 =	sadd.s32 $0xE00, s6;
	s6 =	sadd.s32 $0xF43200, s6;
	s9 =	sshrl.u32 s7, $0x1  }
0xb: {  	s8 =	smul.u32 $0x320000, s8;
	s10 =	ssub.s32 s7, s9;
	s31 =	sshrl.u32 s4, $0x3  }
0xc: {  	s9 =	sor.u32 $0x100, s4;
	s10 =	smax.u32 s10, $0x1;
	s7 =	sadd.s32 s2, s31  }
.LBB2_1:
0xd: {  	[tilespmem:s3], [sflag:$0x5] =	stream.linear.gather [hbm4b:s7+s3], $0x80, $0x38;
	[tilespmem:$0x10100] =	vst v63  }
0xe: {  	_ =	swait.ge [sflag:s11], $0x80  }
0xf: {  	[sflag:s11] =	ssyncset.done $0x0  }
0x10: {  	s22 =	simm.s32 $0x0;
	[sflag:s11] =	ssyncadd.s32 $0xFFFFFF80  }
0x11: {  	[tilespmem:s13], [sflag:$0x1] =	stream.indirect.gather [hbm4b:s5+s12], $0x80, s3, s12, $0xb8;
	[tilespmem:$0x10100] =	vst v63  }
.LBB2_2:
0x12: {  	s24 =	sshll.u32 s22, $0x8  }
0x13: {  	s23 =	sadd.s32 s24, s4  }
0x14: {  	s23 =	sadd.s32 $0x80, s23  }
0x15: {  	s25 =	sshrl.u32 s23, $0x3  }
0x16: {  	s25 =	sadd.s32 s2, s25  }
0x17: {  	[tilespmem:s12], [sflag:$0x5] =	stream.linear.gather [hbm4b:s25+s3], $0x80, $0x38;
	[tilespmem:$0x10100] =	vst v63  }
0x18: {  	_ =	swait.ge [sflag:s11], $0x80  }
0x19: {  	[sflag:s11] =	ssyncset.done $0x0  }
0x1a: {  	[sflag:s11] =	ssyncadd.s32 $0xFFFFFF80  }
0x1b: {  	[tilespmem:s14], [sflag:$0x2] =	stream.indirect.gather [hbm4b:s5+s12], $0x80, s12, s12, $0xb8;
	[tilespmem:$0x10100] =	vst v63  }
0x1c: {  	_ =	swait.ge [sflag:s15], $0x4000  }
0x1d: {  	p0 =	seq.s32 s22, $0x0;
	[sflag:s15] =	ssyncset.done $0x0  }
0x1e: {  	s25 =	simm.s32 @!p0 $0x3;
	[sflag:s15] =	ssyncadd.s32 $0xFFFFC000  }
0x1f: {  	_ =	swait.ge @!p0 [sflag:s25], $0x4000  }
0x20: {  	[sflag:s25] =	ssyncset.done @!p0 $0x0  }
0x21: {  	s26 =	simm.s32 $0x200;
	[sflag:s25] =	ssyncadd.s32 @!p0 $0xFFFFC000  }
0x22: {  	v0 =	vld [tilespmem:s26+$0xFFFFFF00];
	_ =	sdelay $0x3  }
0x23: {  	s25 =	simm.s32 $0x8200  }
0x24: {  	[tilespmem:s25+$0xFFFFFF00] =	vst v0  }
0x25: {  	v0 =	vld [tilespmem:s26+$0xFFFFFF10];
	_ =	sdelay $0x4  }
0x26: {  	[tilespmem:s25+$0xFFFFFF10] =	vst v0  }
0x27: {  	v0 =	vld [tilespmem:s26+$0xFFFFFF20];
	_ =	sdelay $0x4  }
0x28: {  	[tilespmem:s25+$0xFFFFFF20] =	vst v0  }
0x29: {  	v0 =	vld [tilespmem:s26+$0xFFFFFF30];
	_ =	sdelay $0x4  }
0x2a: {  	[tilespmem:s25+$0xFFFFFF30] =	vst v0  }
0x2b: {  	v0 =	vld [tilespmem:s26+$0xFFFFFF80];
	_ =	sdelay $0x4  }
0x2c: {  	[tilespmem:s25+$0xFFFFFF80] =	vst v0  }
0x2d: {  	v0 =	vld [tilespmem:s26+$0xFFFFFF90];
	_ =	sdelay $0x4  }
0x2e: {  	[tilespmem:s25+$0xFFFFFF90] =	vst v0  }
0x2f: {  	v0 =	vld [tilespmem:s26+$0xFFFFFFA0];
	_ =	sdelay $0x4  }
0x30: {  	[tilespmem:s25+$0xFFFFFFA0] =	vst v0  }
0x31: {  	v0 =	vld [tilespmem:s26+$0xFFFFFFB0];
	_ =	sdelay $0x4  }
0x32: {  	[tilespmem:s25+$0xFFFFFFB0] =	vst v0  }
0x33: {  	v0 =	vld [tilespmem:s26+$0x0];
	_ =	sdelay $0x4  }
0x34: {  	[tilespmem:s25+$0x0] =	vst v0  }
0x35: {  	v0 =	vld [tilespmem:s26+$0x10];
	_ =	sdelay $0x4  }
0x36: {  	[tilespmem:s25+$0x10] =	vst v0  }
0x37: {  	v0 =	vld [tilespmem:s26+$0x20];
	_ =	sdelay $0x4  }
0x38: {  	[tilespmem:s25+$0x20] =	vst v0  }
0x39: {  	v0 =	vld [tilespmem:s26+$0x30];
	_ =	sdelay $0x4  }
0x3a: {  	[tilespmem:s25+$0x30] =	vst v0  }
0x3b: {  	v0 =	vld [tilespmem:s26+$0x80];
	_ =	sdelay $0x4  }
0x3c: {  	[tilespmem:s25+$0x80] =	vst v0  }
0x3d: {  	v0 =	vld [tilespmem:s26+$0x90];
	_ =	sdelay $0x4  }
0x3e: {  	[tilespmem:s25+$0x90] =	vst v0  }
0x3f: {  	v0 =	vld [tilespmem:s26+$0xA0];
	_ =	sdelay $0x4  }
0x40: {  	[tilespmem:s25+$0xA0] =	vst v0  }
0x41: {  	v0 =	vld [tilespmem:s26+$0xB0];
	_ =	sdelay $0x4  }
0x42: {  	s28 =	simm.s32 $0x400;
	s26 =	simm.s32 $0x0;
	[tilespmem:s25+$0xB0] =	vst v0  }
.LBB2_3:
0x43: {  	v0 =	vld [tilespmem:s28+$0xFFFFFF00];
	s26 =	sadd.s32 $0x4, s26  }
0x44: {  	p1 =	slt.u32 s26, $0x7C;
	_ =	sdelay $0x2  }
0x45: {  	s25 =	sadd.s32 $0x200, s25  }
0x46: {  	[tilespmem:s25+$0xFFFFFF00] =	vst v0  }
0x47: {  	v0 =	vld [tilespmem:s28+$0xFFFFFF10];
	_ =	sdelay $0x4  }
0x48: {  	[tilespmem:s25+$0xFFFFFF10] =	vst v0  }
0x49: {  	v0 =	vld [tilespmem:s28+$0xFFFFFF20];
	_ =	sdelay $0x4  }
0x4a: {  	[tilespmem:s25+$0xFFFFFF20] =	vst v0  }
0x4b: {  	v0 =	vld [tilespmem:s28+$0xFFFFFF30];
	_ =	sdelay $0x4  }
0x4c: {  	[tilespmem:s25+$0xFFFFFF30] =	vst v0  }
0x4d: {  	v0 =	vld [tilespmem:s28+$0xFFFFFF80];
	_ =	sdelay $0x4  }
0x4e: {  	[tilespmem:s25+$0xFFFFFF80] =	vst v0  }
0x4f: {  	v0 =	vld [tilespmem:s28+$0xFFFFFF90];
	_ =	sdelay $0x4  }
0x50: {  	[tilespmem:s25+$0xFFFFFF90] =	vst v0  }
0x51: {  	v0 =	vld [tilespmem:s28+$0xFFFFFFA0];
	_ =	sdelay $0x4  }
0x52: {  	[tilespmem:s25+$0xFFFFFFA0] =	vst v0  }
0x53: {  	v0 =	vld [tilespmem:s28+$0xFFFFFFB0];
	_ =	sdelay $0x4  }
0x54: {  	[tilespmem:s25+$0xFFFFFFB0] =	vst v0  }
0x55: {  	v0 =	vld [tilespmem:s28+$0x0];
	_ =	sdelay $0x4  }
0x56: {  	[tilespmem:s25+$0x0] =	vst v0  }
0x57: {  	v0 =	vld [tilespmem:s28+$0x10];
	_ =	sdelay $0x4  }
0x58: {  	[tilespmem:s25+$0x10] =	vst v0  }
0x59: {  	v0 =	vld [tilespmem:s28+$0x20];
	_ =	sdelay $0x4  }
0x5a: {  	[tilespmem:s25+$0x20] =	vst v0  }
0x5b: {  	v0 =	vld [tilespmem:s28+$0x30];
	_ =	sdelay $0x4  }
0x5c: {  	[tilespmem:s25+$0x30] =	vst v0  }
0x5d: {  	v0 =	vld [tilespmem:s28+$0x80];
	_ =	sdelay $0x4  }
0x5e: {  	[tilespmem:s25+$0x80] =	vst v0  }
0x5f: {  	v0 =	vld [tilespmem:s28+$0x90];
	_ =	sdelay $0x4  }
0x60: {  	[tilespmem:s25+$0x90] =	vst v0  }
0x61: {  	v0 =	vld [tilespmem:s28+$0xA0];
	_ =	sdelay $0x4  }
0x62: {  	[tilespmem:s25+$0xA0] =	vst v0  }
0x63: {  	v0 =	vld [tilespmem:s28+$0xB0]  }
.Ltmp0:
0x64: {  	(pc) =	sbr.rel @p1 .LBB2_3-.Ltmp0, $2  }
0x65: {  	_ =	sdelay $0x2  }
0x66: {  	s28 =	sadd.s32 $0x200, s28;
	[tilespmem:s25+$0xB0] =	vst v0  }
0x67: {  	p1 =	sne.s32 s22, $0x63  }
.Ltmp1:
0x68: {  	s25 =	sshll.u32 s22, $0xF;
	(pc) =	sbr.rel @p1 .LBB2_6-.Ltmp1, $4  }
0x69: {  	s25 =	sadd.s32 s8, s25  }
0x6a: {  	s25 =	sshrl.u32 s25, $0x3  }
0x6b: {  	s25 =	sadd.s32 s6, s25  }
0x6c: {  	[hbm4b:s25+s3] =	stream.linear.scatter [tilespmem:s16], [sflag:$0x3], $0x4000, $0x38;
	[tilespmem:$0x10100] =	vst v63  }
.Ltmp2:
0x6d: {  	(pc) =	sbr.rel .LBB2_7-.Ltmp2, $4  }
0x6e: {  	_ = 	snop  }
0x6f: {  	_ =	swait.ge [sflag:s17], $0x4000  }
0x70: {  	[sflag:s17] =	ssyncset.done $0x0  }
0x71: {  	[sflag:s17] =	ssyncadd.s32 $0xFFFFC000  }
.LBB2_6:
0x72: {  	s24 =	sadd.s32 s24, s9  }
0x73: {  	s24 =	sshrl.u32 s24, $0x3  }
0x74: {  	s24 =	sadd.s32 s2, s24  }
0x75: {  	[tilespmem:s3], [sflag:$0x5] =	stream.linear.gather [hbm4b:s24+s3], $0x80, $0x38;
	[tilespmem:$0x10100] =	vst v63  }
0x76: {  	_ =	swait.ge [sflag:s11], $0x80  }
0x77: {  	[sflag:s11] =	ssyncset.done $0x0  }
.Ltmp3:
0x78: {  	[sflag:s11] =	ssyncadd.s32 $0xFFFFFF80;
	(pc) =	sbr.rel @p0 .LBB2_8-.Ltmp3, $4  }
0x79: {  	[tilespmem:s13], [sflag:$0x1] =	stream.indirect.gather [hbm4b:s5+s12], $0x80, s3, s12, $0xb8;
	[tilespmem:$0x10100] =	vst v63  }
0x7a: {  	_ =	swait.ge [sflag:s17], $0x4000  }
0x7b: {  	[sflag:s17] =	ssyncset.done $0x0  }
0x7c: {  	[sflag:s17] =	ssyncadd.s32 $0xFFFFC000  }
.LBB2_7:
0x7d: {  	_ =	swait.ge [sflag:s18], $0x4000  }
0x7e: {  	[sflag:s18] =	ssyncset.done $0x0  }
0x7f: {  	[sflag:s18] =	ssyncadd.s32 $0xFFFFC000  }
.LBB2_8:
0x80: {  	s25 =	simm.s32 $0x4200  }
0x81: {  	v0 =	vld [tilespmem:s25+$0xFFFFFF00];
	_ =	sdelay $0x3  }
0x82: {  	s24 =	simm.s32 $0xC200  }
0x83: {  	[tilespmem:s24+$0xFFFFFF00] =	vst v0  }
0x84: {  	v0 =	vld [tilespmem:s25+$0xFFFFFF10];
	_ =	sdelay $0x4  }
0x85: {  	[tilespmem:s24+$0xFFFFFF10] =	vst v0  }
0x86: {  	v0 =	vld [tilespmem:s25+$0xFFFFFF20];
	_ =	sdelay $0x4  }
0x87: {  	[tilespmem:s24+$0xFFFFFF20] =	vst v0  }
0x88: {  	v0 =	vld [tilespmem:s25+$0xFFFFFF30];
	_ =	sdelay $0x4  }
0x89: {  	[tilespmem:s24+$0xFFFFFF30] =	vst v0  }
0x8a: {  	v0 =	vld [tilespmem:s25+$0xFFFFFF80];
	_ =	sdelay $0x4  }
0x8b: {  	[tilespmem:s24+$0xFFFFFF80] =	vst v0  }
0x8c: {  	v0 =	vld [tilespmem:s25+$0xFFFFFF90];
	_ =	sdelay $0x4  }
0x8d: {  	[tilespmem:s24+$0xFFFFFF90] =	vst v0  }
0x8e: {  	v0 =	vld [tilespmem:s25+$0xFFFFFFA0];
	_ =	sdelay $0x4  }
0x8f: {  	[tilespmem:s24+$0xFFFFFFA0] =	vst v0  }
0x90: {  	v0 =	vld [tilespmem:s25+$0xFFFFFFB0];
	_ =	sdelay $0x4  }
0x91: {  	[tilespmem:s24+$0xFFFFFFB0] =	vst v0  }
0x92: {  	v0 =	vld [tilespmem:s25+$0x0];
	_ =	sdelay $0x4  }
0x93: {  	[tilespmem:s24+$0x0] =	vst v0  }
0x94: {  	v0 =	vld [tilespmem:s25+$0x10];
	_ =	sdelay $0x4  }
0x95: {  	[tilespmem:s24+$0x10] =	vst v0  }
0x96: {  	v0 =	vld [tilespmem:s25+$0x20];
	_ =	sdelay $0x4  }
0x97: {  	[tilespmem:s24+$0x20] =	vst v0  }
0x98: {  	v0 =	vld [tilespmem:s25+$0x30];
	_ =	sdelay $0x4  }
0x99: {  	[tilespmem:s24+$0x30] =	vst v0  }
0x9a: {  	v0 =	vld [tilespmem:s25+$0x80];
	_ =	sdelay $0x4  }
0x9b: {  	[tilespmem:s24+$0x80] =	vst v0  }
0x9c: {  	v0 =	vld [tilespmem:s25+$0x90];
	_ =	sdelay $0x4  }
0x9d: {  	[tilespmem:s24+$0x90] =	vst v0  }
0x9e: {  	v0 =	vld [tilespmem:s25+$0xA0];
	_ =	sdelay $0x4  }
0x9f: {  	[tilespmem:s24+$0xA0] =	vst v0  }
0xa0: {  	v0 =	vld [tilespmem:s25+$0xB0];
	_ =	sdelay $0x4  }
0xa1: {  	s26 =	simm.s32 $0x4400;
	s25 =	simm.s32 $0x0;
	[tilespmem:s24+$0xB0] =	vst v0  }
.LBB2_9:
0xa2: {  	v0 =	vld [tilespmem:s26+$0xFFFFFF00];
	s25 =	sadd.s32 $0x4, s25  }
0xa3: {  	p0 =	slt.u32 s25, $0x7C;
	_ =	sdelay $0x2  }
0xa4: {  	s24 =	sadd.s32 $0x200, s24  }
0xa5: {  	[tilespmem:s24+$0xFFFFFF00] =	vst v0  }
0xa6: {  	v0 =	vld [tilespmem:s26+$0xFFFFFF10];
	_ =	sdelay $0x4  }
0xa7: {  	[tilespmem:s24+$0xFFFFFF10] =	vst v0  }
0xa8: {  	v0 =	vld [tilespmem:s26+$0xFFFFFF20];
	_ =	sdelay $0x4  }
0xa9: {  	[tilespmem:s24+$0xFFFFFF20] =	vst v0  }
0xaa: {  	v0 =	vld [tilespmem:s26+$0xFFFFFF30];
	_ =	sdelay $0x4  }
0xab: {  	[tilespmem:s24+$0xFFFFFF30] =	vst v0  }
0xac: {  	v0 =	vld [tilespmem:s26+$0xFFFFFF80];
	_ =	sdelay $0x4  }
0xad: {  	[tilespmem:s24+$0xFFFFFF80] =	vst v0  }
0xae: {  	v0 =	vld [tilespmem:s26+$0xFFFFFF90];
	_ =	sdelay $0x4  }
0xaf: {  	[tilespmem:s24+$0xFFFFFF90] =	vst v0  }
0xb0: {  	v0 =	vld [tilespmem:s26+$0xFFFFFFA0];
	_ =	sdelay $0x4  }
0xb1: {  	[tilespmem:s24+$0xFFFFFFA0] =	vst v0  }
0xb2: {  	v0 =	vld [tilespmem:s26+$0xFFFFFFB0];
	_ =	sdelay $0x4  }
0xb3: {  	[tilespmem:s24+$0xFFFFFFB0] =	vst v0  }
0xb4: {  	v0 =	vld [tilespmem:s26+$0x0];
	_ =	sdelay $0x4  }
0xb5: {  	[tilespmem:s24+$0x0] =	vst v0  }
0xb6: {  	v0 =	vld [tilespmem:s26+$0x10];
	_ =	sdelay $0x4  }
0xb7: {  	[tilespmem:s24+$0x10] =	vst v0  }
0xb8: {  	v0 =	vld [tilespmem:s26+$0x20];
	_ =	sdelay $0x4  }
0xb9: {  	[tilespmem:s24+$0x20] =	vst v0  }
0xba: {  	v0 =	vld [tilespmem:s26+$0x30];
	_ =	sdelay $0x4  }
0xbb: {  	[tilespmem:s24+$0x30] =	vst v0  }
0xbc: {  	v0 =	vld [tilespmem:s26+$0x80];
	_ =	sdelay $0x4  }
0xbd: {  	[tilespmem:s24+$0x80] =	vst v0  }
0xbe: {  	v0 =	vld [tilespmem:s26+$0x90];
	_ =	sdelay $0x4  }
0xbf: {  	[tilespmem:s24+$0x90] =	vst v0  }
0xc0: {  	v0 =	vld [tilespmem:s26+$0xA0];
	_ =	sdelay $0x4  }
0xc1: {  	[tilespmem:s24+$0xA0] =	vst v0  }
0xc2: {  	v0 =	vld [tilespmem:s26+$0xB0]  }
.Ltmp4:
0xc3: {  	(pc) =	sbr.rel @p0 .LBB2_9-.Ltmp4, $2  }
0xc4: {  	_ =	sdelay $0x2  }
0xc5: {  	s26 =	sadd.s32 $0x200, s26;
	[tilespmem:s24+$0xB0] =	vst v0  }
0xc6: {  	s22 =	sadd.s32 $0x1, s22  }
0xc7: {  	p0 =	sne.s32 s22, $0x64  }
.Ltmp5:
0xc8: {  	_ = 	snop;
	(pc) =	sbr.rel @p0 .LBB2_2-.Ltmp5, $4  }
0xc9: {  	_ = 	snop  }
0xca: {  	s23 =	sshll.u32 s23, $0x4  }
0xcb: {  	s23 =	sadd.s32 s6, s23  }
0xcc: {  	[hbm4b:s23+s3] =	stream.linear.scatter [tilespmem:s19], [sflag:$0x4], $0x4000, $0x38;
	[tilespmem:$0x10100] =	vst v63  }
0xcd: {  	s21 =	sadd.s32 $0x1, s21  }
0xce: {  	_ =	swait.ge [sflag:s20], $0x4000;
	p0 =	sne.s32 s21, s10  }
.Ltmp6:
0xcf: {  	[sflag:s20] =	ssyncset.done $0x0;
	(pc) =	sbr.rel @p0 .LBB2_1-.Ltmp6, $4  }
0xd0: {  	[sflag:s20] =	ssyncadd.s32 $0xFFFFC000  }
0xd1: {  	_ =	swait.ge [sflag:s18], $0x4000  }
0xd2: {  	[sflag:s18] =	ssyncset.done $0x0  }
0xd3: {  	[sflag:s18] =	ssyncadd.s32 $0xFFFFC000  }
0xd4: {  	_ =	sfence.sel $0x180000  }
0xd5: {  	[bflag:$0x0] =	sbarrier.arrive $0xFFFF  }
0xd6: {  	p0 =	sne.s32 s0, $0x0;
	_ =	strace $0x9000004A  }
0xd7: {  	s0 =	sadd.s32 @!p0 $0x100000, s1;
	[bflag:$0x2] =	sbarrier.arrive $0xFFFF  }
0xd8: {  	[sflag:s0] =	ssyncadd.tile.s32 @!p0 $0x1;
	_ =	shalt  }
.Lfunc_end2:
_tile_overlayer_lowered:
.L_overlay_start_2:
0xd9: {  	(tag) =	ssettag $0x2  }
0xda: {  	s0 =	rddreg [dreg:$0x0];
	s2 =	stileid.u32  }
0xdb: {  	s1 =	rddreg [dreg:$0x1];
	p0 =	sne.s32 s2, $0x0  }
0xdc: {  	s3 =	rddreg [dreg:$0x2];
	[bflag:$0x3] =	sbarrier.arrive $0xFFFF;
	s2 =	simm.s32 @!p0 $0x1C05  }
0xdd: {  	[timem:s3], [sflag:s2] =	dma.local @!p0 [hbm:s0], s1  }
0xde: {  	s0 =	simm.s32 @!p0 $0x5  }
0xdf: {  	_ =	swait.ge @!p0 [sflag:s0], s1  }
0xe0: {  	s1 =	ssub.s32 @!p0 $0x0, s1;
	[sflag:s0] =	ssyncset.done @!p0 $0x0  }
0xe1: {  	[sflag:s0] =	ssyncadd.s32 @!p0 s1  }
0xe2: {  	[bflag:$0x3] =	sbarrier.arrive $0xFFFF  }
0xe3: {  	_ =	shalt  }

// kernel: sparse-core-data-format-call.cloned.1.call-start
scs
called_computation_lowered:
.L_overlay_start_0:
0x0: {  	s2 =	sld [smem:$0x3FD9]  }
0x1: {  	s3 =	sld [smem:$0x3FFE];
	_ =	sdelay $0x1  }
0x2: {  	s1 =	srdreg.scid  }
0x3: {  	s0 =	sand.u32 $0x1, s1  }
0x4: {  	s18 =	sshll.u32 s0, $0xA;
	s2 =	sadd.s32 s3, s2  }
0x5: {  	s2 =	sadd.s32 s2, s18  }
0x6: {  	[smem:$0x3FC6] =	sst s2  }
0x7: {  	_ = 	snop  }
0x8: {  	s2 =	sld [smem:$0x3FD0];
	(tm) =	ssettm $0x1  }
0x9: {  	s19 =	sld [smem:$0x3FFB];
	_ =	sdelay $0x3  }
0xa: {  	_ =	strace s19  }
0xb: {  	s3 =	sld [smem:$0x3FFC];
	_ =	sdelay $0x3  }
0xc: {  	_ =	strace s3  }
0xd: {  	s3 =	sld [smem:$0x3FFD];
	_ =	sdelay $0x3  }
0xe: {  	_ =	strace s3  }
0xf: {  	_ =	strace $0x8FFFFFFF  }
0x10: {  	s20 =	sld [smem:$0x3FDB];
	_ =	sdelay $0x1  }
0x11: {  	s4 =	simm.s32 $_scs_section_size  }
0x12: {  	s5 =	simm.s32 $_size__tile_overlayer_lowered;
	s6 =	simm.s32 $_tile_overlayer_lowered  }
0x13: {  	s23 =	simm.s32 $0x1BFF;
	s22 =	sshll.u32 s6, $0x1;
	s3 =	sadd.s32 s4, s20  }
0x14: {  	s7 =	simm.s32 $0x0;
	s21 =	sshll.u32 s5, $0x1;
	s5 =	sadd.s32 s22, s3  }
0x15: {  	[timem:s7], [sflag:s23] =	dma.local [hbm:s5], s21  }
0x16: {  	_ =	swait.ge [sflag:s23], s21  }
0x17: {  	s4 =	ssub.s32 $0x0, s21;
	[sflag:s23] =	ssyncset.done $0x0  }
0x18: {  	[sflag:s23] =	ssyncadd.s32 s4;
	_ =	sdelay $0x1  }
0x19: {  	s24 =	simm.s32 $0x1B8B  }
0x1a: {  	_ =	swait.ge [sflag:s24], $0x1  }
0x1b: {  	[sflag:s24] =	ssyncset.done $0x0  }
0x1c: {  	s26 =	simm.s32 $0x1B8E;
	s25 =	sld [smem:$0x3FFE];
	[sflag:s24] =	ssyncadd.s32 $0xFFFFFFFF  }
0x1d: {  	s27 =	simm.s32 $execute0_lowered;
	[smem:$0x3FD2] =	sst s26  }
0x1e: {  	s5 =	sshll.u32 s27, $0x1;
	_ =	strace $0x8000004C;
	[dreg:$0x1] =	wrdreg $0xFFFFFFFF  }
0x1f: {  	s28 =	simm.s32 $_size_execute0_lowered;
	s3 =	sadd.s32 s3, s5;
	[dreg:$0x0] =	wrdreg $0x0  }
0x20: {  	s5 =	sshll.u32 s28, $0x1;
	[dreg:$0x2] =	wrdreg s3  }
0x21: {  	[dreg:$0x3] =	wrdreg s5  }
0x22: {  	[dreg:$0x4] =	wrdreg $0xC0  }
0x23: {  	_ =	task [dreg:s7], $0x5FFFF  }
0x24: {  	[dreg:$0x1] =	wrdreg $0xFFFFFFFF  }
0x25: {  	[dreg:$0x0] =	wrdreg $0x60  }
0x26: {  	[dreg:$0x2] =	wrdreg s25  }
0x27: {  	[dreg:$0x3] =	wrdreg s2  }
0x28: {  	[dreg:$0x4] =	wrdreg $0x9  }
0x29: {  	_ =	task.clear_ibuf [dreg:s7], $0x5FFFF;
	_ =	strace $0x9000004C  }
0x2a: {  	s29 =	simm.s32 $0x9;
	_ =	strace $0x8000004E  }
0x2b: {  	_ =	swait.ge [sflag:s29], $0x1  }
0x2c: {  	[sflag:s29] =	ssyncadd.s32 $0xFFFFFFFF  }
0x2d: {  	_ =	strace $0x9000004E  }
0x2e: {  	_ =	sfence  }
0x2f: {  	s30 =	sld [smem:$0x0];
	_ =	sdelay $0x2  }
0x30: {  	s31 =	sshll.u32 s1, $0xD;
	s1 =	sshrl.u32 s1, $0x2  }
0x31: {  	s3 =	sand.u32 $0x4000, s31;
	s1 =	sadd.s32 s1, s30  }
0x32: {  	s0 =	sor.u32 s3, s0;
	s1 =	sshll.u32 s1, $0x11  }
0x33: {  	s0 =	sor.u32 s1, s0  }
0x34: {  	s0 =	sadd.s32 $0x8F2B, s0  }
0x35: {  	[sflag:s0] =	ssyncadd.remote.s32 $0x1  }
0x36: {  	_ =	sfence.sel $0xFFFF  }
0x37: {  	[dreg:$0x0] =	wrdreg $0xFFFFFFFF;
	(pc) =	sbr.abs _section_cstart, $3  }
0x38: {  	[dreg:$0x1] =	wrdreg $0xFFFFFFFF  }
0x39: {  	_ =	task.clear_ibuf [dreg:s7], $0x2FFFF;
	_ =	strace $0x9FFFFFFF  }
0x3a: {  	(tm) =	ssettm $0x7FFFFFFF  }
0x3b: {  	_ =	shalt  }
tec
execute0_lowered:
.L_overlay_start_1:
0x0: {  	(tag) =	ssettag $0x1  }
0x1: {  	s0 =	srdreg.scid  }
0x2: {  	s1 =	sshll.u32 s0, $0x4  }
0x3: {  	s0 =	stileid.u32;
	s1 =	sand.u32 $0x10, s1  }
0x4: {  	s1 =	sor.u32 s0, s1  }
0x5: {  	s6 =	rddreg [dreg:$0x0];
	s4 =	simm.s32 $0x1;
	s2 =	sshll.u32 s1, $0x7  }
0x6: {  	s7 =	simm.s32 $0x2;
	s12 =	simm.s32 $0x0;
	s1 =	ssub.s32 $0x1000, s2  }
0x7: {  	s8 =	simm.s32 $0x8000;
	s13 =	simm.s32 $0x0;
	s3 =	sand.u32 $0xF80, s1  }
0x8: {  	s9 =	simm.s32 $0x0;
	s5 =	sshrl.u32 s1, $0xC;
	p0 =	sne.s32 s3, $0x0  }
.Ltmp0:
0x9: {  	s1 =	rddreg [dreg:$0x2];
	s4 =	simm.s32 @!p0 $0x0;
	(pc) =	sbr.rel .LBB1_1-.Ltmp0, $4  }
0xa: {  	s11 =	simm.s32 $0x0;
	s3 =	rddreg [dreg:$0x1];
	s5 =	sadd.s32 s4, s5  }
0xb: {  	_ =	strace $0x8000004D;
	s4 =	simm.s32 $0x1;
	s5 =	smul.u32 $0xC8, s5  }
0xc: {  	s6 =	sadd.s32 $0xF43200, s6;
	s10 =	smov.u32 s2;
	[sflag:s4] =	ssyncpa.u1 $0x0  }
0xd: {  	p0 =	por $0x0, $0x0;
	[sflag:s7] =	ssyncpa.u1 $0x0;
	s7 =	sor.u32 $0x1, s5  }
.LBB1_4:
0xe: {  	s16 =	sshll.u32 s13, $0x3;
	s17 =	sand.u32 $0x78, s13  }
0xf: {  	s30 =	sand.u32 $0x7E00, s13;
	s12 =	sshll.u32 s12, $0xF;
	s16 =	sand.u32 $0xC00, s16  }
0x10: {  	[tilespmem:s15+$0x810 ss:$0x81] =	vst.msk $0xffff, v2;
	s31 =	sand.u32 $0x7, s13;
	s16 =	sor.u32 s17, s16;
	s17 =	sadd.s32 s3, s30  }
0x11: {  	[tilespmem:s15+$0x1020 ss:$0x81] =	vst.msk $0xffff, v0;
	s13 =	sshll.u32 s31, $0x12;
	s12 =	sadd.s32 s12, s17;
	s16 =	sshrl.u32 s16, $0x3  }
0x12: {  	[tilespmem:s15+$0x0 ss:$0x81] =	vst.msk $0xffff, v1;
	s13 =	sor.u32 $0x400, s13;
	s12 =	sadd.s32 s16, s12  }
0x13: {  	[hbm4b:s12+s13] =	stream.strided.scatter [tilespmem:s14], [sflag:$0x2], $0x2000, s8, s13, $0x20;
	[tilespmem:$0x8080] =	vst v63  }
.LBB1_5:
0x14: {  	s14 =	sadd.s32 $0x1, s9  }
0x15: {  	s12 =	sadd.s32 $0x1000, s10;
	s16 =	smov.u32 s10;
	p2 =	sgt.s32 s14, $0xC7  }
0x16: {  	s16 =	smov.u32 @p2 s12  }
0x17: {  	s14 =	simm.s32 @p2 $0x0;
	p2 =	sgt.s32 s16, $0xFFF  }
0x18: {  	s16 =	smov.u32 @p2 s2;
	p2 =	sne.s32 s11, s7  }
.Ltmp1:
0x19: {  	p1 =	slt.u32 s11, $0x2;
	(pc) =	sbr.rel @!p2 .LBB1_6-.Ltmp1, $4  }
0x1a: {  	s15 =	simm.s32 @!p1 $0x2  }
0x1b: {  	s13 =	smov.u32 s10;
	p0 =	por !p0, !p0;
	_ =	swait.ge @!p1 [sflag:s15], $0x2000  }
0x1c: {  	s12 =	smov.u32 s9;
	[sflag:s15] =	ssyncset.done @!p1 $0x0;
	s9 =	smov.u32 s14  }
0x1d: {  	s11 =	sadd.s32 $0x1, s11;
	[sflag:s15] =	ssyncadd.s32 @!p1 $0xFFFFE000;
	s10 =	smov.u32 s16  }
.LBB1_1:
0x1e: {  	p1 =	sge.u32 s11, s5  }
0x1f: {  	s14 =	sand.u32 @!p1 $0x1FFFFFF, s9  }
0x20: {  	s15 =	smulhi.u32 @!p1 $0x147AE15, s14;
	_ =	sdelay $0x1  }
0x21: {  	s15 =	smul.u32 @!p1 $0xC8, s15  }
0x22: {  	s16 =	sxor.u32 @!p1 $0xFFFFFFFF, s11;
	s17 =	smul.u32 @!p1 $0xC80, s10  }
0x23: {  	s31 =	sadd.s32 $0xFFFFFFFF, s11;
	s16 =	sshll.u32 @!p1 s16, $0xD;
	s14 =	ssub.s32 @!p1 s14, s15  }
0x24: {  	s15 =	sand.u32 @!p1 $0x2000, s16;
	s16 =	sadd.s32 @!p1 s6, s17;
	s14 =	sshll.u32 @!p1 s14, $0x4  }
0x25: {  	s17 =	simm.s32 @!p1 $0x6400;
	s14 =	sadd.s32 @!p1 s14, s16;
	s16 =	simm.s32 @!p1 $0x40  }
0x26: {  	[tilespmem:s15], [sflag:$0x1] =	stream.strided.gather @!p1 [hbm4b:s14+s16], $0x2000, s17, s16, $0x38;
	[tilespmem:$0x8080] =	vst v63  }
0x27: {  	p1 =	sge.u32 s31, s5  }
.Ltmp2:
0x28: {  	_ = 	snop;
	(pc) =	sbr.rel @p1 .LBB1_5-.Ltmp2, $1  }
0x29: {  	_ =	sdelay $0x3  }
0x2a: {  	s14 =	simm.s32 $0x1  }
0x2b: {  	_ =	swait.ge [sflag:s4], $0x2000;
	s14 =	simm.s32 @!p0 $0x0  }
0x2c: {  	[sflag:s4] =	ssyncset.done $0x0;
	s15 =	sshll.u32 s14, $0xD  }
0x2d: {  	[sflag:s4] =	ssyncadd.s32 $0xFFFFE000;
	s18 =	sor.u32 $0x20, s15  }
0x2e: {  	s14 =	smul.u32 $0x8100, s14;
	v3 =	vld [tilespmem:s18+$0x10]  }
0x2f: {  	s30 =	sand.u32 $0x1, s11;
	v2 =	vld [tilespmem:s18+$0xFFFFFFF0]  }
0x30: {  	s15 =	smul.u32 $0x8100, s30;
	s14 =	sshrl.u32 s14, $0x2;
	v0 =	vld [tilespmem:s18+$0x0]  }
0x31: {  	v1 =	vld [tilespmem:s18+$0xFFFFFFE0];
	s16 =	sor.u32 $0x4000, s14  }
0x32: {  	s31 =	sshrl.u32 s15, $0x2;
	s15 =	sadd.s32 $0x0, s16  }
0x33: {  	s17 =	simm.s32 $0x4;
	s18 =	sadd.s32 $0x40, s18;
	s14 =	sor.u32 $0x4000, s31;
	[tilespmem:s15+$0x1830 ss:$0x81] =	vst.msk $0xffff, v3  }
.LBB1_3:
0x34: {  	v3 =	vld [tilespmem:s18+$0x10];
	p1 =	sne.s32 s17, $0x1FC;
	[tilespmem:s15+$0x810 ss:$0x81] =	vst.msk $0xffff, v2;
	s19 =	smov.u32 s17;
	s17 =	sadd.s32 $0x4, s17  }
.Ltmp3:
0x35: {  	v2 =	vld [tilespmem:s18+$0xFFFFFFF0];
	[tilespmem:s15+$0x1020 ss:$0x81] =	vst.msk $0xffff, v0;
	(pc) =	sbr.rel @p1 .LBB1_3-.Ltmp3, $4  }
0x36: {  	v0 =	vld [tilespmem:s18+$0x0];
	[tilespmem:s15+$0x0 ss:$0x81] =	vst.msk $0xffff, v1  }
0x37: {  	s15 =	sshra.s32 s19, $0x2;
	v1 =	vld [tilespmem:s18+$0xFFFFFFE0]  }
0x38: {  	s15 =	sadd.s32 s15, s16  }
0x39: {  	s18 =	sadd.s32 $0x40, s18;
	[tilespmem:s15+$0x1830 ss:$0x81] =	vst.msk $0xffff, v3  }
.Ltmp4:
0x3a: {  	_ = 	snop;
	(pc) =	sbr.rel .LBB1_4-.Ltmp4, $1  }
0x3b: {  	_ =	sdelay $0x3  }
.LBB1_6:
0x3c: {  	_ =	sfence.sel $0x180000  }
0x3d: {  	s2 =	simm.s32 $0x1;
	[bflag:$0x0] =	sbarrier.arrive $0xFFFF  }
0x3e: {  	s31 =	simm.s32 $0x2;
	[sflag:s2] =	ssyncpa.u1 $0x1  }
0x3f: {  	[sflag:s31] =	ssyncpa.u1 $0x1  }
0x40: {  	p0 =	sne.s32 s0, $0x0;
	_ =	strace $0x9000004D  }
0x41: {  	s0 =	sadd.s32 @!p0 $0x100000, s1;
	[bflag:$0x2] =	sbarrier.arrive $0xFFFF  }
0x42: {  	[sflag:s0] =	ssyncadd.tile.s32 @!p0 $0x1;
	_ =	shalt  }
.Lfunc_end1:
_tile_overlayer_lowered:
.L_overlay_start_2:
0x43: {  	(tag) =	ssettag $0x2  }
0x44: {  	s0 =	rddreg [dreg:$0x0];
	s2 =	stileid.u32  }
0x45: {  	s1 =	rddreg [dreg:$0x1];
	p0 =	sne.s32 s2, $0x0  }
0x46: {  	s3 =	rddreg [dreg:$0x2];
	[bflag:$0x3] =	sbarrier.arrive $0xFFFF;
	s2 =	simm.s32 @!p0 $0x1C01  }
0x47: {  	[timem:s3], [sflag:s2] =	dma.local @!p0 [hbm:s0], s1  }
0x48: {  	s0 =	simm.s32 @!p0 $0x1  }
0x49: {  	_ =	swait.ge @!p0 [sflag:s0], s1  }
0x4a: {  	s1 =	ssub.s32 @!p0 $0x0, s1;
	[sflag:s0] =	ssyncset.done @!p0 $0x0  }
0x4b: {  	[sflag:s0] =	ssyncadd.s32 @!p0 s1  }
0x4c: {  	[bflag:$0x3] =	sbarrier.arrive $0xFFFF  }
0x4d: {  	_ =	shalt  }

</sc_bundles>
